<compile_context>
chip_gen: v7x
topology: tpu7x:2x2x1
jax: 0.10.2.dev20260603
libtpu: 0.0.44.dev20260713+nightly
codegen_flags: <defaults>
</compile_context>

<pallas_src>
import jax
import jax.numpy as jnp
from jax import lax
from jax.experimental import pallas as pl
from jax.experimental.pallas import tpu as pltpu
from jax.experimental.pallas import tpu_sc as plsc

N_NODES = 10000
N_EDGES = 320000
FEAT = 128

NC = 2
NS = 16
NW = NC * NS
EDGES_PER_W = N_EDGES // NW
CHUNK = 80
BCH = 25
NBLK = EDGES_PER_W // (BCH * CHUNK)
N_PAD = 10240
ROWS_PER_TILE = N_PAD // NS


def _sc_body(feat_hbm, dst_hbm, src_hbm, out_hbm, idx_d, idx_s, rows, rows_b,
             ones_v, acc, sem, sem_s, sem_i):
    c = lax.axis_index("c")
    s = lax.axis_index("s")
    w = c * NS + s

    z16 = jnp.zeros((16,), jnp.float32)
    o16 = jnp.ones((16,), jnp.float32)

    def fill_body(i, _):
        for j in range(FEAT // 16):
            rows[i, pl.ds(j * 16, 16)] = z16
            ones_v[i, pl.ds(j * 16, 16)] = o16
        return 0

    lax.fori_loop(0, CHUNK, fill_body, 0)

    base = s * ROWS_PER_TILE

    def zero_acc():
        zs = [pltpu.async_copy(rows, acc.at[pl.ds(base + k * CHUNK, CHUNK)],
                               sem_s)
              for k in range(ROWS_PER_TILE // CHUNK)]
        for z in zs:
            z.wait()

    zero_acc()
    plsc.subcore_barrier()

    pltpu.sync_copy(dst_hbm.at[w * NBLK], idx_d.at[0])

    def cblk_body(b, _):
        p = lax.rem(b, 2)
        bn = jnp.minimum(b + 1, NBLK - 1)
        pre = pltpu.async_copy(dst_hbm.at[w * NBLK + bn], idx_d.at[1 - p], sem)
        pend = []
        for j in range(BCH):
            pend.append(pltpu.async_copy(ones_v, acc.at[idx_d.at[p, j]],
                                         sem_s, add=True))
            if len(pend) >= 4:
                pend.pop(0).wait()
        for cp in pend:
            cp.wait()
        pre.wait()
        return 0

    lax.fori_loop(0, NBLK, cblk_body, 0)

    plsc.subcore_barrier()
    pltpu.sync_copy(acc.at[pl.ds(base, ROWS_PER_TILE)],
                    out_hbm.at[pl.ds(c * N_PAD + base, ROWS_PER_TILE)])
    zero_acc()
    plsc.subcore_barrier()

    bufs = (rows, rows_b, ones_v)

    pltpu.sync_copy(dst_hbm.at[w * NBLK], idx_d.at[0])
    pltpu.sync_copy(src_hbm.at[w * NBLK], idx_s.at[0])

    def blk_body(b, _):
        p = lax.rem(b, 2)
        bn = jnp.minimum(b + 1, NBLK - 1)
        pre_d = pltpu.async_copy(dst_hbm.at[w * NBLK + bn], idx_d.at[1 - p],
                                 sem_i)
        pre_s = pltpu.async_copy(src_hbm.at[w * NBLK + bn], idx_s.at[1 - p],
                                 sem_i)
        gats = [pltpu.async_copy(feat_hbm.at[idx_s.at[p, 0]], bufs[0], sem),
                pltpu.async_copy(feat_hbm.at[idx_s.at[p, 1]], bufs[1], sem)]
        scats = [None, None]
        for j in range(BCH):
            gats[j % 2].wait()
            prev = scats[(j + 1) % 2]
            if prev is not None:
                prev.wait()
            if j + 2 < BCH:
                gats[j % 2] = pltpu.async_copy(
                    feat_hbm.at[idx_s.at[p, j + 2]], bufs[(j + 2) % 3], sem)
            scats[j % 2] = pltpu.async_copy(bufs[j % 3],
                                            acc.at[idx_d.at[p, j]],
                                            sem_s, add=True)
        scats[(BCH - 1) % 2].wait()
        pre_d.wait()
        pre_s.wait()
        return 0

    lax.fori_loop(0, NBLK, blk_body, 0)

    plsc.subcore_barrier()
    pltpu.sync_copy(acc.at[pl.ds(base, ROWS_PER_TILE)],
                    out_hbm.at[pl.ds((2 + c) * N_PAD + base, ROWS_PER_TILE)])


def _sc_aggregate(features, dst, src):
    mesh = plsc.VectorSubcoreMesh(core_axis_name="c", subcore_axis_name="s",
                                  num_cores=NC, num_subcores=NS)
    f = pl.kernel(
        _sc_body,
        out_type=jax.ShapeDtypeStruct((4 * N_PAD, FEAT), jnp.float32),
        mesh=mesh,
        scratch_types=[
            pltpu.VMEM((2, BCH, CHUNK), jnp.int32),
            pltpu.VMEM((2, BCH, CHUNK), jnp.int32),
            pltpu.VMEM((CHUNK, FEAT), jnp.float32),
            pltpu.VMEM((CHUNK, FEAT), jnp.float32),
            pltpu.VMEM((CHUNK, FEAT), jnp.float32),
            pltpu.VMEM_SHARED((N_PAD, FEAT), jnp.float32),
            pltpu.SemaphoreType.DMA,
            pltpu.SemaphoreType.DMA,
            pltpu.SemaphoreType.DMA,
        ],
        name="gc_sc_aggregate",
    )
    return f(features, dst, src)


def _tc_body(f_ref, w_ref, c0_ref, c1_ref, s0_ref, s1_ref, o_ref):
    w = w_ref[...]
    nodes = jnp.dot(f_ref[...], w, preferred_element_type=jnp.float32)
    counts = c0_ref[:, 0:1] + c1_ref[:, 0:1]
    agg = (s0_ref[...] + s1_ref[...]) / jnp.maximum(counts, 1.0)
    msgs = jnp.dot(agg, w, preferred_element_type=jnp.float32)
    o_ref[:, 0:FEAT] = nodes
    o_ref[:, FEAT:] = msgs


def _tc_finish(features, W, combo):
    blk = 2048
    pb = N_PAD // blk
    return pl.pallas_call(
        _tc_body,
        grid=(5,),
        in_specs=[
            pl.BlockSpec((blk, FEAT), lambda i: (i, 0)),
            pl.BlockSpec((FEAT, FEAT), lambda i: (0, 0)),
            pl.BlockSpec((blk, FEAT), lambda i: (i, 0)),
            pl.BlockSpec((blk, FEAT), lambda i: (i + pb, 0)),
            pl.BlockSpec((blk, FEAT), lambda i: (i + 2 * pb, 0)),
            pl.BlockSpec((blk, FEAT), lambda i: (i + 3 * pb, 0)),
        ],
        out_specs=pl.BlockSpec((blk, 2 * FEAT), lambda i: (i, 0)),
        out_shape=jax.ShapeDtypeStruct((N_NODES, 2 * FEAT), jnp.float32),
    )(features, W, combo, combo, combo, combo)


def kernel(features, edge_index, W):
    dst = edge_index[0].reshape(NW * NBLK, BCH, CHUNK)
    src = edge_index[1].reshape(NW * NBLK, BCH, CHUNK)
    combo = _sc_aggregate(features, dst, src)
    return _tc_finish(features, W, combo)

# --- scband reference (transcript-rebuilt; emitter-appended) ---
"""Pipeline reference for scband-graph-convolution-14568529068197 (READ-ONLY COPY).

The authoritative reference and input builder live on the scoring server;
editing this copy changes nothing except your own understanding.
"""

import jax, jax.numpy as jnp
import numpy as np

N_NODES = 10000
N_EDGES = 320000
IN_FEAT = 128
OUT_FEAT = 128


def setup_inputs(seed: int = 0) -> dict:
    key = jax.random.key(seed)
    k1, k2, k3 = jax.random.split(key, 3)
    features = jax.random.normal(k1, (N_NODES, IN_FEAT), dtype=jnp.float32)
    edge_index = jax.random.randint(k2, (2, N_EDGES), 0, N_NODES, dtype=jnp.int32)
    # glorot_uniform init for weight (in_feat, out_feat)
    limit = float(np.sqrt(6.0 / (IN_FEAT + OUT_FEAT)))
    W = jax.random.uniform(k3, (IN_FEAT, OUT_FEAT), dtype=jnp.float32, minval=-limit, maxval=limit)
    return {"features": features, "edge_index": edge_index, "W": W}


def reference(features, edge_index, W):
    # nodes_representation = features @ W
    nodes_representation = jnp.matmul(features, W)
    # gather neighbour representations by source node index (edges[1])
    neighbour_representations = jnp.take(features, edge_index[1], axis=0)
    # unsorted_segment_mean over destination indices (edges[0])
    seg_ids = edge_index[0]
    sums = jax.ops.segment_sum(neighbour_representations, seg_ids, num_segments=N_NODES)
    counts = jax.ops.segment_sum(jnp.ones((N_EDGES,), dtype=jnp.float32), seg_ids, num_segments=N_NODES)
    aggregated = sums / jnp.maximum(counts, 1.0)[:, None]
    aggregated_messages = jnp.matmul(aggregated, W)
    # combination_type == 'concat', activation == None (linear)
    h = jnp.concatenate([nodes_representation, aggregated_messages], axis=-1)
    return h

if __name__ == "__main__":
    import jax
    _d = setup_inputs()
    print(jax.jit(kernel)(*tuple(_d.values())))

</pallas_src>

<mosaic_0001>
#map = affine_map<(d0, d1) -> (0, 0)>
#map1 = affine_map<(d0, d1) -> (0, 0, 0)>
module attributes {stable_mosaic.version = 14 : i64} {
  func.func @gc_sc_aggregate(%arg0: i32, %arg1: i32, %arg2: memref<10000x128xf32, #tpu.memory_space<hbm>>, %arg3: memref<160x25x80xi32, #tpu.memory_space<hbm>>, %arg4: memref<160x25x80xi32, #tpu.memory_space<hbm>>, %arg5: memref<40960x128xf32, #tpu.memory_space<hbm>>, %arg6: memref<2x25x80xi32, #tpu.memory_space<vmem>>, %arg7: memref<2x25x80xi32, #tpu.memory_space<vmem>>, %arg8: memref<80x128xf32, #tpu.memory_space<vmem>>, %arg9: memref<80x128xf32, #tpu.memory_space<vmem>>, %arg10: memref<80x128xf32, #tpu.memory_space<vmem>>, %arg11: memref<10240x128xf32, #tpu.memory_space<vmem_shared>>, %arg12: memref<!tpu.dma_semaphore, #tpu.memory_space<semaphore_mem>>, %arg13: memref<!tpu.dma_semaphore, #tpu.memory_space<semaphore_mem>>, %arg14: memref<!tpu.dma_semaphore, #tpu.memory_space<semaphore_mem>>) attributes {dimension_semantics = [#tpu.dimension_semantics<core_parallel>, #tpu.dimension_semantics<subcore_parallel>], iteration_bounds = array<i64: 2, 16>, scalar_prefetch = 0 : i64, scratch_operands = 9 : i64, tpu.core_type = #tpu.core_type<sc_vector_subcore>, window_params = [{transform_indices = #map}, {transform_indices = #map1}, {transform_indices = #map1}, {transform_indices = #map}]} {
    %mul3A = arith.constant 16 : i32
    %mul3A_0 = arith.muli %arg0, %mul3A : i32
    %add3A = arith.addi %mul3A_0, %arg1 : i32
    %broadcast_in_dim3A = arith.constant 0.000000e+00 : f32
    %broadcast_in_dim3A_1 = vector.broadcast %broadcast_in_dim3A : f32 to vector<16xf32>
    %broadcast_in_dim3A_2 = arith.constant 1.000000e+00 : f32
    %broadcast_in_dim3A_3 = vector.broadcast %broadcast_in_dim3A_2 : f32 to vector<16xf32>
    %scan3A = arith.constant 0 : i32
    %scan3A_4 = arith.constant 0 : i32
    %scan3A_5 = arith.constant 80 : i32
    %scan3A_6 = arith.addi %scan3A_4, %scan3A_5 : i32
    %scan3A_7 = arith.constant 1 : i32
    %scan3A_8 = scf.for %scan3A_203 = %scan3A_4 to %scan3A_6 step %scan3A_7 iter_args(%scan3A_204 = %scan3A) -> (i32)  : i32 {
      %swap3A = arith.index_cast %scan3A_203 : i32 to index
      %swap3A_205 = arith.constant 0 : index
      %swap3A_206 = tpu.vector_load %arg8[%swap3A, %swap3A_205] {strides = array<i32>} : memref<80x128xf32, #tpu.memory_space<vmem>>, vector<1x16xf32>,
      %swap3A_207 = vector.shape_cast %swap3A_206 : vector<1x16xf32> to vector<16xf32>
      %swap3A_208 = vector.shape_cast %broadcast_in_dim3A_1 : vector<16xf32> to vector<1x16xf32>
      tpu.vector_store %arg8[%swap3A, %swap3A_205], %swap3A_208 {strides = array<i32>} : memref<80x128xf32, #tpu.memory_space<vmem>>, vector<1x16xf32>,
      %swap3A_209 = arith.index_cast %scan3A_203 : i32 to index
      %swap3A_210 = arith.constant 0 : index
      %swap3A_211 = tpu.vector_load %arg10[%swap3A_209, %swap3A_210] {strides = array<i32>} : memref<80x128xf32, #tpu.memory_space<vmem>>, vector<1x16xf32>,
      %swap3A_212 = vector.shape_cast %swap3A_211 : vector<1x16xf32> to vector<16xf32>
      %swap3A_213 = vector.shape_cast %broadcast_in_dim3A_3 : vector<16xf32> to vector<1x16xf32>
      tpu.vector_store %arg10[%swap3A_209, %swap3A_210], %swap3A_213 {strides = array<i32>} : memref<80x128xf32, #tpu.memory_space<vmem>>, vector<1x16xf32>,
      %swap3A_214 = arith.index_cast %scan3A_203 : i32 to index
      %swap3A_215 = arith.constant 16 : index
      %swap3A_216 = tpu.vector_load %arg8[%swap3A_214, %swap3A_215] {strides = array<i32>} : memref<80x128xf32, #tpu.memory_space<vmem>>, vector<1x16xf32>,
      %swap3A_217 = vector.shape_cast %swap3A_216 : vector<1x16xf32> to vector<16xf32>
      %swap3A_218 = vector.shape_cast %broadcast_in_dim3A_1 : vector<16xf32> to vector<1x16xf32>
      tpu.vector_store %arg8[%swap3A_214, %swap3A_215], %swap3A_218 {strides = array<i32>} : memref<80x128xf32, #tpu.memory_space<vmem>>, vector<1x16xf32>,
      %swap3A_219 = arith.index_cast %scan3A_203 : i32 to index
      %swap3A_220 = arith.constant 16 : index
      %swap3A_221 = tpu.vector_load %arg10[%swap3A_219, %swap3A_220] {strides = array<i32>} : memref<80x128xf32, #tpu.memory_space<vmem>>, vector<1x16xf32>,
      %swap3A_222 = vector.shape_cast %swap3A_221 : vector<1x16xf32> to vector<16xf32>
      %swap3A_223 = vector.shape_cast %broadcast_in_dim3A_3 : vector<16xf32> to vector<1x16xf32>
      tpu.vector_store %arg10[%swap3A_219, %swap3A_220], %swap3A_223 {strides = array<i32>} : memref<80x128xf32, #tpu.memory_space<vmem>>, vector<1x16xf32>,
      %swap3A_224 = arith.index_cast %scan3A_203 : i32 to index
      %swap3A_225 = arith.constant 32 : index
      %swap3A_226 = tpu.vector_load %arg8[%swap3A_224, %swap3A_225] {strides = array<i32>} : memref<80x128xf32, #tpu.memory_space<vmem>>, vector<1x16xf32>,
      %swap3A_227 = vector.shape_cast %swap3A_226 : vector<1x16xf32> to vector<16xf32>
      %swap3A_228 = vector.shape_cast %broadcast_in_dim3A_1 : vector<16xf32> to vector<1x16xf32>
      tpu.vector_store %arg8[%swap3A_224, %swap3A_225], %swap3A_228 {strides = array<i32>} : memref<80x128xf32, #tpu.memory_space<vmem>>, vector<1x16xf32>,
      %swap3A_229 = arith.index_cast %scan3A_203 : i32 to index
      %swap3A_230 = arith.constant 32 : index
      %swap3A_231 = tpu.vector_load %arg10[%swap3A_229, %swap3A_230] {strides = array<i32>} : memref<80x128xf32, #tpu.memory_space<vmem>>, vector<1x16xf32>,
      %swap3A_232 = vector.shape_cast %swap3A_231 : vector<1x16xf32> to vector<16xf32>
      %swap3A_233 = vector.shape_cast %broadcast_in_dim3A_3 : vector<16xf32> to vector<1x16xf32>
      tpu.vector_store %arg10[%swap3A_229, %swap3A_230], %swap3A_233 {strides = array<i32>} : memref<80x128xf32, #tpu.memory_space<vmem>>, vector<1x16xf32>,
      %swap3A_234 = arith.index_cast %scan3A_203 : i32 to index
      %swap3A_235 = arith.constant 48 : index
      %swap3A_236 = tpu.vector_load %arg8[%swap3A_234, %swap3A_235] {strides = array<i32>} : memref<80x128xf32, #tpu.memory_space<vmem>>, vector<1x16xf32>,
      %swap3A_237 = vector.shape_cast %swap3A_236 : vector<1x16xf32> to vector<16xf32>
      %swap3A_238 = vector.shape_cast %broadcast_in_dim3A_1 : vector<16xf32> to vector<1x16xf32>
      tpu.vector_store %arg8[%swap3A_234, %swap3A_235], %swap3A_238 {strides = array<i32>} : memref<80x128xf32, #tpu.memory_space<vmem>>, vector<1x16xf32>,
      %swap3A_239 = arith.index_cast %scan3A_203 : i32 to index
      %swap3A_240 = arith.constant 48 : index
      %swap3A_241 = tpu.vector_load %arg10[%swap3A_239, %swap3A_240] {strides = array<i32>} : memref<80x128xf32, #tpu.memory_space<vmem>>, vector<1x16xf32>,
      %swap3A_242 = vector.shape_cast %swap3A_241 : vector<1x16xf32> to vector<16xf32>
      %swap3A_243 = vector.shape_cast %broadcast_in_dim3A_3 : vector<16xf32> to vector<1x16xf32>
      tpu.vector_store %arg10[%swap3A_239, %swap3A_240], %swap3A_243 {strides = array<i32>} : memref<80x128xf32, #tpu.memory_space<vmem>>, vector<1x16xf32>,
      %swap3A_244 = arith.index_cast %scan3A_203 : i32 to index
      %swap3A_245 = arith.constant 64 : index
      %swap3A_246 = tpu.vector_load %arg8[%swap3A_244, %swap3A_245] {strides = array<i32>} : memref<80x128xf32, #tpu.memory_space<vmem>>, vector<1x16xf32>,
      %swap3A_247 = vector.shape_cast %swap3A_246 : vector<1x16xf32> to vector<16xf32>
      %swap3A_248 = vector.shape_cast %broadcast_in_dim3A_1 : vector<16xf32> to vector<1x16xf32>
      tpu.vector_store %arg8[%swap3A_244, %swap3A_245], %swap3A_248 {strides = array<i32>} : memref<80x128xf32, #tpu.memory_space<vmem>>, vector<1x16xf32>,
      %swap3A_249 = arith.index_cast %scan3A_203 : i32 to index
      %swap3A_250 = arith.constant 64 : index
      %swap3A_251 = tpu.vector_load %arg10[%swap3A_249, %swap3A_250] {strides = array<i32>} : memref<80x128xf32, #tpu.memory_space<vmem>>, vector<1x16xf32>,
      %swap3A_252 = vector.shape_cast %swap3A_251 : vector<1x16xf32> to vector<16xf32>
      %swap3A_253 = vector.shape_cast %broadcast_in_dim3A_3 : vector<16xf32> to vector<1x16xf32>
      tpu.vector_store %arg10[%swap3A_249, %swap3A_250], %swap3A_253 {strides = array<i32>} : memref<80x128xf32, #tpu.memory_space<vmem>>, vector<1x16xf32>,
      %swap3A_254 = arith.index_cast %scan3A_203 : i32 to index
      %swap3A_255 = arith.constant 80 : index
      %swap3A_256 = tpu.vector_load %arg8[%swap3A_254, %swap3A_255] {strides = array<i32>} : memref<80x128xf32, #tpu.memory_space<vmem>>, vector<1x16xf32>,
      %swap3A_257 = vector.shape_cast %swap3A_256 : vector<1x16xf32> to vector<16xf32>
      %swap3A_258 = vector.shape_cast %broadcast_in_dim3A_1 : vector<16xf32> to vector<1x16xf32>
      tpu.vector_store %arg8[%swap3A_254, %swap3A_255], %swap3A_258 {strides = array<i32>} : memref<80x128xf32, #tpu.memory_space<vmem>>, vector<1x16xf32>,
      %swap3A_259 = arith.index_cast %scan3A_203 : i32 to index
      %swap3A_260 = arith.constant 80 : index
      %swap3A_261 = tpu.vector_load %arg10[%swap3A_259, %swap3A_260] {strides = array<i32>} : memref<80x128xf32, #tpu.memory_space<vmem>>, vector<1x16xf32>,
      %swap3A_262 = vector.shape_cast %swap3A_261 : vector<1x16xf32> to vector<16xf32>
      %swap3A_263 = vector.shape_cast %broadcast_in_dim3A_3 : vector<16xf32> to vector<1x16xf32>
      tpu.vector_store %arg10[%swap3A_259, %swap3A_260], %swap3A_263 {strides = array<i32>} : memref<80x128xf32, #tpu.memory_space<vmem>>, vector<1x16xf32>,
      %swap3A_264 = arith.index_cast %scan3A_203 : i32 to index
      %swap3A_265 = arith.constant 96 : index
      %swap3A_266 = tpu.vector_load %arg8[%swap3A_264, %swap3A_265] {strides = array<i32>} : memref<80x128xf32, #tpu.memory_space<vmem>>, vector<1x16xf32>,
      %swap3A_267 = vector.shape_cast %swap3A_266 : vector<1x16xf32> to vector<16xf32>
      %swap3A_268 = vector.shape_cast %broadcast_in_dim3A_1 : vector<16xf32> to vector<1x16xf32>
      tpu.vector_store %arg8[%swap3A_264, %swap3A_265], %swap3A_268 {strides = array<i32>} : memref<80x128xf32, #tpu.memory_space<vmem>>, vector<1x16xf32>,
      %swap3A_269 = arith.index_cast %scan3A_203 : i32 to index
      %swap3A_270 = arith.constant 96 : index
      %swap3A_271 = tpu.vector_load %arg10[%swap3A_269, %swap3A_270] {strides = array<i32>} : memref<80x128xf32, #tpu.memory_space<vmem>>, vector<1x16xf32>,
      %swap3A_272 = vector.shape_cast %swap3A_271 : vector<1x16xf32> to vector<16xf32>
      %swap3A_273 = vector.shape_cast %broadcast_in_dim3A_3 : vector<16xf32> to vector<1x16xf32>
      tpu.vector_store %arg10[%swap3A_269, %swap3A_270], %swap3A_273 {strides = array<i32>} : memref<80x128xf32, #tpu.memory_space<vmem>>, vector<1x16xf32>,
      %swap3A_274 = arith.index_cast %scan3A_203 : i32 to index
      %swap3A_275 = arith.constant 112 : index
      %swap3A_276 = tpu.vector_load %arg8[%swap3A_274, %swap3A_275] {strides = array<i32>} : memref<80x128xf32, #tpu.memory_space<vmem>>, vector<1x16xf32>,
      %swap3A_277 = vector.shape_cast %swap3A_276 : vector<1x16xf32> to vector<16xf32>
      %swap3A_278 = vector.shape_cast %broadcast_in_dim3A_1 : vector<16xf32> to vector<1x16xf32>
      tpu.vector_store %arg8[%swap3A_274, %swap3A_275], %swap3A_278 {strides = array<i32>} : memref<80x128xf32, #tpu.memory_space<vmem>>, vector<1x16xf32>,
      %swap3A_279 = arith.index_cast %scan3A_203 : i32 to index
      %swap3A_280 = arith.constant 112 : index
      %swap3A_281 = tpu.vector_load %arg10[%swap3A_279, %swap3A_280] {strides = array<i32>} : memref<80x128xf32, #tpu.memory_space<vmem>>, vector<1x16xf32>,
      %swap3A_282 = vector.shape_cast %swap3A_281 : vector<1x16xf32> to vector<16xf32>
      %swap3A_283 = vector.shape_cast %broadcast_in_dim3A_3 : vector<16xf32> to vector<1x16xf32>
      tpu.vector_store %arg10[%swap3A_279, %swap3A_280], %swap3A_283 {strides = array<i32>} : memref<80x128xf32, #tpu.memory_space<vmem>>, vector<1x16xf32>,
      %scan3A_284 = arith.constant 0 : i32
      scf.yield %scan3A_284 : i32
    }
    %scan3A_9 = arith.constant 80 : i32
    %mul3A_10 = arith.constant 640 : i32
    %mul3A_11 = arith.muli %arg1, %mul3A_10 : i32
    %add3A_12 = arith.constant 0 : i32
    %add3A_13 = arith.addi %mul3A_11, %add3A_12 : i32
    %dma_start3A = arith.constant 0 : i32
    %dma_start3A_14 = tpu.memref_slice %arg11[%add3A_13, %dma_start3A] : memref<10240x128xf32, #tpu.memory_space<vmem_shared>> -> memref<80x128xf32, #tpu.memory_space<vmem_shared>>
    %dma_start3A_15 = arith.constant 0 : i32
    %dma_start3A_16 = tpu.memref_slice %arg11[%add3A_13, %dma_start3A_15] : memref<10240x128xf32, #tpu.memory_space<vmem_shared>> -> memref<80x128xf32, #tpu.memory_space<vmem_shared>>
    tpu.enqueue_dma source(%arg8 : memref<80x128xf32, #tpu.memory_space<vmem>>) target(%dma_start3A_16 : memref<80x128xf32, #tpu.memory_space<vmem_shared>>) target_semaphore(%arg13 : memref<!tpu.dma_semaphore, #tpu.memory_space<semaphore_mem>>)
    %add3A_17 = arith.constant 80 : i32
    %add3A_18 = arith.addi %mul3A_11, %add3A_17 : i32
    %dma_start3A_19 = arith.constant 0 : i32
    %dma_start3A_20 = tpu.memref_slice %arg11[%add3A_18, %dma_start3A_19] : memref<10240x128xf32, #tpu.memory_space<vmem_shared>> -> memref<80x128xf32, #tpu.memory_space<vmem_shared>>
    %dma_start3A_21 = arith.constant 0 : i32
    %dma_start3A_22 = tpu.memref_slice %arg11[%add3A_18, %dma_start3A_21] : memref<10240x128xf32, #tpu.memory_space<vmem_shared>> -> memref<80x128xf32, #tpu.memory_space<vmem_shared>>
    tpu.enqueue_dma source(%arg8 : memref<80x128xf32, #tpu.memory_space<vmem>>) target(%dma_start3A_22 : memref<80x128xf32, #tpu.memory_space<vmem_shared>>) target_semaphore(%arg13 : memref<!tpu.dma_semaphore, #tpu.memory_space<semaphore_mem>>)
    %add3A_23 = arith.constant 160 : i32
    %add3A_24 = arith.addi %mul3A_11, %add3A_23 : i32
    %dma_start3A_25 = arith.constant 0 : i32
    %dma_start3A_26 = tpu.memref_slice %arg11[%add3A_24, %dma_start3A_25] : memref<10240x128xf32, #tpu.memory_space<vmem_shared>> -> memref<80x128xf32, #tpu.memory_space<vmem_shared>>
    %dma_start3A_27 = arith.constant 0 : i32
    %dma_start3A_28 = tpu.memref_slice %arg11[%add3A_24, %dma_start3A_27] : memref<10240x128xf32, #tpu.memory_space<vmem_shared>> -> memref<80x128xf32, #tpu.memory_space<vmem_shared>>
    tpu.enqueue_dma source(%arg8 : memref<80x128xf32, #tpu.memory_space<vmem>>) target(%dma_start3A_28 : memref<80x128xf32, #tpu.memory_space<vmem_shared>>) target_semaphore(%arg13 : memref<!tpu.dma_semaphore, #tpu.memory_space<semaphore_mem>>)
    %add3A_29 = arith.constant 240 : i32
    %add3A_30 = arith.addi %mul3A_11, %add3A_29 : i32
    %dma_start3A_31 = arith.constant 0 : i32
    %dma_start3A_32 = tpu.memref_slice %arg11[%add3A_30, %dma_start3A_31] : memref<10240x128xf32, #tpu.memory_space<vmem_shared>> -> memref<80x128xf32, #tpu.memory_space<vmem_shared>>
    %dma_start3A_33 = arith.constant 0 : i32
    %dma_start3A_34 = tpu.memref_slice %arg11[%add3A_30, %dma_start3A_33] : memref<10240x128xf32, #tpu.memory_space<vmem_shared>> -> memref<80x128xf32, #tpu.memory_space<vmem_shared>>
    tpu.enqueue_dma source(%arg8 : memref<80x128xf32, #tpu.memory_space<vmem>>) target(%dma_start3A_34 : memref<80x128xf32, #tpu.memory_space<vmem_shared>>) target_semaphore(%arg13 : memref<!tpu.dma_semaphore, #tpu.memory_space<semaphore_mem>>)
    %add3A_35 = arith.constant 320 : i32
    %add3A_36 = arith.addi %mul3A_11, %add3A_35 : i32
    %dma_start3A_37 = arith.constant 0 : i32
    %dma_start3A_38 = tpu.memref_slice %arg11[%add3A_36, %dma_start3A_37] : memref<10240x128xf32, #tpu.memory_space<vmem_shared>> -> memref<80x128xf32, #tpu.memory_space<vmem_shared>>
    %dma_start3A_39 = arith.constant 0 : i32
    %dma_start3A_40 = tpu.memref_slice %arg11[%add3A_36, %dma_start3A_39] : memref<10240x128xf32, #tpu.memory_space<vmem_shared>> -> memref<80x128xf32, #tpu.memory_space<vmem_shared>>
    tpu.enqueue_dma source(%arg8 : memref<80x128xf32, #tpu.memory_space<vmem>>) target(%dma_start3A_40 : memref<80x128xf32, #tpu.memory_space<vmem_shared>>) target_semaphore(%arg13 : memref<!tpu.dma_semaphore, #tpu.memory_space<semaphore_mem>>)
    %add3A_41 = arith.constant 400 : i32
    %add3A_42 = arith.addi %mul3A_11, %add3A_41 : i32
    %dma_start3A_43 = arith.constant 0 : i32
    %dma_start3A_44 = tpu.memref_slice %arg11[%add3A_42, %dma_start3A_43] : memref<10240x128xf32, #tpu.memory_space<vmem_shared>> -> memref<80x128xf32, #tpu.memory_space<vmem_shared>>
    %dma_start3A_45 = arith.constant 0 : i32
    %dma_start3A_46 = tpu.memref_slice %arg11[%add3A_42, %dma_start3A_45] : memref<10240x128xf32, #tpu.memory_space<vmem_shared>> -> memref<80x128xf32, #tpu.memory_space<vmem_shared>>
    tpu.enqueue_dma source(%arg8 : memref<80x128xf32, #tpu.memory_space<vmem>>) target(%dma_start3A_46 : memref<80x128xf32, #tpu.memory_space<vmem_shared>>) target_semaphore(%arg13 : memref<!tpu.dma_semaphore, #tpu.memory_space<semaphore_mem>>)
    %add3A_47 = arith.constant 480 : i32
    %add3A_48 = arith.addi %mul3A_11, %add3A_47 : i32
    %dma_start3A_49 = arith.constant 0 : i32
    %dma_start3A_50 = tpu.memref_slice %arg11[%add3A_48, %dma_start3A_49] : memref<10240x128xf32, #tpu.memory_space<vmem_shared>> -> memref<80x128xf32, #tpu.memory_space<vmem_shared>>
    %dma_start3A_51 = arith.constant 0 : i32
    %dma_start3A_52 = tpu.memref_slice %arg11[%add3A_48, %dma_start3A_51] : memref<10240x128xf32, #tpu.memory_space<vmem_shared>> -> memref<80x128xf32, #tpu.memory_space<vmem_shared>>
    tpu.enqueue_dma source(%arg8 : memref<80x128xf32, #tpu.memory_space<vmem>>) target(%dma_start3A_52 : memref<80x128xf32, #tpu.memory_space<vmem_shared>>) target_semaphore(%arg13 : memref<!tpu.dma_semaphore, #tpu.memory_space<semaphore_mem>>)
    %add3A_53 = arith.constant 560 : i32
    %add3A_54 = arith.addi %mul3A_11, %add3A_53 : i32
    %dma_start3A_55 = arith.constant 0 : i32
    %dma_start3A_56 = tpu.memref_slice %arg11[%add3A_54, %dma_start3A_55] : memref<10240x128xf32, #tpu.memory_space<vmem_shared>> -> memref<80x128xf32, #tpu.memory_space<vmem_shared>>
    %dma_start3A_57 = arith.constant 0 : i32
    %dma_start3A_58 = tpu.memref_slice %arg11[%add3A_54, %dma_start3A_57] : memref<10240x128xf32, #tpu.memory_space<vmem_shared>> -> memref<80x128xf32, #tpu.memory_space<vmem_shared>>
    tpu.enqueue_dma source(%arg8 : memref<80x128xf32, #tpu.memory_space<vmem>>) target(%dma_start3A_58 : memref<80x128xf32, #tpu.memory_space<vmem_shared>>) target_semaphore(%arg13 : memref<!tpu.dma_semaphore, #tpu.memory_space<semaphore_mem>>)
    %dma_wait3A = arith.constant 0 : i32
    %dma_wait3A_59 = tpu.memref_slice %arg11[%add3A_13, %dma_wait3A] : memref<10240x128xf32, #tpu.memory_space<vmem_shared>> -> memref<80x128xf32, #tpu.memory_space<vmem_shared>>
    %dma_wait3A_60 = arith.constant 0 : i32
    %dma_wait3A_61 = tpu.memref_slice %arg11[%add3A_13, %dma_wait3A_60] : memref<10240x128xf32, #tpu.memory_space<vmem_shared>> -> memref<80x128xf32, #tpu.memory_space<vmem_shared>>
    tpu.wait_dma2 semaphore(%arg13 : memref<!tpu.dma_semaphore, #tpu.memory_space<semaphore_mem>>) src(%arg8 : memref<80x128xf32, #tpu.memory_space<vmem>>) dst(%dma_wait3A_61 : memref<80x128xf32, #tpu.memory_space<vmem_shared>>)
    %dma_wait3A_62 = arith.constant 0 : i32
    %dma_wait3A_63 = tpu.memref_slice %arg11[%add3A_18, %dma_wait3A_62] : memref<10240x128xf32, #tpu.memory_space<vmem_shared>> -> memref<80x128xf32, #tpu.memory_space<vmem_shared>>
    %dma_wait3A_64 = arith.constant 0 : i32
    %dma_wait3A_65 = tpu.memref_slice %arg11[%add3A_18, %dma_wait3A_64] : memref<10240x128xf32, #tpu.memory_space<vmem_shared>> -> memref<80x128xf32, #tpu.memory_space<vmem_shared>>
    tpu.wait_dma2 semaphore(%arg13 : memref<!tpu.dma_semaphore, #tpu.memory_space<semaphore_mem>>) src(%arg8 : memref<80x128xf32, #tpu.memory_space<vmem>>) dst(%dma_wait3A_65 : memref<80x128xf32, #tpu.memory_space<vmem_shared>>)
    %dma_wait3A_66 = arith.constant 0 : i32
    %dma_wait3A_67 = tpu.memref_slice %arg11[%add3A_24, %dma_wait3A_66] : memref<10240x128xf32, #tpu.memory_space<vmem_shared>> -> memref<80x128xf32, #tpu.memory_space<vmem_shared>>
    %dma_wait3A_68 = arith.constant 0 : i32
    %dma_wait3A_69 = tpu.memref_slice %arg11[%add3A_24, %dma_wait3A_68] : memref<10240x128xf32, #tpu.memory_space<vmem_shared>> -> memref<80x128xf32, #tpu.memory_space<vmem_shared>>
    tpu.wait_dma2 semaphore(%arg13 : memref<!tpu.dma_semaphore, #tpu.memory_space<semaphore_mem>>) src(%arg8 : memref<80x128xf32, #tpu.memory_space<vmem>>) dst(%dma_wait3A_69 : memref<80x128xf32, #tpu.memory_space<vmem_shared>>)
    %dma_wait3A_70 = arith.constant 0 : i32
    %dma_wait3A_71 = tpu.memref_slice %arg11[%add3A_30, %dma_wait3A_70] : memref<10240x128xf32, #tpu.memory_space<vmem_shared>> -> memref<80x128xf32, #tpu.memory_space<vmem_shared>>
    %dma_wait3A_72 = arith.constant 0 : i32
    %dma_wait3A_73 = tpu.memref_slice %arg11[%add3A_30, %dma_wait3A_72] : memref<10240x128xf32, #tpu.memory_space<vmem_shared>> -> memref<80x128xf32, #tpu.memory_space<vmem_shared>>
    tpu.wait_dma2 semaphore(%arg13 : memref<!tpu.dma_semaphore, #tpu.memory_space<semaphore_mem>>) src(%arg8 : memref<80x128xf32, #tpu.memory_space<vmem>>) dst(%dma_wait3A_73 : memref<80x128xf32, #tpu.memory_space<vmem_shared>>)
    %dma_wait3A_74 = arith.constant 0 : i32
    %dma_wait3A_75 = tpu.memref_slice %arg11[%add3A_36, %dma_wait3A_74] : memref<10240x128xf32, #tpu.memory_space<vmem_shared>> -> memref<80x128xf32, #tpu.memory_space<vmem_shared>>
    %dma_wait3A_76 = arith.constant 0 : i32
    %dma_wait3A_77 = tpu.memref_slice %arg11[%add3A_36, %dma_wait3A_76] : memref<10240x128xf32, #tpu.memory_space<vmem_shared>> -> memref<80x128xf32, #tpu.memory_space<vmem_shared>>
    tpu.wait_dma2 semaphore(%arg13 : memref<!tpu.dma_semaphore, #tpu.memory_space<semaphore_mem>>) src(%arg8 : memref<80x128xf32, #tpu.memory_space<vmem>>) dst(%dma_wait3A_77 : memref<80x128xf32, #tpu.memory_space<vmem_shared>>)
    %dma_wait3A_78 = arith.constant 0 : i32
    %dma_wait3A_79 = tpu.memref_slice %arg11[%add3A_42, %dma_wait3A_78] : memref<10240x128xf32, #tpu.memory_space<vmem_shared>> -> memref<80x128xf32, #tpu.memory_space<vmem_shared>>
    %dma_wait3A_80 = arith.constant 0 : i32
    %dma_wait3A_81 = tpu.memref_slice %arg11[%add3A_42, %dma_wait3A_80] : memref<10240x128xf32, #tpu.memory_space<vmem_shared>> -> memref<80x128xf32, #tpu.memory_space<vmem_shared>>
    tpu.wait_dma2 semaphore(%arg13 : memref<!tpu.dma_semaphore, #tpu.memory_space<semaphore_mem>>) src(%arg8 : memref<80x128xf32, #tpu.memory_space<vmem>>) dst(%dma_wait3A_81 : memref<80x128xf32, #tpu.memory_space<vmem_shared>>)
    %dma_wait3A_82 = arith.constant 0 : i32
    %dma_wait3A_83 = tpu.memref_slice %arg11[%add3A_48, %dma_wait3A_82] : memref<10240x128xf32, #tpu.memory_space<vmem_shared>> -> memref<80x128xf32, #tpu.memory_space<vmem_shared>>
    %dma_wait3A_84 = arith.constant 0 : i32
    %dma_wait3A_85 = tpu.memref_slice %arg11[%add3A_48, %dma_wait3A_84] : memref<10240x128xf32, #tpu.memory_space<vmem_shared>> -> memref<80x128xf32, #tpu.memory_space<vmem_shared>>
    tpu.wait_dma2 semaphore(%arg13 : memref<!tpu.dma_semaphore, #tpu.memory_space<semaphore_mem>>) src(%arg8 : memref<80x128xf32, #tpu.memory_space<vmem>>) dst(%dma_wait3A_85 : memref<80x128xf32, #tpu.memory_space<vmem_shared>>)
    %dma_wait3A_86 = arith.constant 0 : i32
    %dma_wait3A_87 = tpu.memref_slice %arg11[%add3A_54, %dma_wait3A_86] : memref<10240x128xf32, #tpu.memory_space<vmem_shared>> -> memref<80x128xf32, #tpu.memory_space<vmem_shared>>
    %dma_wait3A_88 = arith.constant 0 : i32
    %dma_wait3A_89 = tpu.memref_slice %arg11[%add3A_54, %dma_wait3A_88] : memref<10240x128xf32, #tpu.memory_space<vmem_shared>> -> memref<80x128xf32, #tpu.memory_space<vmem_shared>>
    tpu.wait_dma2 semaphore(%arg13 : memref<!tpu.dma_semaphore, #tpu.memory_space<semaphore_mem>>) src(%arg8 : memref<80x128xf32, #tpu.memory_space<vmem>>) dst(%dma_wait3A_89 : memref<80x128xf32, #tpu.memory_space<vmem_shared>>)
    %barrier3A = arith.constant 0 : index
    tpu.barrier barrier_id(%barrier3A)
    %mul3A_90 = arith.constant 5 : i32
    %mul3A_91 = arith.muli %add3A, %mul3A_90 : i32
    %run_scoped3A = arith.constant 0 : i32
    "tpu.region"() ({
      %run_scoped3A_203 = tpu.sem_alloc : memref<!tpu.dma_semaphore, #tpu.memory_space<semaphore_mem>>
      %dma_start3A_204 = arith.constant 0 : i32
      %dma_start3A_205 = arith.constant 0 : i32
      %dma_start3A_206 = tpu.memref_slice %arg6[%run_scoped3A, %dma_start3A_204, %dma_start3A_205] : memref<2x25x80xi32, #tpu.memory_space<vmem>> -> memref<1x25x80xi32, #tpu.memory_space<vmem>>
      %dma_start3A_207 = tpu.memref_squeeze %dma_start3A_206 : memref<1x25x80xi32, #tpu.memory_space<vmem>> -> memref<25x80xi32, #tpu.memory_space<vmem>>
      %dma_start3A_208 = arith.constant 0 : i32
      %dma_start3A_209 = arith.constant 0 : i32
      %dma_start3A_210 = tpu.memref_slice %arg3[%mul3A_91, %dma_start3A_208, %dma_start3A_209] : memref<160x25x80xi32, #tpu.memory_space<hbm>> -> memref<1x25x80xi32, #tpu.memory_space<hbm>>
      %dma_start3A_211 = tpu.memref_squeeze %dma_start3A_210 : memref<1x25x80xi32, #tpu.memory_space<hbm>> -> memref<25x80xi32, #tpu.memory_space<hbm>>
      %dma_start3A_212 = arith.constant 0 : i32
      %dma_start3A_213 = arith.constant 0 : i32
      %dma_start3A_214 = tpu.memref_slice %arg6[%run_scoped3A, %dma_start3A_212, %dma_start3A_213] : memref<2x25x80xi32, #tpu.memory_space<vmem>> -> memref<1x25x80xi32, #tpu.memory_space<vmem>>
      %dma_start3A_215 = tpu.memref_squeeze %dma_start3A_214 : memref<1x25x80xi32, #tpu.memory_space<vmem>> -> memref<25x80xi32, #tpu.memory_space<vmem>>
      %dma_start3A_216 = arith.constant 0 : i32
      %dma_start3A_217 = arith.constant 0 : i32
      %dma_start3A_218 = tpu.memref_slice %arg3[%mul3A_91, %dma_start3A_216, %dma_start3A_217] : memref<160x25x80xi32, #tpu.memory_space<hbm>> -> memref<1x25x80xi32, #tpu.memory_space<hbm>>
      %dma_start3A_219 = tpu.memref_squeeze %dma_start3A_218 : memref<1x25x80xi32, #tpu.memory_space<hbm>> -> memref<25x80xi32, #tpu.memory_space<hbm>>
      tpu.enqueue_dma source(%dma_start3A_219 : memref<25x80xi32, #tpu.memory_space<hbm>>) target(%dma_start3A_215 : memref<25x80xi32, #tpu.memory_space<vmem>>) target_semaphore(%run_scoped3A_203 : memref<!tpu.dma_semaphore, #tpu.memory_space<semaphore_mem>>)
      %dma_wait3A_220 = arith.constant 0 : i32
      %dma_wait3A_221 = arith.constant 0 : i32
      %dma_wait3A_222 = tpu.memref_slice %arg6[%run_scoped3A, %dma_wait3A_220, %dma_wait3A_221] : memref<2x25x80xi32, #tpu.memory_space<vmem>> -> memref<1x25x80xi32, #tpu.memory_space<vmem>>
      %dma_wait3A_223 = tpu.memref_squeeze %dma_wait3A_222 : memref<1x25x80xi32, #tpu.memory_space<vmem>> -> memref<25x80xi32, #tpu.memory_space<vmem>>
      %dma_wait3A_224 = arith.constant 0 : i32
      %dma_wait3A_225 = arith.constant 0 : i32
      %dma_wait3A_226 = tpu.memref_slice %arg3[%mul3A_91, %dma_wait3A_224, %dma_wait3A_225] : memref<160x25x80xi32, #tpu.memory_space<hbm>> -> memref<1x25x80xi32, #tpu.memory_space<hbm>>
      %dma_wait3A_227 = tpu.memref_squeeze %dma_wait3A_226 : memref<1x25x80xi32, #tpu.memory_space<hbm>> -> memref<25x80xi32, #tpu.memory_space<hbm>>
      %dma_wait3A_228 = arith.constant 0 : i32
      %dma_wait3A_229 = arith.constant 0 : i32
      %dma_wait3A_230 = tpu.memref_slice %arg6[%run_scoped3A, %dma_wait3A_228, %dma_wait3A_229] : memref<2x25x80xi32, #tpu.memory_space<vmem>> -> memref<1x25x80xi32, #tpu.memory_space<vmem>>
      %dma_wait3A_231 = tpu.memref_squeeze %dma_wait3A_230 : memref<1x25x80xi32, #tpu.memory_space<vmem>> -> memref<25x80xi32, #tpu.memory_space<vmem>>
      %dma_wait3A_232 = arith.constant 0 : i32
      %dma_wait3A_233 = arith.constant 0 : i32
      %dma_wait3A_234 = tpu.memref_slice %arg3[%mul3A_91, %dma_wait3A_232, %dma_wait3A_233] : memref<160x25x80xi32, #tpu.memory_space<hbm>> -> memref<1x25x80xi32, #tpu.memory_space<hbm>>
      %dma_wait3A_235 = tpu.memref_squeeze %dma_wait3A_234 : memref<1x25x80xi32, #tpu.memory_space<hbm>> -> memref<25x80xi32, #tpu.memory_space<hbm>>
      tpu.wait_dma2 semaphore(%run_scoped3A_203 : memref<!tpu.dma_semaphore, #tpu.memory_space<semaphore_mem>>) src(%dma_wait3A_235 : memref<25x80xi32, #tpu.memory_space<hbm>>) dst(%dma_wait3A_231 : memref<25x80xi32, #tpu.memory_space<vmem>>)
      tpu.yield
    }) : () -> ()
    %scan3A_92 = arith.constant 0 : i32
    %scan3A_93 = arith.constant 0 : i32
    %scan3A_94 = arith.constant 5 : i32
    %scan3A_95 = arith.addi %scan3A_93, %scan3A_94 : i32
    %scan3A_96 = arith.constant 1 : i32
    %scan3A_97 = scf.for %scan3A_203 = %scan3A_93 to %scan3A_95 step %scan3A_96 iter_args(%scan3A_204 = %scan3A_92) -> (i32)  : i32 {
      %rem3A = arith.constant 2 : i32
      %rem3A_205 = arith.remsi %scan3A_203, %rem3A : i32
      %add3A_206 = arith.constant 1 : i32
      %add3A_207 = arith.addi %scan3A_203, %add3A_206 : i32
      %min3A = arith.constant 4 : i32
      %min3A_208 = arith.minsi %add3A_207, %min3A : i32
      %mul3A_209 = arith.constant 5 : i32
      %mul3A_210 = arith.muli %add3A, %mul3A_209 : i32
      %add3A_211 = arith.addi %mul3A_210, %min3A_208 : i32
      %sub3A = arith.constant 1 : i32
      %sub3A_212 = arith.subi %sub3A, %rem3A_205 : i32
      %dma_start3A_213 = arith.constant 0 : i32
      %dma_start3A_214 = arith.constant 0 : i32
      %dma_start3A_215 = tpu.memref_slice %arg6[%sub3A_212, %dma_start3A_213, %dma_start3A_214] : memref<2x25x80xi32, #tpu.memory_space<vmem>> -> memref<1x25x80xi32, #tpu.memory_space<vmem>>
      %dma_start3A_216 = tpu.memref_squeeze %dma_start3A_215 : memref<1x25x80xi32, #tpu.memory_space<vmem>> -> memref<25x80xi32, #tpu.memory_space<vmem>>
      %dma_start3A_217 = arith.constant 0 : i32
      %dma_start3A_218 = arith.constant 0 : i32
      %dma_start3A_219 = tpu.memref_slice %arg3[%add3A_211, %dma_start3A_217, %dma_start3A_218] : memref<160x25x80xi32, #tpu.memory_space<hbm>> -> memref<1x25x80xi32, #tpu.memory_space<hbm>>
      %dma_start3A_220 = tpu.memref_squeeze %dma_start3A_219 : memref<1x25x80xi32, #tpu.memory_space<hbm>> -> memref<25x80xi32, #tpu.memory_space<hbm>>
      %dma_start3A_221 = arith.constant 0 : i32
      %dma_start3A_222 = arith.constant 0 : i32
      %dma_start3A_223 = tpu.memref_slice %arg6[%sub3A_212, %dma_start3A_221, %dma_start3A_222] : memref<2x25x80xi32, #tpu.memory_space<vmem>> -> memref<1x25x80xi32, #tpu.memory_space<vmem>>
      %dma_start3A_224 = tpu.memref_squeeze %dma_start3A_223 : memref<1x25x80xi32, #tpu.memory_space<vmem>> -> memref<25x80xi32, #tpu.memory_space<vmem>>
      %dma_start3A_225 = arith.constant 0 : i32
      %dma_start3A_226 = arith.constant 0 : i32
      %dma_start3A_227 = tpu.memref_slice %arg3[%add3A_211, %dma_start3A_225, %dma_start3A_226] : memref<160x25x80xi32, #tpu.memory_space<hbm>> -> memref<1x25x80xi32, #tpu.memory_space<hbm>>
      %dma_start3A_228 = tpu.memref_squeeze %dma_start3A_227 : memref<1x25x80xi32, #tpu.memory_space<hbm>> -> memref<25x80xi32, #tpu.memory_space<hbm>>
      tpu.enqueue_dma source(%dma_start3A_228 : memref<25x80xi32, #tpu.memory_space<hbm>>) target(%dma_start3A_224 : memref<25x80xi32, #tpu.memory_space<vmem>>) target_semaphore(%arg12 : memref<!tpu.dma_semaphore, #tpu.memory_space<semaphore_mem>>)
      %dma_start3A_229 = arith.constant 0 : i32
      %dma_start3A_230 = arith.constant 0 : i32
      %dma_start3A_231 = tpu.memref_slice %arg6[%rem3A_205, %dma_start3A_229, %dma_start3A_230] : memref<2x25x80xi32, #tpu.memory_space<vmem>> -> memref<1x1x80xi32, #tpu.memory_space<vmem>>
      %dma_start3A_232 = tpu.memref_squeeze %dma_start3A_231 : memref<1x1x80xi32, #tpu.memory_space<vmem>> -> memref<80xi32, #tpu.memory_space<vmem>>
      %dma_start3A_233 = arith.constant 0 : i32
      %dma_start3A_234 = arith.constant 0 : i32
      %dma_start3A_235 = tpu.memref_slice %arg11[%dma_start3A_233, %dma_start3A_234] : memref<10240x128xf32, #tpu.memory_space<vmem_shared>> -> memref<10240x128xf32, #tpu.memory_space<vmem_shared>>
      tpu.enqueue_indirect_dma source(%arg10 : memref<80x128xf32, #tpu.memory_space<vmem>>) target(%dma_start3A_235 : memref<10240x128xf32, #tpu.memory_space<vmem_shared>>) offsets(%dma_start3A_232 : memref<80xi32, #tpu.memory_space<vmem>>) semaphore(%arg13 : memref<!tpu.dma_semaphore, #tpu.memory_space<semaphore_mem>>) {add = true}
      %dma_start3A_236 = arith.constant 1 : i32
      %dma_start3A_237 = arith.constant 0 : i32
      %dma_start3A_238 = tpu.memref_slice %arg6[%rem3A_205, %dma_start3A_236, %dma_start3A_237] : memref<2x25x80xi32, #tpu.memory_space<vmem>> -> memref<1x1x80xi32, #tpu.memory_space<vmem>>
      %dma_start3A_239 = tpu.memref_squeeze %dma_start3A_238 : memref<1x1x80xi32, #tpu.memory_space<vmem>> -> memref<80xi32, #tpu.memory_space<vmem>>
      %dma_start3A_240 = arith.constant 0 : i32
      %dma_start3A_241 = arith.constant 0 : i32
      %dma_start3A_242 = tpu.memref_slice %arg11[%dma_start3A_240, %dma_start3A_241] : memref<10240x128xf32, #tpu.memory_space<vmem_shared>> -> memref<10240x128xf32, #tpu.memory_space<vmem_shared>>
      tpu.enqueue_indirect_dma source(%arg10 : memref<80x128xf32, #tpu.memory_space<vmem>>) target(%dma_start3A_242 : memref<10240x128xf32, #tpu.memory_space<vmem_shared>>) offsets(%dma_start3A_239 : memref<80xi32, #tpu.memory_space<vmem>>) semaphore(%arg13 : memref<!tpu.dma_semaphore, #tpu.memory_space<semaphore_mem>>) {add = true}
      %dma_start3A_243 = arith.constant 2 : i32
      %dma_start3A_244 = arith.constant 0 : i32
      %dma_start3A_245 = tpu.memref_slice %arg6[%rem3A_205, %dma_start3A_243, %dma_start3A_244] : memref<2x25x80xi32, #tpu.memory_space<vmem>> -> memref<1x1x80xi32, #tpu.memory_space<vmem>>
      %dma_start3A_246 = tpu.memref_squeeze %dma_start3A_245 : memref<1x1x80xi32, #tpu.memory_space<vmem>> -> memref<80xi32, #tpu.memory_space<vmem>>
      %dma_start3A_247 = arith.constant 0 : i32
      %dma_start3A_248 = arith.constant 0 : i32
      %dma_start3A_249 = tpu.memref_slice %arg11[%dma_start3A_247, %dma_start3A_248] : memref<10240x128xf32, #tpu.memory_space<vmem_shared>> -> memref<10240x128xf32, #tpu.memory_space<vmem_shared>>
      tpu.enqueue_indirect_dma source(%arg10 : memref<80x128xf32, #tpu.memory_space<vmem>>) target(%dma_start3A_249 : memref<10240x128xf32, #tpu.memory_space<vmem_shared>>) offsets(%dma_start3A_246 : memref<80xi32, #tpu.memory_space<vmem>>) semaphore(%arg13 : memref<!tpu.dma_semaphore, #tpu.memory_space<semaphore_mem>>) {add = true}
      %dma_start3A_250 = arith.constant 3 : i32
      %dma_start3A_251 = arith.constant 0 : i32
      %dma_start3A_252 = tpu.memref_slice %arg6[%rem3A_205, %dma_start3A_250, %dma_start3A_251] : memref<2x25x80xi32, #tpu.memory_space<vmem>> -> memref<1x1x80xi32, #tpu.memory_space<vmem>>
      %dma_start3A_253 = tpu.memref_squeeze %dma_start3A_252 : memref<1x1x80xi32, #tpu.memory_space<vmem>> -> memref<80xi32, #tpu.memory_space<vmem>>
      %dma_start3A_254 = arith.constant 0 : i32
      %dma_start3A_255 = arith.constant 0 : i32
      %dma_start3A_256 = tpu.memref_slice %arg11[%dma_start3A_254, %dma_start3A_255] : memref<10240x128xf32, #tpu.memory_space<vmem_shared>> -> memref<10240x128xf32, #tpu.memory_space<vmem_shared>>
      tpu.enqueue_indirect_dma source(%arg10 : memref<80x128xf32, #tpu.memory_space<vmem>>) target(%dma_start3A_256 : memref<10240x128xf32, #tpu.memory_space<vmem_shared>>) offsets(%dma_start3A_253 : memref<80xi32, #tpu.memory_space<vmem>>) semaphore(%arg13 : memref<!tpu.dma_semaphore, #tpu.memory_space<semaphore_mem>>) {add = true}
      %dma_wait3A_257 = arith.constant 0 : i32
      %dma_wait3A_258 = arith.constant 0 : i32
      %dma_wait3A_259 = tpu.memref_slice %arg6[%rem3A_205, %dma_wait3A_257, %dma_wait3A_258] : memref<2x25x80xi32, #tpu.memory_space<vmem>> -> memref<1x1x80xi32, #tpu.memory_space<vmem>>
      %dma_wait3A_260 = tpu.memref_squeeze %dma_wait3A_259 : memref<1x1x80xi32, #tpu.memory_space<vmem>> -> memref<80xi32, #tpu.memory_space<vmem>>
      %dma_wait3A_261 = arith.constant 0 : i32
      %dma_wait3A_262 = arith.constant 0 : i32
      %dma_wait3A_263 = tpu.memref_slice %arg11[%dma_wait3A_261, %dma_wait3A_262] : memref<10240x128xf32, #tpu.memory_space<vmem_shared>> -> memref<10240x128xf32, #tpu.memory_space<vmem_shared>>
      tpu.wait_indirect_dma semaphore(%arg13 : memref<!tpu.dma_semaphore, #tpu.memory_space<semaphore_mem>>) src(%arg10 : memref<80x128xf32, #tpu.memory_space<vmem>>) dst(%dma_wait3A_263 : memref<10240x128xf32, #tpu.memory_space<vmem_shared>>)
      %dma_start3A_264 = arith.constant 4 : i32
      %dma_start3A_265 = arith.constant 0 : i32
      %dma_start3A_266 = tpu.memref_slice %arg6[%rem3A_205, %dma_start3A_264, %dma_start3A_265] : memref<2x25x80xi32, #tpu.memory_space<vmem>> -> memref<1x1x80xi32, #tpu.memory_space<vmem>>
      %dma_start3A_267 = tpu.memref_squeeze %dma_start3A_266 : memref<1x1x80xi32, #tpu.memory_space<vmem>> -> memref<80xi32, #tpu.memory_space<vmem>>
      %dma_start3A_268 = arith.constant 0 : i32
      %dma_start3A_269 = arith.constant 0 : i32
      %dma_start3A_270 = tpu.memref_slice %arg11[%dma_start3A_268, %dma_start3A_269] : memref<10240x128xf32, #tpu.memory_space<vmem_shared>> -> memref<10240x128xf32, #tpu.memory_space<vmem_shared>>
      tpu.enqueue_indirect_dma source(%arg10 : memref<80x128xf32, #tpu.memory_space<vmem>>) target(%dma_start3A_270 : memref<10240x128xf32, #tpu.memory_space<vmem_shared>>) offsets(%dma_start3A_267 : memref<80xi32, #tpu.memory_space<vmem>>) semaphore(%arg13 : memref<!tpu.dma_semaphore, #tpu.memory_space<semaphore_mem>>) {add = true}
      %dma_wait3A_271 = arith.constant 1 : i32
      %dma_wait3A_272 = arith.constant 0 : i32
      %dma_wait3A_273 = tpu.memref_slice %arg6[%rem3A_205, %dma_wait3A_271, %dma_wait3A_272] : memref<2x25x80xi32, #tpu.memory_space<vmem>> -> memref<1x1x80xi32, #tpu.memory_space<vmem>>
      %dma_wait3A_274 = tpu.memref_squeeze %dma_wait3A_273 : memref<1x1x80xi32, #tpu.memory_space<vmem>> -> memref<80xi32, #tpu.memory_space<vmem>>
      %dma_wait3A_275 = arith.constant 0 : i32
      %dma_wait3A_276 = arith.constant 0 : i32
      %dma_wait3A_277 = tpu.memref_slice %arg11[%dma_wait3A_275, %dma_wait3A_276] : memref<10240x128xf32, #tpu.memory_space<vmem_shared>> -> memref<10240x128xf32, #tpu.memory_space<vmem_shared>>
      tpu.wait_indirect_dma semaphore(%arg13 : memref<!tpu.dma_semaphore, #tpu.memory_space<semaphore_mem>>) src(%arg10 : memref<80x128xf32, #tpu.memory_space<vmem>>) dst(%dma_wait3A_277 : memref<10240x128xf32, #tpu.memory_space<vmem_shared>>)
      %dma_start3A_278 = arith.constant 5 : i32
      %dma_start3A_279 = arith.constant 0 : i32
      %dma_start3A_280 = tpu.memref_slice %arg6[%rem3A_205, %dma_start3A_278, %dma_start3A_279] : memref<2x25x80xi32, #tpu.memory_space<vmem>> -> memref<1x1x80xi32, #tpu.memory_space<vmem>>
      %dma_start3A_281 = tpu.memref_squeeze %dma_start3A_280 : memref<1x1x80xi32, #tpu.memory_space<vmem>> -> memref<80xi32, #tpu.memory_space<vmem>>
      %dma_start3A_282 = arith.constant 0 : i32
      %dma_start3A_283 = arith.constant 0 : i32
      %dma_start3A_284 = tpu.memref_slice %arg11[%dma_start3A_282, %dma_start3A_283] : memref<10240x128xf32, #tpu.memory_space<vmem_shared>> -> memref<10240x128xf32, #tpu.memory_space<vmem_shared>>
      tpu.enqueue_indirect_dma source(%arg10 : memref<80x128xf32, #tpu.memory_space<vmem>>) target(%dma_start3A_284 : memref<10240x128xf32, #tpu.memory_space<vmem_shared>>) offsets(%dma_start3A_281 : memref<80xi32, #tpu.memory_space<vmem>>) semaphore(%arg13 : memref<!tpu.dma_semaphore, #tpu.memory_space<semaphore_mem>>) {add = true}
      %dma_wait3A_285 = arith.constant 2 : i32
      %dma_wait3A_286 = arith.constant 0 : i32
      %dma_wait3A_287 = tpu.memref_slice %arg6[%rem3A_205, %dma_wait3A_285, %dma_wait3A_286] : memref<2x25x80xi32, #tpu.memory_space<vmem>> -> memref<1x1x80xi32, #tpu.memory_space<vmem>>
      %dma_wait3A_288 = tpu.memref_squeeze %dma_wait3A_287 : memref<1x1x80xi32, #tpu.memory_space<vmem>> -> memref<80xi32, #tpu.memory_space<vmem>>
      %dma_wait3A_289 = arith.constant 0 : i32
      %dma_wait3A_290 = arith.constant 0 : i32
      %dma_wait3A_291 = tpu.memref_slice %arg11[%dma_wait3A_289, %dma_wait3A_290] : memref<10240x128xf32, #tpu.memory_space<vmem_shared>> -> memref<10240x128xf32, #tpu.memory_space<vmem_shared>>
      tpu.wait_indirect_dma semaphore(%arg13 : memref<!tpu.dma_semaphore, #tpu.memory_space<semaphore_mem>>) src(%arg10 : memref<80x128xf32, #tpu.memory_space<vmem>>) dst(%dma_wait3A_291 : memref<10240x128xf32, #tpu.memory_space<vmem_shared>>)
      %dma_start3A_292 = arith.constant 6 : i32
      %dma_start3A_293 = arith.constant 0 : i32
      %dma_start3A_294 = tpu.memref_slice %arg6[%rem3A_205, %dma_start3A_292, %dma_start3A_293] : memref<2x25x80xi32, #tpu.memory_space<vmem>> -> memref<1x1x80xi32, #tpu.memory_space<vmem>>
      %dma_start3A_295 = tpu.memref_squeeze %dma_start3A_294 : memref<1x1x80xi32, #tpu.memory_space<vmem>> -> memref<80xi32, #tpu.memory_space<vmem>>
      %dma_start3A_296 = arith.constant 0 : i32
      %dma_start3A_297 = arith.constant 0 : i32
      %dma_start3A_298 = tpu.memref_slice %arg11[%dma_start3A_296, %dma_start3A_297] : memref<10240x128xf32, #tpu.memory_space<vmem_shared>> -> memref<10240x128xf32, #tpu.memory_space<vmem_shared>>
      tpu.enqueue_indirect_dma source(%arg10 : memref<80x128xf32, #tpu.memory_space<vmem>>) target(%dma_start3A_298 : memref<10240x128xf32, #tpu.memory_space<vmem_shared>>) offsets(%dma_start3A_295 : memref<80xi32, #tpu.memory_space<vmem>>) semaphore(%arg13 : memref<!tpu.dma_semaphore, #tpu.memory_space<semaphore_mem>>) {add = true}
      %dma_wait3A_299 = arith.constant 3 : i32
      %dma_wait3A_300 = arith.constant 0 : i32
      %dma_wait3A_301 = tpu.memref_slice %arg6[%rem3A_205, %dma_wait3A_299, %dma_wait3A_300] : memref<2x25x80xi32, #tpu.memory_space<vmem>> -> memref<1x1x80xi32, #tpu.memory_space<vmem>>
      %dma_wait3A_302 = tpu.memref_squeeze %dma_wait3A_301 : memref<1x1x80xi32, #tpu.memory_space<vmem>> -> memref<80xi32, #tpu.memory_space<vmem>>
      %dma_wait3A_303 = arith.constant 0 : i32
      %dma_wait3A_304 = arith.constant 0 : i32
      %dma_wait3A_305 = tpu.memref_slice %arg11[%dma_wait3A_303, %dma_wait3A_304] : memref<10240x128xf32, #tpu.memory_space<vmem_shared>> -> memref<10240x128xf32, #tpu.memory_space<vmem_shared>>
      tpu.wait_indirect_dma semaphore(%arg13 : memref<!tpu.dma_semaphore, #tpu.memory_space<semaphore_mem>>) src(%arg10 : memref<80x128xf32, #tpu.memory_space<vmem>>) dst(%dma_wait3A_305 : memref<10240x128xf32, #tpu.memory_space<vmem_shared>>)
      %dma_start3A_306 = arith.constant 7 : i32
      %dma_start3A_307 = arith.constant 0 : i32
      %dma_start3A_308 = tpu.memref_slice %arg6[%rem3A_205, %dma_start3A_306, %dma_start3A_307] : memref<2x25x80xi32, #tpu.memory_space<vmem>> -> memref<1x1x80xi32, #tpu.memory_space<vmem>>
      %dma_start3A_309 = tpu.memref_squeeze %dma_start3A_308 : memref<1x1x80xi32, #tpu.memory_space<vmem>> -> memref<80xi32, #tpu.memory_space<vmem>>
      %dma_start3A_310 = arith.constant 0 : i32
      %dma_start3A_311 = arith.constant 0 : i32
      %dma_start3A_312 = tpu.memref_slice %arg11[%dma_start3A_310, %dma_start3A_311] : memref<10240x128xf32, #tpu.memory_space<vmem_shared>> -> memref<10240x128xf32, #tpu.memory_space<vmem_shared>>
      tpu.enqueue_indirect_dma source(%arg10 : memref<80x128xf32, #tpu.memory_space<vmem>>) target(%dma_start3A_312 : memref<10240x128xf32, #tpu.memory_space<vmem_shared>>) offsets(%dma_start3A_309 : memref<80xi32, #tpu.memory_space<vmem>>) semaphore(%arg13 : memref<!tpu.dma_semaphore, #tpu.memory_space<semaphore_mem>>) {add = true}
      %dma_wait3A_313 = arith.constant 4 : i32
      %dma_wait3A_314 = arith.constant 0 : i32
      %dma_wait3A_315 = tpu.memref_slice %arg6[%rem3A_205, %dma_wait3A_313, %dma_wait3A_314] : memref<2x25x80xi32, #tpu.memory_space<vmem>> -> memref<1x1x80xi32, #tpu.memory_space<vmem>>
      %dma_wait3A_316 = tpu.memref_squeeze %dma_wait3A_315 : memref<1x1x80xi32, #tpu.memory_space<vmem>> -> memref<80xi32, #tpu.memory_space<vmem>>
      %dma_wait3A_317 = arith.constant 0 : i32
      %dma_wait3A_318 = arith.constant 0 : i32
      %dma_wait3A_319 = tpu.memref_slice %arg11[%dma_wait3A_317, %dma_wait3A_318] : memref<10240x128xf32, #tpu.memory_space<vmem_shared>> -> memref<10240x128xf32, #tpu.memory_space<vmem_shared>>
      tpu.wait_indirect_dma semaphore(%arg13 : memref<!tpu.dma_semaphore, #tpu.memory_space<semaphore_mem>>) src(%arg10 : memref<80x128xf32, #tpu.memory_space<vmem>>) dst(%dma_wait3A_319 : memref<10240x128xf32, #tpu.memory_space<vmem_shared>>)
      %dma_start3A_320 = arith.constant 8 : i32
      %dma_start3A_321 = arith.constant 0 : i32
      %dma_start3A_322 = tpu.memref_slice %arg6[%rem3A_205, %dma_start3A_320, %dma_start3A_321] : memref<2x25x80xi32, #tpu.memory_space<vmem>> -> memref<1x1x80xi32, #tpu.memory_space<vmem>>
      %dma_start3A_323 = tpu.memref_squeeze %dma_start3A_322 : memref<1x1x80xi32, #tpu.memory_space<vmem>> -> memref<80xi32, #tpu.memory_space<vmem>>
      %dma_start3A_324 = arith.constant 0 : i32
      %dma_start3A_325 = arith.constant 0 : i32
      %dma_start3A_326 = tpu.memref_slice %arg11[%dma_start3A_324, %dma_start3A_325] : memref<10240x128xf32, #tpu.memory_space<vmem_shared>> -> memref<10240x128xf32, #tpu.memory_space<vmem_shared>>
      tpu.enqueue_indirect_dma source(%arg10 : memref<80x128xf32, #tpu.memory_space<vmem>>) target(%dma_start3A_326 : memref<10240x128xf32, #tpu.memory_space<vmem_shared>>) offsets(%dma_start3A_323 : memref<80xi32, #tpu.memory_space<vmem>>) semaphore(%arg13 : memref<!tpu.dma_semaphore, #tpu.memory_space<semaphore_mem>>) {add = true}
      %dma_wait3A_327 = arith.constant 5 : i32
      %dma_wait3A_328 = arith.constant 0 : i32
      %dma_wait3A_329 = tpu.memref_slice %arg6[%rem3A_205, %dma_wait3A_327, %dma_wait3A_328] : memref<2x25x80xi32, #tpu.memory_space<vmem>> -> memref<1x1x80xi32, #tpu.memory_space<vmem>>
      %dma_wait3A_330 = tpu.memref_squeeze %dma_wait3A_329 : memref<1x1x80xi32, #tpu.memory_space<vmem>> -> memref<80xi32, #tpu.memory_space<vmem>>
      %dma_wait3A_331 = arith.constant 0 : i32
      %dma_wait3A_332 = arith.constant 0 : i32
      %dma_wait3A_333 = tpu.memref_slice %arg11[%dma_wait3A_331, %dma_wait3A_332] : memref<10240x128xf32, #tpu.memory_space<vmem_shared>> -> memref<10240x128xf32, #tpu.memory_space<vmem_shared>>
      tpu.wait_indirect_dma semaphore(%arg13 : memref<!tpu.dma_semaphore, #tpu.memory_space<semaphore_mem>>) src(%arg10 : memref<80x128xf32, #tpu.memory_space<vmem>>) dst(%dma_wait3A_333 : memref<10240x128xf32, #tpu.memory_space<vmem_shared>>)
      %dma_start3A_334 = arith.constant 9 : i32
      %dma_start3A_335 = arith.constant 0 : i32
      %dma_start3A_336 = tpu.memref_slice %arg6[%rem3A_205, %dma_start3A_334, %dma_start3A_335] : memref<2x25x80xi32, #tpu.memory_space<vmem>> -> memref<1x1x80xi32, #tpu.memory_space<vmem>>
      %dma_start3A_337 = tpu.memref_squeeze %dma_start3A_336 : memref<1x1x80xi32, #tpu.memory_space<vmem>> -> memref<80xi32, #tpu.memory_space<vmem>>
      %dma_start3A_338 = arith.constant 0 : i32
      %dma_start3A_339 = arith.constant 0 : i32
      %dma_start3A_340 = tpu.memref_slice %arg11[%dma_start3A_338, %dma_start3A_339] : memref<10240x128xf32, #tpu.memory_space<vmem_shared>> -> memref<10240x128xf32, #tpu.memory_space<vmem_shared>>
      tpu.enqueue_indirect_dma source(%arg10 : memref<80x128xf32, #tpu.memory_space<vmem>>) target(%dma_start3A_340 : memref<10240x128xf32, #tpu.memory_space<vmem_shared>>) offsets(%dma_start3A_337 : memref<80xi32, #tpu.memory_space<vmem>>) semaphore(%arg13 : memref<!tpu.dma_semaphore, #tpu.memory_space<semaphore_mem>>) {add = true}
      %dma_wait3A_341 = arith.constant 6 : i32
      %dma_wait3A_342 = arith.constant 0 : i32
      %dma_wait3A_343 = tpu.memref_slice %arg6[%rem3A_205, %dma_wait3A_341, %dma_wait3A_342] : memref<2x25x80xi32, #tpu.memory_space<vmem>> -> memref<1x1x80xi32, #tpu.memory_space<vmem>>
      %dma_wait3A_344 = tpu.memref_squeeze %dma_wait3A_343 : memref<1x1x80xi32, #tpu.memory_space<vmem>> -> memref<80xi32, #tpu.memory_space<vmem>>
      %dma_wait3A_345 = arith.constant 0 : i32
      %dma_wait3A_346 = arith.constant 0 : i32
      %dma_wait3A_347 = tpu.memref_slice %arg11[%dma_wait3A_345, %dma_wait3A_346] : memref<10240x128xf32, #tpu.memory_space<vmem_shared>> -> memref<10240x128xf32, #tpu.memory_space<vmem_shared>>
      tpu.wait_indirect_dma semaphore(%arg13 : memref<!tpu.dma_semaphore, #tpu.memory_space<semaphore_mem>>) src(%arg10 : memref<80x128xf32, #tpu.memory_space<vmem>>) dst(%dma_wait3A_347 : memref<10240x128xf32, #tpu.memory_space<vmem_shared>>)
      %dma_start3A_348 = arith.constant 10 : i32
      %dma_start3A_349 = arith.constant 0 : i32
      %dma_start3A_350 = tpu.memref_slice %arg6[%rem3A_205, %dma_start3A_348, %dma_start3A_349] : memref<2x25x80xi32, #tpu.memory_space<vmem>> -> memref<1x1x80xi32, #tpu.memory_space<vmem>>
      %dma_start3A_351 = tpu.memref_squeeze %dma_start3A_350 : memref<1x1x80xi32, #tpu.memory_space<vmem>> -> memref<80xi32, #tpu.memory_space<vmem>>
      %dma_start3A_352 = arith.constant 0 : i32
      %dma_start3A_353 = arith.constant 0 : i32
      %dma_start3A_354 = tpu.memref_slice %arg11[%dma_start3A_352, %dma_start3A_353] : memref<10240x128xf32, #tpu.memory_space<vmem_shared>> -> memref<10240x128xf32, #tpu.memory_space<vmem_shared>>
      tpu.enqueue_indirect_dma source(%arg10 : memref<80x128xf32, #tpu.memory_space<vmem>>) target(%dma_start3A_354 : memref<10240x128xf32, #tpu.memory_space<vmem_shared>>) offsets(%dma_start3A_351 : memref<80xi32, #tpu.memory_space<vmem>>) semaphore(%arg13 : memref<!tpu.dma_semaphore, #tpu.memory_space<semaphore_mem>>) {add = true}
      %dma_wait3A_355 = arith.constant 7 : i32
      %dma_wait3A_356 = arith.constant 0 : i32
      %dma_wait3A_357 = tpu.memref_slice %arg6[%rem3A_205, %dma_wait3A_355, %dma_wait3A_356] : memref<2x25x80xi32, #tpu.memory_space<vmem>> -> memref<1x1x80xi32, #tpu.memory_space<vmem>>
      %dma_wait3A_358 = tpu.memref_squeeze %dma_wait3A_357 : memref<1x1x80xi32, #tpu.memory_space<vmem>> -> memref<80xi32, #tpu.memory_space<vmem>>
      %dma_wait3A_359 = arith.constant 0 : i32
      %dma_wait3A_360 = arith.constant 0 : i32
      %dma_wait3A_361 = tpu.memref_slice %arg11[%dma_wait3A_359, %dma_wait3A_360] : memref<10240x128xf32, #tpu.memory_space<vmem_shared>> -> memref<10240x128xf32, #tpu.memory_space<vmem_shared>>
      tpu.wait_indirect_dma semaphore(%arg13 : memref<!tpu.dma_semaphore, #tpu.memory_space<semaphore_mem>>) src(%arg10 : memref<80x128xf32, #tpu.memory_space<vmem>>) dst(%dma_wait3A_361 : memref<10240x128xf32, #tpu.memory_space<vmem_shared>>)
      %dma_start3A_362 = arith.constant 11 : i32
      %dma_start3A_363 = arith.constant 0 : i32
      %dma_start3A_364 = tpu.memref_slice %arg6[%rem3A_205, %dma_start3A_362, %dma_start3A_363] : memref<2x25x80xi32, #tpu.memory_space<vmem>> -> memref<1x1x80xi32, #tpu.memory_space<vmem>>
      %dma_start3A_365 = tpu.memref_squeeze %dma_start3A_364 : memref<1x1x80xi32, #tpu.memory_space<vmem>> -> memref<80xi32, #tpu.memory_space<vmem>>
      %dma_start3A_366 = arith.constant 0 : i32
      %dma_start3A_367 = arith.constant 0 : i32
      %dma_start3A_368 = tpu.memref_slice %arg11[%dma_start3A_366, %dma_start3A_367] : memref<10240x128xf32, #tpu.memory_space<vmem_shared>> -> memref<10240x128xf32, #tpu.memory_space<vmem_shared>>
      tpu.enqueue_indirect_dma source(%arg10 : memref<80x128xf32, #tpu.memory_space<vmem>>) target(%dma_start3A_368 : memref<10240x128xf32, #tpu.memory_space<vmem_shared>>) offsets(%dma_start3A_365 : memref<80xi32, #tpu.memory_space<vmem>>) semaphore(%arg13 : memref<!tpu.dma_semaphore, #tpu.memory_space<semaphore_mem>>) {add = true}
      %dma_wait3A_369 = arith.constant 8 : i32
      %dma_wait3A_370 = arith.constant 0 : i32
      %dma_wait3A_371 = tpu.memref_slice %arg6[%rem3A_205, %dma_wait3A_369, %dma_wait3A_370] : memref<2x25x80xi32, #tpu.memory_space<vmem>> -> memref<1x1x80xi32, #tpu.memory_space<vmem>>
      %dma_wait3A_372 = tpu.memref_squeeze %dma_wait3A_371 : memref<1x1x80xi32, #tpu.memory_space<vmem>> -> memref<80xi32, #tpu.memory_space<vmem>>
      %dma_wait3A_373 = arith.constant 0 : i32
      %dma_wait3A_374 = arith.constant 0 : i32
      %dma_wait3A_375 = tpu.memref_slice %arg11[%dma_wait3A_373, %dma_wait3A_374] : memref<10240x128xf32, #tpu.memory_space<vmem_shared>> -> memref<10240x128xf32, #tpu.memory_space<vmem_shared>>
      tpu.wait_indirect_dma semaphore(%arg13 : memref<!tpu.dma_semaphore, #tpu.memory_space<semaphore_mem>>) src(%arg10 : memref<80x128xf32, #tpu.memory_space<vmem>>) dst(%dma_wait3A_375 : memref<10240x128xf32, #tpu.memory_space<vmem_shared>>)
      %dma_start3A_376 = arith.constant 12 : i32
      %dma_start3A_377 = arith.constant 0 : i32
      %dma_start3A_378 = tpu.memref_slice %arg6[%rem3A_205, %dma_start3A_376, %dma_start3A_377] : memref<2x25x80xi32, #tpu.memory_space<vmem>> -> memref<1x1x80xi32, #tpu.memory_space<vmem>>
      %dma_start3A_379 = tpu.memref_squeeze %dma_start3A_378 : memref<1x1x80xi32, #tpu.memory_space<vmem>> -> memref<80xi32, #tpu.memory_space<vmem>>
      %dma_start3A_380 = arith.constant 0 : i32
      %dma_start3A_381 = arith.constant 0 : i32
      %dma_start3A_382 = tpu.memref_slice %arg11[%dma_start3A_380, %dma_start3A_381] : memref<10240x128xf32, #tpu.memory_space<vmem_shared>> -> memref<10240x128xf32, #tpu.memory_space<vmem_shared>>
      tpu.enqueue_indirect_dma source(%arg10 : memref<80x128xf32, #tpu.memory_space<vmem>>) target(%dma_start3A_382 : memref<10240x128xf32, #tpu.memory_space<vmem_shared>>) offsets(%dma_start3A_379 : memref<80xi32, #tpu.memory_space<vmem>>) semaphore(%arg13 : memref<!tpu.dma_semaphore, #tpu.memory_space<semaphore_mem>>) {add = true}
      %dma_wait3A_383 = arith.constant 9 : i32
      %dma_wait3A_384 = arith.constant 0 : i32
      %dma_wait3A_385 = tpu.memref_slice %arg6[%rem3A_205, %dma_wait3A_383, %dma_wait3A_384] : memref<2x25x80xi32, #tpu.memory_space<vmem>> -> memref<1x1x80xi32, #tpu.memory_space<vmem>>
      %dma_wait3A_386 = tpu.memref_squeeze %dma_wait3A_385 : memref<1x1x80xi32, #tpu.memory_space<vmem>> -> memref<80xi32, #tpu.memory_space<vmem>>
      %dma_wait3A_387 = arith.constant 0 : i32
      %dma_wait3A_388 = arith.constant 0 : i32
      %dma_wait3A_389 = tpu.memref_slice %arg11[%dma_wait3A_387, %dma_wait3A_388] : memref<10240x128xf32, #tpu.memory_space<vmem_shared>> -> memref<10240x128xf32, #tpu.memory_space<vmem_shared>>
      tpu.wait_indirect_dma semaphore(%arg13 : memref<!tpu.dma_semaphore, #tpu.memory_space<semaphore_mem>>) src(%arg10 : memref<80x128xf32, #tpu.memory_space<vmem>>) dst(%dma_wait3A_389 : memref<10240x128xf32, #tpu.memory_space<vmem_shared>>)
      %dma_start3A_390 = arith.constant 13 : i32
      %dma_start3A_391 = arith.constant 0 : i32
      %dma_start3A_392 = tpu.memref_slice %arg6[%rem3A_205, %dma_start3A_390, %dma_start3A_391] : memref<2x25x80xi32, #tpu.memory_space<vmem>> -> memref<1x1x80xi32, #tpu.memory_space<vmem>>
      %dma_start3A_393 = tpu.memref_squeeze %dma_start3A_392 : memref<1x1x80xi32, #tpu.memory_space<vmem>> -> memref<80xi32, #tpu.memory_space<vmem>>
      %dma_start3A_394 = arith.constant 0 : i32
      %dma_start3A_395 = arith.constant 0 : i32
      %dma_start3A_396 = tpu.memref_slice %arg11[%dma_start3A_394, %dma_start3A_395] : memref<10240x128xf32, #tpu.memory_space<vmem_shared>> -> memref<10240x128xf32, #tpu.memory_space<vmem_shared>>
      tpu.enqueue_indirect_dma source(%arg10 : memref<80x128xf32, #tpu.memory_space<vmem>>) target(%dma_start3A_396 : memref<10240x128xf32, #tpu.memory_space<vmem_shared>>) offsets(%dma_start3A_393 : memref<80xi32, #tpu.memory_space<vmem>>) semaphore(%arg13 : memref<!tpu.dma_semaphore, #tpu.memory_space<semaphore_mem>>) {add = true}
      %dma_wait3A_397 = arith.constant 10 : i32
      %dma_wait3A_398 = arith.constant 0 : i32
      %dma_wait3A_399 = tpu.memref_slice %arg6[%rem3A_205, %dma_wait3A_397, %dma_wait3A_398] : memref<2x25x80xi32, #tpu.memory_space<vmem>> -> memref<1x1x80xi32, #tpu.memory_space<vmem>>
      %dma_wait3A_400 = tpu.memref_squeeze %dma_wait3A_399 : memref<1x1x80xi32, #tpu.memory_space<vmem>> -> memref<80xi32, #tpu.memory_space<vmem>>
      %dma_wait3A_401 = arith.constant 0 : i32
      %dma_wait3A_402 = arith.constant 0 : i32
      %dma_wait3A_403 = tpu.memref_slice %arg11[%dma_wait3A_401, %dma_wait3A_402] : memref<10240x128xf32, #tpu.memory_space<vmem_shared>> -> memref<10240x128xf32, #tpu.memory_space<vmem_shared>>
      tpu.wait_indirect_dma semaphore(%arg13 : memref<!tpu.dma_semaphore, #tpu.memory_space<semaphore_mem>>) src(%arg10 : memref<80x128xf32, #tpu.memory_space<vmem>>) dst(%dma_wait3A_403 : memref<10240x128xf32, #tpu.memory_space<vmem_shared>>)
      %dma_start3A_404 = arith.constant 14 : i32
      %dma_start3A_405 = arith.constant 0 : i32
      %dma_start3A_406 = tpu.memref_slice %arg6[%rem3A_205, %dma_start3A_404, %dma_start3A_405] : memref<2x25x80xi32, #tpu.memory_space<vmem>> -> memref<1x1x80xi32, #tpu.memory_space<vmem>>
      %dma_start3A_407 = tpu.memref_squeeze %dma_start3A_406 : memref<1x1x80xi32, #tpu.memory_space<vmem>> -> memref<80xi32, #tpu.memory_space<vmem>>
      %dma_start3A_408 = arith.constant 0 : i32
      %dma_start3A_409 = arith.constant 0 : i32
      %dma_start3A_410 = tpu.memref_slice %arg11[%dma_start3A_408, %dma_start3A_409] : memref<10240x128xf32, #tpu.memory_space<vmem_shared>> -> memref<10240x128xf32, #tpu.memory_space<vmem_shared>>
      tpu.enqueue_indirect_dma source(%arg10 : memref<80x128xf32, #tpu.memory_space<vmem>>) target(%dma_start3A_410 : memref<10240x128xf32, #tpu.memory_space<vmem_shared>>) offsets(%dma_start3A_407 : memref<80xi32, #tpu.memory_space<vmem>>) semaphore(%arg13 : memref<!tpu.dma_semaphore, #tpu.memory_space<semaphore_mem>>) {add = true}
      %dma_wait3A_411 = arith.constant 11 : i32
      %dma_wait3A_412 = arith.constant 0 : i32
      %dma_wait3A_413 = tpu.memref_slice %arg6[%rem3A_205, %dma_wait3A_411, %dma_wait3A_412] : memref<2x25x80xi32, #tpu.memory_space<vmem>> -> memref<1x1x80xi32, #tpu.memory_space<vmem>>
      %dma_wait3A_414 = tpu.memref_squeeze %dma_wait3A_413 : memref<1x1x80xi32, #tpu.memory_space<vmem>> -> memref<80xi32, #tpu.memory_space<vmem>>
      %dma_wait3A_415 = arith.constant 0 : i32
      %dma_wait3A_416 = arith.constant 0 : i32
      %dma_wait3A_417 = tpu.memref_slice %arg11[%dma_wait3A_415, %dma_wait3A_416] : memref<10240x128xf32, #tpu.memory_space<vmem_shared>> -> memref<10240x128xf32, #tpu.memory_space<vmem_shared>>
      tpu.wait_indirect_dma semaphore(%arg13 : memref<!tpu.dma_semaphore, #tpu.memory_space<semaphore_mem>>) src(%arg10 : memref<80x128xf32, #tpu.memory_space<vmem>>) dst(%dma_wait3A_417 : memref<10240x128xf32, #tpu.memory_space<vmem_shared>>)
      %dma_start3A_418 = arith.constant 15 : i32
      %dma_start3A_419 = arith.constant 0 : i32
      %dma_start3A_420 = tpu.memref_slice %arg6[%rem3A_205, %dma_start3A_418, %dma_start3A_419] : memref<2x25x80xi32, #tpu.memory_space<vmem>> -> memref<1x1x80xi32, #tpu.memory_space<vmem>>
      %dma_start3A_421 = tpu.memref_squeeze %dma_start3A_420 : memref<1x1x80xi32, #tpu.memory_space<vmem>> -> memref<80xi32, #tpu.memory_space<vmem>>
      %dma_start3A_422 = arith.constant 0 : i32
      %dma_start3A_423 = arith.constant 0 : i32
      %dma_start3A_424 = tpu.memref_slice %arg11[%dma_start3A_422, %dma_start3A_423] : memref<10240x128xf32, #tpu.memory_space<vmem_shared>> -> memref<10240x128xf32, #tpu.memory_space<vmem_shared>>
      tpu.enqueue_indirect_dma source(%arg10 : memref<80x128xf32, #tpu.memory_space<vmem>>) target(%dma_start3A_424 : memref<10240x128xf32, #tpu.memory_space<vmem_shared>>) offsets(%dma_start3A_421 : memref<80xi32, #tpu.memory_space<vmem>>) semaphore(%arg13 : memref<!tpu.dma_semaphore, #tpu.memory_space<semaphore_mem>>) {add = true}
      %dma_wait3A_425 = arith.constant 12 : i32
      %dma_wait3A_426 = arith.constant 0 : i32
      %dma_wait3A_427 = tpu.memref_slice %arg6[%rem3A_205, %dma_wait3A_425, %dma_wait3A_426] : memref<2x25x80xi32, #tpu.memory_space<vmem>> -> memref<1x1x80xi32, #tpu.memory_space<vmem>>
      %dma_wait3A_428 = tpu.memref_squeeze %dma_wait3A_427 : memref<1x1x80xi32, #tpu.memory_space<vmem>> -> memref<80xi32, #tpu.memory_space<vmem>>
      %dma_wait3A_429 = arith.constant 0 : i32
      %dma_wait3A_430 = arith.constant 0 : i32
      %dma_wait3A_431 = tpu.memref_slice %arg11[%dma_wait3A_429, %dma_wait3A_430] : memref<10240x128xf32, #tpu.memory_space<vmem_shared>> -> memref<10240x128xf32, #tpu.memory_space<vmem_shared>>
      tpu.wait_indirect_dma semaphore(%arg13 : memref<!tpu.dma_semaphore, #tpu.memory_space<semaphore_mem>>) src(%arg10 : memref<80x128xf32, #tpu.memory_space<vmem>>) dst(%dma_wait3A_431 : memref<10240x128xf32, #tpu.memory_space<vmem_shared>>)
      %dma_start3A_432 = arith.constant 16 : i32
      %dma_start3A_433 = arith.constant 0 : i32
      %dma_start3A_434 = tpu.memref_slice %arg6[%rem3A_205, %dma_start3A_432, %dma_start3A_433] : memref<2x25x80xi32, #tpu.memory_space<vmem>> -> memref<1x1x80xi32, #tpu.memory_space<vmem>>
      %dma_start3A_435 = tpu.memref_squeeze %dma_start3A_434 : memref<1x1x80xi32, #tpu.memory_space<vmem>> -> memref<80xi32, #tpu.memory_space<vmem>>
      %dma_start3A_436 = arith.constant 0 : i32
      %dma_start3A_437 = arith.constant 0 : i32
      %dma_start3A_438 = tpu.memref_slice %arg11[%dma_start3A_436, %dma_start3A_437] : memref<10240x128xf32, #tpu.memory_space<vmem_shared>> -> memref<10240x128xf32, #tpu.memory_space<vmem_shared>>
      tpu.enqueue_indirect_dma source(%arg10 : memref<80x128xf32, #tpu.memory_space<vmem>>) target(%dma_start3A_438 : memref<10240x128xf32, #tpu.memory_space<vmem_shared>>) offsets(%dma_start3A_435 : memref<80xi32, #tpu.memory_space<vmem>>) semaphore(%arg13 : memref<!tpu.dma_semaphore, #tpu.memory_space<semaphore_mem>>) {add = true}
      %dma_wait3A_439 = arith.constant 13 : i32
      %dma_wait3A_440 = arith.constant 0 : i32
      %dma_wait3A_441 = tpu.memref_slice %arg6[%rem3A_205, %dma_wait3A_439, %dma_wait3A_440] : memref<2x25x80xi32, #tpu.memory_space<vmem>> -> memref<1x1x80xi32, #tpu.memory_space<vmem>>
      %dma_wait3A_442 = tpu.memref_squeeze %dma_wait3A_441 : memref<1x1x80xi32, #tpu.memory_space<vmem>> -> memref<80xi32, #tpu.memory_space<vmem>>
      %dma_wait3A_443 = arith.constant 0 : i32
      %dma_wait3A_444 = arith.constant 0 : i32
      %dma_wait3A_445 = tpu.memref_slice %arg11[%dma_wait3A_443, %dma_wait3A_444] : memref<10240x128xf32, #tpu.memory_space<vmem_shared>> -> memref<10240x128xf32, #tpu.memory_space<vmem_shared>>
      tpu.wait_indirect_dma semaphore(%arg13 : memref<!tpu.dma_semaphore, #tpu.memory_space<semaphore_mem>>) src(%arg10 : memref<80x128xf32, #tpu.memory_space<vmem>>) dst(%dma_wait3A_445 : memref<10240x128xf32, #tpu.memory_space<vmem_shared>>)
      %dma_start3A_446 = arith.constant 17 : i32
      %dma_start3A_447 = arith.constant 0 : i32
      %dma_start3A_448 = tpu.memref_slice %arg6[%rem3A_205, %dma_start3A_446, %dma_start3A_447] : memref<2x25x80xi32, #tpu.memory_space<vmem>> -> memref<1x1x80xi32, #tpu.memory_space<vmem>>
      %dma_start3A_449 = tpu.memref_squeeze %dma_start3A_448 : memref<1x1x80xi32, #tpu.memory_space<vmem>> -> memref<80xi32, #tpu.memory_space<vmem>>
      %dma_start3A_450 = arith.constant 0 : i32
      %dma_start3A_451 = arith.constant 0 : i32
      %dma_start3A_452 = tpu.memref_slice %arg11[%dma_start3A_450, %dma_start3A_451] : memref<10240x128xf32, #tpu.memory_space<vmem_shared>> -> memref<10240x128xf32, #tpu.memory_space<vmem_shared>>
      tpu.enqueue_indirect_dma source(%arg10 : memref<80x128xf32, #tpu.memory_space<vmem>>) target(%dma_start3A_452 : memref<10240x128xf32, #tpu.memory_space<vmem_shared>>) offsets(%dma_start3A_449 : memref<80xi32, #tpu.memory_space<vmem>>) semaphore(%arg13 : memref<!tpu.dma_semaphore, #tpu.memory_space<semaphore_mem>>) {add = true}
      %dma_wait3A_453 = arith.constant 14 : i32
      %dma_wait3A_454 = arith.constant 0 : i32
      %dma_wait3A_455 = tpu.memref_slice %arg6[%rem3A_205, %dma_wait3A_453, %dma_wait3A_454] : memref<2x25x80xi32, #tpu.memory_space<vmem>> -> memref<1x1x80xi32, #tpu.memory_space<vmem>>
      %dma_wait3A_456 = tpu.memref_squeeze %dma_wait3A_455 : memref<1x1x80xi32, #tpu.memory_space<vmem>> -> memref<80xi32, #tpu.memory_space<vmem>>
      %dma_wait3A_457 = arith.constant 0 : i32
      %dma_wait3A_458 = arith.constant 0 : i32
      %dma_wait3A_459 = tpu.memref_slice %arg11[%dma_wait3A_457, %dma_wait3A_458] : memref<10240x128xf32, #tpu.memory_space<vmem_shared>> -> memref<10240x128xf32, #tpu.memory_space<vmem_shared>>
      tpu.wait_indirect_dma semaphore(%arg13 : memref<!tpu.dma_semaphore, #tpu.memory_space<semaphore_mem>>) src(%arg10 : memref<80x128xf32, #tpu.memory_space<vmem>>) dst(%dma_wait3A_459 : memref<10240x128xf32, #tpu.memory_space<vmem_shared>>)
      %dma_start3A_460 = arith.constant 18 : i32
      %dma_start3A_461 = arith.constant 0 : i32
      %dma_start3A_462 = tpu.memref_slice %arg6[%rem3A_205, %dma_start3A_460, %dma_start3A_461] : memref<2x25x80xi32, #tpu.memory_space<vmem>> -> memref<1x1x80xi32, #tpu.memory_space<vmem>>
      %dma_start3A_463 = tpu.memref_squeeze %dma_start3A_462 : memref<1x1x80xi32, #tpu.memory_space<vmem>> -> memref<80xi32, #tpu.memory_space<vmem>>
      %dma_start3A_464 = arith.constant 0 : i32
      %dma_start3A_465 = arith.constant 0 : i32
      %dma_start3A_466 = tpu.memref_slice %arg11[%dma_start3A_464, %dma_start3A_465] : memref<10240x128xf32, #tpu.memory_space<vmem_shared>> -> memref<10240x128xf32, #tpu.memory_space<vmem_shared>>
      tpu.enqueue_indirect_dma source(%arg10 : memref<80x128xf32, #tpu.memory_space<vmem>>) target(%dma_start3A_466 : memref<10240x128xf32, #tpu.memory_space<vmem_shared>>) offsets(%dma_start3A_463 : memref<80xi32, #tpu.memory_space<vmem>>) semaphore(%arg13 : memref<!tpu.dma_semaphore, #tpu.memory_space<semaphore_mem>>) {add = true}
      %dma_wait3A_467 = arith.constant 15 : i32
      %dma_wait3A_468 = arith.constant 0 : i32
      %dma_wait3A_469 = tpu.memref_slice %arg6[%rem3A_205, %dma_wait3A_467, %dma_wait3A_468] : memref<2x25x80xi32, #tpu.memory_space<vmem>> -> memref<1x1x80xi32, #tpu.memory_space<vmem>>
      %dma_wait3A_470 = tpu.memref_squeeze %dma_wait3A_469 : memref<1x1x80xi32, #tpu.memory_space<vmem>> -> memref<80xi32, #tpu.memory_space<vmem>>
      %dma_wait3A_471 = arith.constant 0 : i32
      %dma_wait3A_472 = arith.constant 0 : i32
      %dma_wait3A_473 = tpu.memref_slice %arg11[%dma_wait3A_471, %dma_wait3A_472] : memref<10240x128xf32, #tpu.memory_space<vmem_shared>> -> memref<10240x128xf32, #tpu.memory_space<vmem_shared>>
      tpu.wait_indirect_dma semaphore(%arg13 : memref<!tpu.dma_semaphore, #tpu.memory_space<semaphore_mem>>) src(%arg10 : memref<80x128xf32, #tpu.memory_space<vmem>>) dst(%dma_wait3A_473 : memref<10240x128xf32, #tpu.memory_space<vmem_shared>>)
      %dma_start3A_474 = arith.constant 19 : i32
      %dma_start3A_475 = arith.constant 0 : i32
      %dma_start3A_476 = tpu.memref_slice %arg6[%rem3A_205, %dma_start3A_474, %dma_start3A_475] : memref<2x25x80xi32, #tpu.memory_space<vmem>> -> memref<1x1x80xi32, #tpu.memory_space<vmem>>
      %dma_start3A_477 = tpu.memref_squeeze %dma_start3A_476 : memref<1x1x80xi32, #tpu.memory_space<vmem>> -> memref<80xi32, #tpu.memory_space<vmem>>
      %dma_start3A_478 = arith.constant 0 : i32
      %dma_start3A_479 = arith.constant 0 : i32
      %dma_start3A_480 = tpu.memref_slice %arg11[%dma_start3A_478, %dma_start3A_479] : memref<10240x128xf32, #tpu.memory_space<vmem_shared>> -> memref<10240x128xf32, #tpu.memory_space<vmem_shared>>
      tpu.enqueue_indirect_dma source(%arg10 : memref<80x128xf32, #tpu.memory_space<vmem>>) target(%dma_start3A_480 : memref<10240x128xf32, #tpu.memory_space<vmem_shared>>) offsets(%dma_start3A_477 : memref<80xi32, #tpu.memory_space<vmem>>) semaphore(%arg13 : memref<!tpu.dma_semaphore, #tpu.memory_space<semaphore_mem>>) {add = true}
      %dma_wait3A_481 = arith.constant 16 : i32
      %dma_wait3A_482 = arith.constant 0 : i32
      %dma_wait3A_483 = tpu.memref_slice %arg6[%rem3A_205, %dma_wait3A_481, %dma_wait3A_482] : memref<2x25x80xi32, #tpu.memory_space<vmem>> -> memref<1x1x80xi32, #tpu.memory_space<vmem>>
      %dma_wait3A_484 = tpu.memref_squeeze %dma_wait3A_483 : memref<1x1x80xi32, #tpu.memory_space<vmem>> -> memref<80xi32, #tpu.memory_space<vmem>>
      %dma_wait3A_485 = arith.constant 0 : i32
      %dma_wait3A_486 = arith.constant 0 : i32
      %dma_wait3A_487 = tpu.memref_slice %arg11[%dma_wait3A_485, %dma_wait3A_486] : memref<10240x128xf32, #tpu.memory_space<vmem_shared>> -> memref<10240x128xf32, #tpu.memory_space<vmem_shared>>
      tpu.wait_indirect_dma semaphore(%arg13 : memref<!tpu.dma_semaphore, #tpu.memory_space<semaphore_mem>>) src(%arg10 : memref<80x128xf32, #tpu.memory_space<vmem>>) dst(%dma_wait3A_487 : memref<10240x128xf32, #tpu.memory_space<vmem_shared>>)
      %dma_start3A_488 = arith.constant 20 : i32
      %dma_start3A_489 = arith.constant 0 : i32
      %dma_start3A_490 = tpu.memref_slice %arg6[%rem3A_205, %dma_start3A_488, %dma_start3A_489] : memref<2x25x80xi32, #tpu.memory_space<vmem>> -> memref<1x1x80xi32, #tpu.memory_space<vmem>>
      %dma_start3A_491 = tpu.memref_squeeze %dma_start3A_490 : memref<1x1x80xi32, #tpu.memory_space<vmem>> -> memref<80xi32, #tpu.memory_space<vmem>>
      %dma_start3A_492 = arith.constant 0 : i32
      %dma_start3A_493 = arith.constant 0 : i32
      %dma_start3A_494 = tpu.memref_slice %arg11[%dma_start3A_492, %dma_start3A_493] : memref<10240x128xf32, #tpu.memory_space<vmem_shared>> -> memref<10240x128xf32, #tpu.memory_space<vmem_shared>>
      tpu.enqueue_indirect_dma source(%arg10 : memref<80x128xf32, #tpu.memory_space<vmem>>) target(%dma_start3A_494 : memref<10240x128xf32, #tpu.memory_space<vmem_shared>>) offsets(%dma_start3A_491 : memref<80xi32, #tpu.memory_space<vmem>>) semaphore(%arg13 : memref<!tpu.dma_semaphore, #tpu.memory_space<semaphore_mem>>) {add = true}
      %dma_wait3A_495 = arith.constant 17 : i32
      %dma_wait3A_496 = arith.constant 0 : i32
      %dma_wait3A_497 = tpu.memref_slice %arg6[%rem3A_205, %dma_wait3A_495, %dma_wait3A_496] : memref<2x25x80xi32, #tpu.memory_space<vmem>> -> memref<1x1x80xi32, #tpu.memory_space<vmem>>
      %dma_wait3A_498 = tpu.memref_squeeze %dma_wait3A_497 : memref<1x1x80xi32, #tpu.memory_space<vmem>> -> memref<80xi32, #tpu.memory_space<vmem>>
      %dma_wait3A_499 = arith.constant 0 : i32
      %dma_wait3A_500 = arith.constant 0 : i32
      %dma_wait3A_501 = tpu.memref_slice %arg11[%dma_wait3A_499, %dma_wait3A_500] : memref<10240x128xf32, #tpu.memory_space<vmem_shared>> -> memref<10240x128xf32, #tpu.memory_space<vmem_shared>>
      tpu.wait_indirect_dma semaphore(%arg13 : memref<!tpu.dma_semaphore, #tpu.memory_space<semaphore_mem>>) src(%arg10 : memref<80x128xf32, #tpu.memory_space<vmem>>) dst(%dma_wait3A_501 : memref<10240x128xf32, #tpu.memory_space<vmem_shared>>)
      %dma_start3A_502 = arith.constant 21 : i32
      %dma_start3A_503 = arith.constant 0 : i32
      %dma_start3A_504 = tpu.memref_slice %arg6[%rem3A_205, %dma_start3A_502, %dma_start3A_503] : memref<2x25x80xi32, #tpu.memory_space<vmem>> -> memref<1x1x80xi32, #tpu.memory_space<vmem>>
      %dma_start3A_505 = tpu.memref_squeeze %dma_start3A_504 : memref<1x1x80xi32, #tpu.memory_space<vmem>> -> memref<80xi32, #tpu.memory_space<vmem>>
      %dma_start3A_506 = arith.constant 0 : i32
      %dma_start3A_507 = arith.constant 0 : i32
      %dma_start3A_508 = tpu.memref_slice %arg11[%dma_start3A_506, %dma_start3A_507] : memref<10240x128xf32, #tpu.memory_space<vmem_shared>> -> memref<10240x128xf32, #tpu.memory_space<vmem_shared>>
      tpu.enqueue_indirect_dma source(%arg10 : memref<80x128xf32, #tpu.memory_space<vmem>>) target(%dma_start3A_508 : memref<10240x128xf32, #tpu.memory_space<vmem_shared>>) offsets(%dma_start3A_505 : memref<80xi32, #tpu.memory_space<vmem>>) semaphore(%arg13 : memref<!tpu.dma_semaphore, #tpu.memory_space<semaphore_mem>>) {add = true}
      %dma_wait3A_509 = arith.constant 18 : i32
      %dma_wait3A_510 = arith.constant 0 : i32
      %dma_wait3A_511 = tpu.memref_slice %arg6[%rem3A_205, %dma_wait3A_509, %dma_wait3A_510] : memref<2x25x80xi32, #tpu.memory_space<vmem>> -> memref<1x1x80xi32, #tpu.memory_space<vmem>>
      %dma_wait3A_512 = tpu.memref_squeeze %dma_wait3A_511 : memref<1x1x80xi32, #tpu.memory_space<vmem>> -> memref<80xi32, #tpu.memory_space<vmem>>
      %dma_wait3A_513 = arith.constant 0 : i32
      %dma_wait3A_514 = arith.constant 0 : i32
      %dma_wait3A_515 = tpu.memref_slice %arg11[%dma_wait3A_513, %dma_wait3A_514] : memref<10240x128xf32, #tpu.memory_space<vmem_shared>> -> memref<10240x128xf32, #tpu.memory_space<vmem_shared>>
      tpu.wait_indirect_dma semaphore(%arg13 : memref<!tpu.dma_semaphore, #tpu.memory_space<semaphore_mem>>) src(%arg10 : memref<80x128xf32, #tpu.memory_space<vmem>>) dst(%dma_wait3A_515 : memref<10240x128xf32, #tpu.memory_space<vmem_shared>>)
      %dma_start3A_516 = arith.constant 22 : i32
      %dma_start3A_517 = arith.constant 0 : i32
      %dma_start3A_518 = tpu.memref_slice %arg6[%rem3A_205, %dma_start3A_516, %dma_start3A_517] : memref<2x25x80xi32, #tpu.memory_space<vmem>> -> memref<1x1x80xi32, #tpu.memory_space<vmem>>
      %dma_start3A_519 = tpu.memref_squeeze %dma_start3A_518 : memref<1x1x80xi32, #tpu.memory_space<vmem>> -> memref<80xi32, #tpu.memory_space<vmem>>
      %dma_start3A_520 = arith.constant 0 : i32
      %dma_start3A_521 = arith.constant 0 : i32
      %dma_start3A_522 = tpu.memref_slice %arg11[%dma_start3A_520, %dma_start3A_521] : memref<10240x128xf32, #tpu.memory_space<vmem_shared>> -> memref<10240x128xf32, #tpu.memory_space<vmem_shared>>
      tpu.enqueue_indirect_dma source(%arg10 : memref<80x128xf32, #tpu.memory_space<vmem>>) target(%dma_start3A_522 : memref<10240x128xf32, #tpu.memory_space<vmem_shared>>) offsets(%dma_start3A_519 : memref<80xi32, #tpu.memory_space<vmem>>) semaphore(%arg13 : memref<!tpu.dma_semaphore, #tpu.memory_space<semaphore_mem>>) {add = true}
      %dma_wait3A_523 = arith.constant 19 : i32
      %dma_wait3A_524 = arith.constant 0 : i32
      %dma_wait3A_525 = tpu.memref_slice %arg6[%rem3A_205, %dma_wait3A_523, %dma_wait3A_524] : memref<2x25x80xi32, #tpu.memory_space<vmem>> -> memref<1x1x80xi32, #tpu.memory_space<vmem>>
      %dma_wait3A_526 = tpu.memref_squeeze %dma_wait3A_525 : memref<1x1x80xi32, #tpu.memory_space<vmem>> -> memref<80xi32, #tpu.memory_space<vmem>>
      %dma_wait3A_527 = arith.constant 0 : i32
      %dma_wait3A_528 = arith.constant 0 : i32
      %dma_wait3A_529 = tpu.memref_slice %arg11[%dma_wait3A_527, %dma_wait3A_528] : memref<10240x128xf32, #tpu.memory_space<vmem_shared>> -> memref<10240x128xf32, #tpu.memory_space<vmem_shared>>
      tpu.wait_indirect_dma semaphore(%arg13 : memref<!tpu.dma_semaphore, #tpu.memory_space<semaphore_mem>>) src(%arg10 : memref<80x128xf32, #tpu.memory_space<vmem>>) dst(%dma_wait3A_529 : memref<10240x128xf32, #tpu.memory_space<vmem_shared>>)
      %dma_start3A_530 = arith.constant 23 : i32
      %dma_start3A_531 = arith.constant 0 : i32
      %dma_start3A_532 = tpu.memref_slice %arg6[%rem3A_205, %dma_start3A_530, %dma_start3A_531] : memref<2x25x80xi32, #tpu.memory_space<vmem>> -> memref<1x1x80xi32, #tpu.memory_space<vmem>>
      %dma_start3A_533 = tpu.memref_squeeze %dma_start3A_532 : memref<1x1x80xi32, #tpu.memory_space<vmem>> -> memref<80xi32, #tpu.memory_space<vmem>>
      %dma_start3A_534 = arith.constant 0 : i32
      %dma_start3A_535 = arith.constant 0 : i32
      %dma_start3A_536 = tpu.memref_slice %arg11[%dma_start3A_534, %dma_start3A_535] : memref<10240x128xf32, #tpu.memory_space<vmem_shared>> -> memref<10240x128xf32, #tpu.memory_space<vmem_shared>>
      tpu.enqueue_indirect_dma source(%arg10 : memref<80x128xf32, #tpu.memory_space<vmem>>) target(%dma_start3A_536 : memref<10240x128xf32, #tpu.memory_space<vmem_shared>>) offsets(%dma_start3A_533 : memref<80xi32, #tpu.memory_space<vmem>>) semaphore(%arg13 : memref<!tpu.dma_semaphore, #tpu.memory_space<semaphore_mem>>) {add = true}
      %dma_wait3A_537 = arith.constant 20 : i32
      %dma_wait3A_538 = arith.constant 0 : i32
      %dma_wait3A_539 = tpu.memref_slice %arg6[%rem3A_205, %dma_wait3A_537, %dma_wait3A_538] : memref<2x25x80xi32, #tpu.memory_space<vmem>> -> memref<1x1x80xi32, #tpu.memory_space<vmem>>
      %dma_wait3A_540 = tpu.memref_squeeze %dma_wait3A_539 : memref<1x1x80xi32, #tpu.memory_space<vmem>> -> memref<80xi32, #tpu.memory_space<vmem>>
      %dma_wait3A_541 = arith.constant 0 : i32
      %dma_wait3A_542 = arith.constant 0 : i32
      %dma_wait3A_543 = tpu.memref_slice %arg11[%dma_wait3A_541, %dma_wait3A_542] : memref<10240x128xf32, #tpu.memory_space<vmem_shared>> -> memref<10240x128xf32, #tpu.memory_space<vmem_shared>>
      tpu.wait_indirect_dma semaphore(%arg13 : memref<!tpu.dma_semaphore, #tpu.memory_space<semaphore_mem>>) src(%arg10 : memref<80x128xf32, #tpu.memory_space<vmem>>) dst(%dma_wait3A_543 : memref<10240x128xf32, #tpu.memory_space<vmem_shared>>)
      %dma_start3A_544 = arith.constant 24 : i32
      %dma_start3A_545 = arith.constant 0 : i32
      %dma_start3A_546 = tpu.memref_slice %arg6[%rem3A_205, %dma_start3A_544, %dma_start3A_545] : memref<2x25x80xi32, #tpu.memory_space<vmem>> -> memref<1x1x80xi32, #tpu.memory_space<vmem>>
      %dma_start3A_547 = tpu.memref_squeeze %dma_start3A_546 : memref<1x1x80xi32, #tpu.memory_space<vmem>> -> memref<80xi32, #tpu.memory_space<vmem>>
      %dma_start3A_548 = arith.constant 0 : i32
      %dma_start3A_549 = arith.constant 0 : i32
      %dma_start3A_550 = tpu.memref_slice %arg11[%dma_start3A_548, %dma_start3A_549] : memref<10240x128xf32, #tpu.memory_space<vmem_shared>> -> memref<10240x128xf32, #tpu.memory_space<vmem_shared>>
      tpu.enqueue_indirect_dma source(%arg10 : memref<80x128xf32, #tpu.memory_space<vmem>>) target(%dma_start3A_550 : memref<10240x128xf32, #tpu.memory_space<vmem_shared>>) offsets(%dma_start3A_547 : memref<80xi32, #tpu.memory_space<vmem>>) semaphore(%arg13 : memref<!tpu.dma_semaphore, #tpu.memory_space<semaphore_mem>>) {add = true}
      %dma_wait3A_551 = arith.constant 21 : i32
      %dma_wait3A_552 = arith.constant 0 : i32
      %dma_wait3A_553 = tpu.memref_slice %arg6[%rem3A_205, %dma_wait3A_551, %dma_wait3A_552] : memref<2x25x80xi32, #tpu.memory_space<vmem>> -> memref<1x1x80xi32, #tpu.memory_space<vmem>>
      %dma_wait3A_554 = tpu.memref_squeeze %dma_wait3A_553 : memref<1x1x80xi32, #tpu.memory_space<vmem>> -> memref<80xi32, #tpu.memory_space<vmem>>
      %dma_wait3A_555 = arith.constant 0 : i32
      %dma_wait3A_556 = arith.constant 0 : i32
      %dma_wait3A_557 = tpu.memref_slice %arg11[%dma_wait3A_555, %dma_wait3A_556] : memref<10240x128xf32, #tpu.memory_space<vmem_shared>> -> memref<10240x128xf32, #tpu.memory_space<vmem_shared>>
      tpu.wait_indirect_dma semaphore(%arg13 : memref<!tpu.dma_semaphore, #tpu.memory_space<semaphore_mem>>) src(%arg10 : memref<80x128xf32, #tpu.memory_space<vmem>>) dst(%dma_wait3A_557 : memref<10240x128xf32, #tpu.memory_space<vmem_shared>>)
      %dma_wait3A_558 = arith.constant 22 : i32
      %dma_wait3A_559 = arith.constant 0 : i32
      %dma_wait3A_560 = tpu.memref_slice %arg6[%rem3A_205, %dma_wait3A_558, %dma_wait3A_559] : memref<2x25x80xi32, #tpu.memory_space<vmem>> -> memref<1x1x80xi32, #tpu.memory_space<vmem>>
      %dma_wait3A_561 = tpu.memref_squeeze %dma_wait3A_560 : memref<1x1x80xi32, #tpu.memory_space<vmem>> -> memref<80xi32, #tpu.memory_space<vmem>>
      %dma_wait3A_562 = arith.constant 0 : i32
      %dma_wait3A_563 = arith.constant 0 : i32
      %dma_wait3A_564 = tpu.memref_slice %arg11[%dma_wait3A_562, %dma_wait3A_563] : memref<10240x128xf32, #tpu.memory_space<vmem_shared>> -> memref<10240x128xf32, #tpu.memory_space<vmem_shared>>
      tpu.wait_indirect_dma semaphore(%arg13 : memref<!tpu.dma_semaphore, #tpu.memory_space<semaphore_mem>>) src(%arg10 : memref<80x128xf32, #tpu.memory_space<vmem>>) dst(%dma_wait3A_564 : memref<10240x128xf32, #tpu.memory_space<vmem_shared>>)
      %dma_wait3A_565 = arith.constant 23 : i32
      %dma_wait3A_566 = arith.constant 0 : i32
      %dma_wait3A_567 = tpu.memref_slice %arg6[%rem3A_205, %dma_wait3A_565, %dma_wait3A_566] : memref<2x25x80xi32, #tpu.memory_space<vmem>> -> memref<1x1x80xi32, #tpu.memory_space<vmem>>
      %dma_wait3A_568 = tpu.memref_squeeze %dma_wait3A_567 : memref<1x1x80xi32, #tpu.memory_space<vmem>> -> memref<80xi32, #tpu.memory_space<vmem>>
      %dma_wait3A_569 = arith.constant 0 : i32
      %dma_wait3A_570 = arith.constant 0 : i32
      %dma_wait3A_571 = tpu.memref_slice %arg11[%dma_wait3A_569, %dma_wait3A_570] : memref<10240x128xf32, #tpu.memory_space<vmem_shared>> -> memref<10240x128xf32, #tpu.memory_space<vmem_shared>>
      tpu.wait_indirect_dma semaphore(%arg13 : memref<!tpu.dma_semaphore, #tpu.memory_space<semaphore_mem>>) src(%arg10 : memref<80x128xf32, #tpu.memory_space<vmem>>) dst(%dma_wait3A_571 : memref<10240x128xf32, #tpu.memory_space<vmem_shared>>)
      %dma_wait3A_572 = arith.constant 24 : i32
      %dma_wait3A_573 = arith.constant 0 : i32
      %dma_wait3A_574 = tpu.memref_slice %arg6[%rem3A_205, %dma_wait3A_572, %dma_wait3A_573] : memref<2x25x80xi32, #tpu.memory_space<vmem>> -> memref<1x1x80xi32, #tpu.memory_space<vmem>>
      %dma_wait3A_575 = tpu.memref_squeeze %dma_wait3A_574 : memref<1x1x80xi32, #tpu.memory_space<vmem>> -> memref<80xi32, #tpu.memory_space<vmem>>
      %dma_wait3A_576 = arith.constant 0 : i32
      %dma_wait3A_577 = arith.constant 0 : i32
      %dma_wait3A_578 = tpu.memref_slice %arg11[%dma_wait3A_576, %dma_wait3A_577] : memref<10240x128xf32, #tpu.memory_space<vmem_shared>> -> memref<10240x128xf32, #tpu.memory_space<vmem_shared>>
      tpu.wait_indirect_dma semaphore(%arg13 : memref<!tpu.dma_semaphore, #tpu.memory_space<semaphore_mem>>) src(%arg10 : memref<80x128xf32, #tpu.memory_space<vmem>>) dst(%dma_wait3A_578 : memref<10240x128xf32, #tpu.memory_space<vmem_shared>>)
      %dma_wait3A_579 = arith.constant 0 : i32
      %dma_wait3A_580 = arith.constant 0 : i32
      %dma_wait3A_581 = tpu.memref_slice %arg6[%sub3A_212, %dma_wait3A_579, %dma_wait3A_580] : memref<2x25x80xi32, #tpu.memory_space<vmem>> -> memref<1x25x80xi32, #tpu.memory_space<vmem>>
      %dma_wait3A_582 = tpu.memref_squeeze %dma_wait3A_581 : memref<1x25x80xi32, #tpu.memory_space<vmem>> -> memref<25x80xi32, #tpu.memory_space<vmem>>
      %dma_wait3A_583 = arith.constant 0 : i32
      %dma_wait3A_584 = arith.constant 0 : i32
      %dma_wait3A_585 = tpu.memref_slice %arg3[%add3A_211, %dma_wait3A_583, %dma_wait3A_584] : memref<160x25x80xi32, #tpu.memory_space<hbm>> -> memref<1x25x80xi32, #tpu.memory_space<hbm>>
      %dma_wait3A_586 = tpu.memref_squeeze %dma_wait3A_585 : memref<1x25x80xi32, #tpu.memory_space<hbm>> -> memref<25x80xi32, #tpu.memory_space<hbm>>
      %dma_wait3A_587 = arith.constant 0 : i32
      %dma_wait3A_588 = arith.constant 0 : i32
      %dma_wait3A_589 = tpu.memref_slice %arg6[%sub3A_212, %dma_wait3A_587, %dma_wait3A_588] : memref<2x25x80xi32, #tpu.memory_space<vmem>> -> memref<1x25x80xi32, #tpu.memory_space<vmem>>
      %dma_wait3A_590 = tpu.memref_squeeze %dma_wait3A_589 : memref<1x25x80xi32, #tpu.memory_space<vmem>> -> memref<25x80xi32, #tpu.memory_space<vmem>>
      %dma_wait3A_591 = arith.constant 0 : i32
      %dma_wait3A_592 = arith.constant 0 : i32
      %dma_wait3A_593 = tpu.memref_slice %arg3[%add3A_211, %dma_wait3A_591, %dma_wait3A_592] : memref<160x25x80xi32, #tpu.memory_space<hbm>> -> memref<1x25x80xi32, #tpu.memory_space<hbm>>
      %dma_wait3A_594 = tpu.memref_squeeze %dma_wait3A_593 : memref<1x25x80xi32, #tpu.memory_space<hbm>> -> memref<25x80xi32, #tpu.memory_space<hbm>>
      tpu.wait_dma2 semaphore(%arg12 : memref<!tpu.dma_semaphore, #tpu.memory_space<semaphore_mem>>) src(%dma_wait3A_594 : memref<25x80xi32, #tpu.memory_space<hbm>>) dst(%dma_wait3A_590 : memref<25x80xi32, #tpu.memory_space<vmem>>)
      %scan3A_595 = arith.constant 0 : i32
      scf.yield %scan3A_595 : i32
    }
    %scan3A_98 = arith.constant 5 : i32
    %barrier3A_99 = arith.constant 0 : index
    tpu.barrier barrier_id(%barrier3A_99)
    %mul3A_100 = arith.constant 10240 : i32
    %mul3A_101 = arith.muli %arg0, %mul3A_100 : i32
    %add3A_102 = arith.addi %mul3A_101, %mul3A_11 : i32
    "tpu.region"() ({
      %run_scoped3A_203 = tpu.sem_alloc : memref<!tpu.dma_semaphore, #tpu.memory_space<semaphore_mem>>
      %dma_start3A_204 = arith.constant 0 : i32
      %dma_start3A_205 = tpu.memref_slice %arg5[%add3A_102, %dma_start3A_204] : memref<40960x128xf32, #tpu.memory_space<hbm>> -> memref<640x128xf32, #tpu.memory_space<hbm>>
      %dma_start3A_206 = arith.constant 0 : i32
      %dma_start3A_207 = tpu.memref_slice %arg11[%mul3A_11, %dma_start3A_206] : memref<10240x128xf32, #tpu.memory_space<vmem_shared>> -> memref<640x128xf32, #tpu.memory_space<vmem_shared>>
      tpu.enqueue_dma source(%dma_start3A_207 : memref<640x128xf32, #tpu.memory_space<vmem_shared>>) target(%dma_start3A_205 : memref<640x128xf32, #tpu.memory_space<hbm>>) target_semaphore(%run_scoped3A_203 : memref<!tpu.dma_semaphore, #tpu.memory_space<semaphore_mem>>)
      %dma_wait3A_208 = arith.constant 0 : i32
      %dma_wait3A_209 = tpu.memref_slice %arg5[%add3A_102, %dma_wait3A_208] : memref<40960x128xf32, #tpu.memory_space<hbm>> -> memref<640x128xf32, #tpu.memory_space<hbm>>
      %dma_wait3A_210 = arith.constant 0 : i32
      %dma_wait3A_211 = tpu.memref_slice %arg11[%mul3A_11, %dma_wait3A_210] : memref<10240x128xf32, #tpu.memory_space<vmem_shared>> -> memref<640x128xf32, #tpu.memory_space<vmem_shared>>
      tpu.wait_dma2 semaphore(%run_scoped3A_203 : memref<!tpu.dma_semaphore, #tpu.memory_space<semaphore_mem>>) src(%dma_wait3A_211 : memref<640x128xf32, #tpu.memory_space<vmem_shared>>) dst(%dma_wait3A_209 : memref<640x128xf32, #tpu.memory_space<hbm>>)
      tpu.yield
    }) : () -> ()
    %add3A_103 = arith.constant 0 : i32
    %add3A_104 = arith.addi %mul3A_11, %add3A_103 : i32
    %dma_start3A_105 = arith.constant 0 : i32
    %dma_start3A_106 = tpu.memref_slice %arg11[%add3A_104, %dma_start3A_105] : memref<10240x128xf32, #tpu.memory_space<vmem_shared>> -> memref<80x128xf32, #tpu.memory_space<vmem_shared>>
    %dma_start3A_107 = arith.constant 0 : i32
    %dma_start3A_108 = tpu.memref_slice %arg11[%add3A_104, %dma_start3A_107] : memref<10240x128xf32, #tpu.memory_space<vmem_shared>> -> memref<80x128xf32, #tpu.memory_space<vmem_shared>>
    tpu.enqueue_dma source(%arg8 : memref<80x128xf32, #tpu.memory_space<vmem>>) target(%dma_start3A_108 : memref<80x128xf32, #tpu.memory_space<vmem_shared>>) target_semaphore(%arg13 : memref<!tpu.dma_semaphore, #tpu.memory_space<semaphore_mem>>)
    %add3A_109 = arith.constant 80 : i32
    %add3A_110 = arith.addi %mul3A_11, %add3A_109 : i32
    %dma_start3A_111 = arith.constant 0 : i32
    %dma_start3A_112 = tpu.memref_slice %arg11[%add3A_110, %dma_start3A_111] : memref<10240x128xf32, #tpu.memory_space<vmem_shared>> -> memref<80x128xf32, #tpu.memory_space<vmem_shared>>
    %dma_start3A_113 = arith.constant 0 : i32
    %dma_start3A_114 = tpu.memref_slice %arg11[%add3A_110, %dma_start3A_113] : memref<10240x128xf32, #tpu.memory_space<vmem_shared>> -> memref<80x128xf32, #tpu.memory_space<vmem_shared>>
    tpu.enqueue_dma source(%arg8 : memref<80x128xf32, #tpu.memory_space<vmem>>) target(%dma_start3A_114 : memref<80x128xf32, #tpu.memory_space<vmem_shared>>) target_semaphore(%arg13 : memref<!tpu.dma_semaphore, #tpu.memory_space<semaphore_mem>>)
    %add3A_115 = arith.constant 160 : i32
    %add3A_116 = arith.addi %mul3A_11, %add3A_115 : i32
    %dma_start3A_117 = arith.constant 0 : i32
    %dma_start3A_118 = tpu.memref_slice %arg11[%add3A_116, %dma_start3A_117] : memref<10240x128xf32, #tpu.memory_space<vmem_shared>> -> memref<80x128xf32, #tpu.memory_space<vmem_shared>>
    %dma_start3A_119 = arith.constant 0 : i32
    %dma_start3A_120 = tpu.memref_slice %arg11[%add3A_116, %dma_start3A_119] : memref<10240x128xf32, #tpu.memory_space<vmem_shared>> -> memref<80x128xf32, #tpu.memory_space<vmem_shared>>
    tpu.enqueue_dma source(%arg8 : memref<80x128xf32, #tpu.memory_space<vmem>>) target(%dma_start3A_120 : memref<80x128xf32, #tpu.memory_space<vmem_shared>>) target_semaphore(%arg13 : memref<!tpu.dma_semaphore, #tpu.memory_space<semaphore_mem>>)
    %add3A_121 = arith.constant 240 : i32
    %add3A_122 = arith.addi %mul3A_11, %add3A_121 : i32
    %dma_start3A_123 = arith.constant 0 : i32
    %dma_start3A_124 = tpu.memref_slice %arg11[%add3A_122, %dma_start3A_123] : memref<10240x128xf32, #tpu.memory_space<vmem_shared>> -> memref<80x128xf32, #tpu.memory_space<vmem_shared>>
    %dma_start3A_125 = arith.constant 0 : i32
    %dma_start3A_126 = tpu.memref_slice %arg11[%add3A_122, %dma_start3A_125] : memref<10240x128xf32, #tpu.memory_space<vmem_shared>> -> memref<80x128xf32, #tpu.memory_space<vmem_shared>>
    tpu.enqueue_dma source(%arg8 : memref<80x128xf32, #tpu.memory_space<vmem>>) target(%dma_start3A_126 : memref<80x128xf32, #tpu.memory_space<vmem_shared>>) target_semaphore(%arg13 : memref<!tpu.dma_semaphore, #tpu.memory_space<semaphore_mem>>)
    %add3A_127 = arith.constant 320 : i32
    %add3A_128 = arith.addi %mul3A_11, %add3A_127 : i32
    %dma_start3A_129 = arith.constant 0 : i32
    %dma_start3A_130 = tpu.memref_slice %arg11[%add3A_128, %dma_start3A_129] : memref<10240x128xf32, #tpu.memory_space<vmem_shared>> -> memref<80x128xf32, #tpu.memory_space<vmem_shared>>
    %dma_start3A_131 = arith.constant 0 : i32
    %dma_start3A_132 = tpu.memref_slice %arg11[%add3A_128, %dma_start3A_131] : memref<10240x128xf32, #tpu.memory_space<vmem_shared>> -> memref<80x128xf32, #tpu.memory_space<vmem_shared>>
    tpu.enqueue_dma source(%arg8 : memref<80x128xf32, #tpu.memory_space<vmem>>) target(%dma_start3A_132 : memref<80x128xf32, #tpu.memory_space<vmem_shared>>) target_semaphore(%arg13 : memref<!tpu.dma_semaphore, #tpu.memory_space<semaphore_mem>>)
    %add3A_133 = arith.constant 400 : i32
    %add3A_134 = arith.addi %mul3A_11, %add3A_133 : i32
    %dma_start3A_135 = arith.constant 0 : i32
    %dma_start3A_136 = tpu.memref_slice %arg11[%add3A_134, %dma_start3A_135] : memref<10240x128xf32, #tpu.memory_space<vmem_shared>> -> memref<80x128xf32, #tpu.memory_space<vmem_shared>>
    %dma_start3A_137 = arith.constant 0 : i32
    %dma_start3A_138 = tpu.memref_slice %arg11[%add3A_134, %dma_start3A_137] : memref<10240x128xf32, #tpu.memory_space<vmem_shared>> -> memref<80x128xf32, #tpu.memory_space<vmem_shared>>
    tpu.enqueue_dma source(%arg8 : memref<80x128xf32, #tpu.memory_space<vmem>>) target(%dma_start3A_138 : memref<80x128xf32, #tpu.memory_space<vmem_shared>>) target_semaphore(%arg13 : memref<!tpu.dma_semaphore, #tpu.memory_space<semaphore_mem>>)
    %add3A_139 = arith.constant 480 : i32
    %add3A_140 = arith.addi %mul3A_11, %add3A_139 : i32
    %dma_start3A_141 = arith.constant 0 : i32
    %dma_start3A_142 = tpu.memref_slice %arg11[%add3A_140, %dma_start3A_141] : memref<10240x128xf32, #tpu.memory_space<vmem_shared>> -> memref<80x128xf32, #tpu.memory_space<vmem_shared>>
    %dma_start3A_143 = arith.constant 0 : i32
    %dma_start3A_144 = tpu.memref_slice %arg11[%add3A_140, %dma_start3A_143] : memref<10240x128xf32, #tpu.memory_space<vmem_shared>> -> memref<80x128xf32, #tpu.memory_space<vmem_shared>>
    tpu.enqueue_dma source(%arg8 : memref<80x128xf32, #tpu.memory_space<vmem>>) target(%dma_start3A_144 : memref<80x128xf32, #tpu.memory_space<vmem_shared>>) target_semaphore(%arg13 : memref<!tpu.dma_semaphore, #tpu.memory_space<semaphore_mem>>)
    %add3A_145 = arith.constant 560 : i32
    %add3A_146 = arith.addi %mul3A_11, %add3A_145 : i32
    %dma_start3A_147 = arith.constant 0 : i32
    %dma_start3A_148 = tpu.memref_slice %arg11[%add3A_146, %dma_start3A_147] : memref<10240x128xf32, #tpu.memory_space<vmem_shared>> -> memref<80x128xf32, #tpu.memory_space<vmem_shared>>
    %dma_start3A_149 = arith.constant 0 : i32
    %dma_start3A_150 = tpu.memref_slice %arg11[%add3A_146, %dma_start3A_149] : memref<10240x128xf32, #tpu.memory_space<vmem_shared>> -> memref<80x128xf32, #tpu.memory_space<vmem_shared>>
    tpu.enqueue_dma source(%arg8 : memref<80x128xf32, #tpu.memory_space<vmem>>) target(%dma_start3A_150 : memref<80x128xf32, #tpu.memory_space<vmem_shared>>) target_semaphore(%arg13 : memref<!tpu.dma_semaphore, #tpu.memory_space<semaphore_mem>>)
    %dma_wait3A_151 = arith.constant 0 : i32
    %dma_wait3A_152 = tpu.memref_slice %arg11[%add3A_104, %dma_wait3A_151] : memref<10240x128xf32, #tpu.memory_space<vmem_shared>> -> memref<80x128xf32, #tpu.memory_space<vmem_shared>>
    %dma_wait3A_153 = arith.constant 0 : i32
    %dma_wait3A_154 = tpu.memref_slice %arg11[%add3A_104, %dma_wait3A_153] : memref<10240x128xf32, #tpu.memory_space<vmem_shared>> -> memref<80x128xf32, #tpu.memory_space<vmem_shared>>
    tpu.wait_dma2 semaphore(%arg13 : memref<!tpu.dma_semaphore, #tpu.memory_space<semaphore_mem>>) src(%arg8 : memref<80x128xf32, #tpu.memory_space<vmem>>) dst(%dma_wait3A_154 : memref<80x128xf32, #tpu.memory_space<vmem_shared>>)
    %dma_wait3A_155 = arith.constant 0 : i32
    %dma_wait3A_156 = tpu.memref_slice %arg11[%add3A_110, %dma_wait3A_155] : memref<10240x128xf32, #tpu.memory_space<vmem_shared>> -> memref<80x128xf32, #tpu.memory_space<vmem_shared>>
    %dma_wait3A_157 = arith.constant 0 : i32
    %dma_wait3A_158 = tpu.memref_slice %arg11[%add3A_110, %dma_wait3A_157] : memref<10240x128xf32, #tpu.memory_space<vmem_shared>> -> memref<80x128xf32, #tpu.memory_space<vmem_shared>>
    tpu.wait_dma2 semaphore(%arg13 : memref<!tpu.dma_semaphore, #tpu.memory_space<semaphore_mem>>) src(%arg8 : memref<80x128xf32, #tpu.memory_space<vmem>>) dst(%dma_wait3A_158 : memref<80x128xf32, #tpu.memory_space<vmem_shared>>)
    %dma_wait3A_159 = arith.constant 0 : i32
    %dma_wait3A_160 = tpu.memref_slice %arg11[%add3A_116, %dma_wait3A_159] : memref<10240x128xf32, #tpu.memory_space<vmem_shared>> -> memref<80x128xf32, #tpu.memory_space<vmem_shared>>
    %dma_wait3A_161 = arith.constant 0 : i32
    %dma_wait3A_162 = tpu.memref_slice %arg11[%add3A_116, %dma_wait3A_161] : memref<10240x128xf32, #tpu.memory_space<vmem_shared>> -> memref<80x128xf32, #tpu.memory_space<vmem_shared>>
    tpu.wait_dma2 semaphore(%arg13 : memref<!tpu.dma_semaphore, #tpu.memory_space<semaphore_mem>>) src(%arg8 : memref<80x128xf32, #tpu.memory_space<vmem>>) dst(%dma_wait3A_162 : memref<80x128xf32, #tpu.memory_space<vmem_shared>>)
    %dma_wait3A_163 = arith.constant 0 : i32
    %dma_wait3A_164 = tpu.memref_slice %arg11[%add3A_122, %dma_wait3A_163] : memref<10240x128xf32, #tpu.memory_space<vmem_shared>> -> memref<80x128xf32, #tpu.memory_space<vmem_shared>>
    %dma_wait3A_165 = arith.constant 0 : i32
    %dma_wait3A_166 = tpu.memref_slice %arg11[%add3A_122, %dma_wait3A_165] : memref<10240x128xf32, #tpu.memory_space<vmem_shared>> -> memref<80x128xf32, #tpu.memory_space<vmem_shared>>
    tpu.wait_dma2 semaphore(%arg13 : memref<!tpu.dma_semaphore, #tpu.memory_space<semaphore_mem>>) src(%arg8 : memref<80x128xf32, #tpu.memory_space<vmem>>) dst(%dma_wait3A_166 : memref<80x128xf32, #tpu.memory_space<vmem_shared>>)
    %dma_wait3A_167 = arith.constant 0 : i32
    %dma_wait3A_168 = tpu.memref_slice %arg11[%add3A_128, %dma_wait3A_167] : memref<10240x128xf32, #tpu.memory_space<vmem_shared>> -> memref<80x128xf32, #tpu.memory_space<vmem_shared>>
    %dma_wait3A_169 = arith.constant 0 : i32
    %dma_wait3A_170 = tpu.memref_slice %arg11[%add3A_128, %dma_wait3A_169] : memref<10240x128xf32, #tpu.memory_space<vmem_shared>> -> memref<80x128xf32, #tpu.memory_space<vmem_shared>>
    tpu.wait_dma2 semaphore(%arg13 : memref<!tpu.dma_semaphore, #tpu.memory_space<semaphore_mem>>) src(%arg8 : memref<80x128xf32, #tpu.memory_space<vmem>>) dst(%dma_wait3A_170 : memref<80x128xf32, #tpu.memory_space<vmem_shared>>)
    %dma_wait3A_171 = arith.constant 0 : i32
    %dma_wait3A_172 = tpu.memref_slice %arg11[%add3A_134, %dma_wait3A_171] : memref<10240x128xf32, #tpu.memory_space<vmem_shared>> -> memref<80x128xf32, #tpu.memory_space<vmem_shared>>
    %dma_wait3A_173 = arith.constant 0 : i32
    %dma_wait3A_174 = tpu.memref_slice %arg11[%add3A_134, %dma_wait3A_173] : memref<10240x128xf32, #tpu.memory_space<vmem_shared>> -> memref<80x128xf32, #tpu.memory_space<vmem_shared>>
    tpu.wait_dma2 semaphore(%arg13 : memref<!tpu.dma_semaphore, #tpu.memory_space<semaphore_mem>>) src(%arg8 : memref<80x128xf32, #tpu.memory_space<vmem>>) dst(%dma_wait3A_174 : memref<80x128xf32, #tpu.memory_space<vmem_shared>>)
    %dma_wait3A_175 = arith.constant 0 : i32
    %dma_wait3A_176 = tpu.memref_slice %arg11[%add3A_140, %dma_wait3A_175] : memref<10240x128xf32, #tpu.memory_space<vmem_shared>> -> memref<80x128xf32, #tpu.memory_space<vmem_shared>>
    %dma_wait3A_177 = arith.constant 0 : i32
    %dma_wait3A_178 = tpu.memref_slice %arg11[%add3A_140, %dma_wait3A_177] : memref<10240x128xf32, #tpu.memory_space<vmem_shared>> -> memref<80x128xf32, #tpu.memory_space<vmem_shared>>
    tpu.wait_dma2 semaphore(%arg13 : memref<!tpu.dma_semaphore, #tpu.memory_space<semaphore_mem>>) src(%arg8 : memref<80x128xf32, #tpu.memory_space<vmem>>) dst(%dma_wait3A_178 : memref<80x128xf32, #tpu.memory_space<vmem_shared>>)
    %dma_wait3A_179 = arith.constant 0 : i32
    %dma_wait3A_180 = tpu.memref_slice %arg11[%add3A_146, %dma_wait3A_179] : memref<10240x128xf32, #tpu.memory_space<vmem_shared>> -> memref<80x128xf32, #tpu.memory_space<vmem_shared>>
    %dma_wait3A_181 = arith.constant 0 : i32
    %dma_wait3A_182 = tpu.memref_slice %arg11[%add3A_146, %dma_wait3A_181] : memref<10240x128xf32, #tpu.memory_space<vmem_shared>> -> memref<80x128xf32, #tpu.memory_space<vmem_shared>>
    tpu.wait_dma2 semaphore(%arg13 : memref<!tpu.dma_semaphore, #tpu.memory_space<semaphore_mem>>) src(%arg8 : memref<80x128xf32, #tpu.memory_space<vmem>>) dst(%dma_wait3A_182 : memref<80x128xf32, #tpu.memory_space<vmem_shared>>)
    %barrier3A_183 = arith.constant 0 : index
    tpu.barrier barrier_id(%barrier3A_183)
    %mul3A_184 = arith.constant 5 : i32
    %mul3A_185 = arith.muli %add3A, %mul3A_184 : i32
    %run_scoped3A_186 = arith.constant 0 : i32
    "tpu.region"() ({
      %run_scoped3A_203 = tpu.sem_alloc : memref<!tpu.dma_semaphore, #tpu.memory_space<semaphore_mem>>
      %dma_start3A_204 = arith.constant 0 : i32
      %dma_start3A_205 = arith.constant 0 : i32
      %dma_start3A_206 = tpu.memref_slice %arg6[%run_scoped3A_186, %dma_start3A_204, %dma_start3A_205] : memref<2x25x80xi32, #tpu.memory_space<vmem>> -> memref<1x25x80xi32, #tpu.memory_space<vmem>>
      %dma_start3A_207 = tpu.memref_squeeze %dma_start3A_206 : memref<1x25x80xi32, #tpu.memory_space<vmem>> -> memref<25x80xi32, #tpu.memory_space<vmem>>
      %dma_start3A_208 = arith.constant 0 : i32
      %dma_start3A_209 = arith.constant 0 : i32
      %dma_start3A_210 = tpu.memref_slice %arg3[%mul3A_185, %dma_start3A_208, %dma_start3A_209] : memref<160x25x80xi32, #tpu.memory_space<hbm>> -> memref<1x25x80xi32, #tpu.memory_space<hbm>>
      %dma_start3A_211 = tpu.memref_squeeze %dma_start3A_210 : memref<1x25x80xi32, #tpu.memory_space<hbm>> -> memref<25x80xi32, #tpu.memory_space<hbm>>
      %dma_start3A_212 = arith.constant 0 : i32
      %dma_start3A_213 = arith.constant 0 : i32
      %dma_start3A_214 = tpu.memref_slice %arg6[%run_scoped3A_186, %dma_start3A_212, %dma_start3A_213] : memref<2x25x80xi32, #tpu.memory_space<vmem>> -> memref<1x25x80xi32, #tpu.memory_space<vmem>>
      %dma_start3A_215 = tpu.memref_squeeze %dma_start3A_214 : memref<1x25x80xi32, #tpu.memory_space<vmem>> -> memref<25x80xi32, #tpu.memory_space<vmem>>
      %dma_start3A_216 = arith.constant 0 : i32
      %dma_start3A_217 = arith.constant 0 : i32
      %dma_start3A_218 = tpu.memref_slice %arg3[%mul3A_185, %dma_start3A_216, %dma_start3A_217] : memref<160x25x80xi32, #tpu.memory_space<hbm>> -> memref<1x25x80xi32, #tpu.memory_space<hbm>>
      %dma_start3A_219 = tpu.memref_squeeze %dma_start3A_218 : memref<1x25x80xi32, #tpu.memory_space<hbm>> -> memref<25x80xi32, #tpu.memory_space<hbm>>
      tpu.enqueue_dma source(%dma_start3A_219 : memref<25x80xi32, #tpu.memory_space<hbm>>) target(%dma_start3A_215 : memref<25x80xi32, #tpu.memory_space<vmem>>) target_semaphore(%run_scoped3A_203 : memref<!tpu.dma_semaphore, #tpu.memory_space<semaphore_mem>>)
      %dma_wait3A_220 = arith.constant 0 : i32
      %dma_wait3A_221 = arith.constant 0 : i32
      %dma_wait3A_222 = tpu.memref_slice %arg6[%run_scoped3A_186, %dma_wait3A_220, %dma_wait3A_221] : memref<2x25x80xi32, #tpu.memory_space<vmem>> -> memref<1x25x80xi32, #tpu.memory_space<vmem>>
      %dma_wait3A_223 = tpu.memref_squeeze %dma_wait3A_222 : memref<1x25x80xi32, #tpu.memory_space<vmem>> -> memref<25x80xi32, #tpu.memory_space<vmem>>
      %dma_wait3A_224 = arith.constant 0 : i32
      %dma_wait3A_225 = arith.constant 0 : i32
      %dma_wait3A_226 = tpu.memref_slice %arg3[%mul3A_185, %dma_wait3A_224, %dma_wait3A_225] : memref<160x25x80xi32, #tpu.memory_space<hbm>> -> memref<1x25x80xi32, #tpu.memory_space<hbm>>
      %dma_wait3A_227 = tpu.memref_squeeze %dma_wait3A_226 : memref<1x25x80xi32, #tpu.memory_space<hbm>> -> memref<25x80xi32, #tpu.memory_space<hbm>>
      %dma_wait3A_228 = arith.constant 0 : i32
      %dma_wait3A_229 = arith.constant 0 : i32
      %dma_wait3A_230 = tpu.memref_slice %arg6[%run_scoped3A_186, %dma_wait3A_228, %dma_wait3A_229] : memref<2x25x80xi32, #tpu.memory_space<vmem>> -> memref<1x25x80xi32, #tpu.memory_space<vmem>>
      %dma_wait3A_231 = tpu.memref_squeeze %dma_wait3A_230 : memref<1x25x80xi32, #tpu.memory_space<vmem>> -> memref<25x80xi32, #tpu.memory_space<vmem>>
      %dma_wait3A_232 = arith.constant 0 : i32
      %dma_wait3A_233 = arith.constant 0 : i32
      %dma_wait3A_234 = tpu.memref_slice %arg3[%mul3A_185, %dma_wait3A_232, %dma_wait3A_233] : memref<160x25x80xi32, #tpu.memory_space<hbm>> -> memref<1x25x80xi32, #tpu.memory_space<hbm>>
      %dma_wait3A_235 = tpu.memref_squeeze %dma_wait3A_234 : memref<1x25x80xi32, #tpu.memory_space<hbm>> -> memref<25x80xi32, #tpu.memory_space<hbm>>
      tpu.wait_dma2 semaphore(%run_scoped3A_203 : memref<!tpu.dma_semaphore, #tpu.memory_space<semaphore_mem>>) src(%dma_wait3A_235 : memref<25x80xi32, #tpu.memory_space<hbm>>) dst(%dma_wait3A_231 : memref<25x80xi32, #tpu.memory_space<vmem>>)
      tpu.yield
    }) : () -> ()
    %mul3A_187 = arith.constant 5 : i32
    %mul3A_188 = arith.muli %add3A, %mul3A_187 : i32
    %run_scoped3A_189 = arith.constant 0 : i32
    "tpu.region"() ({
      %run_scoped3A_203 = tpu.sem_alloc : memref<!tpu.dma_semaphore, #tpu.memory_space<semaphore_mem>>
      %dma_start3A_204 = arith.constant 0 : i32
      %dma_start3A_205 = arith.constant 0 : i32
      %dma_start3A_206 = tpu.memref_slice %arg7[%run_scoped3A_189, %dma_start3A_204, %dma_start3A_205] : memref<2x25x80xi32, #tpu.memory_space<vmem>> -> memref<1x25x80xi32, #tpu.memory_space<vmem>>
      %dma_start3A_207 = tpu.memref_squeeze %dma_start3A_206 : memref<1x25x80xi32, #tpu.memory_space<vmem>> -> memref<25x80xi32, #tpu.memory_space<vmem>>
      %dma_start3A_208 = arith.constant 0 : i32
      %dma_start3A_209 = arith.constant 0 : i32
      %dma_start3A_210 = tpu.memref_slice %arg4[%mul3A_188, %dma_start3A_208, %dma_start3A_209] : memref<160x25x80xi32, #tpu.memory_space<hbm>> -> memref<1x25x80xi32, #tpu.memory_space<hbm>>
      %dma_start3A_211 = tpu.memref_squeeze %dma_start3A_210 : memref<1x25x80xi32, #tpu.memory_space<hbm>> -> memref<25x80xi32, #tpu.memory_space<hbm>>
      %dma_start3A_212 = arith.constant 0 : i32
      %dma_start3A_213 = arith.constant 0 : i32
      %dma_start3A_214 = tpu.memref_slice %arg7[%run_scoped3A_189, %dma_start3A_212, %dma_start3A_213] : memref<2x25x80xi32, #tpu.memory_space<vmem>> -> memref<1x25x80xi32, #tpu.memory_space<vmem>>
      %dma_start3A_215 = tpu.memref_squeeze %dma_start3A_214 : memref<1x25x80xi32, #tpu.memory_space<vmem>> -> memref<25x80xi32, #tpu.memory_space<vmem>>
      %dma_start3A_216 = arith.constant 0 : i32
      %dma_start3A_217 = arith.constant 0 : i32
      %dma_start3A_218 = tpu.memref_slice %arg4[%mul3A_188, %dma_start3A_216, %dma_start3A_217] : memref<160x25x80xi32, #tpu.memory_space<hbm>> -> memref<1x25x80xi32, #tpu.memory_space<hbm>>
      %dma_start3A_219 = tpu.memref_squeeze %dma_start3A_218 : memref<1x25x80xi32, #tpu.memory_space<hbm>> -> memref<25x80xi32, #tpu.memory_space<hbm>>
      tpu.enqueue_dma source(%dma_start3A_219 : memref<25x80xi32, #tpu.memory_space<hbm>>) target(%dma_start3A_215 : memref<25x80xi32, #tpu.memory_space<vmem>>) target_semaphore(%run_scoped3A_203 : memref<!tpu.dma_semaphore, #tpu.memory_space<semaphore_mem>>)
      %dma_wait3A_220 = arith.constant 0 : i32
      %dma_wait3A_221 = arith.constant 0 : i32
      %dma_wait3A_222 = tpu.memref_slice %arg7[%run_scoped3A_189, %dma_wait3A_220, %dma_wait3A_221] : memref<2x25x80xi32, #tpu.memory_space<vmem>> -> memref<1x25x80xi32, #tpu.memory_space<vmem>>
      %dma_wait3A_223 = tpu.memref_squeeze %dma_wait3A_222 : memref<1x25x80xi32, #tpu.memory_space<vmem>> -> memref<25x80xi32, #tpu.memory_space<vmem>>
      %dma_wait3A_224 = arith.constant 0 : i32
      %dma_wait3A_225 = arith.constant 0 : i32
      %dma_wait3A_226 = tpu.memref_slice %arg4[%mul3A_188, %dma_wait3A_224, %dma_wait3A_225] : memref<160x25x80xi32, #tpu.memory_space<hbm>> -> memref<1x25x80xi32, #tpu.memory_space<hbm>>
      %dma_wait3A_227 = tpu.memref_squeeze %dma_wait3A_226 : memref<1x25x80xi32, #tpu.memory_space<hbm>> -> memref<25x80xi32, #tpu.memory_space<hbm>>
      %dma_wait3A_228 = arith.constant 0 : i32
      %dma_wait3A_229 = arith.constant 0 : i32
      %dma_wait3A_230 = tpu.memref_slice %arg7[%run_scoped3A_189, %dma_wait3A_228, %dma_wait3A_229] : memref<2x25x80xi32, #tpu.memory_space<vmem>> -> memref<1x25x80xi32, #tpu.memory_space<vmem>>
      %dma_wait3A_231 = tpu.memref_squeeze %dma_wait3A_230 : memref<1x25x80xi32, #tpu.memory_space<vmem>> -> memref<25x80xi32, #tpu.memory_space<vmem>>
      %dma_wait3A_232 = arith.constant 0 : i32
      %dma_wait3A_233 = arith.constant 0 : i32
      %dma_wait3A_234 = tpu.memref_slice %arg4[%mul3A_188, %dma_wait3A_232, %dma_wait3A_233] : memref<160x25x80xi32, #tpu.memory_space<hbm>> -> memref<1x25x80xi32, #tpu.memory_space<hbm>>
      %dma_wait3A_235 = tpu.memref_squeeze %dma_wait3A_234 : memref<1x25x80xi32, #tpu.memory_space<hbm>> -> memref<25x80xi32, #tpu.memory_space<hbm>>
      tpu.wait_dma2 semaphore(%run_scoped3A_203 : memref<!tpu.dma_semaphore, #tpu.memory_space<semaphore_mem>>) src(%dma_wait3A_235 : memref<25x80xi32, #tpu.memory_space<hbm>>) dst(%dma_wait3A_231 : memref<25x80xi32, #tpu.memory_space<vmem>>)
      tpu.yield
    }) : () -> ()
    %scan3A_190 = arith.constant 0 : i32
    %scan3A_191 = arith.constant 0 : i32
    %scan3A_192 = arith.constant 5 : i32
    %scan3A_193 = arith.addi %scan3A_191, %scan3A_192 : i32
    %scan3A_194 = arith.constant 1 : i32
    %scan3A_195 = scf.for %scan3A_203 = %scan3A_191 to %scan3A_193 step %scan3A_194 iter_args(%scan3A_204 = %scan3A_190) -> (i32)  : i32 {
      %rem3A = arith.constant 2 : i32
      %rem3A_205 = arith.remsi %scan3A_203, %rem3A : i32
      %add3A_206 = arith.constant 1 : i32
      %add3A_207 = arith.addi %scan3A_203, %add3A_206 : i32
      %min3A = arith.constant 4 : i32
      %min3A_208 = arith.minsi %add3A_207, %min3A : i32
      %mul3A_209 = arith.constant 5 : i32
      %mul3A_210 = arith.muli %add3A, %mul3A_209 : i32
      %add3A_211 = arith.addi %mul3A_210, %min3A_208 : i32
      %sub3A = arith.constant 1 : i32
      %sub3A_212 = arith.subi %sub3A, %rem3A_205 : i32
      %dma_start3A_213 = arith.constant 0 : i32
      %dma_start3A_214 = arith.constant 0 : i32
      %dma_start3A_215 = tpu.memref_slice %arg6[%sub3A_212, %dma_start3A_213, %dma_start3A_214] : memref<2x25x80xi32, #tpu.memory_space<vmem>> -> memref<1x25x80xi32, #tpu.memory_space<vmem>>
      %dma_start3A_216 = tpu.memref_squeeze %dma_start3A_215 : memref<1x25x80xi32, #tpu.memory_space<vmem>> -> memref<25x80xi32, #tpu.memory_space<vmem>>
      %dma_start3A_217 = arith.constant 0 : i32
      %dma_start3A_218 = arith.constant 0 : i32
      %dma_start3A_219 = tpu.memref_slice %arg3[%add3A_211, %dma_start3A_217, %dma_start3A_218] : memref<160x25x80xi32, #tpu.memory_space<hbm>> -> memref<1x25x80xi32, #tpu.memory_space<hbm>>
      %dma_start3A_220 = tpu.memref_squeeze %dma_start3A_219 : memref<1x25x80xi32, #tpu.memory_space<hbm>> -> memref<25x80xi32, #tpu.memory_space<hbm>>
      %dma_start3A_221 = arith.constant 0 : i32
      %dma_start3A_222 = arith.constant 0 : i32
      %dma_start3A_223 = tpu.memref_slice %arg6[%sub3A_212, %dma_start3A_221, %dma_start3A_222] : memref<2x25x80xi32, #tpu.memory_space<vmem>> -> memref<1x25x80xi32, #tpu.memory_space<vmem>>
      %dma_start3A_224 = tpu.memref_squeeze %dma_start3A_223 : memref<1x25x80xi32, #tpu.memory_space<vmem>> -> memref<25x80xi32, #tpu.memory_space<vmem>>
      %dma_start3A_225 = arith.constant 0 : i32
      %dma_start3A_226 = arith.constant 0 : i32
      %dma_start3A_227 = tpu.memref_slice %arg3[%add3A_211, %dma_start3A_225, %dma_start3A_226] : memref<160x25x80xi32, #tpu.memory_space<hbm>> -> memref<1x25x80xi32, #tpu.memory_space<hbm>>
      %dma_start3A_228 = tpu.memref_squeeze %dma_start3A_227 : memref<1x25x80xi32, #tpu.memory_space<hbm>> -> memref<25x80xi32, #tpu.memory_space<hbm>>
      tpu.enqueue_dma source(%dma_start3A_228 : memref<25x80xi32, #tpu.memory_space<hbm>>) target(%dma_start3A_224 : memref<25x80xi32, #tpu.memory_space<vmem>>) target_semaphore(%arg14 : memref<!tpu.dma_semaphore, #tpu.memory_space<semaphore_mem>>)
      %mul3A_229 = arith.constant 5 : i32
      %mul3A_230 = arith.muli %add3A, %mul3A_229 : i32
      %add3A_231 = arith.addi %mul3A_230, %min3A_208 : i32
      %sub3A_232 = arith.constant 1 : i32
      %sub3A_233 = arith.subi %sub3A_232, %rem3A_205 : i32
      %dma_start3A_234 = arith.constant 0 : i32
      %dma_start3A_235 = arith.constant 0 : i32
      %dma_start3A_236 = tpu.memref_slice %arg7[%sub3A_233, %dma_start3A_234, %dma_start3A_235] : memref<2x25x80xi32, #tpu.memory_space<vmem>> -> memref<1x25x80xi32, #tpu.memory_space<vmem>>
      %dma_start3A_237 = tpu.memref_squeeze %dma_start3A_236 : memref<1x25x80xi32, #tpu.memory_space<vmem>> -> memref<25x80xi32, #tpu.memory_space<vmem>>
      %dma_start3A_238 = arith.constant 0 : i32
      %dma_start3A_239 = arith.constant 0 : i32
      %dma_start3A_240 = tpu.memref_slice %arg4[%add3A_231, %dma_start3A_238, %dma_start3A_239] : memref<160x25x80xi32, #tpu.memory_space<hbm>> -> memref<1x25x80xi32, #tpu.memory_space<hbm>>
      %dma_start3A_241 = tpu.memref_squeeze %dma_start3A_240 : memref<1x25x80xi32, #tpu.memory_space<hbm>> -> memref<25x80xi32, #tpu.memory_space<hbm>>
      %dma_start3A_242 = arith.constant 0 : i32
      %dma_start3A_243 = arith.constant 0 : i32
      %dma_start3A_244 = tpu.memref_slice %arg7[%sub3A_233, %dma_start3A_242, %dma_start3A_243] : memref<2x25x80xi32, #tpu.memory_space<vmem>> -> memref<1x25x80xi32, #tpu.memory_space<vmem>>
      %dma_start3A_245 = tpu.memref_squeeze %dma_start3A_244 : memref<1x25x80xi32, #tpu.memory_space<vmem>> -> memref<25x80xi32, #tpu.memory_space<vmem>>
      %dma_start3A_246 = arith.constant 0 : i32
      %dma_start3A_247 = arith.constant 0 : i32
      %dma_start3A_248 = tpu.memref_slice %arg4[%add3A_231, %dma_start3A_246, %dma_start3A_247] : memref<160x25x80xi32, #tpu.memory_space<hbm>> -> memref<1x25x80xi32, #tpu.memory_space<hbm>>
      %dma_start3A_249 = tpu.memref_squeeze %dma_start3A_248 : memref<1x25x80xi32, #tpu.memory_space<hbm>> -> memref<25x80xi32, #tpu.memory_space<hbm>>
      tpu.enqueue_dma source(%dma_start3A_249 : memref<25x80xi32, #tpu.memory_space<hbm>>) target(%dma_start3A_245 : memref<25x80xi32, #tpu.memory_space<vmem>>) target_semaphore(%arg14 : memref<!tpu.dma_semaphore, #tpu.memory_space<semaphore_mem>>)
      %dma_start3A_250 = arith.constant 0 : i32
      %dma_start3A_251 = arith.constant 0 : i32
      %dma_start3A_252 = tpu.memref_slice %arg7[%rem3A_205, %dma_start3A_250, %dma_start3A_251] : memref<2x25x80xi32, #tpu.memory_space<vmem>> -> memref<1x1x80xi32, #tpu.memory_space<vmem>>
      %dma_start3A_253 = tpu.memref_squeeze %dma_start3A_252 : memref<1x1x80xi32, #tpu.memory_space<vmem>> -> memref<80xi32, #tpu.memory_space<vmem>>
      %dma_start3A_254 = arith.constant 0 : i32
      %dma_start3A_255 = arith.constant 0 : i32
      %dma_start3A_256 = tpu.memref_slice %arg2[%dma_start3A_254, %dma_start3A_255] : memref<10000x128xf32, #tpu.memory_space<hbm>> -> memref<10000x128xf32, #tpu.memory_space<hbm>>
      tpu.enqueue_indirect_dma source(%dma_start3A_256 : memref<10000x128xf32, #tpu.memory_space<hbm>>) target(%arg8 : memref<80x128xf32, #tpu.memory_space<vmem>>) offsets(%dma_start3A_253 : memref<80xi32, #tpu.memory_space<vmem>>) semaphore(%arg12 : memref<!tpu.dma_semaphore, #tpu.memory_space<semaphore_mem>>)
      %dma_start3A_257 = arith.constant 1 : i32
      %dma_start3A_258 = arith.constant 0 : i32
      %dma_start3A_259 = tpu.memref_slice %arg7[%rem3A_205, %dma_start3A_257, %dma_start3A_258] : memref<2x25x80xi32, #tpu.memory_space<vmem>> -> memref<1x1x80xi32, #tpu.memory_space<vmem>>
      %dma_start3A_260 = tpu.memref_squeeze %dma_start3A_259 : memref<1x1x80xi32, #tpu.memory_space<vmem>> -> memref<80xi32, #tpu.memory_space<vmem>>
      %dma_start3A_261 = arith.constant 0 : i32
      %dma_start3A_262 = arith.constant 0 : i32
      %dma_start3A_263 = tpu.memref_slice %arg2[%dma_start3A_261, %dma_start3A_262] : memref<10000x128xf32, #tpu.memory_space<hbm>> -> memref<10000x128xf32, #tpu.memory_space<hbm>>
      tpu.enqueue_indirect_dma source(%dma_start3A_263 : memref<10000x128xf32, #tpu.memory_space<hbm>>) target(%arg9 : memref<80x128xf32, #tpu.memory_space<vmem>>) offsets(%dma_start3A_260 : memref<80xi32, #tpu.memory_space<vmem>>) semaphore(%arg12 : memref<!tpu.dma_semaphore, #tpu.memory_space<semaphore_mem>>)
      %dma_wait3A_264 = arith.constant 0 : i32
      %dma_wait3A_265 = arith.constant 0 : i32
      %dma_wait3A_266 = tpu.memref_slice %arg7[%rem3A_205, %dma_wait3A_264, %dma_wait3A_265] : memref<2x25x80xi32, #tpu.memory_space<vmem>> -> memref<1x1x80xi32, #tpu.memory_space<vmem>>
      %dma_wait3A_267 = tpu.memref_squeeze %dma_wait3A_266 : memref<1x1x80xi32, #tpu.memory_space<vmem>> -> memref<80xi32, #tpu.memory_space<vmem>>
      %dma_wait3A_268 = arith.constant 0 : i32
      %dma_wait3A_269 = arith.constant 0 : i32
      %dma_wait3A_270 = tpu.memref_slice %arg2[%dma_wait3A_268, %dma_wait3A_269] : memref<10000x128xf32, #tpu.memory_space<hbm>> -> memref<10000x128xf32, #tpu.memory_space<hbm>>
      tpu.wait_indirect_dma semaphore(%arg12 : memref<!tpu.dma_semaphore, #tpu.memory_space<semaphore_mem>>) src(%dma_wait3A_270 : memref<10000x128xf32, #tpu.memory_space<hbm>>) dst(%arg8 : memref<80x128xf32, #tpu.memory_space<vmem>>)
      %dma_start3A_271 = arith.constant 2 : i32
      %dma_start3A_272 = arith.constant 0 : i32
      %dma_start3A_273 = tpu.memref_slice %arg7[%rem3A_205, %dma_start3A_271, %dma_start3A_272] : memref<2x25x80xi32, #tpu.memory_space<vmem>> -> memref<1x1x80xi32, #tpu.memory_space<vmem>>
      %dma_start3A_274 = tpu.memref_squeeze %dma_start3A_273 : memref<1x1x80xi32, #tpu.memory_space<vmem>> -> memref<80xi32, #tpu.memory_space<vmem>>
      %dma_start3A_275 = arith.constant 0 : i32
      %dma_start3A_276 = arith.constant 0 : i32
      %dma_start3A_277 = tpu.memref_slice %arg2[%dma_start3A_275, %dma_start3A_276] : memref<10000x128xf32, #tpu.memory_space<hbm>> -> memref<10000x128xf32, #tpu.memory_space<hbm>>
      tpu.enqueue_indirect_dma source(%dma_start3A_277 : memref<10000x128xf32, #tpu.memory_space<hbm>>) target(%arg10 : memref<80x128xf32, #tpu.memory_space<vmem>>) offsets(%dma_start3A_274 : memref<80xi32, #tpu.memory_space<vmem>>) semaphore(%arg12 : memref<!tpu.dma_semaphore, #tpu.memory_space<semaphore_mem>>)
      %dma_start3A_278 = arith.constant 0 : i32
      %dma_start3A_279 = arith.constant 0 : i32
      %dma_start3A_280 = tpu.memref_slice %arg6[%rem3A_205, %dma_start3A_278, %dma_start3A_279] : memref<2x25x80xi32, #tpu.memory_space<vmem>> -> memref<1x1x80xi32, #tpu.memory_space<vmem>>
      %dma_start3A_281 = tpu.memref_squeeze %dma_start3A_280 : memref<1x1x80xi32, #tpu.memory_space<vmem>> -> memref<80xi32, #tpu.memory_space<vmem>>
      %dma_start3A_282 = arith.constant 0 : i32
      %dma_start3A_283 = arith.constant 0 : i32
      %dma_start3A_284 = tpu.memref_slice %arg11[%dma_start3A_282, %dma_start3A_283] : memref<10240x128xf32, #tpu.memory_space<vmem_shared>> -> memref<10240x128xf32, #tpu.memory_space<vmem_shared>>
      tpu.enqueue_indirect_dma source(%arg8 : memref<80x128xf32, #tpu.memory_space<vmem>>) target(%dma_start3A_284 : memref<10240x128xf32, #tpu.memory_space<vmem_shared>>) offsets(%dma_start3A_281 : memref<80xi32, #tpu.memory_space<vmem>>) semaphore(%arg13 : memref<!tpu.dma_semaphore, #tpu.memory_space<semaphore_mem>>) {add = true}
      %dma_wait3A_285 = arith.constant 1 : i32
      %dma_wait3A_286 = arith.constant 0 : i32
      %dma_wait3A_287 = tpu.memref_slice %arg7[%rem3A_205, %dma_wait3A_285, %dma_wait3A_286] : memref<2x25x80xi32, #tpu.memory_space<vmem>> -> memref<1x1x80xi32, #tpu.memory_space<vmem>>
      %dma_wait3A_288 = tpu.memref_squeeze %dma_wait3A_287 : memref<1x1x80xi32, #tpu.memory_space<vmem>> -> memref<80xi32, #tpu.memory_space<vmem>>
      %dma_wait3A_289 = arith.constant 0 : i32
      %dma_wait3A_290 = arith.constant 0 : i32
      %dma_wait3A_291 = tpu.memref_slice %arg2[%dma_wait3A_289, %dma_wait3A_290] : memref<10000x128xf32, #tpu.memory_space<hbm>> -> memref<10000x128xf32, #tpu.memory_space<hbm>>
      tpu.wait_indirect_dma semaphore(%arg12 : memref<!tpu.dma_semaphore, #tpu.memory_space<semaphore_mem>>) src(%dma_wait3A_291 : memref<10000x128xf32, #tpu.memory_space<hbm>>) dst(%arg9 : memref<80x128xf32, #tpu.memory_space<vmem>>)
      %dma_wait3A_292 = arith.constant 0 : i32
      %dma_wait3A_293 = arith.constant 0 : i32
      %dma_wait3A_294 = tpu.memref_slice %arg6[%rem3A_205, %dma_wait3A_292, %dma_wait3A_293] : memref<2x25x80xi32, #tpu.memory_space<vmem>> -> memref<1x1x80xi32, #tpu.memory_space<vmem>>
      %dma_wait3A_295 = tpu.memref_squeeze %dma_wait3A_294 : memref<1x1x80xi32, #tpu.memory_space<vmem>> -> memref<80xi32, #tpu.memory_space<vmem>>
      %dma_wait3A_296 = arith.constant 0 : i32
      %dma_wait3A_297 = arith.constant 0 : i32
      %dma_wait3A_298 = tpu.memref_slice %arg11[%dma_wait3A_296, %dma_wait3A_297] : memref<10240x128xf32, #tpu.memory_space<vmem_shared>> -> memref<10240x128xf32, #tpu.memory_space<vmem_shared>>
      tpu.wait_indirect_dma semaphore(%arg13 : memref<!tpu.dma_semaphore, #tpu.memory_space<semaphore_mem>>) src(%arg8 : memref<80x128xf32, #tpu.memory_space<vmem>>) dst(%dma_wait3A_298 : memref<10240x128xf32, #tpu.memory_space<vmem_shared>>)
      %dma_start3A_299 = arith.constant 3 : i32
      %dma_start3A_300 = arith.constant 0 : i32
      %dma_start3A_301 = tpu.memref_slice %arg7[%rem3A_205, %dma_start3A_299, %dma_start3A_300] : memref<2x25x80xi32, #tpu.memory_space<vmem>> -> memref<1x1x80xi32, #tpu.memory_space<vmem>>
      %dma_start3A_302 = tpu.memref_squeeze %dma_start3A_301 : memref<1x1x80xi32, #tpu.memory_space<vmem>> -> memref<80xi32, #tpu.memory_space<vmem>>
      %dma_start3A_303 = arith.constant 0 : i32
      %dma_start3A_304 = arith.constant 0 : i32
      %dma_start3A_305 = tpu.memref_slice %arg2[%dma_start3A_303, %dma_start3A_304] : memref<10000x128xf32, #tpu.memory_space<hbm>> -> memref<10000x128xf32, #tpu.memory_space<hbm>>
      tpu.enqueue_indirect_dma source(%dma_start3A_305 : memref<10000x128xf32, #tpu.memory_space<hbm>>) target(%arg8 : memref<80x128xf32, #tpu.memory_space<vmem>>) offsets(%dma_start3A_302 : memref<80xi32, #tpu.memory_space<vmem>>) semaphore(%arg12 : memref<!tpu.dma_semaphore, #tpu.memory_space<semaphore_mem>>)
      %dma_start3A_306 = arith.constant 1 : i32
      %dma_start3A_307 = arith.constant 0 : i32
      %dma_start3A_308 = tpu.memref_slice %arg6[%rem3A_205, %dma_start3A_306, %dma_start3A_307] : memref<2x25x80xi32, #tpu.memory_space<vmem>> -> memref<1x1x80xi32, #tpu.memory_space<vmem>>
      %dma_start3A_309 = tpu.memref_squeeze %dma_start3A_308 : memref<1x1x80xi32, #tpu.memory_space<vmem>> -> memref<80xi32, #tpu.memory_space<vmem>>
      %dma_start3A_310 = arith.constant 0 : i32
      %dma_start3A_311 = arith.constant 0 : i32
      %dma_start3A_312 = tpu.memref_slice %arg11[%dma_start3A_310, %dma_start3A_311] : memref<10240x128xf32, #tpu.memory_space<vmem_shared>> -> memref<10240x128xf32, #tpu.memory_space<vmem_shared>>
      tpu.enqueue_indirect_dma source(%arg9 : memref<80x128xf32, #tpu.memory_space<vmem>>) target(%dma_start3A_312 : memref<10240x128xf32, #tpu.memory_space<vmem_shared>>) offsets(%dma_start3A_309 : memref<80xi32, #tpu.memory_space<vmem>>) semaphore(%arg13 : memref<!tpu.dma_semaphore, #tpu.memory_space<semaphore_mem>>) {add = true}
      %dma_wait3A_313 = arith.constant 2 : i32
      %dma_wait3A_314 = arith.constant 0 : i32
      %dma_wait3A_315 = tpu.memref_slice %arg7[%rem3A_205, %dma_wait3A_313, %dma_wait3A_314] : memref<2x25x80xi32, #tpu.memory_space<vmem>> -> memref<1x1x80xi32, #tpu.memory_space<vmem>>
      %dma_wait3A_316 = tpu.memref_squeeze %dma_wait3A_315 : memref<1x1x80xi32, #tpu.memory_space<vmem>> -> memref<80xi32, #tpu.memory_space<vmem>>
      %dma_wait3A_317 = arith.constant 0 : i32
      %dma_wait3A_318 = arith.constant 0 : i32
      %dma_wait3A_319 = tpu.memref_slice %arg2[%dma_wait3A_317, %dma_wait3A_318] : memref<10000x128xf32, #tpu.memory_space<hbm>> -> memref<10000x128xf32, #tpu.memory_space<hbm>>
      tpu.wait_indirect_dma semaphore(%arg12 : memref<!tpu.dma_semaphore, #tpu.memory_space<semaphore_mem>>) src(%dma_wait3A_319 : memref<10000x128xf32, #tpu.memory_space<hbm>>) dst(%arg10 : memref<80x128xf32, #tpu.memory_space<vmem>>)
      %dma_wait3A_320 = arith.constant 1 : i32
      %dma_wait3A_321 = arith.constant 0 : i32
      %dma_wait3A_322 = tpu.memref_slice %arg6[%rem3A_205, %dma_wait3A_320, %dma_wait3A_321] : memref<2x25x80xi32, #tpu.memory_space<vmem>> -> memref<1x1x80xi32, #tpu.memory_space<vmem>>
      %dma_wait3A_323 = tpu.memref_squeeze %dma_wait3A_322 : memref<1x1x80xi32, #tpu.memory_space<vmem>> -> memref<80xi32, #tpu.memory_space<vmem>>
      %dma_wait3A_324 = arith.constant 0 : i32
      %dma_wait3A_325 = arith.constant 0 : i32
      %dma_wait3A_326 = tpu.memref_slice %arg11[%dma_wait3A_324, %dma_wait3A_325] : memref<10240x128xf32, #tpu.memory_space<vmem_shared>> -> memref<10240x128xf32, #tpu.memory_space<vmem_shared>>
      tpu.wait_indirect_dma semaphore(%arg13 : memref<!tpu.dma_semaphore, #tpu.memory_space<semaphore_mem>>) src(%arg9 : memref<80x128xf32, #tpu.memory_space<vmem>>) dst(%dma_wait3A_326 : memref<10240x128xf32, #tpu.memory_space<vmem_shared>>)
      %dma_start3A_327 = arith.constant 4 : i32
      %dma_start3A_328 = arith.constant 0 : i32
      %dma_start3A_329 = tpu.memref_slice %arg7[%rem3A_205, %dma_start3A_327, %dma_start3A_328] : memref<2x25x80xi32, #tpu.memory_space<vmem>> -> memref<1x1x80xi32, #tpu.memory_space<vmem>>
      %dma_start3A_330 = tpu.memref_squeeze %dma_start3A_329 : memref<1x1x80xi32, #tpu.memory_space<vmem>> -> memref<80xi32, #tpu.memory_space<vmem>>
      %dma_start3A_331 = arith.constant 0 : i32
      %dma_start3A_332 = arith.constant 0 : i32
      %dma_start3A_333 = tpu.memref_slice %arg2[%dma_start3A_331, %dma_start3A_332] : memref<10000x128xf32, #tpu.memory_space<hbm>> -> memref<10000x128xf32, #tpu.memory_space<hbm>>
      tpu.enqueue_indirect_dma source(%dma_start3A_333 : memref<10000x128xf32, #tpu.memory_space<hbm>>) target(%arg9 : memref<80x128xf32, #tpu.memory_space<vmem>>) offsets(%dma_start3A_330 : memref<80xi32, #tpu.memory_space<vmem>>) semaphore(%arg12 : memref<!tpu.dma_semaphore, #tpu.memory_space<semaphore_mem>>)
      %dma_start3A_334 = arith.constant 2 : i32
      %dma_start3A_335 = arith.constant 0 : i32
      %dma_start3A_336 = tpu.memref_slice %arg6[%rem3A_205, %dma_start3A_334, %dma_start3A_335] : memref<2x25x80xi32, #tpu.memory_space<vmem>> -> memref<1x1x80xi32, #tpu.memory_space<vmem>>
      %dma_start3A_337 = tpu.memref_squeeze %dma_start3A_336 : memref<1x1x80xi32, #tpu.memory_space<vmem>> -> memref<80xi32, #tpu.memory_space<vmem>>
      %dma_start3A_338 = arith.constant 0 : i32
      %dma_start3A_339 = arith.constant 0 : i32
      %dma_start3A_340 = tpu.memref_slice %arg11[%dma_start3A_338, %dma_start3A_339] : memref<10240x128xf32, #tpu.memory_space<vmem_shared>> -> memref<10240x128xf32, #tpu.memory_space<vmem_shared>>
      tpu.enqueue_indirect_dma source(%arg10 : memref<80x128xf32, #tpu.memory_space<vmem>>) target(%dma_start3A_340 : memref<10240x128xf32, #tpu.memory_space<vmem_shared>>) offsets(%dma_start3A_337 : memref<80xi32, #tpu.memory_space<vmem>>) semaphore(%arg13 : memref<!tpu.dma_semaphore, #tpu.memory_space<semaphore_mem>>) {add = true}
      %dma_wait3A_341 = arith.constant 3 : i32
      %dma_wait3A_342 = arith.constant 0 : i32
      %dma_wait3A_343 = tpu.memref_slice %arg7[%rem3A_205, %dma_wait3A_341, %dma_wait3A_342] : memref<2x25x80xi32, #tpu.memory_space<vmem>> -> memref<1x1x80xi32, #tpu.memory_space<vmem>>
      %dma_wait3A_344 = tpu.memref_squeeze %dma_wait3A_343 : memref<1x1x80xi32, #tpu.memory_space<vmem>> -> memref<80xi32, #tpu.memory_space<vmem>>
      %dma_wait3A_345 = arith.constant 0 : i32
      %dma_wait3A_346 = arith.constant 0 : i32
      %dma_wait3A_347 = tpu.memref_slice %arg2[%dma_wait3A_345, %dma_wait3A_346] : memref<10000x128xf32, #tpu.memory_space<hbm>> -> memref<10000x128xf32, #tpu.memory_space<hbm>>
      tpu.wait_indirect_dma semaphore(%arg12 : memref<!tpu.dma_semaphore, #tpu.memory_space<semaphore_mem>>) src(%dma_wait3A_347 : memref<10000x128xf32, #tpu.memory_space<hbm>>) dst(%arg8 : memref<80x128xf32, #tpu.memory_space<vmem>>)
      %dma_wait3A_348 = arith.constant 2 : i32
      %dma_wait3A_349 = arith.constant 0 : i32
      %dma_wait3A_350 = tpu.memref_slice %arg6[%rem3A_205, %dma_wait3A_348, %dma_wait3A_349] : memref<2x25x80xi32, #tpu.memory_space<vmem>> -> memref<1x1x80xi32, #tpu.memory_space<vmem>>
      %dma_wait3A_351 = tpu.memref_squeeze %dma_wait3A_350 : memref<1x1x80xi32, #tpu.memory_space<vmem>> -> memref<80xi32, #tpu.memory_space<vmem>>
      %dma_wait3A_352 = arith.constant 0 : i32
      %dma_wait3A_353 = arith.constant 0 : i32
      %dma_wait3A_354 = tpu.memref_slice %arg11[%dma_wait3A_352, %dma_wait3A_353] : memref<10240x128xf32, #tpu.memory_space<vmem_shared>> -> memref<10240x128xf32, #tpu.memory_space<vmem_shared>>
      tpu.wait_indirect_dma semaphore(%arg13 : memref<!tpu.dma_semaphore, #tpu.memory_space<semaphore_mem>>) src(%arg10 : memref<80x128xf32, #tpu.memory_space<vmem>>) dst(%dma_wait3A_354 : memref<10240x128xf32, #tpu.memory_space<vmem_shared>>)
      %dma_start3A_355 = arith.constant 5 : i32
      %dma_start3A_356 = arith.constant 0 : i32
      %dma_start3A_357 = tpu.memref_slice %arg7[%rem3A_205, %dma_start3A_355, %dma_start3A_356] : memref<2x25x80xi32, #tpu.memory_space<vmem>> -> memref<1x1x80xi32, #tpu.memory_space<vmem>>
      %dma_start3A_358 = tpu.memref_squeeze %dma_start3A_357 : memref<1x1x80xi32, #tpu.memory_space<vmem>> -> memref<80xi32, #tpu.memory_space<vmem>>
      %dma_start3A_359 = arith.constant 0 : i32
      %dma_start3A_360 = arith.constant 0 : i32
      %dma_start3A_361 = tpu.memref_slice %arg2[%dma_start3A_359, %dma_start3A_360] : memref<10000x128xf32, #tpu.memory_space<hbm>> -> memref<10000x128xf32, #tpu.memory_space<hbm>>
      tpu.enqueue_indirect_dma source(%dma_start3A_361 : memref<10000x128xf32, #tpu.memory_space<hbm>>) target(%arg10 : memref<80x128xf32, #tpu.memory_space<vmem>>) offsets(%dma_start3A_358 : memref<80xi32, #tpu.memory_space<vmem>>) semaphore(%arg12 : memref<!tpu.dma_semaphore, #tpu.memory_space<semaphore_mem>>)
      %dma_start3A_362 = arith.constant 3 : i32
      %dma_start3A_363 = arith.constant 0 : i32
      %dma_start3A_364 = tpu.memref_slice %arg6[%rem3A_205, %dma_start3A_362, %dma_start3A_363] : memref<2x25x80xi32, #tpu.memory_space<vmem>> -> memref<1x1x80xi32, #tpu.memory_space<vmem>>
      %dma_start3A_365 = tpu.memref_squeeze %dma_start3A_364 : memref<1x1x80xi32, #tpu.memory_space<vmem>> -> memref<80xi32, #tpu.memory_space<vmem>>
      %dma_start3A_366 = arith.constant 0 : i32
      %dma_start3A_367 = arith.constant 0 : i32
      %dma_start3A_368 = tpu.memref_slice %arg11[%dma_start3A_366, %dma_start3A_367] : memref<10240x128xf32, #tpu.memory_space<vmem_shared>> -> memref<10240x128xf32, #tpu.memory_space<vmem_shared>>
      tpu.enqueue_indirect_dma source(%arg8 : memref<80x128xf32, #tpu.memory_space<vmem>>) target(%dma_start3A_368 : memref<10240x128xf32, #tpu.memory_space<vmem_shared>>) offsets(%dma_start3A_365 : memref<80xi32, #tpu.memory_space<vmem>>) semaphore(%arg13 : memref<!tpu.dma_semaphore, #tpu.memory_space<semaphore_mem>>) {add = true}
      %dma_wait3A_369 = arith.constant 4 : i32
      %dma_wait3A_370 = arith.constant 0 : i32
      %dma_wait3A_371 = tpu.memref_slice %arg7[%rem3A_205, %dma_wait3A_369, %dma_wait3A_370] : memref<2x25x80xi32, #tpu.memory_space<vmem>> -> memref<1x1x80xi32, #tpu.memory_space<vmem>>
      %dma_wait3A_372 = tpu.memref_squeeze %dma_wait3A_371 : memref<1x1x80xi32, #tpu.memory_space<vmem>> -> memref<80xi32, #tpu.memory_space<vmem>>
      %dma_wait3A_373 = arith.constant 0 : i32
      %dma_wait3A_374 = arith.constant 0 : i32
      %dma_wait3A_375 = tpu.memref_slice %arg2[%dma_wait3A_373, %dma_wait3A_374] : memref<10000x128xf32, #tpu.memory_space<hbm>> -> memref<10000x128xf32, #tpu.memory_space<hbm>>
      tpu.wait_indirect_dma semaphore(%arg12 : memref<!tpu.dma_semaphore, #tpu.memory_space<semaphore_mem>>) src(%dma_wait3A_375 : memref<10000x128xf32, #tpu.memory_space<hbm>>) dst(%arg9 : memref<80x128xf32, #tpu.memory_space<vmem>>)
      %dma_wait3A_376 = arith.constant 3 : i32
      %dma_wait3A_377 = arith.constant 0 : i32
      %dma_wait3A_378 = tpu.memref_slice %arg6[%rem3A_205, %dma_wait3A_376, %dma_wait3A_377] : memref<2x25x80xi32, #tpu.memory_space<vmem>> -> memref<1x1x80xi32, #tpu.memory_space<vmem>>
      %dma_wait3A_379 = tpu.memref_squeeze %dma_wait3A_378 : memref<1x1x80xi32, #tpu.memory_space<vmem>> -> memref<80xi32, #tpu.memory_space<vmem>>
      %dma_wait3A_380 = arith.constant 0 : i32
      %dma_wait3A_381 = arith.constant 0 : i32
      %dma_wait3A_382 = tpu.memref_slice %arg11[%dma_wait3A_380, %dma_wait3A_381] : memref<10240x128xf32, #tpu.memory_space<vmem_shared>> -> memref<10240x128xf32, #tpu.memory_space<vmem_shared>>
      tpu.wait_indirect_dma semaphore(%arg13 : memref<!tpu.dma_semaphore, #tpu.memory_space<semaphore_mem>>) src(%arg8 : memref<80x128xf32, #tpu.memory_space<vmem>>) dst(%dma_wait3A_382 : memref<10240x128xf32, #tpu.memory_space<vmem_shared>>)
      %dma_start3A_383 = arith.constant 6 : i32
      %dma_start3A_384 = arith.constant 0 : i32
      %dma_start3A_385 = tpu.memref_slice %arg7[%rem3A_205, %dma_start3A_383, %dma_start3A_384] : memref<2x25x80xi32, #tpu.memory_space<vmem>> -> memref<1x1x80xi32, #tpu.memory_space<vmem>>
      %dma_start3A_386 = tpu.memref_squeeze %dma_start3A_385 : memref<1x1x80xi32, #tpu.memory_space<vmem>> -> memref<80xi32, #tpu.memory_space<vmem>>
      %dma_start3A_387 = arith.constant 0 : i32
      %dma_start3A_388 = arith.constant 0 : i32
      %dma_start3A_389 = tpu.memref_slice %arg2[%dma_start3A_387, %dma_start3A_388] : memref<10000x128xf32, #tpu.memory_space<hbm>> -> memref<10000x128xf32, #tpu.memory_space<hbm>>
      tpu.enqueue_indirect_dma source(%dma_start3A_389 : memref<10000x128xf32, #tpu.memory_space<hbm>>) target(%arg8 : memref<80x128xf32, #tpu.memory_space<vmem>>) offsets(%dma_start3A_386 : memref<80xi32, #tpu.memory_space<vmem>>) semaphore(%arg12 : memref<!tpu.dma_semaphore, #tpu.memory_space<semaphore_mem>>)
      %dma_start3A_390 = arith.constant 4 : i32
      %dma_start3A_391 = arith.constant 0 : i32
      %dma_start3A_392 = tpu.memref_slice %arg6[%rem3A_205, %dma_start3A_390, %dma_start3A_391] : memref<2x25x80xi32, #tpu.memory_space<vmem>> -> memref<1x1x80xi32, #tpu.memory_space<vmem>>
      %dma_start3A_393 = tpu.memref_squeeze %dma_start3A_392 : memref<1x1x80xi32, #tpu.memory_space<vmem>> -> memref<80xi32, #tpu.memory_space<vmem>>
      %dma_start3A_394 = arith.constant 0 : i32
      %dma_start3A_395 = arith.constant 0 : i32
      %dma_start3A_396 = tpu.memref_slice %arg11[%dma_start3A_394, %dma_start3A_395] : memref<10240x128xf32, #tpu.memory_space<vmem_shared>> -> memref<10240x128xf32, #tpu.memory_space<vmem_shared>>
      tpu.enqueue_indirect_dma source(%arg9 : memref<80x128xf32, #tpu.memory_space<vmem>>) target(%dma_start3A_396 : memref<10240x128xf32, #tpu.memory_space<vmem_shared>>) offsets(%dma_start3A_393 : memref<80xi32, #tpu.memory_space<vmem>>) semaphore(%arg13 : memref<!tpu.dma_semaphore, #tpu.memory_space<semaphore_mem>>) {add = true}
      %dma_wait3A_397 = arith.constant 5 : i32
      %dma_wait3A_398 = arith.constant 0 : i32
      %dma_wait3A_399 = tpu.memref_slice %arg7[%rem3A_205, %dma_wait3A_397, %dma_wait3A_398] : memref<2x25x80xi32, #tpu.memory_space<vmem>> -> memref<1x1x80xi32, #tpu.memory_space<vmem>>
      %dma_wait3A_400 = tpu.memref_squeeze %dma_wait3A_399 : memref<1x1x80xi32, #tpu.memory_space<vmem>> -> memref<80xi32, #tpu.memory_space<vmem>>
      %dma_wait3A_401 = arith.constant 0 : i32
      %dma_wait3A_402 = arith.constant 0 : i32
      %dma_wait3A_403 = tpu.memref_slice %arg2[%dma_wait3A_401, %dma_wait3A_402] : memref<10000x128xf32, #tpu.memory_space<hbm>> -> memref<10000x128xf32, #tpu.memory_space<hbm>>
      tpu.wait_indirect_dma semaphore(%arg12 : memref<!tpu.dma_semaphore, #tpu.memory_space<semaphore_mem>>) src(%dma_wait3A_403 : memref<10000x128xf32, #tpu.memory_space<hbm>>) dst(%arg10 : memref<80x128xf32, #tpu.memory_space<vmem>>)
      %dma_wait3A_404 = arith.constant 4 : i32
      %dma_wait3A_405 = arith.constant 0 : i32
      %dma_wait3A_406 = tpu.memref_slice %arg6[%rem3A_205, %dma_wait3A_404, %dma_wait3A_405] : memref<2x25x80xi32, #tpu.memory_space<vmem>> -> memref<1x1x80xi32, #tpu.memory_space<vmem>>
      %dma_wait3A_407 = tpu.memref_squeeze %dma_wait3A_406 : memref<1x1x80xi32, #tpu.memory_space<vmem>> -> memref<80xi32, #tpu.memory_space<vmem>>
      %dma_wait3A_408 = arith.constant 0 : i32
      %dma_wait3A_409 = arith.constant 0 : i32
      %dma_wait3A_410 = tpu.memref_slice %arg11[%dma_wait3A_408, %dma_wait3A_409] : memref<10240x128xf32, #tpu.memory_space<vmem_shared>> -> memref<10240x128xf32, #tpu.memory_space<vmem_shared>>
      tpu.wait_indirect_dma semaphore(%arg13 : memref<!tpu.dma_semaphore, #tpu.memory_space<semaphore_mem>>) src(%arg9 : memref<80x128xf32, #tpu.memory_space<vmem>>) dst(%dma_wait3A_410 : memref<10240x128xf32, #tpu.memory_space<vmem_shared>>)
      %dma_start3A_411 = arith.constant 7 : i32
      %dma_start3A_412 = arith.constant 0 : i32
      %dma_start3A_413 = tpu.memref_slice %arg7[%rem3A_205, %dma_start3A_411, %dma_start3A_412] : memref<2x25x80xi32, #tpu.memory_space<vmem>> -> memref<1x1x80xi32, #tpu.memory_space<vmem>>
      %dma_start3A_414 = tpu.memref_squeeze %dma_start3A_413 : memref<1x1x80xi32, #tpu.memory_space<vmem>> -> memref<80xi32, #tpu.memory_space<vmem>>
      %dma_start3A_415 = arith.constant 0 : i32
      %dma_start3A_416 = arith.constant 0 : i32
      %dma_start3A_417 = tpu.memref_slice %arg2[%dma_start3A_415, %dma_start3A_416] : memref<10000x128xf32, #tpu.memory_space<hbm>> -> memref<10000x128xf32, #tpu.memory_space<hbm>>
      tpu.enqueue_indirect_dma source(%dma_start3A_417 : memref<10000x128xf32, #tpu.memory_space<hbm>>) target(%arg9 : memref<80x128xf32, #tpu.memory_space<vmem>>) offsets(%dma_start3A_414 : memref<80xi32, #tpu.memory_space<vmem>>) semaphore(%arg12 : memref<!tpu.dma_semaphore, #tpu.memory_space<semaphore_mem>>)
      %dma_start3A_418 = arith.constant 5 : i32
      %dma_start3A_419 = arith.constant 0 : i32
      %dma_start3A_420 = tpu.memref_slice %arg6[%rem3A_205, %dma_start3A_418, %dma_start3A_419] : memref<2x25x80xi32, #tpu.memory_space<vmem>> -> memref<1x1x80xi32, #tpu.memory_space<vmem>>
      %dma_start3A_421 = tpu.memref_squeeze %dma_start3A_420 : memref<1x1x80xi32, #tpu.memory_space<vmem>> -> memref<80xi32, #tpu.memory_space<vmem>>
      %dma_start3A_422 = arith.constant 0 : i32
      %dma_start3A_423 = arith.constant 0 : i32
      %dma_start3A_424 = tpu.memref_slice %arg11[%dma_start3A_422, %dma_start3A_423] : memref<10240x128xf32, #tpu.memory_space<vmem_shared>> -> memref<10240x128xf32, #tpu.memory_space<vmem_shared>>
      tpu.enqueue_indirect_dma source(%arg10 : memref<80x128xf32, #tpu.memory_space<vmem>>) target(%dma_start3A_424 : memref<10240x128xf32, #tpu.memory_space<vmem_shared>>) offsets(%dma_start3A_421 : memref<80xi32, #tpu.memory_space<vmem>>) semaphore(%arg13 : memref<!tpu.dma_semaphore, #tpu.memory_space<semaphore_mem>>) {add = true}
      %dma_wait3A_425 = arith.constant 6 : i32
      %dma_wait3A_426 = arith.constant 0 : i32
      %dma_wait3A_427 = tpu.memref_slice %arg7[%rem3A_205, %dma_wait3A_425, %dma_wait3A_426] : memref<2x25x80xi32, #tpu.memory_space<vmem>> -> memref<1x1x80xi32, #tpu.memory_space<vmem>>
      %dma_wait3A_428 = tpu.memref_squeeze %dma_wait3A_427 : memref<1x1x80xi32, #tpu.memory_space<vmem>> -> memref<80xi32, #tpu.memory_space<vmem>>
      %dma_wait3A_429 = arith.constant 0 : i32
      %dma_wait3A_430 = arith.constant 0 : i32
      %dma_wait3A_431 = tpu.memref_slice %arg2[%dma_wait3A_429, %dma_wait3A_430] : memref<10000x128xf32, #tpu.memory_space<hbm>> -> memref<10000x128xf32, #tpu.memory_space<hbm>>
      tpu.wait_indirect_dma semaphore(%arg12 : memref<!tpu.dma_semaphore, #tpu.memory_space<semaphore_mem>>) src(%dma_wait3A_431 : memref<10000x128xf32, #tpu.memory_space<hbm>>) dst(%arg8 : memref<80x128xf32, #tpu.memory_space<vmem>>)
      %dma_wait3A_432 = arith.constant 5 : i32
      %dma_wait3A_433 = arith.constant 0 : i32
      %dma_wait3A_434 = tpu.memref_slice %arg6[%rem3A_205, %dma_wait3A_432, %dma_wait3A_433] : memref<2x25x80xi32, #tpu.memory_space<vmem>> -> memref<1x1x80xi32, #tpu.memory_space<vmem>>
      %dma_wait3A_435 = tpu.memref_squeeze %dma_wait3A_434 : memref<1x1x80xi32, #tpu.memory_space<vmem>> -> memref<80xi32, #tpu.memory_space<vmem>>
      %dma_wait3A_436 = arith.constant 0 : i32
      %dma_wait3A_437 = arith.constant 0 : i32
      %dma_wait3A_438 = tpu.memref_slice %arg11[%dma_wait3A_436, %dma_wait3A_437] : memref<10240x128xf32, #tpu.memory_space<vmem_shared>> -> memref<10240x128xf32, #tpu.memory_space<vmem_shared>>
      tpu.wait_indirect_dma semaphore(%arg13 : memref<!tpu.dma_semaphore, #tpu.memory_space<semaphore_mem>>) src(%arg10 : memref<80x128xf32, #tpu.memory_space<vmem>>) dst(%dma_wait3A_438 : memref<10240x128xf32, #tpu.memory_space<vmem_shared>>)
      %dma_start3A_439 = arith.constant 8 : i32
      %dma_start3A_440 = arith.constant 0 : i32
      %dma_start3A_441 = tpu.memref_slice %arg7[%rem3A_205, %dma_start3A_439, %dma_start3A_440] : memref<2x25x80xi32, #tpu.memory_space<vmem>> -> memref<1x1x80xi32, #tpu.memory_space<vmem>>
      %dma_start3A_442 = tpu.memref_squeeze %dma_start3A_441 : memref<1x1x80xi32, #tpu.memory_space<vmem>> -> memref<80xi32, #tpu.memory_space<vmem>>
      %dma_start3A_443 = arith.constant 0 : i32
      %dma_start3A_444 = arith.constant 0 : i32
      %dma_start3A_445 = tpu.memref_slice %arg2[%dma_start3A_443, %dma_start3A_444] : memref<10000x128xf32, #tpu.memory_space<hbm>> -> memref<10000x128xf32, #tpu.memory_space<hbm>>
      tpu.enqueue_indirect_dma source(%dma_start3A_445 : memref<10000x128xf32, #tpu.memory_space<hbm>>) target(%arg10 : memref<80x128xf32, #tpu.memory_space<vmem>>) offsets(%dma_start3A_442 : memref<80xi32, #tpu.memory_space<vmem>>) semaphore(%arg12 : memref<!tpu.dma_semaphore, #tpu.memory_space<semaphore_mem>>)
      %dma_start3A_446 = arith.constant 6 : i32
      %dma_start3A_447 = arith.constant 0 : i32
      %dma_start3A_448 = tpu.memref_slice %arg6[%rem3A_205, %dma_start3A_446, %dma_start3A_447] : memref<2x25x80xi32, #tpu.memory_space<vmem>> -> memref<1x1x80xi32, #tpu.memory_space<vmem>>
      %dma_start3A_449 = tpu.memref_squeeze %dma_start3A_448 : memref<1x1x80xi32, #tpu.memory_space<vmem>> -> memref<80xi32, #tpu.memory_space<vmem>>
      %dma_start3A_450 = arith.constant 0 : i32
      %dma_start3A_451 = arith.constant 0 : i32
      %dma_start3A_452 = tpu.memref_slice %arg11[%dma_start3A_450, %dma_start3A_451] : memref<10240x128xf32, #tpu.memory_space<vmem_shared>> -> memref<10240x128xf32, #tpu.memory_space<vmem_shared>>
      tpu.enqueue_indirect_dma source(%arg8 : memref<80x128xf32, #tpu.memory_space<vmem>>) target(%dma_start3A_452 : memref<10240x128xf32, #tpu.memory_space<vmem_shared>>) offsets(%dma_start3A_449 : memref<80xi32, #tpu.memory_space<vmem>>) semaphore(%arg13 : memref<!tpu.dma_semaphore, #tpu.memory_space<semaphore_mem>>) {add = true}
      %dma_wait3A_453 = arith.constant 7 : i32
      %dma_wait3A_454 = arith.constant 0 : i32
      %dma_wait3A_455 = tpu.memref_slice %arg7[%rem3A_205, %dma_wait3A_453, %dma_wait3A_454] : memref<2x25x80xi32, #tpu.memory_space<vmem>> -> memref<1x1x80xi32, #tpu.memory_space<vmem>>
      %dma_wait3A_456 = tpu.memref_squeeze %dma_wait3A_455 : memref<1x1x80xi32, #tpu.memory_space<vmem>> -> memref<80xi32, #tpu.memory_space<vmem>>
      %dma_wait3A_457 = arith.constant 0 : i32
      %dma_wait3A_458 = arith.constant 0 : i32
      %dma_wait3A_459 = tpu.memref_slice %arg2[%dma_wait3A_457, %dma_wait3A_458] : memref<10000x128xf32, #tpu.memory_space<hbm>> -> memref<10000x128xf32, #tpu.memory_space<hbm>>
      tpu.wait_indirect_dma semaphore(%arg12 : memref<!tpu.dma_semaphore, #tpu.memory_space<semaphore_mem>>) src(%dma_wait3A_459 : memref<10000x128xf32, #tpu.memory_space<hbm>>) dst(%arg9 : memref<80x128xf32, #tpu.memory_space<vmem>>)
      %dma_wait3A_460 = arith.constant 6 : i32
      %dma_wait3A_461 = arith.constant 0 : i32
      %dma_wait3A_462 = tpu.memref_slice %arg6[%rem3A_205, %dma_wait3A_460, %dma_wait3A_461] : memref<2x25x80xi32, #tpu.memory_space<vmem>> -> memref<1x1x80xi32, #tpu.memory_space<vmem>>
      %dma_wait3A_463 = tpu.memref_squeeze %dma_wait3A_462 : memref<1x1x80xi32, #tpu.memory_space<vmem>> -> memref<80xi32, #tpu.memory_space<vmem>>
      %dma_wait3A_464 = arith.constant 0 : i32
      %dma_wait3A_465 = arith.constant 0 : i32
      %dma_wait3A_466 = tpu.memref_slice %arg11[%dma_wait3A_464, %dma_wait3A_465] : memref<10240x128xf32, #tpu.memory_space<vmem_shared>> -> memref<10240x128xf32, #tpu.memory_space<vmem_shared>>
      tpu.wait_indirect_dma semaphore(%arg13 : memref<!tpu.dma_semaphore, #tpu.memory_space<semaphore_mem>>) src(%arg8 : memref<80x128xf32, #tpu.memory_space<vmem>>) dst(%dma_wait3A_466 : memref<10240x128xf32, #tpu.memory_space<vmem_shared>>)
      %dma_start3A_467 = arith.constant 9 : i32
      %dma_start3A_468 = arith.constant 0 : i32
      %dma_start3A_469 = tpu.memref_slice %arg7[%rem3A_205, %dma_start3A_467, %dma_start3A_468] : memref<2x25x80xi32, #tpu.memory_space<vmem>> -> memref<1x1x80xi32, #tpu.memory_space<vmem>>
      %dma_start3A_470 = tpu.memref_squeeze %dma_start3A_469 : memref<1x1x80xi32, #tpu.memory_space<vmem>> -> memref<80xi32, #tpu.memory_space<vmem>>
      %dma_start3A_471 = arith.constant 0 : i32
      %dma_start3A_472 = arith.constant 0 : i32
      %dma_start3A_473 = tpu.memref_slice %arg2[%dma_start3A_471, %dma_start3A_472] : memref<10000x128xf32, #tpu.memory_space<hbm>> -> memref<10000x128xf32, #tpu.memory_space<hbm>>
      tpu.enqueue_indirect_dma source(%dma_start3A_473 : memref<10000x128xf32, #tpu.memory_space<hbm>>) target(%arg8 : memref<80x128xf32, #tpu.memory_space<vmem>>) offsets(%dma_start3A_470 : memref<80xi32, #tpu.memory_space<vmem>>) semaphore(%arg12 : memref<!tpu.dma_semaphore, #tpu.memory_space<semaphore_mem>>)
      %dma_start3A_474 = arith.constant 7 : i32
      %dma_start3A_475 = arith.constant 0 : i32
      %dma_start3A_476 = tpu.memref_slice %arg6[%rem3A_205, %dma_start3A_474, %dma_start3A_475] : memref<2x25x80xi32, #tpu.memory_space<vmem>> -> memref<1x1x80xi32, #tpu.memory_space<vmem>>
      %dma_start3A_477 = tpu.memref_squeeze %dma_start3A_476 : memref<1x1x80xi32, #tpu.memory_space<vmem>> -> memref<80xi32, #tpu.memory_space<vmem>>
      %dma_start3A_478 = arith.constant 0 : i32
      %dma_start3A_479 = arith.constant 0 : i32
      %dma_start3A_480 = tpu.memref_slice %arg11[%dma_start3A_478, %dma_start3A_479] : memref<10240x128xf32, #tpu.memory_space<vmem_shared>> -> memref<10240x128xf32, #tpu.memory_space<vmem_shared>>
      tpu.enqueue_indirect_dma source(%arg9 : memref<80x128xf32, #tpu.memory_space<vmem>>) target(%dma_start3A_480 : memref<10240x128xf32, #tpu.memory_space<vmem_shared>>) offsets(%dma_start3A_477 : memref<80xi32, #tpu.memory_space<vmem>>) semaphore(%arg13 : memref<!tpu.dma_semaphore, #tpu.memory_space<semaphore_mem>>) {add = true}
      %dma_wait3A_481 = arith.constant 8 : i32
      %dma_wait3A_482 = arith.constant 0 : i32
      %dma_wait3A_483 = tpu.memref_slice %arg7[%rem3A_205, %dma_wait3A_481, %dma_wait3A_482] : memref<2x25x80xi32, #tpu.memory_space<vmem>> -> memref<1x1x80xi32, #tpu.memory_space<vmem>>
      %dma_wait3A_484 = tpu.memref_squeeze %dma_wait3A_483 : memref<1x1x80xi32, #tpu.memory_space<vmem>> -> memref<80xi32, #tpu.memory_space<vmem>>
      %dma_wait3A_485 = arith.constant 0 : i32
      %dma_wait3A_486 = arith.constant 0 : i32
      %dma_wait3A_487 = tpu.memref_slice %arg2[%dma_wait3A_485, %dma_wait3A_486] : memref<10000x128xf32, #tpu.memory_space<hbm>> -> memref<10000x128xf32, #tpu.memory_space<hbm>>
      tpu.wait_indirect_dma semaphore(%arg12 : memref<!tpu.dma_semaphore, #tpu.memory_space<semaphore_mem>>) src(%dma_wait3A_487 : memref<10000x128xf32, #tpu.memory_space<hbm>>) dst(%arg10 : memref<80x128xf32, #tpu.memory_space<vmem>>)
      %dma_wait3A_488 = arith.constant 7 : i32
      %dma_wait3A_489 = arith.constant 0 : i32
      %dma_wait3A_490 = tpu.memref_slice %arg6[%rem3A_205, %dma_wait3A_488, %dma_wait3A_489] : memref<2x25x80xi32, #tpu.memory_space<vmem>> -> memref<1x1x80xi32, #tpu.memory_space<vmem>>
      %dma_wait3A_491 = tpu.memref_squeeze %dma_wait3A_490 : memref<1x1x80xi32, #tpu.memory_space<vmem>> -> memref<80xi32, #tpu.memory_space<vmem>>
      %dma_wait3A_492 = arith.constant 0 : i32
      %dma_wait3A_493 = arith.constant 0 : i32
      %dma_wait3A_494 = tpu.memref_slice %arg11[%dma_wait3A_492, %dma_wait3A_493] : memref<10240x128xf32, #tpu.memory_space<vmem_shared>> -> memref<10240x128xf32, #tpu.memory_space<vmem_shared>>
      tpu.wait_indirect_dma semaphore(%arg13 : memref<!tpu.dma_semaphore, #tpu.memory_space<semaphore_mem>>) src(%arg9 : memref<80x128xf32, #tpu.memory_space<vmem>>) dst(%dma_wait3A_494 : memref<10240x128xf32, #tpu.memory_space<vmem_shared>>)
      %dma_start3A_495 = arith.constant 10 : i32
      %dma_start3A_496 = arith.constant 0 : i32
      %dma_start3A_497 = tpu.memref_slice %arg7[%rem3A_205, %dma_start3A_495, %dma_start3A_496] : memref<2x25x80xi32, #tpu.memory_space<vmem>> -> memref<1x1x80xi32, #tpu.memory_space<vmem>>
      %dma_start3A_498 = tpu.memref_squeeze %dma_start3A_497 : memref<1x1x80xi32, #tpu.memory_space<vmem>> -> memref<80xi32, #tpu.memory_space<vmem>>
      %dma_start3A_499 = arith.constant 0 : i32
      %dma_start3A_500 = arith.constant 0 : i32
      %dma_start3A_501 = tpu.memref_slice %arg2[%dma_start3A_499, %dma_start3A_500] : memref<10000x128xf32, #tpu.memory_space<hbm>> -> memref<10000x128xf32, #tpu.memory_space<hbm>>
      tpu.enqueue_indirect_dma source(%dma_start3A_501 : memref<10000x128xf32, #tpu.memory_space<hbm>>) target(%arg9 : memref<80x128xf32, #tpu.memory_space<vmem>>) offsets(%dma_start3A_498 : memref<80xi32, #tpu.memory_space<vmem>>) semaphore(%arg12 : memref<!tpu.dma_semaphore, #tpu.memory_space<semaphore_mem>>)
      %dma_start3A_502 = arith.constant 8 : i32
      %dma_start3A_503 = arith.constant 0 : i32
      %dma_start3A_504 = tpu.memref_slice %arg6[%rem3A_205, %dma_start3A_502, %dma_start3A_503] : memref<2x25x80xi32, #tpu.memory_space<vmem>> -> memref<1x1x80xi32, #tpu.memory_space<vmem>>
      %dma_start3A_505 = tpu.memref_squeeze %dma_start3A_504 : memref<1x1x80xi32, #tpu.memory_space<vmem>> -> memref<80xi32, #tpu.memory_space<vmem>>
      %dma_start3A_506 = arith.constant 0 : i32
      %dma_start3A_507 = arith.constant 0 : i32
      %dma_start3A_508 = tpu.memref_slice %arg11[%dma_start3A_506, %dma_start3A_507] : memref<10240x128xf32, #tpu.memory_space<vmem_shared>> -> memref<10240x128xf32, #tpu.memory_space<vmem_shared>>
      tpu.enqueue_indirect_dma source(%arg10 : memref<80x128xf32, #tpu.memory_space<vmem>>) target(%dma_start3A_508 : memref<10240x128xf32, #tpu.memory_space<vmem_shared>>) offsets(%dma_start3A_505 : memref<80xi32, #tpu.memory_space<vmem>>) semaphore(%arg13 : memref<!tpu.dma_semaphore, #tpu.memory_space<semaphore_mem>>) {add = true}
      %dma_wait3A_509 = arith.constant 9 : i32
      %dma_wait3A_510 = arith.constant 0 : i32
      %dma_wait3A_511 = tpu.memref_slice %arg7[%rem3A_205, %dma_wait3A_509, %dma_wait3A_510] : memref<2x25x80xi32, #tpu.memory_space<vmem>> -> memref<1x1x80xi32, #tpu.memory_space<vmem>>
      %dma_wait3A_512 = tpu.memref_squeeze %dma_wait3A_511 : memref<1x1x80xi32, #tpu.memory_space<vmem>> -> memref<80xi32, #tpu.memory_space<vmem>>
      %dma_wait3A_513 = arith.constant 0 : i32
      %dma_wait3A_514 = arith.constant 0 : i32
      %dma_wait3A_515 = tpu.memref_slice %arg2[%dma_wait3A_513, %dma_wait3A_514] : memref<10000x128xf32, #tpu.memory_space<hbm>> -> memref<10000x128xf32, #tpu.memory_space<hbm>>
      tpu.wait_indirect_dma semaphore(%arg12 : memref<!tpu.dma_semaphore, #tpu.memory_space<semaphore_mem>>) src(%dma_wait3A_515 : memref<10000x128xf32, #tpu.memory_space<hbm>>) dst(%arg8 : memref<80x128xf32, #tpu.memory_space<vmem>>)
      %dma_wait3A_516 = arith.constant 8 : i32
      %dma_wait3A_517 = arith.constant 0 : i32
      %dma_wait3A_518 = tpu.memref_slice %arg6[%rem3A_205, %dma_wait3A_516, %dma_wait3A_517] : memref<2x25x80xi32, #tpu.memory_space<vmem>> -> memref<1x1x80xi32, #tpu.memory_space<vmem>>
      %dma_wait3A_519 = tpu.memref_squeeze %dma_wait3A_518 : memref<1x1x80xi32, #tpu.memory_space<vmem>> -> memref<80xi32, #tpu.memory_space<vmem>>
      %dma_wait3A_520 = arith.constant 0 : i32
      %dma_wait3A_521 = arith.constant 0 : i32
      %dma_wait3A_522 = tpu.memref_slice %arg11[%dma_wait3A_520, %dma_wait3A_521] : memref<10240x128xf32, #tpu.memory_space<vmem_shared>> -> memref<10240x128xf32, #tpu.memory_space<vmem_shared>>
      tpu.wait_indirect_dma semaphore(%arg13 : memref<!tpu.dma_semaphore, #tpu.memory_space<semaphore_mem>>) src(%arg10 : memref<80x128xf32, #tpu.memory_space<vmem>>) dst(%dma_wait3A_522 : memref<10240x128xf32, #tpu.memory_space<vmem_shared>>)
      %dma_start3A_523 = arith.constant 11 : i32
      %dma_start3A_524 = arith.constant 0 : i32
      %dma_start3A_525 = tpu.memref_slice %arg7[%rem3A_205, %dma_start3A_523, %dma_start3A_524] : memref<2x25x80xi32, #tpu.memory_space<vmem>> -> memref<1x1x80xi32, #tpu.memory_space<vmem>>
      %dma_start3A_526 = tpu.memref_squeeze %dma_start3A_525 : memref<1x1x80xi32, #tpu.memory_space<vmem>> -> memref<80xi32, #tpu.memory_space<vmem>>
      %dma_start3A_527 = arith.constant 0 : i32
      %dma_start3A_528 = arith.constant 0 : i32
      %dma_start3A_529 = tpu.memref_slice %arg2[%dma_start3A_527, %dma_start3A_528] : memref<10000x128xf32, #tpu.memory_space<hbm>> -> memref<10000x128xf32, #tpu.memory_space<hbm>>
      tpu.enqueue_indirect_dma source(%dma_start3A_529 : memref<10000x128xf32, #tpu.memory_space<hbm>>) target(%arg10 : memref<80x128xf32, #tpu.memory_space<vmem>>) offsets(%dma_start3A_526 : memref<80xi32, #tpu.memory_space<vmem>>) semaphore(%arg12 : memref<!tpu.dma_semaphore, #tpu.memory_space<semaphore_mem>>)
      %dma_start3A_530 = arith.constant 9 : i32
      %dma_start3A_531 = arith.constant 0 : i32
      %dma_start3A_532 = tpu.memref_slice %arg6[%rem3A_205, %dma_start3A_530, %dma_start3A_531] : memref<2x25x80xi32, #tpu.memory_space<vmem>> -> memref<1x1x80xi32, #tpu.memory_space<vmem>>
      %dma_start3A_533 = tpu.memref_squeeze %dma_start3A_532 : memref<1x1x80xi32, #tpu.memory_space<vmem>> -> memref<80xi32, #tpu.memory_space<vmem>>
      %dma_start3A_534 = arith.constant 0 : i32
      %dma_start3A_535 = arith.constant 0 : i32
      %dma_start3A_536 = tpu.memref_slice %arg11[%dma_start3A_534, %dma_start3A_535] : memref<10240x128xf32, #tpu.memory_space<vmem_shared>> -> memref<10240x128xf32, #tpu.memory_space<vmem_shared>>
      tpu.enqueue_indirect_dma source(%arg8 : memref<80x128xf32, #tpu.memory_space<vmem>>) target(%dma_start3A_536 : memref<10240x128xf32, #tpu.memory_space<vmem_shared>>) offsets(%dma_start3A_533 : memref<80xi32, #tpu.memory_space<vmem>>) semaphore(%arg13 : memref<!tpu.dma_semaphore, #tpu.memory_space<semaphore_mem>>) {add = true}
      %dma_wait3A_537 = arith.constant 10 : i32
      %dma_wait3A_538 = arith.constant 0 : i32
      %dma_wait3A_539 = tpu.memref_slice %arg7[%rem3A_205, %dma_wait3A_537, %dma_wait3A_538] : memref<2x25x80xi32, #tpu.memory_space<vmem>> -> memref<1x1x80xi32, #tpu.memory_space<vmem>>
      %dma_wait3A_540 = tpu.memref_squeeze %dma_wait3A_539 : memref<1x1x80xi32, #tpu.memory_space<vmem>> -> memref<80xi32, #tpu.memory_space<vmem>>
      %dma_wait3A_541 = arith.constant 0 : i32
      %dma_wait3A_542 = arith.constant 0 : i32
      %dma_wait3A_543 = tpu.memref_slice %arg2[%dma_wait3A_541, %dma_wait3A_542] : memref<10000x128xf32, #tpu.memory_space<hbm>> -> memref<10000x128xf32, #tpu.memory_space<hbm>>
      tpu.wait_indirect_dma semaphore(%arg12 : memref<!tpu.dma_semaphore, #tpu.memory_space<semaphore_mem>>) src(%dma_wait3A_543 : memref<10000x128xf32, #tpu.memory_space<hbm>>) dst(%arg9 : memref<80x128xf32, #tpu.memory_space<vmem>>)
      %dma_wait3A_544 = arith.constant 9 : i32
      %dma_wait3A_545 = arith.constant 0 : i32
      %dma_wait3A_546 = tpu.memref_slice %arg6[%rem3A_205, %dma_wait3A_544, %dma_wait3A_545] : memref<2x25x80xi32, #tpu.memory_space<vmem>> -> memref<1x1x80xi32, #tpu.memory_space<vmem>>
      %dma_wait3A_547 = tpu.memref_squeeze %dma_wait3A_546 : memref<1x1x80xi32, #tpu.memory_space<vmem>> -> memref<80xi32, #tpu.memory_space<vmem>>
      %dma_wait3A_548 = arith.constant 0 : i32
      %dma_wait3A_549 = arith.constant 0 : i32
      %dma_wait3A_550 = tpu.memref_slice %arg11[%dma_wait3A_548, %dma_wait3A_549] : memref<10240x128xf32, #tpu.memory_space<vmem_shared>> -> memref<10240x128xf32, #tpu.memory_space<vmem_shared>>
      tpu.wait_indirect_dma semaphore(%arg13 : memref<!tpu.dma_semaphore, #tpu.memory_space<semaphore_mem>>) src(%arg8 : memref<80x128xf32, #tpu.memory_space<vmem>>) dst(%dma_wait3A_550 : memref<10240x128xf32, #tpu.memory_space<vmem_shared>>)
      %dma_start3A_551 = arith.constant 12 : i32
      %dma_start3A_552 = arith.constant 0 : i32
      %dma_start3A_553 = tpu.memref_slice %arg7[%rem3A_205, %dma_start3A_551, %dma_start3A_552] : memref<2x25x80xi32, #tpu.memory_space<vmem>> -> memref<1x1x80xi32, #tpu.memory_space<vmem>>
      %dma_start3A_554 = tpu.memref_squeeze %dma_start3A_553 : memref<1x1x80xi32, #tpu.memory_space<vmem>> -> memref<80xi32, #tpu.memory_space<vmem>>
      %dma_start3A_555 = arith.constant 0 : i32
      %dma_start3A_556 = arith.constant 0 : i32
      %dma_start3A_557 = tpu.memref_slice %arg2[%dma_start3A_555, %dma_start3A_556] : memref<10000x128xf32, #tpu.memory_space<hbm>> -> memref<10000x128xf32, #tpu.memory_space<hbm>>
      tpu.enqueue_indirect_dma source(%dma_start3A_557 : memref<10000x128xf32, #tpu.memory_space<hbm>>) target(%arg8 : memref<80x128xf32, #tpu.memory_space<vmem>>) offsets(%dma_start3A_554 : memref<80xi32, #tpu.memory_space<vmem>>) semaphore(%arg12 : memref<!tpu.dma_semaphore, #tpu.memory_space<semaphore_mem>>)
      %dma_start3A_558 = arith.constant 10 : i32
      %dma_start3A_559 = arith.constant 0 : i32
      %dma_start3A_560 = tpu.memref_slice %arg6[%rem3A_205, %dma_start3A_558, %dma_start3A_559] : memref<2x25x80xi32, #tpu.memory_space<vmem>> -> memref<1x1x80xi32, #tpu.memory_space<vmem>>
      %dma_start3A_561 = tpu.memref_squeeze %dma_start3A_560 : memref<1x1x80xi32, #tpu.memory_space<vmem>> -> memref<80xi32, #tpu.memory_space<vmem>>
      %dma_start3A_562 = arith.constant 0 : i32
      %dma_start3A_563 = arith.constant 0 : i32
      %dma_start3A_564 = tpu.memref_slice %arg11[%dma_start3A_562, %dma_start3A_563] : memref<10240x128xf32, #tpu.memory_space<vmem_shared>> -> memref<10240x128xf32, #tpu.memory_space<vmem_shared>>
      tpu.enqueue_indirect_dma source(%arg9 : memref<80x128xf32, #tpu.memory_space<vmem>>) target(%dma_start3A_564 : memref<10240x128xf32, #tpu.memory_space<vmem_shared>>) offsets(%dma_start3A_561 : memref<80xi32, #tpu.memory_space<vmem>>) semaphore(%arg13 : memref<!tpu.dma_semaphore, #tpu.memory_space<semaphore_mem>>) {add = true}
      %dma_wait3A_565 = arith.constant 11 : i32
      %dma_wait3A_566 = arith.constant 0 : i32
      %dma_wait3A_567 = tpu.memref_slice %arg7[%rem3A_205, %dma_wait3A_565, %dma_wait3A_566] : memref<2x25x80xi32, #tpu.memory_space<vmem>> -> memref<1x1x80xi32, #tpu.memory_space<vmem>>
      %dma_wait3A_568 = tpu.memref_squeeze %dma_wait3A_567 : memref<1x1x80xi32, #tpu.memory_space<vmem>> -> memref<80xi32, #tpu.memory_space<vmem>>
      %dma_wait3A_569 = arith.constant 0 : i32
      %dma_wait3A_570 = arith.constant 0 : i32
      %dma_wait3A_571 = tpu.memref_slice %arg2[%dma_wait3A_569, %dma_wait3A_570] : memref<10000x128xf32, #tpu.memory_space<hbm>> -> memref<10000x128xf32, #tpu.memory_space<hbm>>
      tpu.wait_indirect_dma semaphore(%arg12 : memref<!tpu.dma_semaphore, #tpu.memory_space<semaphore_mem>>) src(%dma_wait3A_571 : memref<10000x128xf32, #tpu.memory_space<hbm>>) dst(%arg10 : memref<80x128xf32, #tpu.memory_space<vmem>>)
      %dma_wait3A_572 = arith.constant 10 : i32
      %dma_wait3A_573 = arith.constant 0 : i32
      %dma_wait3A_574 = tpu.memref_slice %arg6[%rem3A_205, %dma_wait3A_572, %dma_wait3A_573] : memref<2x25x80xi32, #tpu.memory_space<vmem>> -> memref<1x1x80xi32, #tpu.memory_space<vmem>>
      %dma_wait3A_575 = tpu.memref_squeeze %dma_wait3A_574 : memref<1x1x80xi32, #tpu.memory_space<vmem>> -> memref<80xi32, #tpu.memory_space<vmem>>
      %dma_wait3A_576 = arith.constant 0 : i32
      %dma_wait3A_577 = arith.constant 0 : i32
      %dma_wait3A_578 = tpu.memref_slice %arg11[%dma_wait3A_576, %dma_wait3A_577] : memref<10240x128xf32, #tpu.memory_space<vmem_shared>> -> memref<10240x128xf32, #tpu.memory_space<vmem_shared>>
      tpu.wait_indirect_dma semaphore(%arg13 : memref<!tpu.dma_semaphore, #tpu.memory_space<semaphore_mem>>) src(%arg9 : memref<80x128xf32, #tpu.memory_space<vmem>>) dst(%dma_wait3A_578 : memref<10240x128xf32, #tpu.memory_space<vmem_shared>>)
      %dma_start3A_579 = arith.constant 13 : i32
      %dma_start3A_580 = arith.constant 0 : i32
      %dma_start3A_581 = tpu.memref_slice %arg7[%rem3A_205, %dma_start3A_579, %dma_start3A_580] : memref<2x25x80xi32, #tpu.memory_space<vmem>> -> memref<1x1x80xi32, #tpu.memory_space<vmem>>
      %dma_start3A_582 = tpu.memref_squeeze %dma_start3A_581 : memref<1x1x80xi32, #tpu.memory_space<vmem>> -> memref<80xi32, #tpu.memory_space<vmem>>
      %dma_start3A_583 = arith.constant 0 : i32
      %dma_start3A_584 = arith.constant 0 : i32
      %dma_start3A_585 = tpu.memref_slice %arg2[%dma_start3A_583, %dma_start3A_584] : memref<10000x128xf32, #tpu.memory_space<hbm>> -> memref<10000x128xf32, #tpu.memory_space<hbm>>
      tpu.enqueue_indirect_dma source(%dma_start3A_585 : memref<10000x128xf32, #tpu.memory_space<hbm>>) target(%arg9 : memref<80x128xf32, #tpu.memory_space<vmem>>) offsets(%dma_start3A_582 : memref<80xi32, #tpu.memory_space<vmem>>) semaphore(%arg12 : memref<!tpu.dma_semaphore, #tpu.memory_space<semaphore_mem>>)
      %dma_start3A_586 = arith.constant 11 : i32
      %dma_start3A_587 = arith.constant 0 : i32
      %dma_start3A_588 = tpu.memref_slice %arg6[%rem3A_205, %dma_start3A_586, %dma_start3A_587] : memref<2x25x80xi32, #tpu.memory_space<vmem>> -> memref<1x1x80xi32, #tpu.memory_space<vmem>>
      %dma_start3A_589 = tpu.memref_squeeze %dma_start3A_588 : memref<1x1x80xi32, #tpu.memory_space<vmem>> -> memref<80xi32, #tpu.memory_space<vmem>>
      %dma_start3A_590 = arith.constant 0 : i32
      %dma_start3A_591 = arith.constant 0 : i32
      %dma_start3A_592 = tpu.memref_slice %arg11[%dma_start3A_590, %dma_start3A_591] : memref<10240x128xf32, #tpu.memory_space<vmem_shared>> -> memref<10240x128xf32, #tpu.memory_space<vmem_shared>>
      tpu.enqueue_indirect_dma source(%arg10 : memref<80x128xf32, #tpu.memory_space<vmem>>) target(%dma_start3A_592 : memref<10240x128xf32, #tpu.memory_space<vmem_shared>>) offsets(%dma_start3A_589 : memref<80xi32, #tpu.memory_space<vmem>>) semaphore(%arg13 : memref<!tpu.dma_semaphore, #tpu.memory_space<semaphore_mem>>) {add = true}
      %dma_wait3A_593 = arith.constant 12 : i32
      %dma_wait3A_594 = arith.constant 0 : i32
      %dma_wait3A_595 = tpu.memref_slice %arg7[%rem3A_205, %dma_wait3A_593, %dma_wait3A_594] : memref<2x25x80xi32, #tpu.memory_space<vmem>> -> memref<1x1x80xi32, #tpu.memory_space<vmem>>
      %dma_wait3A_596 = tpu.memref_squeeze %dma_wait3A_595 : memref<1x1x80xi32, #tpu.memory_space<vmem>> -> memref<80xi32, #tpu.memory_space<vmem>>
      %dma_wait3A_597 = arith.constant 0 : i32
      %dma_wait3A_598 = arith.constant 0 : i32
      %dma_wait3A_599 = tpu.memref_slice %arg2[%dma_wait3A_597, %dma_wait3A_598] : memref<10000x128xf32, #tpu.memory_space<hbm>> -> memref<10000x128xf32, #tpu.memory_space<hbm>>
      tpu.wait_indirect_dma semaphore(%arg12 : memref<!tpu.dma_semaphore, #tpu.memory_space<semaphore_mem>>) src(%dma_wait3A_599 : memref<10000x128xf32, #tpu.memory_space<hbm>>) dst(%arg8 : memref<80x128xf32, #tpu.memory_space<vmem>>)
      %dma_wait3A_600 = arith.constant 11 : i32
      %dma_wait3A_601 = arith.constant 0 : i32
      %dma_wait3A_602 = tpu.memref_slice %arg6[%rem3A_205, %dma_wait3A_600, %dma_wait3A_601] : memref<2x25x80xi32, #tpu.memory_space<vmem>> -> memref<1x1x80xi32, #tpu.memory_space<vmem>>
      %dma_wait3A_603 = tpu.memref_squeeze %dma_wait3A_602 : memref<1x1x80xi32, #tpu.memory_space<vmem>> -> memref<80xi32, #tpu.memory_space<vmem>>
      %dma_wait3A_604 = arith.constant 0 : i32
      %dma_wait3A_605 = arith.constant 0 : i32
      %dma_wait3A_606 = tpu.memref_slice %arg11[%dma_wait3A_604, %dma_wait3A_605] : memref<10240x128xf32, #tpu.memory_space<vmem_shared>> -> memref<10240x128xf32, #tpu.memory_space<vmem_shared>>
      tpu.wait_indirect_dma semaphore(%arg13 : memref<!tpu.dma_semaphore, #tpu.memory_space<semaphore_mem>>) src(%arg10 : memref<80x128xf32, #tpu.memory_space<vmem>>) dst(%dma_wait3A_606 : memref<10240x128xf32, #tpu.memory_space<vmem_shared>>)
      %dma_start3A_607 = arith.constant 14 : i32
      %dma_start3A_608 = arith.constant 0 : i32
      %dma_start3A_609 = tpu.memref_slice %arg7[%rem3A_205, %dma_start3A_607, %dma_start3A_608] : memref<2x25x80xi32, #tpu.memory_space<vmem>> -> memref<1x1x80xi32, #tpu.memory_space<vmem>>
      %dma_start3A_610 = tpu.memref_squeeze %dma_start3A_609 : memref<1x1x80xi32, #tpu.memory_space<vmem>> -> memref<80xi32, #tpu.memory_space<vmem>>
      %dma_start3A_611 = arith.constant 0 : i32
      %dma_start3A_612 = arith.constant 0 : i32
      %dma_start3A_613 = tpu.memref_slice %arg2[%dma_start3A_611, %dma_start3A_612] : memref<10000x128xf32, #tpu.memory_space<hbm>> -> memref<10000x128xf32, #tpu.memory_space<hbm>>
      tpu.enqueue_indirect_dma source(%dma_start3A_613 : memref<10000x128xf32, #tpu.memory_space<hbm>>) target(%arg10 : memref<80x128xf32, #tpu.memory_space<vmem>>) offsets(%dma_start3A_610 : memref<80xi32, #tpu.memory_space<vmem>>) semaphore(%arg12 : memref<!tpu.dma_semaphore, #tpu.memory_space<semaphore_mem>>)
      %dma_start3A_614 = arith.constant 12 : i32
      %dma_start3A_615 = arith.constant 0 : i32
      %dma_start3A_616 = tpu.memref_slice %arg6[%rem3A_205, %dma_start3A_614, %dma_start3A_615] : memref<2x25x80xi32, #tpu.memory_space<vmem>> -> memref<1x1x80xi32, #tpu.memory_space<vmem>>
      %dma_start3A_617 = tpu.memref_squeeze %dma_start3A_616 : memref<1x1x80xi32, #tpu.memory_space<vmem>> -> memref<80xi32, #tpu.memory_space<vmem>>
      %dma_start3A_618 = arith.constant 0 : i32
      %dma_start3A_619 = arith.constant 0 : i32
      %dma_start3A_620 = tpu.memref_slice %arg11[%dma_start3A_618, %dma_start3A_619] : memref<10240x128xf32, #tpu.memory_space<vmem_shared>> -> memref<10240x128xf32, #tpu.memory_space<vmem_shared>>
      tpu.enqueue_indirect_dma source(%arg8 : memref<80x128xf32, #tpu.memory_space<vmem>>) target(%dma_start3A_620 : memref<10240x128xf32, #tpu.memory_space<vmem_shared>>) offsets(%dma_start3A_617 : memref<80xi32, #tpu.memory_space<vmem>>) semaphore(%arg13 : memref<!tpu.dma_semaphore, #tpu.memory_space<semaphore_mem>>) {add = true}
      %dma_wait3A_621 = arith.constant 13 : i32
      %dma_wait3A_622 = arith.constant 0 : i32
      %dma_wait3A_623 = tpu.memref_slice %arg7[%rem3A_205, %dma_wait3A_621, %dma_wait3A_622] : memref<2x25x80xi32, #tpu.memory_space<vmem>> -> memref<1x1x80xi32, #tpu.memory_space<vmem>>
      %dma_wait3A_624 = tpu.memref_squeeze %dma_wait3A_623 : memref<1x1x80xi32, #tpu.memory_space<vmem>> -> memref<80xi32, #tpu.memory_space<vmem>>
      %dma_wait3A_625 = arith.constant 0 : i32
      %dma_wait3A_626 = arith.constant 0 : i32
      %dma_wait3A_627 = tpu.memref_slice %arg2[%dma_wait3A_625, %dma_wait3A_626] : memref<10000x128xf32, #tpu.memory_space<hbm>> -> memref<10000x128xf32, #tpu.memory_space<hbm>>
      tpu.wait_indirect_dma semaphore(%arg12 : memref<!tpu.dma_semaphore, #tpu.memory_space<semaphore_mem>>) src(%dma_wait3A_627 : memref<10000x128xf32, #tpu.memory_space<hbm>>) dst(%arg9 : memref<80x128xf32, #tpu.memory_space<vmem>>)
      %dma_wait3A_628 = arith.constant 12 : i32
      %dma_wait3A_629 = arith.constant 0 : i32
      %dma_wait3A_630 = tpu.memref_slice %arg6[%rem3A_205, %dma_wait3A_628, %dma_wait3A_629] : memref<2x25x80xi32, #tpu.memory_space<vmem>> -> memref<1x1x80xi32, #tpu.memory_space<vmem>>
      %dma_wait3A_631 = tpu.memref_squeeze %dma_wait3A_630 : memref<1x1x80xi32, #tpu.memory_space<vmem>> -> memref<80xi32, #tpu.memory_space<vmem>>
      %dma_wait3A_632 = arith.constant 0 : i32
      %dma_wait3A_633 = arith.constant 0 : i32
      %dma_wait3A_634 = tpu.memref_slice %arg11[%dma_wait3A_632, %dma_wait3A_633] : memref<10240x128xf32, #tpu.memory_space<vmem_shared>> -> memref<10240x128xf32, #tpu.memory_space<vmem_shared>>
      tpu.wait_indirect_dma semaphore(%arg13 : memref<!tpu.dma_semaphore, #tpu.memory_space<semaphore_mem>>) src(%arg8 : memref<80x128xf32, #tpu.memory_space<vmem>>) dst(%dma_wait3A_634 : memref<10240x128xf32, #tpu.memory_space<vmem_shared>>)
      %dma_start3A_635 = arith.constant 15 : i32
      %dma_start3A_636 = arith.constant 0 : i32
      %dma_start3A_637 = tpu.memref_slice %arg7[%rem3A_205, %dma_start3A_635, %dma_start3A_636] : memref<2x25x80xi32, #tpu.memory_space<vmem>> -> memref<1x1x80xi32, #tpu.memory_space<vmem>>
      %dma_start3A_638 = tpu.memref_squeeze %dma_start3A_637 : memref<1x1x80xi32, #tpu.memory_space<vmem>> -> memref<80xi32, #tpu.memory_space<vmem>>
      %dma_start3A_639 = arith.constant 0 : i32
      %dma_start3A_640 = arith.constant 0 : i32
      %dma_start3A_641 = tpu.memref_slice %arg2[%dma_start3A_639, %dma_start3A_640] : memref<10000x128xf32, #tpu.memory_space<hbm>> -> memref<10000x128xf32, #tpu.memory_space<hbm>>
      tpu.enqueue_indirect_dma source(%dma_start3A_641 : memref<10000x128xf32, #tpu.memory_space<hbm>>) target(%arg8 : memref<80x128xf32, #tpu.memory_space<vmem>>) offsets(%dma_start3A_638 : memref<80xi32, #tpu.memory_space<vmem>>) semaphore(%arg12 : memref<!tpu.dma_semaphore, #tpu.memory_space<semaphore_mem>>)
      %dma_start3A_642 = arith.constant 13 : i32
      %dma_start3A_643 = arith.constant 0 : i32
      %dma_start3A_644 = tpu.memref_slice %arg6[%rem3A_205, %dma_start3A_642, %dma_start3A_643] : memref<2x25x80xi32, #tpu.memory_space<vmem>> -> memref<1x1x80xi32, #tpu.memory_space<vmem>>
      %dma_start3A_645 = tpu.memref_squeeze %dma_start3A_644 : memref<1x1x80xi32, #tpu.memory_space<vmem>> -> memref<80xi32, #tpu.memory_space<vmem>>
      %dma_start3A_646 = arith.constant 0 : i32
      %dma_start3A_647 = arith.constant 0 : i32
      %dma_start3A_648 = tpu.memref_slice %arg11[%dma_start3A_646, %dma_start3A_647] : memref<10240x128xf32, #tpu.memory_space<vmem_shared>> -> memref<10240x128xf32, #tpu.memory_space<vmem_shared>>
      tpu.enqueue_indirect_dma source(%arg9 : memref<80x128xf32, #tpu.memory_space<vmem>>) target(%dma_start3A_648 : memref<10240x128xf32, #tpu.memory_space<vmem_shared>>) offsets(%dma_start3A_645 : memref<80xi32, #tpu.memory_space<vmem>>) semaphore(%arg13 : memref<!tpu.dma_semaphore, #tpu.memory_space<semaphore_mem>>) {add = true}
      %dma_wait3A_649 = arith.constant 14 : i32
      %dma_wait3A_650 = arith.constant 0 : i32
      %dma_wait3A_651 = tpu.memref_slice %arg7[%rem3A_205, %dma_wait3A_649, %dma_wait3A_650] : memref<2x25x80xi32, #tpu.memory_space<vmem>> -> memref<1x1x80xi32, #tpu.memory_space<vmem>>
      %dma_wait3A_652 = tpu.memref_squeeze %dma_wait3A_651 : memref<1x1x80xi32, #tpu.memory_space<vmem>> -> memref<80xi32, #tpu.memory_space<vmem>>
      %dma_wait3A_653 = arith.constant 0 : i32
      %dma_wait3A_654 = arith.constant 0 : i32
      %dma_wait3A_655 = tpu.memref_slice %arg2[%dma_wait3A_653, %dma_wait3A_654] : memref<10000x128xf32, #tpu.memory_space<hbm>> -> memref<10000x128xf32, #tpu.memory_space<hbm>>
      tpu.wait_indirect_dma semaphore(%arg12 : memref<!tpu.dma_semaphore, #tpu.memory_space<semaphore_mem>>) src(%dma_wait3A_655 : memref<10000x128xf32, #tpu.memory_space<hbm>>) dst(%arg10 : memref<80x128xf32, #tpu.memory_space<vmem>>)
      %dma_wait3A_656 = arith.constant 13 : i32
      %dma_wait3A_657 = arith.constant 0 : i32
      %dma_wait3A_658 = tpu.memref_slice %arg6[%rem3A_205, %dma_wait3A_656, %dma_wait3A_657] : memref<2x25x80xi32, #tpu.memory_space<vmem>> -> memref<1x1x80xi32, #tpu.memory_space<vmem>>
      %dma_wait3A_659 = tpu.memref_squeeze %dma_wait3A_658 : memref<1x1x80xi32, #tpu.memory_space<vmem>> -> memref<80xi32, #tpu.memory_space<vmem>>
      %dma_wait3A_660 = arith.constant 0 : i32
      %dma_wait3A_661 = arith.constant 0 : i32
      %dma_wait3A_662 = tpu.memref_slice %arg11[%dma_wait3A_660, %dma_wait3A_661] : memref<10240x128xf32, #tpu.memory_space<vmem_shared>> -> memref<10240x128xf32, #tpu.memory_space<vmem_shared>>
      tpu.wait_indirect_dma semaphore(%arg13 : memref<!tpu.dma_semaphore, #tpu.memory_space<semaphore_mem>>) src(%arg9 : memref<80x128xf32, #tpu.memory_space<vmem>>) dst(%dma_wait3A_662 : memref<10240x128xf32, #tpu.memory_space<vmem_shared>>)
      %dma_start3A_663 = arith.constant 16 : i32
      %dma_start3A_664 = arith.constant 0 : i32
      %dma_start3A_665 = tpu.memref_slice %arg7[%rem3A_205, %dma_start3A_663, %dma_start3A_664] : memref<2x25x80xi32, #tpu.memory_space<vmem>> -> memref<1x1x80xi32, #tpu.memory_space<vmem>>
      %dma_start3A_666 = tpu.memref_squeeze %dma_start3A_665 : memref<1x1x80xi32, #tpu.memory_space<vmem>> -> memref<80xi32, #tpu.memory_space<vmem>>
      %dma_start3A_667 = arith.constant 0 : i32
      %dma_start3A_668 = arith.constant 0 : i32
      %dma_start3A_669 = tpu.memref_slice %arg2[%dma_start3A_667, %dma_start3A_668] : memref<10000x128xf32, #tpu.memory_space<hbm>> -> memref<10000x128xf32, #tpu.memory_space<hbm>>
      tpu.enqueue_indirect_dma source(%dma_start3A_669 : memref<10000x128xf32, #tpu.memory_space<hbm>>) target(%arg9 : memref<80x128xf32, #tpu.memory_space<vmem>>) offsets(%dma_start3A_666 : memref<80xi32, #tpu.memory_space<vmem>>) semaphore(%arg12 : memref<!tpu.dma_semaphore, #tpu.memory_space<semaphore_mem>>)
      %dma_start3A_670 = arith.constant 14 : i32
      %dma_start3A_671 = arith.constant 0 : i32
      %dma_start3A_672 = tpu.memref_slice %arg6[%rem3A_205, %dma_start3A_670, %dma_start3A_671] : memref<2x25x80xi32, #tpu.memory_space<vmem>> -> memref<1x1x80xi32, #tpu.memory_space<vmem>>
      %dma_start3A_673 = tpu.memref_squeeze %dma_start3A_672 : memref<1x1x80xi32, #tpu.memory_space<vmem>> -> memref<80xi32, #tpu.memory_space<vmem>>
      %dma_start3A_674 = arith.constant 0 : i32
      %dma_start3A_675 = arith.constant 0 : i32
      %dma_start3A_676 = tpu.memref_slice %arg11[%dma_start3A_674, %dma_start3A_675] : memref<10240x128xf32, #tpu.memory_space<vmem_shared>> -> memref<10240x128xf32, #tpu.memory_space<vmem_shared>>
      tpu.enqueue_indirect_dma source(%arg10 : memref<80x128xf32, #tpu.memory_space<vmem>>) target(%dma_start3A_676 : memref<10240x128xf32, #tpu.memory_space<vmem_shared>>) offsets(%dma_start3A_673 : memref<80xi32, #tpu.memory_space<vmem>>) semaphore(%arg13 : memref<!tpu.dma_semaphore, #tpu.memory_space<semaphore_mem>>) {add = true}
      %dma_wait3A_677 = arith.constant 15 : i32
      %dma_wait3A_678 = arith.constant 0 : i32
      %dma_wait3A_679 = tpu.memref_slice %arg7[%rem3A_205, %dma_wait3A_677, %dma_wait3A_678] : memref<2x25x80xi32, #tpu.memory_space<vmem>> -> memref<1x1x80xi32, #tpu.memory_space<vmem>>
      %dma_wait3A_680 = tpu.memref_squeeze %dma_wait3A_679 : memref<1x1x80xi32, #tpu.memory_space<vmem>> -> memref<80xi32, #tpu.memory_space<vmem>>
      %dma_wait3A_681 = arith.constant 0 : i32
      %dma_wait3A_682 = arith.constant 0 : i32
      %dma_wait3A_683 = tpu.memref_slice %arg2[%dma_wait3A_681, %dma_wait3A_682] : memref<10000x128xf32, #tpu.memory_space<hbm>> -> memref<10000x128xf32, #tpu.memory_space<hbm>>
      tpu.wait_indirect_dma semaphore(%arg12 : memref<!tpu.dma_semaphore, #tpu.memory_space<semaphore_mem>>) src(%dma_wait3A_683 : memref<10000x128xf32, #tpu.memory_space<hbm>>) dst(%arg8 : memref<80x128xf32, #tpu.memory_space<vmem>>)
      %dma_wait3A_684 = arith.constant 14 : i32
      %dma_wait3A_685 = arith.constant 0 : i32
      %dma_wait3A_686 = tpu.memref_slice %arg6[%rem3A_205, %dma_wait3A_684, %dma_wait3A_685] : memref<2x25x80xi32, #tpu.memory_space<vmem>> -> memref<1x1x80xi32, #tpu.memory_space<vmem>>
      %dma_wait3A_687 = tpu.memref_squeeze %dma_wait3A_686 : memref<1x1x80xi32, #tpu.memory_space<vmem>> -> memref<80xi32, #tpu.memory_space<vmem>>
      %dma_wait3A_688 = arith.constant 0 : i32
      %dma_wait3A_689 = arith.constant 0 : i32
      %dma_wait3A_690 = tpu.memref_slice %arg11[%dma_wait3A_688, %dma_wait3A_689] : memref<10240x128xf32, #tpu.memory_space<vmem_shared>> -> memref<10240x128xf32, #tpu.memory_space<vmem_shared>>
      tpu.wait_indirect_dma semaphore(%arg13 : memref<!tpu.dma_semaphore, #tpu.memory_space<semaphore_mem>>) src(%arg10 : memref<80x128xf32, #tpu.memory_space<vmem>>) dst(%dma_wait3A_690 : memref<10240x128xf32, #tpu.memory_space<vmem_shared>>)
      %dma_start3A_691 = arith.constant 17 : i32
      %dma_start3A_692 = arith.constant 0 : i32
      %dma_start3A_693 = tpu.memref_slice %arg7[%rem3A_205, %dma_start3A_691, %dma_start3A_692] : memref<2x25x80xi32, #tpu.memory_space<vmem>> -> memref<1x1x80xi32, #tpu.memory_space<vmem>>
      %dma_start3A_694 = tpu.memref_squeeze %dma_start3A_693 : memref<1x1x80xi32, #tpu.memory_space<vmem>> -> memref<80xi32, #tpu.memory_space<vmem>>
      %dma_start3A_695 = arith.constant 0 : i32
      %dma_start3A_696 = arith.constant 0 : i32
      %dma_start3A_697 = tpu.memref_slice %arg2[%dma_start3A_695, %dma_start3A_696] : memref<10000x128xf32, #tpu.memory_space<hbm>> -> memref<10000x128xf32, #tpu.memory_space<hbm>>
      tpu.enqueue_indirect_dma source(%dma_start3A_697 : memref<10000x128xf32, #tpu.memory_space<hbm>>) target(%arg10 : memref<80x128xf32, #tpu.memory_space<vmem>>) offsets(%dma_start3A_694 : memref<80xi32, #tpu.memory_space<vmem>>) semaphore(%arg12 : memref<!tpu.dma_semaphore, #tpu.memory_space<semaphore_mem>>)
      %dma_start3A_698 = arith.constant 15 : i32
      %dma_start3A_699 = arith.constant 0 : i32
      %dma_start3A_700 = tpu.memref_slice %arg6[%rem3A_205, %dma_start3A_698, %dma_start3A_699] : memref<2x25x80xi32, #tpu.memory_space<vmem>> -> memref<1x1x80xi32, #tpu.memory_space<vmem>>
      %dma_start3A_701 = tpu.memref_squeeze %dma_start3A_700 : memref<1x1x80xi32, #tpu.memory_space<vmem>> -> memref<80xi32, #tpu.memory_space<vmem>>
      %dma_start3A_702 = arith.constant 0 : i32
      %dma_start3A_703 = arith.constant 0 : i32
      %dma_start3A_704 = tpu.memref_slice %arg11[%dma_start3A_702, %dma_start3A_703] : memref<10240x128xf32, #tpu.memory_space<vmem_shared>> -> memref<10240x128xf32, #tpu.memory_space<vmem_shared>>
      tpu.enqueue_indirect_dma source(%arg8 : memref<80x128xf32, #tpu.memory_space<vmem>>) target(%dma_start3A_704 : memref<10240x128xf32, #tpu.memory_space<vmem_shared>>) offsets(%dma_start3A_701 : memref<80xi32, #tpu.memory_space<vmem>>) semaphore(%arg13 : memref<!tpu.dma_semaphore, #tpu.memory_space<semaphore_mem>>) {add = true}
      %dma_wait3A_705 = arith.constant 16 : i32
      %dma_wait3A_706 = arith.constant 0 : i32
      %dma_wait3A_707 = tpu.memref_slice %arg7[%rem3A_205, %dma_wait3A_705, %dma_wait3A_706] : memref<2x25x80xi32, #tpu.memory_space<vmem>> -> memref<1x1x80xi32, #tpu.memory_space<vmem>>
      %dma_wait3A_708 = tpu.memref_squeeze %dma_wait3A_707 : memref<1x1x80xi32, #tpu.memory_space<vmem>> -> memref<80xi32, #tpu.memory_space<vmem>>
      %dma_wait3A_709 = arith.constant 0 : i32
      %dma_wait3A_710 = arith.constant 0 : i32
      %dma_wait3A_711 = tpu.memref_slice %arg2[%dma_wait3A_709, %dma_wait3A_710] : memref<10000x128xf32, #tpu.memory_space<hbm>> -> memref<10000x128xf32, #tpu.memory_space<hbm>>
      tpu.wait_indirect_dma semaphore(%arg12 : memref<!tpu.dma_semaphore, #tpu.memory_space<semaphore_mem>>) src(%dma_wait3A_711 : memref<10000x128xf32, #tpu.memory_space<hbm>>) dst(%arg9 : memref<80x128xf32, #tpu.memory_space<vmem>>)
      %dma_wait3A_712 = arith.constant 15 : i32
      %dma_wait3A_713 = arith.constant 0 : i32
      %dma_wait3A_714 = tpu.memref_slice %arg6[%rem3A_205, %dma_wait3A_712, %dma_wait3A_713] : memref<2x25x80xi32, #tpu.memory_space<vmem>> -> memref<1x1x80xi32, #tpu.memory_space<vmem>>
      %dma_wait3A_715 = tpu.memref_squeeze %dma_wait3A_714 : memref<1x1x80xi32, #tpu.memory_space<vmem>> -> memref<80xi32, #tpu.memory_space<vmem>>
      %dma_wait3A_716 = arith.constant 0 : i32
      %dma_wait3A_717 = arith.constant 0 : i32
      %dma_wait3A_718 = tpu.memref_slice %arg11[%dma_wait3A_716, %dma_wait3A_717] : memref<10240x128xf32, #tpu.memory_space<vmem_shared>> -> memref<10240x128xf32, #tpu.memory_space<vmem_shared>>
      tpu.wait_indirect_dma semaphore(%arg13 : memref<!tpu.dma_semaphore, #tpu.memory_space<semaphore_mem>>) src(%arg8 : memref<80x128xf32, #tpu.memory_space<vmem>>) dst(%dma_wait3A_718 : memref<10240x128xf32, #tpu.memory_space<vmem_shared>>)
      %dma_start3A_719 = arith.constant 18 : i32
      %dma_start3A_720 = arith.constant 0 : i32
      %dma_start3A_721 = tpu.memref_slice %arg7[%rem3A_205, %dma_start3A_719, %dma_start3A_720] : memref<2x25x80xi32, #tpu.memory_space<vmem>> -> memref<1x1x80xi32, #tpu.memory_space<vmem>>
      %dma_start3A_722 = tpu.memref_squeeze %dma_start3A_721 : memref<1x1x80xi32, #tpu.memory_space<vmem>> -> memref<80xi32, #tpu.memory_space<vmem>>
      %dma_start3A_723 = arith.constant 0 : i32
      %dma_start3A_724 = arith.constant 0 : i32
      %dma_start3A_725 = tpu.memref_slice %arg2[%dma_start3A_723, %dma_start3A_724] : memref<10000x128xf32, #tpu.memory_space<hbm>> -> memref<10000x128xf32, #tpu.memory_space<hbm>>
      tpu.enqueue_indirect_dma source(%dma_start3A_725 : memref<10000x128xf32, #tpu.memory_space<hbm>>) target(%arg8 : memref<80x128xf32, #tpu.memory_space<vmem>>) offsets(%dma_start3A_722 : memref<80xi32, #tpu.memory_space<vmem>>) semaphore(%arg12 : memref<!tpu.dma_semaphore, #tpu.memory_space<semaphore_mem>>)
      %dma_start3A_726 = arith.constant 16 : i32
      %dma_start3A_727 = arith.constant 0 : i32
      %dma_start3A_728 = tpu.memref_slice %arg6[%rem3A_205, %dma_start3A_726, %dma_start3A_727] : memref<2x25x80xi32, #tpu.memory_space<vmem>> -> memref<1x1x80xi32, #tpu.memory_space<vmem>>
      %dma_start3A_729 = tpu.memref_squeeze %dma_start3A_728 : memref<1x1x80xi32, #tpu.memory_space<vmem>> -> memref<80xi32, #tpu.memory_space<vmem>>
      %dma_start3A_730 = arith.constant 0 : i32
      %dma_start3A_731 = arith.constant 0 : i32
      %dma_start3A_732 = tpu.memref_slice %arg11[%dma_start3A_730, %dma_start3A_731] : memref<10240x128xf32, #tpu.memory_space<vmem_shared>> -> memref<10240x128xf32, #tpu.memory_space<vmem_shared>>
      tpu.enqueue_indirect_dma source(%arg9 : memref<80x128xf32, #tpu.memory_space<vmem>>) target(%dma_start3A_732 : memref<10240x128xf32, #tpu.memory_space<vmem_shared>>) offsets(%dma_start3A_729 : memref<80xi32, #tpu.memory_space<vmem>>) semaphore(%arg13 : memref<!tpu.dma_semaphore, #tpu.memory_space<semaphore_mem>>) {add = true}
      %dma_wait3A_733 = arith.constant 17 : i32
      %dma_wait3A_734 = arith.constant 0 : i32
      %dma_wait3A_735 = tpu.memref_slice %arg7[%rem3A_205, %dma_wait3A_733, %dma_wait3A_734] : memref<2x25x80xi32, #tpu.memory_space<vmem>> -> memref<1x1x80xi32, #tpu.memory_space<vmem>>
      %dma_wait3A_736 = tpu.memref_squeeze %dma_wait3A_735 : memref<1x1x80xi32, #tpu.memory_space<vmem>> -> memref<80xi32, #tpu.memory_space<vmem>>
      %dma_wait3A_737 = arith.constant 0 : i32
      %dma_wait3A_738 = arith.constant 0 : i32
      %dma_wait3A_739 = tpu.memref_slice %arg2[%dma_wait3A_737, %dma_wait3A_738] : memref<10000x128xf32, #tpu.memory_space<hbm>> -> memref<10000x128xf32, #tpu.memory_space<hbm>>
      tpu.wait_indirect_dma semaphore(%arg12 : memref<!tpu.dma_semaphore, #tpu.memory_space<semaphore_mem>>) src(%dma_wait3A_739 : memref<10000x128xf32, #tpu.memory_space<hbm>>) dst(%arg10 : memref<80x128xf32, #tpu.memory_space<vmem>>)
      %dma_wait3A_740 = arith.constant 16 : i32
      %dma_wait3A_741 = arith.constant 0 : i32
      %dma_wait3A_742 = tpu.memref_slice %arg6[%rem3A_205, %dma_wait3A_740, %dma_wait3A_741] : memref<2x25x80xi32, #tpu.memory_space<vmem>> -> memref<1x1x80xi32, #tpu.memory_space<vmem>>
      %dma_wait3A_743 = tpu.memref_squeeze %dma_wait3A_742 : memref<1x1x80xi32, #tpu.memory_space<vmem>> -> memref<80xi32, #tpu.memory_space<vmem>>
      %dma_wait3A_744 = arith.constant 0 : i32
      %dma_wait3A_745 = arith.constant 0 : i32
      %dma_wait3A_746 = tpu.memref_slice %arg11[%dma_wait3A_744, %dma_wait3A_745] : memref<10240x128xf32, #tpu.memory_space<vmem_shared>> -> memref<10240x128xf32, #tpu.memory_space<vmem_shared>>
      tpu.wait_indirect_dma semaphore(%arg13 : memref<!tpu.dma_semaphore, #tpu.memory_space<semaphore_mem>>) src(%arg9 : memref<80x128xf32, #tpu.memory_space<vmem>>) dst(%dma_wait3A_746 : memref<10240x128xf32, #tpu.memory_space<vmem_shared>>)
      %dma_start3A_747 = arith.constant 19 : i32
      %dma_start3A_748 = arith.constant 0 : i32
      %dma_start3A_749 = tpu.memref_slice %arg7[%rem3A_205, %dma_start3A_747, %dma_start3A_748] : memref<2x25x80xi32, #tpu.memory_space<vmem>> -> memref<1x1x80xi32, #tpu.memory_space<vmem>>
      %dma_start3A_750 = tpu.memref_squeeze %dma_start3A_749 : memref<1x1x80xi32, #tpu.memory_space<vmem>> -> memref<80xi32, #tpu.memory_space<vmem>>
      %dma_start3A_751 = arith.constant 0 : i32
      %dma_start3A_752 = arith.constant 0 : i32
      %dma_start3A_753 = tpu.memref_slice %arg2[%dma_start3A_751, %dma_start3A_752] : memref<10000x128xf32, #tpu.memory_space<hbm>> -> memref<10000x128xf32, #tpu.memory_space<hbm>>
      tpu.enqueue_indirect_dma source(%dma_start3A_753 : memref<10000x128xf32, #tpu.memory_space<hbm>>) target(%arg9 : memref<80x128xf32, #tpu.memory_space<vmem>>) offsets(%dma_start3A_750 : memref<80xi32, #tpu.memory_space<vmem>>) semaphore(%arg12 : memref<!tpu.dma_semaphore, #tpu.memory_space<semaphore_mem>>)
      %dma_start3A_754 = arith.constant 17 : i32
      %dma_start3A_755 = arith.constant 0 : i32
      %dma_start3A_756 = tpu.memref_slice %arg6[%rem3A_205, %dma_start3A_754, %dma_start3A_755] : memref<2x25x80xi32, #tpu.memory_space<vmem>> -> memref<1x1x80xi32, #tpu.memory_space<vmem>>
      %dma_start3A_757 = tpu.memref_squeeze %dma_start3A_756 : memref<1x1x80xi32, #tpu.memory_space<vmem>> -> memref<80xi32, #tpu.memory_space<vmem>>
      %dma_start3A_758 = arith.constant 0 : i32
      %dma_start3A_759 = arith.constant 0 : i32
      %dma_start3A_760 = tpu.memref_slice %arg11[%dma_start3A_758, %dma_start3A_759] : memref<10240x128xf32, #tpu.memory_space<vmem_shared>> -> memref<10240x128xf32, #tpu.memory_space<vmem_shared>>
      tpu.enqueue_indirect_dma source(%arg10 : memref<80x128xf32, #tpu.memory_space<vmem>>) target(%dma_start3A_760 : memref<10240x128xf32, #tpu.memory_space<vmem_shared>>) offsets(%dma_start3A_757 : memref<80xi32, #tpu.memory_space<vmem>>) semaphore(%arg13 : memref<!tpu.dma_semaphore, #tpu.memory_space<semaphore_mem>>) {add = true}
      %dma_wait3A_761 = arith.constant 18 : i32
      %dma_wait3A_762 = arith.constant 0 : i32
      %dma_wait3A_763 = tpu.memref_slice %arg7[%rem3A_205, %dma_wait3A_761, %dma_wait3A_762] : memref<2x25x80xi32, #tpu.memory_space<vmem>> -> memref<1x1x80xi32, #tpu.memory_space<vmem>>
      %dma_wait3A_764 = tpu.memref_squeeze %dma_wait3A_763 : memref<1x1x80xi32, #tpu.memory_space<vmem>> -> memref<80xi32, #tpu.memory_space<vmem>>
      %dma_wait3A_765 = arith.constant 0 : i32
      %dma_wait3A_766 = arith.constant 0 : i32
      %dma_wait3A_767 = tpu.memref_slice %arg2[%dma_wait3A_765, %dma_wait3A_766] : memref<10000x128xf32, #tpu.memory_space<hbm>> -> memref<10000x128xf32, #tpu.memory_space<hbm>>
      tpu.wait_indirect_dma semaphore(%arg12 : memref<!tpu.dma_semaphore, #tpu.memory_space<semaphore_mem>>) src(%dma_wait3A_767 : memref<10000x128xf32, #tpu.memory_space<hbm>>) dst(%arg8 : memref<80x128xf32, #tpu.memory_space<vmem>>)
      %dma_wait3A_768 = arith.constant 17 : i32
      %dma_wait3A_769 = arith.constant 0 : i32
      %dma_wait3A_770 = tpu.memref_slice %arg6[%rem3A_205, %dma_wait3A_768, %dma_wait3A_769] : memref<2x25x80xi32, #tpu.memory_space<vmem>> -> memref<1x1x80xi32, #tpu.memory_space<vmem>>
      %dma_wait3A_771 = tpu.memref_squeeze %dma_wait3A_770 : memref<1x1x80xi32, #tpu.memory_space<vmem>> -> memref<80xi32, #tpu.memory_space<vmem>>
      %dma_wait3A_772 = arith.constant 0 : i32
      %dma_wait3A_773 = arith.constant 0 : i32
      %dma_wait3A_774 = tpu.memref_slice %arg11[%dma_wait3A_772, %dma_wait3A_773] : memref<10240x128xf32, #tpu.memory_space<vmem_shared>> -> memref<10240x128xf32, #tpu.memory_space<vmem_shared>>
      tpu.wait_indirect_dma semaphore(%arg13 : memref<!tpu.dma_semaphore, #tpu.memory_space<semaphore_mem>>) src(%arg10 : memref<80x128xf32, #tpu.memory_space<vmem>>) dst(%dma_wait3A_774 : memref<10240x128xf32, #tpu.memory_space<vmem_shared>>)
      %dma_start3A_775 = arith.constant 20 : i32
      %dma_start3A_776 = arith.constant 0 : i32
      %dma_start3A_777 = tpu.memref_slice %arg7[%rem3A_205, %dma_start3A_775, %dma_start3A_776] : memref<2x25x80xi32, #tpu.memory_space<vmem>> -> memref<1x1x80xi32, #tpu.memory_space<vmem>>
      %dma_start3A_778 = tpu.memref_squeeze %dma_start3A_777 : memref<1x1x80xi32, #tpu.memory_space<vmem>> -> memref<80xi32, #tpu.memory_space<vmem>>
      %dma_start3A_779 = arith.constant 0 : i32
      %dma_start3A_780 = arith.constant 0 : i32
      %dma_start3A_781 = tpu.memref_slice %arg2[%dma_start3A_779, %dma_start3A_780] : memref<10000x128xf32, #tpu.memory_space<hbm>> -> memref<10000x128xf32, #tpu.memory_space<hbm>>
      tpu.enqueue_indirect_dma source(%dma_start3A_781 : memref<10000x128xf32, #tpu.memory_space<hbm>>) target(%arg10 : memref<80x128xf32, #tpu.memory_space<vmem>>) offsets(%dma_start3A_778 : memref<80xi32, #tpu.memory_space<vmem>>) semaphore(%arg12 : memref<!tpu.dma_semaphore, #tpu.memory_space<semaphore_mem>>)
      %dma_start3A_782 = arith.constant 18 : i32
      %dma_start3A_783 = arith.constant 0 : i32
      %dma_start3A_784 = tpu.memref_slice %arg6[%rem3A_205, %dma_start3A_782, %dma_start3A_783] : memref<2x25x80xi32, #tpu.memory_space<vmem>> -> memref<1x1x80xi32, #tpu.memory_space<vmem>>
      %dma_start3A_785 = tpu.memref_squeeze %dma_start3A_784 : memref<1x1x80xi32, #tpu.memory_space<vmem>> -> memref<80xi32, #tpu.memory_space<vmem>>
      %dma_start3A_786 = arith.constant 0 : i32
      %dma_start3A_787 = arith.constant 0 : i32
      %dma_start3A_788 = tpu.memref_slice %arg11[%dma_start3A_786, %dma_start3A_787] : memref<10240x128xf32, #tpu.memory_space<vmem_shared>> -> memref<10240x128xf32, #tpu.memory_space<vmem_shared>>
      tpu.enqueue_indirect_dma source(%arg8 : memref<80x128xf32, #tpu.memory_space<vmem>>) target(%dma_start3A_788 : memref<10240x128xf32, #tpu.memory_space<vmem_shared>>) offsets(%dma_start3A_785 : memref<80xi32, #tpu.memory_space<vmem>>) semaphore(%arg13 : memref<!tpu.dma_semaphore, #tpu.memory_space<semaphore_mem>>) {add = true}
      %dma_wait3A_789 = arith.constant 19 : i32
      %dma_wait3A_790 = arith.constant 0 : i32
      %dma_wait3A_791 = tpu.memref_slice %arg7[%rem3A_205, %dma_wait3A_789, %dma_wait3A_790] : memref<2x25x80xi32, #tpu.memory_space<vmem>> -> memref<1x1x80xi32, #tpu.memory_space<vmem>>
      %dma_wait3A_792 = tpu.memref_squeeze %dma_wait3A_791 : memref<1x1x80xi32, #tpu.memory_space<vmem>> -> memref<80xi32, #tpu.memory_space<vmem>>
      %dma_wait3A_793 = arith.constant 0 : i32
      %dma_wait3A_794 = arith.constant 0 : i32
      %dma_wait3A_795 = tpu.memref_slice %arg2[%dma_wait3A_793, %dma_wait3A_794] : memref<10000x128xf32, #tpu.memory_space<hbm>> -> memref<10000x128xf32, #tpu.memory_space<hbm>>
      tpu.wait_indirect_dma semaphore(%arg12 : memref<!tpu.dma_semaphore, #tpu.memory_space<semaphore_mem>>) src(%dma_wait3A_795 : memref<10000x128xf32, #tpu.memory_space<hbm>>) dst(%arg9 : memref<80x128xf32, #tpu.memory_space<vmem>>)
      %dma_wait3A_796 = arith.constant 18 : i32
      %dma_wait3A_797 = arith.constant 0 : i32
      %dma_wait3A_798 = tpu.memref_slice %arg6[%rem3A_205, %dma_wait3A_796, %dma_wait3A_797] : memref<2x25x80xi32, #tpu.memory_space<vmem>> -> memref<1x1x80xi32, #tpu.memory_space<vmem>>
      %dma_wait3A_799 = tpu.memref_squeeze %dma_wait3A_798 : memref<1x1x80xi32, #tpu.memory_space<vmem>> -> memref<80xi32, #tpu.memory_space<vmem>>
      %dma_wait3A_800 = arith.constant 0 : i32
      %dma_wait3A_801 = arith.constant 0 : i32
      %dma_wait3A_802 = tpu.memref_slice %arg11[%dma_wait3A_800, %dma_wait3A_801] : memref<10240x128xf32, #tpu.memory_space<vmem_shared>> -> memref<10240x128xf32, #tpu.memory_space<vmem_shared>>
      tpu.wait_indirect_dma semaphore(%arg13 : memref<!tpu.dma_semaphore, #tpu.memory_space<semaphore_mem>>) src(%arg8 : memref<80x128xf32, #tpu.memory_space<vmem>>) dst(%dma_wait3A_802 : memref<10240x128xf32, #tpu.memory_space<vmem_shared>>)
      %dma_start3A_803 = arith.constant 21 : i32
      %dma_start3A_804 = arith.constant 0 : i32
      %dma_start3A_805 = tpu.memref_slice %arg7[%rem3A_205, %dma_start3A_803, %dma_start3A_804] : memref<2x25x80xi32, #tpu.memory_space<vmem>> -> memref<1x1x80xi32, #tpu.memory_space<vmem>>
      %dma_start3A_806 = tpu.memref_squeeze %dma_start3A_805 : memref<1x1x80xi32, #tpu.memory_space<vmem>> -> memref<80xi32, #tpu.memory_space<vmem>>
      %dma_start3A_807 = arith.constant 0 : i32
      %dma_start3A_808 = arith.constant 0 : i32
      %dma_start3A_809 = tpu.memref_slice %arg2[%dma_start3A_807, %dma_start3A_808] : memref<10000x128xf32, #tpu.memory_space<hbm>> -> memref<10000x128xf32, #tpu.memory_space<hbm>>
      tpu.enqueue_indirect_dma source(%dma_start3A_809 : memref<10000x128xf32, #tpu.memory_space<hbm>>) target(%arg8 : memref<80x128xf32, #tpu.memory_space<vmem>>) offsets(%dma_start3A_806 : memref<80xi32, #tpu.memory_space<vmem>>) semaphore(%arg12 : memref<!tpu.dma_semaphore, #tpu.memory_space<semaphore_mem>>)
      %dma_start3A_810 = arith.constant 19 : i32
      %dma_start3A_811 = arith.constant 0 : i32
      %dma_start3A_812 = tpu.memref_slice %arg6[%rem3A_205, %dma_start3A_810, %dma_start3A_811] : memref<2x25x80xi32, #tpu.memory_space<vmem>> -> memref<1x1x80xi32, #tpu.memory_space<vmem>>
      %dma_start3A_813 = tpu.memref_squeeze %dma_start3A_812 : memref<1x1x80xi32, #tpu.memory_space<vmem>> -> memref<80xi32, #tpu.memory_space<vmem>>
      %dma_start3A_814 = arith.constant 0 : i32
      %dma_start3A_815 = arith.constant 0 : i32
      %dma_start3A_816 = tpu.memref_slice %arg11[%dma_start3A_814, %dma_start3A_815] : memref<10240x128xf32, #tpu.memory_space<vmem_shared>> -> memref<10240x128xf32, #tpu.memory_space<vmem_shared>>
      tpu.enqueue_indirect_dma source(%arg9 : memref<80x128xf32, #tpu.memory_space<vmem>>) target(%dma_start3A_816 : memref<10240x128xf32, #tpu.memory_space<vmem_shared>>) offsets(%dma_start3A_813 : memref<80xi32, #tpu.memory_space<vmem>>) semaphore(%arg13 : memref<!tpu.dma_semaphore, #tpu.memory_space<semaphore_mem>>) {add = true}
      %dma_wait3A_817 = arith.constant 20 : i32
      %dma_wait3A_818 = arith.constant 0 : i32
      %dma_wait3A_819 = tpu.memref_slice %arg7[%rem3A_205, %dma_wait3A_817, %dma_wait3A_818] : memref<2x25x80xi32, #tpu.memory_space<vmem>> -> memref<1x1x80xi32, #tpu.memory_space<vmem>>
      %dma_wait3A_820 = tpu.memref_squeeze %dma_wait3A_819 : memref<1x1x80xi32, #tpu.memory_space<vmem>> -> memref<80xi32, #tpu.memory_space<vmem>>
      %dma_wait3A_821 = arith.constant 0 : i32
      %dma_wait3A_822 = arith.constant 0 : i32
      %dma_wait3A_823 = tpu.memref_slice %arg2[%dma_wait3A_821, %dma_wait3A_822] : memref<10000x128xf32, #tpu.memory_space<hbm>> -> memref<10000x128xf32, #tpu.memory_space<hbm>>
      tpu.wait_indirect_dma semaphore(%arg12 : memref<!tpu.dma_semaphore, #tpu.memory_space<semaphore_mem>>) src(%dma_wait3A_823 : memref<10000x128xf32, #tpu.memory_space<hbm>>) dst(%arg10 : memref<80x128xf32, #tpu.memory_space<vmem>>)
      %dma_wait3A_824 = arith.constant 19 : i32
      %dma_wait3A_825 = arith.constant 0 : i32
      %dma_wait3A_826 = tpu.memref_slice %arg6[%rem3A_205, %dma_wait3A_824, %dma_wait3A_825] : memref<2x25x80xi32, #tpu.memory_space<vmem>> -> memref<1x1x80xi32, #tpu.memory_space<vmem>>
      %dma_wait3A_827 = tpu.memref_squeeze %dma_wait3A_826 : memref<1x1x80xi32, #tpu.memory_space<vmem>> -> memref<80xi32, #tpu.memory_space<vmem>>
      %dma_wait3A_828 = arith.constant 0 : i32
      %dma_wait3A_829 = arith.constant 0 : i32
      %dma_wait3A_830 = tpu.memref_slice %arg11[%dma_wait3A_828, %dma_wait3A_829] : memref<10240x128xf32, #tpu.memory_space<vmem_shared>> -> memref<10240x128xf32, #tpu.memory_space<vmem_shared>>
      tpu.wait_indirect_dma semaphore(%arg13 : memref<!tpu.dma_semaphore, #tpu.memory_space<semaphore_mem>>) src(%arg9 : memref<80x128xf32, #tpu.memory_space<vmem>>) dst(%dma_wait3A_830 : memref<10240x128xf32, #tpu.memory_space<vmem_shared>>)
      %dma_start3A_831 = arith.constant 22 : i32
      %dma_start3A_832 = arith.constant 0 : i32
      %dma_start3A_833 = tpu.memref_slice %arg7[%rem3A_205, %dma_start3A_831, %dma_start3A_832] : memref<2x25x80xi32, #tpu.memory_space<vmem>> -> memref<1x1x80xi32, #tpu.memory_space<vmem>>
      %dma_start3A_834 = tpu.memref_squeeze %dma_start3A_833 : memref<1x1x80xi32, #tpu.memory_space<vmem>> -> memref<80xi32, #tpu.memory_space<vmem>>
      %dma_start3A_835 = arith.constant 0 : i32
      %dma_start3A_836 = arith.constant 0 : i32
      %dma_start3A_837 = tpu.memref_slice %arg2[%dma_start3A_835, %dma_start3A_836] : memref<10000x128xf32, #tpu.memory_space<hbm>> -> memref<10000x128xf32, #tpu.memory_space<hbm>>
      tpu.enqueue_indirect_dma source(%dma_start3A_837 : memref<10000x128xf32, #tpu.memory_space<hbm>>) target(%arg9 : memref<80x128xf32, #tpu.memory_space<vmem>>) offsets(%dma_start3A_834 : memref<80xi32, #tpu.memory_space<vmem>>) semaphore(%arg12 : memref<!tpu.dma_semaphore, #tpu.memory_space<semaphore_mem>>)
      %dma_start3A_838 = arith.constant 20 : i32
      %dma_start3A_839 = arith.constant 0 : i32
      %dma_start3A_840 = tpu.memref_slice %arg6[%rem3A_205, %dma_start3A_838, %dma_start3A_839] : memref<2x25x80xi32, #tpu.memory_space<vmem>> -> memref<1x1x80xi32, #tpu.memory_space<vmem>>
      %dma_start3A_841 = tpu.memref_squeeze %dma_start3A_840 : memref<1x1x80xi32, #tpu.memory_space<vmem>> -> memref<80xi32, #tpu.memory_space<vmem>>
      %dma_start3A_842 = arith.constant 0 : i32
      %dma_start3A_843 = arith.constant 0 : i32
      %dma_start3A_844 = tpu.memref_slice %arg11[%dma_start3A_842, %dma_start3A_843] : memref<10240x128xf32, #tpu.memory_space<vmem_shared>> -> memref<10240x128xf32, #tpu.memory_space<vmem_shared>>
      tpu.enqueue_indirect_dma source(%arg10 : memref<80x128xf32, #tpu.memory_space<vmem>>) target(%dma_start3A_844 : memref<10240x128xf32, #tpu.memory_space<vmem_shared>>) offsets(%dma_start3A_841 : memref<80xi32, #tpu.memory_space<vmem>>) semaphore(%arg13 : memref<!tpu.dma_semaphore, #tpu.memory_space<semaphore_mem>>) {add = true}
      %dma_wait3A_845 = arith.constant 21 : i32
      %dma_wait3A_846 = arith.constant 0 : i32
      %dma_wait3A_847 = tpu.memref_slice %arg7[%rem3A_205, %dma_wait3A_845, %dma_wait3A_846] : memref<2x25x80xi32, #tpu.memory_space<vmem>> -> memref<1x1x80xi32, #tpu.memory_space<vmem>>
      %dma_wait3A_848 = tpu.memref_squeeze %dma_wait3A_847 : memref<1x1x80xi32, #tpu.memory_space<vmem>> -> memref<80xi32, #tpu.memory_space<vmem>>
      %dma_wait3A_849 = arith.constant 0 : i32
      %dma_wait3A_850 = arith.constant 0 : i32
      %dma_wait3A_851 = tpu.memref_slice %arg2[%dma_wait3A_849, %dma_wait3A_850] : memref<10000x128xf32, #tpu.memory_space<hbm>> -> memref<10000x128xf32, #tpu.memory_space<hbm>>
      tpu.wait_indirect_dma semaphore(%arg12 : memref<!tpu.dma_semaphore, #tpu.memory_space<semaphore_mem>>) src(%dma_wait3A_851 : memref<10000x128xf32, #tpu.memory_space<hbm>>) dst(%arg8 : memref<80x128xf32, #tpu.memory_space<vmem>>)
      %dma_wait3A_852 = arith.constant 20 : i32
      %dma_wait3A_853 = arith.constant 0 : i32
      %dma_wait3A_854 = tpu.memref_slice %arg6[%rem3A_205, %dma_wait3A_852, %dma_wait3A_853] : memref<2x25x80xi32, #tpu.memory_space<vmem>> -> memref<1x1x80xi32, #tpu.memory_space<vmem>>
      %dma_wait3A_855 = tpu.memref_squeeze %dma_wait3A_854 : memref<1x1x80xi32, #tpu.memory_space<vmem>> -> memref<80xi32, #tpu.memory_space<vmem>>
      %dma_wait3A_856 = arith.constant 0 : i32
      %dma_wait3A_857 = arith.constant 0 : i32
      %dma_wait3A_858 = tpu.memref_slice %arg11[%dma_wait3A_856, %dma_wait3A_857] : memref<10240x128xf32, #tpu.memory_space<vmem_shared>> -> memref<10240x128xf32, #tpu.memory_space<vmem_shared>>
      tpu.wait_indirect_dma semaphore(%arg13 : memref<!tpu.dma_semaphore, #tpu.memory_space<semaphore_mem>>) src(%arg10 : memref<80x128xf32, #tpu.memory_space<vmem>>) dst(%dma_wait3A_858 : memref<10240x128xf32, #tpu.memory_space<vmem_shared>>)
      %dma_start3A_859 = arith.constant 23 : i32
      %dma_start3A_860 = arith.constant 0 : i32
      %dma_start3A_861 = tpu.memref_slice %arg7[%rem3A_205, %dma_start3A_859, %dma_start3A_860] : memref<2x25x80xi32, #tpu.memory_space<vmem>> -> memref<1x1x80xi32, #tpu.memory_space<vmem>>
      %dma_start3A_862 = tpu.memref_squeeze %dma_start3A_861 : memref<1x1x80xi32, #tpu.memory_space<vmem>> -> memref<80xi32, #tpu.memory_space<vmem>>
      %dma_start3A_863 = arith.constant 0 : i32
      %dma_start3A_864 = arith.constant 0 : i32
      %dma_start3A_865 = tpu.memref_slice %arg2[%dma_start3A_863, %dma_start3A_864] : memref<10000x128xf32, #tpu.memory_space<hbm>> -> memref<10000x128xf32, #tpu.memory_space<hbm>>
      tpu.enqueue_indirect_dma source(%dma_start3A_865 : memref<10000x128xf32, #tpu.memory_space<hbm>>) target(%arg10 : memref<80x128xf32, #tpu.memory_space<vmem>>) offsets(%dma_start3A_862 : memref<80xi32, #tpu.memory_space<vmem>>) semaphore(%arg12 : memref<!tpu.dma_semaphore, #tpu.memory_space<semaphore_mem>>)
      %dma_start3A_866 = arith.constant 21 : i32
      %dma_start3A_867 = arith.constant 0 : i32
      %dma_start3A_868 = tpu.memref_slice %arg6[%rem3A_205, %dma_start3A_866, %dma_start3A_867] : memref<2x25x80xi32, #tpu.memory_space<vmem>> -> memref<1x1x80xi32, #tpu.memory_space<vmem>>
      %dma_start3A_869 = tpu.memref_squeeze %dma_start3A_868 : memref<1x1x80xi32, #tpu.memory_space<vmem>> -> memref<80xi32, #tpu.memory_space<vmem>>
      %dma_start3A_870 = arith.constant 0 : i32
      %dma_start3A_871 = arith.constant 0 : i32
      %dma_start3A_872 = tpu.memref_slice %arg11[%dma_start3A_870, %dma_start3A_871] : memref<10240x128xf32, #tpu.memory_space<vmem_shared>> -> memref<10240x128xf32, #tpu.memory_space<vmem_shared>>
      tpu.enqueue_indirect_dma source(%arg8 : memref<80x128xf32, #tpu.memory_space<vmem>>) target(%dma_start3A_872 : memref<10240x128xf32, #tpu.memory_space<vmem_shared>>) offsets(%dma_start3A_869 : memref<80xi32, #tpu.memory_space<vmem>>) semaphore(%arg13 : memref<!tpu.dma_semaphore, #tpu.memory_space<semaphore_mem>>) {add = true}
      %dma_wait3A_873 = arith.constant 22 : i32
      %dma_wait3A_874 = arith.constant 0 : i32
      %dma_wait3A_875 = tpu.memref_slice %arg7[%rem3A_205, %dma_wait3A_873, %dma_wait3A_874] : memref<2x25x80xi32, #tpu.memory_space<vmem>> -> memref<1x1x80xi32, #tpu.memory_space<vmem>>
      %dma_wait3A_876 = tpu.memref_squeeze %dma_wait3A_875 : memref<1x1x80xi32, #tpu.memory_space<vmem>> -> memref<80xi32, #tpu.memory_space<vmem>>
      %dma_wait3A_877 = arith.constant 0 : i32
      %dma_wait3A_878 = arith.constant 0 : i32
      %dma_wait3A_879 = tpu.memref_slice %arg2[%dma_wait3A_877, %dma_wait3A_878] : memref<10000x128xf32, #tpu.memory_space<hbm>> -> memref<10000x128xf32, #tpu.memory_space<hbm>>
      tpu.wait_indirect_dma semaphore(%arg12 : memref<!tpu.dma_semaphore, #tpu.memory_space<semaphore_mem>>) src(%dma_wait3A_879 : memref<10000x128xf32, #tpu.memory_space<hbm>>) dst(%arg9 : memref<80x128xf32, #tpu.memory_space<vmem>>)
      %dma_wait3A_880 = arith.constant 21 : i32
      %dma_wait3A_881 = arith.constant 0 : i32
      %dma_wait3A_882 = tpu.memref_slice %arg6[%rem3A_205, %dma_wait3A_880, %dma_wait3A_881] : memref<2x25x80xi32, #tpu.memory_space<vmem>> -> memref<1x1x80xi32, #tpu.memory_space<vmem>>
      %dma_wait3A_883 = tpu.memref_squeeze %dma_wait3A_882 : memref<1x1x80xi32, #tpu.memory_space<vmem>> -> memref<80xi32, #tpu.memory_space<vmem>>
      %dma_wait3A_884 = arith.constant 0 : i32
      %dma_wait3A_885 = arith.constant 0 : i32
      %dma_wait3A_886 = tpu.memref_slice %arg11[%dma_wait3A_884, %dma_wait3A_885] : memref<10240x128xf32, #tpu.memory_space<vmem_shared>> -> memref<10240x128xf32, #tpu.memory_space<vmem_shared>>
      tpu.wait_indirect_dma semaphore(%arg13 : memref<!tpu.dma_semaphore, #tpu.memory_space<semaphore_mem>>) src(%arg8 : memref<80x128xf32, #tpu.memory_space<vmem>>) dst(%dma_wait3A_886 : memref<10240x128xf32, #tpu.memory_space<vmem_shared>>)
      %dma_start3A_887 = arith.constant 24 : i32
      %dma_start3A_888 = arith.constant 0 : i32
      %dma_start3A_889 = tpu.memref_slice %arg7[%rem3A_205, %dma_start3A_887, %dma_start3A_888] : memref<2x25x80xi32, #tpu.memory_space<vmem>> -> memref<1x1x80xi32, #tpu.memory_space<vmem>>
      %dma_start3A_890 = tpu.memref_squeeze %dma_start3A_889 : memref<1x1x80xi32, #tpu.memory_space<vmem>> -> memref<80xi32, #tpu.memory_space<vmem>>
      %dma_start3A_891 = arith.constant 0 : i32
      %dma_start3A_892 = arith.constant 0 : i32
      %dma_start3A_893 = tpu.memref_slice %arg2[%dma_start3A_891, %dma_start3A_892] : memref<10000x128xf32, #tpu.memory_space<hbm>> -> memref<10000x128xf32, #tpu.memory_space<hbm>>
      tpu.enqueue_indirect_dma source(%dma_start3A_893 : memref<10000x128xf32, #tpu.memory_space<hbm>>) target(%arg8 : memref<80x128xf32, #tpu.memory_space<vmem>>) offsets(%dma_start3A_890 : memref<80xi32, #tpu.memory_space<vmem>>) semaphore(%arg12 : memref<!tpu.dma_semaphore, #tpu.memory_space<semaphore_mem>>)
      %dma_start3A_894 = arith.constant 22 : i32
      %dma_start3A_895 = arith.constant 0 : i32
      %dma_start3A_896 = tpu.memref_slice %arg6[%rem3A_205, %dma_start3A_894, %dma_start3A_895] : memref<2x25x80xi32, #tpu.memory_space<vmem>> -> memref<1x1x80xi32, #tpu.memory_space<vmem>>
      %dma_start3A_897 = tpu.memref_squeeze %dma_start3A_896 : memref<1x1x80xi32, #tpu.memory_space<vmem>> -> memref<80xi32, #tpu.memory_space<vmem>>
      %dma_start3A_898 = arith.constant 0 : i32
      %dma_start3A_899 = arith.constant 0 : i32
      %dma_start3A_900 = tpu.memref_slice %arg11[%dma_start3A_898, %dma_start3A_899] : memref<10240x128xf32, #tpu.memory_space<vmem_shared>> -> memref<10240x128xf32, #tpu.memory_space<vmem_shared>>
      tpu.enqueue_indirect_dma source(%arg9 : memref<80x128xf32, #tpu.memory_space<vmem>>) target(%dma_start3A_900 : memref<10240x128xf32, #tpu.memory_space<vmem_shared>>) offsets(%dma_start3A_897 : memref<80xi32, #tpu.memory_space<vmem>>) semaphore(%arg13 : memref<!tpu.dma_semaphore, #tpu.memory_space<semaphore_mem>>) {add = true}
      %dma_wait3A_901 = arith.constant 23 : i32
      %dma_wait3A_902 = arith.constant 0 : i32
      %dma_wait3A_903 = tpu.memref_slice %arg7[%rem3A_205, %dma_wait3A_901, %dma_wait3A_902] : memref<2x25x80xi32, #tpu.memory_space<vmem>> -> memref<1x1x80xi32, #tpu.memory_space<vmem>>
      %dma_wait3A_904 = tpu.memref_squeeze %dma_wait3A_903 : memref<1x1x80xi32, #tpu.memory_space<vmem>> -> memref<80xi32, #tpu.memory_space<vmem>>
      %dma_wait3A_905 = arith.constant 0 : i32
      %dma_wait3A_906 = arith.constant 0 : i32
      %dma_wait3A_907 = tpu.memref_slice %arg2[%dma_wait3A_905, %dma_wait3A_906] : memref<10000x128xf32, #tpu.memory_space<hbm>> -> memref<10000x128xf32, #tpu.memory_space<hbm>>
      tpu.wait_indirect_dma semaphore(%arg12 : memref<!tpu.dma_semaphore, #tpu.memory_space<semaphore_mem>>) src(%dma_wait3A_907 : memref<10000x128xf32, #tpu.memory_space<hbm>>) dst(%arg10 : memref<80x128xf32, #tpu.memory_space<vmem>>)
      %dma_wait3A_908 = arith.constant 22 : i32
      %dma_wait3A_909 = arith.constant 0 : i32
      %dma_wait3A_910 = tpu.memref_slice %arg6[%rem3A_205, %dma_wait3A_908, %dma_wait3A_909] : memref<2x25x80xi32, #tpu.memory_space<vmem>> -> memref<1x1x80xi32, #tpu.memory_space<vmem>>
      %dma_wait3A_911 = tpu.memref_squeeze %dma_wait3A_910 : memref<1x1x80xi32, #tpu.memory_space<vmem>> -> memref<80xi32, #tpu.memory_space<vmem>>
      %dma_wait3A_912 = arith.constant 0 : i32
      %dma_wait3A_913 = arith.constant 0 : i32
      %dma_wait3A_914 = tpu.memref_slice %arg11[%dma_wait3A_912, %dma_wait3A_913] : memref<10240x128xf32, #tpu.memory_space<vmem_shared>> -> memref<10240x128xf32, #tpu.memory_space<vmem_shared>>
      tpu.wait_indirect_dma semaphore(%arg13 : memref<!tpu.dma_semaphore, #tpu.memory_space<semaphore_mem>>) src(%arg9 : memref<80x128xf32, #tpu.memory_space<vmem>>) dst(%dma_wait3A_914 : memref<10240x128xf32, #tpu.memory_space<vmem_shared>>)
      %dma_start3A_915 = arith.constant 23 : i32
      %dma_start3A_916 = arith.constant 0 : i32
      %dma_start3A_917 = tpu.memref_slice %arg6[%rem3A_205, %dma_start3A_915, %dma_start3A_916] : memref<2x25x80xi32, #tpu.memory_space<vmem>> -> memref<1x1x80xi32, #tpu.memory_space<vmem>>
      %dma_start3A_918 = tpu.memref_squeeze %dma_start3A_917 : memref<1x1x80xi32, #tpu.memory_space<vmem>> -> memref<80xi32, #tpu.memory_space<vmem>>
      %dma_start3A_919 = arith.constant 0 : i32
      %dma_start3A_920 = arith.constant 0 : i32
      %dma_start3A_921 = tpu.memref_slice %arg11[%dma_start3A_919, %dma_start3A_920] : memref<10240x128xf32, #tpu.memory_space<vmem_shared>> -> memref<10240x128xf32, #tpu.memory_space<vmem_shared>>
      tpu.enqueue_indirect_dma source(%arg10 : memref<80x128xf32, #tpu.memory_space<vmem>>) target(%dma_start3A_921 : memref<10240x128xf32, #tpu.memory_space<vmem_shared>>) offsets(%dma_start3A_918 : memref<80xi32, #tpu.memory_space<vmem>>) semaphore(%arg13 : memref<!tpu.dma_semaphore, #tpu.memory_space<semaphore_mem>>) {add = true}
      %dma_wait3A_922 = arith.constant 24 : i32
      %dma_wait3A_923 = arith.constant 0 : i32
      %dma_wait3A_924 = tpu.memref_slice %arg7[%rem3A_205, %dma_wait3A_922, %dma_wait3A_923] : memref<2x25x80xi32, #tpu.memory_space<vmem>> -> memref<1x1x80xi32, #tpu.memory_space<vmem>>
      %dma_wait3A_925 = tpu.memref_squeeze %dma_wait3A_924 : memref<1x1x80xi32, #tpu.memory_space<vmem>> -> memref<80xi32, #tpu.memory_space<vmem>>
      %dma_wait3A_926 = arith.constant 0 : i32
      %dma_wait3A_927 = arith.constant 0 : i32
      %dma_wait3A_928 = tpu.memref_slice %arg2[%dma_wait3A_926, %dma_wait3A_927] : memref<10000x128xf32, #tpu.memory_space<hbm>> -> memref<10000x128xf32, #tpu.memory_space<hbm>>
      tpu.wait_indirect_dma semaphore(%arg12 : memref<!tpu.dma_semaphore, #tpu.memory_space<semaphore_mem>>) src(%dma_wait3A_928 : memref<10000x128xf32, #tpu.memory_space<hbm>>) dst(%arg8 : memref<80x128xf32, #tpu.memory_space<vmem>>)
      %dma_wait3A_929 = arith.constant 23 : i32
      %dma_wait3A_930 = arith.constant 0 : i32
      %dma_wait3A_931 = tpu.memref_slice %arg6[%rem3A_205, %dma_wait3A_929, %dma_wait3A_930] : memref<2x25x80xi32, #tpu.memory_space<vmem>> -> memref<1x1x80xi32, #tpu.memory_space<vmem>>
      %dma_wait3A_932 = tpu.memref_squeeze %dma_wait3A_931 : memref<1x1x80xi32, #tpu.memory_space<vmem>> -> memref<80xi32, #tpu.memory_space<vmem>>
      %dma_wait3A_933 = arith.constant 0 : i32
      %dma_wait3A_934 = arith.constant 0 : i32
      %dma_wait3A_935 = tpu.memref_slice %arg11[%dma_wait3A_933, %dma_wait3A_934] : memref<10240x128xf32, #tpu.memory_space<vmem_shared>> -> memref<10240x128xf32, #tpu.memory_space<vmem_shared>>
      tpu.wait_indirect_dma semaphore(%arg13 : memref<!tpu.dma_semaphore, #tpu.memory_space<semaphore_mem>>) src(%arg10 : memref<80x128xf32, #tpu.memory_space<vmem>>) dst(%dma_wait3A_935 : memref<10240x128xf32, #tpu.memory_space<vmem_shared>>)
      %dma_start3A_936 = arith.constant 24 : i32
      %dma_start3A_937 = arith.constant 0 : i32
      %dma_start3A_938 = tpu.memref_slice %arg6[%rem3A_205, %dma_start3A_936, %dma_start3A_937] : memref<2x25x80xi32, #tpu.memory_space<vmem>> -> memref<1x1x80xi32, #tpu.memory_space<vmem>>
      %dma_start3A_939 = tpu.memref_squeeze %dma_start3A_938 : memref<1x1x80xi32, #tpu.memory_space<vmem>> -> memref<80xi32, #tpu.memory_space<vmem>>
      %dma_start3A_940 = arith.constant 0 : i32
      %dma_start3A_941 = arith.constant 0 : i32
      %dma_start3A_942 = tpu.memref_slice %arg11[%dma_start3A_940, %dma_start3A_941] : memref<10240x128xf32, #tpu.memory_space<vmem_shared>> -> memref<10240x128xf32, #tpu.memory_space<vmem_shared>>
      tpu.enqueue_indirect_dma source(%arg8 : memref<80x128xf32, #tpu.memory_space<vmem>>) target(%dma_start3A_942 : memref<10240x128xf32, #tpu.memory_space<vmem_shared>>) offsets(%dma_start3A_939 : memref<80xi32, #tpu.memory_space<vmem>>) semaphore(%arg13 : memref<!tpu.dma_semaphore, #tpu.memory_space<semaphore_mem>>) {add = true}
      %dma_wait3A_943 = arith.constant 24 : i32
      %dma_wait3A_944 = arith.constant 0 : i32
      %dma_wait3A_945 = tpu.memref_slice %arg6[%rem3A_205, %dma_wait3A_943, %dma_wait3A_944] : memref<2x25x80xi32, #tpu.memory_space<vmem>> -> memref<1x1x80xi32, #tpu.memory_space<vmem>>
      %dma_wait3A_946 = tpu.memref_squeeze %dma_wait3A_945 : memref<1x1x80xi32, #tpu.memory_space<vmem>> -> memref<80xi32, #tpu.memory_space<vmem>>
      %dma_wait3A_947 = arith.constant 0 : i32
      %dma_wait3A_948 = arith.constant 0 : i32
      %dma_wait3A_949 = tpu.memref_slice %arg11[%dma_wait3A_947, %dma_wait3A_948] : memref<10240x128xf32, #tpu.memory_space<vmem_shared>> -> memref<10240x128xf32, #tpu.memory_space<vmem_shared>>
      tpu.wait_indirect_dma semaphore(%arg13 : memref<!tpu.dma_semaphore, #tpu.memory_space<semaphore_mem>>) src(%arg8 : memref<80x128xf32, #tpu.memory_space<vmem>>) dst(%dma_wait3A_949 : memref<10240x128xf32, #tpu.memory_space<vmem_shared>>)
      %dma_wait3A_950 = arith.constant 0 : i32
      %dma_wait3A_951 = arith.constant 0 : i32
      %dma_wait3A_952 = tpu.memref_slice %arg6[%sub3A_212, %dma_wait3A_950, %dma_wait3A_951] : memref<2x25x80xi32, #tpu.memory_space<vmem>> -> memref<1x25x80xi32, #tpu.memory_space<vmem>>
      %dma_wait3A_953 = tpu.memref_squeeze %dma_wait3A_952 : memref<1x25x80xi32, #tpu.memory_space<vmem>> -> memref<25x80xi32, #tpu.memory_space<vmem>>
      %dma_wait3A_954 = arith.constant 0 : i32
      %dma_wait3A_955 = arith.constant 0 : i32
      %dma_wait3A_956 = tpu.memref_slice %arg3[%add3A_211, %dma_wait3A_954, %dma_wait3A_955] : memref<160x25x80xi32, #tpu.memory_space<hbm>> -> memref<1x25x80xi32, #tpu.memory_space<hbm>>
      %dma_wait3A_957 = tpu.memref_squeeze %dma_wait3A_956 : memref<1x25x80xi32, #tpu.memory_space<hbm>> -> memref<25x80xi32, #tpu.memory_space<hbm>>
      %dma_wait3A_958 = arith.constant 0 : i32
      %dma_wait3A_959 = arith.constant 0 : i32
      %dma_wait3A_960 = tpu.memref_slice %arg6[%sub3A_212, %dma_wait3A_958, %dma_wait3A_959] : memref<2x25x80xi32, #tpu.memory_space<vmem>> -> memref<1x25x80xi32, #tpu.memory_space<vmem>>
      %dma_wait3A_961 = tpu.memref_squeeze %dma_wait3A_960 : memref<1x25x80xi32, #tpu.memory_space<vmem>> -> memref<25x80xi32, #tpu.memory_space<vmem>>
      %dma_wait3A_962 = arith.constant 0 : i32
      %dma_wait3A_963 = arith.constant 0 : i32
      %dma_wait3A_964 = tpu.memref_slice %arg3[%add3A_211, %dma_wait3A_962, %dma_wait3A_963] : memref<160x25x80xi32, #tpu.memory_space<hbm>> -> memref<1x25x80xi32, #tpu.memory_space<hbm>>
      %dma_wait3A_965 = tpu.memref_squeeze %dma_wait3A_964 : memref<1x25x80xi32, #tpu.memory_space<hbm>> -> memref<25x80xi32, #tpu.memory_space<hbm>>
      tpu.wait_dma2 semaphore(%arg14 : memref<!tpu.dma_semaphore, #tpu.memory_space<semaphore_mem>>) src(%dma_wait3A_965 : memref<25x80xi32, #tpu.memory_space<hbm>>) dst(%dma_wait3A_961 : memref<25x80xi32, #tpu.memory_space<vmem>>)
      %dma_wait3A_966 = arith.constant 0 : i32
      %dma_wait3A_967 = arith.constant 0 : i32
      %dma_wait3A_968 = tpu.memref_slice %arg7[%sub3A_233, %dma_wait3A_966, %dma_wait3A_967] : memref<2x25x80xi32, #tpu.memory_space<vmem>> -> memref<1x25x80xi32, #tpu.memory_space<vmem>>
      %dma_wait3A_969 = tpu.memref_squeeze %dma_wait3A_968 : memref<1x25x80xi32, #tpu.memory_space<vmem>> -> memref<25x80xi32, #tpu.memory_space<vmem>>
      %dma_wait3A_970 = arith.constant 0 : i32
      %dma_wait3A_971 = arith.constant 0 : i32
      %dma_wait3A_972 = tpu.memref_slice %arg4[%add3A_231, %dma_wait3A_970, %dma_wait3A_971] : memref<160x25x80xi32, #tpu.memory_space<hbm>> -> memref<1x25x80xi32, #tpu.memory_space<hbm>>
      %dma_wait3A_973 = tpu.memref_squeeze %dma_wait3A_972 : memref<1x25x80xi32, #tpu.memory_space<hbm>> -> memref<25x80xi32, #tpu.memory_space<hbm>>
      %dma_wait3A_974 = arith.constant 0 : i32
      %dma_wait3A_975 = arith.constant 0 : i32
      %dma_wait3A_976 = tpu.memref_slice %arg7[%sub3A_233, %dma_wait3A_974, %dma_wait3A_975] : memref<2x25x80xi32, #tpu.memory_space<vmem>> -> memref<1x25x80xi32, #tpu.memory_space<vmem>>
      %dma_wait3A_977 = tpu.memref_squeeze %dma_wait3A_976 : memref<1x25x80xi32, #tpu.memory_space<vmem>> -> memref<25x80xi32, #tpu.memory_space<vmem>>
      %dma_wait3A_978 = arith.constant 0 : i32
      %dma_wait3A_979 = arith.constant 0 : i32
      %dma_wait3A_980 = tpu.memref_slice %arg4[%add3A_231, %dma_wait3A_978, %dma_wait3A_979] : memref<160x25x80xi32, #tpu.memory_space<hbm>> -> memref<1x25x80xi32, #tpu.memory_space<hbm>>
      %dma_wait3A_981 = tpu.memref_squeeze %dma_wait3A_980 : memref<1x25x80xi32, #tpu.memory_space<hbm>> -> memref<25x80xi32, #tpu.memory_space<hbm>>
      tpu.wait_dma2 semaphore(%arg14 : memref<!tpu.dma_semaphore, #tpu.memory_space<semaphore_mem>>) src(%dma_wait3A_981 : memref<25x80xi32, #tpu.memory_space<hbm>>) dst(%dma_wait3A_977 : memref<25x80xi32, #tpu.memory_space<vmem>>)
      %scan3A_982 = arith.constant 0 : i32
      scf.yield %scan3A_982 : i32
    }
    %scan3A_196 = arith.constant 5 : i32
    %barrier3A_197 = arith.constant 0 : index
    tpu.barrier barrier_id(%barrier3A_197)
    %add3A_198 = arith.constant 2 : i32
    %add3A_199 = arith.addi %add3A_198, %arg0 : i32
    %mul3A_200 = arith.constant 10240 : i32
    %mul3A_201 = arith.muli %add3A_199, %mul3A_200 : i32
    %add3A_202 = arith.addi %mul3A_201, %mul3A_11 : i32
    "tpu.region"() ({
      %run_scoped3A_203 = tpu.sem_alloc : memref<!tpu.dma_semaphore, #tpu.memory_space<semaphore_mem>>
      %dma_start3A_204 = arith.constant 0 : i32
      %dma_start3A_205 = tpu.memref_slice %arg5[%add3A_202, %dma_start3A_204] : memref<40960x128xf32, #tpu.memory_space<hbm>> -> memref<640x128xf32, #tpu.memory_space<hbm>>
      %dma_start3A_206 = arith.constant 0 : i32
      %dma_start3A_207 = tpu.memref_slice %arg11[%mul3A_11, %dma_start3A_206] : memref<10240x128xf32, #tpu.memory_space<vmem_shared>> -> memref<640x128xf32, #tpu.memory_space<vmem_shared>>
      tpu.enqueue_dma source(%dma_start3A_207 : memref<640x128xf32, #tpu.memory_space<vmem_shared>>) target(%dma_start3A_205 : memref<640x128xf32, #tpu.memory_space<hbm>>) target_semaphore(%run_scoped3A_203 : memref<!tpu.dma_semaphore, #tpu.memory_space<semaphore_mem>>)
      %dma_wait3A_208 = arith.constant 0 : i32
      %dma_wait3A_209 = tpu.memref_slice %arg5[%add3A_202, %dma_wait3A_208] : memref<40960x128xf32, #tpu.memory_space<hbm>> -> memref<640x128xf32, #tpu.memory_space<hbm>>
      %dma_wait3A_210 = arith.constant 0 : i32
      %dma_wait3A_211 = tpu.memref_slice %arg11[%mul3A_11, %dma_wait3A_210] : memref<10240x128xf32, #tpu.memory_space<vmem_shared>> -> memref<640x128xf32, #tpu.memory_space<vmem_shared>>
      tpu.wait_dma2 semaphore(%run_scoped3A_203 : memref<!tpu.dma_semaphore, #tpu.memory_space<semaphore_mem>>) src(%dma_wait3A_211 : memref<640x128xf32, #tpu.memory_space<vmem_shared>>) dst(%dma_wait3A_209 : memref<640x128xf32, #tpu.memory_space<hbm>>)
      tpu.yield
    }) : () -> ()
    return
  }
}

module attributes {stable_mosaic.version = 14 : i64} {
  func.func @_tc_body(%arg0: i32, %arg1: memref<2048x128xf32, #tpu.memory_space<vmem>>, %arg2: memref<128x128xf32, #tpu.memory_space<vmem>>, %arg3: memref<2048x128xf32, #tpu.memory_space<vmem>>, %arg4: memref<2048x128xf32, #tpu.memory_space<vmem>>, %arg5: memref<2048x128xf32, #tpu.memory_space<vmem>>, %arg6: memref<2048x128xf32, #tpu.memory_space<vmem>>, %arg7: memref<2048x256xf32, #tpu.memory_space<vmem>>) attributes {dimension_semantics = [#tpu.dimension_semantics<arbitrary>], iteration_bounds = array<i64: 5>, scalar_prefetch = 0 : i64, scratch_operands = 0 : i64, tpu.core_type = #tpu.core_type<tc>, window_params = [{transform_indices = @transform_0, window_bounds = array<i64: 2048, 128>}, {pipeline_mode = #tpu.pipeline_mode<synchronous>, transform_indices = @transform_1, window_bounds = array<i64: 128, 128>}, {transform_indices = @transform_2, window_bounds = array<i64: 2048, 128>}, {transform_indices = @transform_3, window_bounds = array<i64: 2048, 128>}, {transform_indices = @transform_4, window_bounds = array<i64: 2048, 128>}, {transform_indices = @transform_5, window_bounds = array<i64: 2048, 128>}, {transform_indices = @transform_6, window_bounds = array<i64: 2048, 256>}]} {
    %get3A = arith.constant 0 : index
    %get3A_0 = arith.constant 0 : index
    %get3A_1 = vector.load %arg2[%get3A, %get3A_0] : memref<128x128xf32, #tpu.memory_space<vmem>>, vector<128x128xf32>
    %get3A_2 = arith.constant 0 : index
    %get3A_3 = arith.constant 0 : index
    %get3A_4 = vector.load %arg1[%get3A_2, %get3A_3] : memref<2048x128xf32, #tpu.memory_space<vmem>>, vector<2048x128xf32>
    %dot_general3A = arith.constant dense<0.000000e+00> : vector<2048x128xf32>
    %dot_general3A_5 = tpu.matmul %get3A_4, %get3A_1, %dot_general3A {dimension_numbers = #tpu.dot_dimension_numbers<[1], [0], [0], [1], [0, 0, 1, 1], [], []>, transpose_lhs_hint = false} : vector<2048x128xf32>, vector<128x128xf32>, vector<2048x128xf32> -> vector<2048x128xf32>
    %get3A_6 = arith.constant 0 : index
    %get3A_7 = arith.constant 0 : index
    %get3A_8 = vector.load %arg3[%get3A_6, %get3A_7] : memref<2048x128xf32, #tpu.memory_space<vmem>>, vector<2048x1xf32>
    %get3A_9 = arith.constant 0 : index
    %get3A_10 = arith.constant 0 : index
    %get3A_11 = vector.load %arg4[%get3A_9, %get3A_10] : memref<2048x128xf32, #tpu.memory_space<vmem>>, vector<2048x1xf32>
    %add3A = arith.addf %get3A_8, %get3A_11 : vector<2048x1xf32>
    %get3A_12 = arith.constant 0 : index
    %get3A_13 = arith.constant 0 : index
    %get3A_14 = vector.load %arg5[%get3A_12, %get3A_13] : memref<2048x128xf32, #tpu.memory_space<vmem>>, vector<2048x128xf32>
    %get3A_15 = arith.constant 0 : index
    %get3A_16 = arith.constant 0 : index
    %get3A_17 = vector.load %arg6[%get3A_15, %get3A_16] : memref<2048x128xf32, #tpu.memory_space<vmem>>, vector<2048x128xf32>
    %add3A_18 = arith.addf %get3A_14, %get3A_17 : vector<2048x128xf32>
    %max3A = arith.constant 1.000000e+00 : f32
    %max3A_19 = vector.broadcast %max3A : f32 to vector<2048x1xf32>
    %max3A_20 = arith.maximumf %add3A, %max3A_19 : vector<2048x1xf32>
    %div3A = vector.broadcast %max3A_20 : vector<2048x1xf32> to vector<2048x128xf32>
    %div3A_21 = arith.divf %add3A_18, %div3A : vector<2048x128xf32>
    %dot_general3A_22 = arith.constant dense<0.000000e+00> : vector<2048x128xf32>
    %dot_general3A_23 = tpu.matmul %div3A_21, %get3A_1, %dot_general3A_22 {dimension_numbers = #tpu.dot_dimension_numbers<[1], [0], [0], [1], [0, 0, 1, 1], [], []>, transpose_lhs_hint = false} : vector<2048x128xf32>, vector<128x128xf32>, vector<2048x128xf32> -> vector<2048x128xf32>
    %swap3A = arith.constant 0 : index
    %swap3A_24 = arith.constant 0 : index
    %swap3A_25 = vector.load %arg7[%swap3A, %swap3A_24] : memref<2048x256xf32, #tpu.memory_space<vmem>>, vector<2048x128xf32>
    tpu.vector_store %arg7[%swap3A, %swap3A_24], %dot_general3A_5 {strides = array<i32>} : memref<2048x256xf32, #tpu.memory_space<vmem>>, vector<2048x128xf32>,
    %swap3A_26 = arith.constant 0 : index
    %swap3A_27 = arith.constant 128 : index
    %swap3A_28 = vector.load %arg7[%swap3A_26, %swap3A_27] : memref<2048x256xf32, #tpu.memory_space<vmem>>, vector<2048x128xf32>
    tpu.vector_store %arg7[%swap3A_26, %swap3A_27], %dot_general3A_23 {strides = array<i32>} : memref<2048x256xf32, #tpu.memory_space<vmem>>, vector<2048x128xf32>,
    return
  }
  func.func @transform_0(%arg0: i32) -> (i32, i32) {
    %c0_i32 = arith.constant 0 : i32
    %c0_i32_0 = arith.constant 0 : i32
    return %arg0, %c0_i32 : i32, i32
  }
  func.func @transform_1(%arg0: i32) -> (i32, i32) {
    %c0_i32 = arith.constant 0 : i32
    %c0_i32_0 = arith.constant 0 : i32
    %c0_i32_1 = arith.constant 0 : i32
    return %c0_i32, %c0_i32_0 : i32, i32
  }
  func.func @transform_2(%arg0: i32) -> (i32, i32) {
    %c0_i32 = arith.constant 0 : i32
    %c0_i32_0 = arith.constant 0 : i32
    return %arg0, %c0_i32 : i32, i32
  }
  func.func @transform_3(%arg0: i32) -> (i32, i32) {
    %add3A = arith.constant 5 : i32
    %add3A_0 = arith.addi %arg0, %add3A : i32
    %c0_i32 = arith.constant 0 : i32
    %c0_i32_1 = arith.constant 0 : i32
    return %add3A_0, %c0_i32 : i32, i32
  }
  func.func @transform_4(%arg0: i32) -> (i32, i32) {
    %add3A = arith.constant 10 : i32
    %add3A_0 = arith.addi %arg0, %add3A : i32
    %c0_i32 = arith.constant 0 : i32
    %c0_i32_1 = arith.constant 0 : i32
    return %add3A_0, %c0_i32 : i32, i32
  }
  func.func @transform_5(%arg0: i32) -> (i32, i32) {
    %add3A = arith.constant 15 : i32
    %add3A_0 = arith.addi %arg0, %add3A : i32
    %c0_i32 = arith.constant 0 : i32
    %c0_i32_1 = arith.constant 0 : i32
    return %add3A_0, %c0_i32 : i32, i32
  }
  func.func @transform_6(%arg0: i32) -> (i32, i32) {
    %c0_i32 = arith.constant 0 : i32
    %c0_i32_0 = arith.constant 0 : i32
    return %arg0, %c0_i32 : i32, i32
  }
}

</mosaic_0001>

<sc_bundles>
// kernel: gc_sc_aggregate.3.cloned.1.call-start
scs
__scs_entry_jumppad:
0x0: {  	(pc) =	sbr.rel $0x88, $3  }
0x1: {  	(tag) =	ssettag $0x0;
	lr =	simm.s32 $0x1  }
0x2: {  	[smem:$0x3F9E] =	sst lr;
	_ =	strace $0xD0000000  }
0x3: {  	_ = 	snop  }
0x4: {  	_ = 	snop  }
0x5: {  	_ = 	snop  }
0x6: {  	_ = 	snop  }
0x7: {  	_ = 	snop  }
__scs_overlays_trampoline_lowered:
0x8: {  	[smem:$0x3FAD] =	sst s0  }
0x9: {  	[smem:$0x3FAE] =	sst s1  }
0xa: {  	[smem:$0x3FAF] =	sst s2  }
0xb: {  	[smem:$0x3FB0] =	sst s3  }
0xc: {  	[smem:$0x3FB1] =	sst s4  }
0xd: {  	[smem:$0x3FB2] =	sst s5  }
0xe: {  	[smem:$0x3FB3] =	sst s6  }
0xf: {  	[smem:$0x3FB4] =	sst s7  }
0x10: {  	[smem:$0x3FB5] =	sst s8  }
0x11: {  	[smem:$0x3FB6] =	sst s9;
	s0 =	simm.s32 @!p0 $0x0  }
0x12: {  	s1 =	sld [smem:$0x3F9C];
	s0 =	simm.s32 @p0 $0x1  }
0x13: {  	[smem:$0x3FB7] =	sst s0;
	s0 =	simm.s32 @!p1 $0x0  }
0x14: {  	s2 =	sld [smem:$0x3F9B];
	s0 =	simm.s32 @p1 $0x1  }
0x15: {  	[smem:$0x3FB8] =	sst s0;
	s0 =	simm.s32 @!p2 $0x0  }
0x16: {  	s3 =	sld [smem:$0x3FDB];
	s0 =	simm.s32 @p2 $0x1  }
0x17: {  	s4 =	simm.s32 $0x1BF5;
	[smem:$0x3FBA] =	sst s0  }
0x18: {  	s0 =	sld [smem:$0x3F9D];
	_ =	swait.ge [sflag:s4], $0x0  }
0x19: {  	s7 =	sld [smem:$0x3F9E]  }
0x1a: {  	s8 =	sadd.s32 $0xFFFFE003, lr  }
0x1b: {  	s9 =	sadd.s32 $0xFFFFFEF7, lr;
	s5 =	simm.s32 $0xFFFFFFFF;
	p2 =	slt.u32 s8, $0xFFFFF086  }
0x1c: {  	p1 =	slt.u32 s9, $0xF7A;
	s5 =	simm.s32 @!p2 $0x0  }
0x1d: {  	s5 =	simm.s32 @p1 $0x1;
	p0 =	seq.s32 s7, s2  }
0x1e: {  	s7 =	smul.u32 @!p0 $0xF7A, s2;
	p2 =	seq.s32 @!p0 s5, $0x0  }
0x1f: {  	s9 =	smul.u32 $0xF7A, s1;
	s8 =	simm.s32 @!p0 $0x1BF5;
	p2 =	por !p2, p0  }
0x20: {  	[sflag:s8] =	ssyncset.s32 @!p0 $0xFFFFF086;
	s6 =	sadd.s32 @!p0 s3, s7;
	s7 =	simm.s32 @!p0 $0x108  }
0x21: {  	s3 =	sadd.s32 s3, s9;
	s6 =	sadd.s32 @!p0 $0x88, s6;
	s7 =	simm.s32 @p2 $0x1082  }
0x22: {  	[simem:s7], [sflag:s8] =	dma.local @!p0 [hbm:s6], $0xF7A  }
0x23: {  	s9 =	sor.u32 $0xD0000000, s2;
	s6 =	simm.s32 $0x108;
	_ =	swait.ge @!p0 [sflag:s8], $0x0  }
0x24: {  	s3 =	sadd.s32 $0x88, s3;
	s6 =	simm.s32 @!p1 $0x1082;
	[sflag:s4] =	ssyncset.s32 $0xFFFFF086  }
0x25: {  	[simem:s6], [sflag:s4] =	dma.local [hbm:s3], $0xF7A  }
0x26: {  	[smem:$0x3F9E] =	sst s1;
	(tag) =	ssettag s2;
	_ =	strace s9  }
0x27: {  	s1 =	sld [smem:$0x3FAE]  }
0x28: {  	s2 =	sld [smem:$0x3FAF]  }
0x29: {  	s4 =	sld [smem:$0x3FB1]  }
0x2a: {  	p0 =	seq.s32 s5, $0x0;
	s5 =	sld [smem:$0x3FB2]  }
0x2b: {  	s6 =	sld [smem:$0x3FB3]  }
0x2c: {  	s7 =	sld [smem:$0x3FB4]  }
0x2d: {  	s3 =	simm.s32 $0x108;
	s8 =	sld [smem:$0x3FB5]  }
0x2e: {  	s3 =	simm.s32 @!p0 $0x1082;
	s9 =	sld [smem:$0x3FB6]  }
0x2f: {  	lr =	sadd.s32 s0, s3;
	s0 =	sld [smem:$0x3FAD]  }
0x30: {  	s3 =	sld [smem:$0x3FB0]  }
0x31: {  	[smem:$0x3FB9] =	sst s10  }
0x32: {  	s10 =	sld [smem:$0x3FB7];
	_ =	sdelay $0x3  }
0x33: {  	p0 =	seq.s32 s10, $0x1;
	s10 =	sld [smem:$0x3FB9];
	_ =	sdelay $0x3  }
0x34: {  	[smem:$0x3FB9] =	sst s10  }
0x35: {  	s10 =	sld [smem:$0x3FB8];
	_ =	sdelay $0x3  }
0x36: {  	p1 =	seq.s32 s10, $0x1;
	s10 =	sld [smem:$0x3FB9];
	_ =	sdelay $0x3  }
0x37: {  	[smem:$0x3FB9] =	sst s10  }
0x38: {  	s10 =	sld [smem:$0x3FBA]  }
0x39: {  	_ = 	snop;
	(pc) =	sbr.ind lr, $3  }
0x3a: {  	_ = 	snop  }
0x3b: {  	_ = 	snop  }
0x3c: {  	p2 =	seq.s32 s10, $0x1;
	s10 =	sld [smem:$0x3FB9]  }
0x3d: {  	_ =	shalt  }
0x3e: {  	_ =	shalt  }
0x3f: {  	_ =	shalt  }
0x40: {  	_ =	shalt  }
0x41: {  	_ =	shalt  }
0x42: {  	_ =	shalt  }
0x43: {  	_ =	shalt  }
0x44: {  	_ =	shalt  }
0x45: {  	_ =	shalt  }
0x46: {  	_ =	shalt  }
0x47: {  	_ =	shalt  }
0x48: {  	_ =	shalt  }
0x49: {  	_ =	shalt  }
0x4a: {  	_ =	shalt  }
0x4b: {  	_ =	shalt  }
0x4c: {  	_ =	shalt  }
0x4d: {  	_ =	shalt  }
0x4e: {  	_ =	shalt  }
0x4f: {  	_ =	shalt  }
0x50: {  	_ =	shalt  }
0x51: {  	_ =	shalt  }
0x52: {  	_ =	shalt  }
0x53: {  	_ =	shalt  }
0x54: {  	_ =	shalt  }
0x55: {  	_ =	shalt  }
0x56: {  	_ =	shalt  }
0x57: {  	_ =	shalt  }
0x58: {  	_ =	shalt  }
0x59: {  	_ =	shalt  }
0x5a: {  	_ =	shalt  }
0x5b: {  	_ =	shalt  }
0x5c: {  	_ =	shalt  }
0x5d: {  	_ =	shalt  }
0x5e: {  	_ =	shalt  }
0x5f: {  	_ =	shalt  }
0x60: {  	_ =	shalt  }
0x61: {  	_ =	shalt  }
0x62: {  	_ =	shalt  }
0x63: {  	_ =	shalt  }
0x64: {  	_ =	shalt  }
0x65: {  	_ =	shalt  }
0x66: {  	_ =	shalt  }
0x67: {  	_ =	shalt  }
0x68: {  	_ =	shalt  }
0x69: {  	_ =	shalt  }
0x6a: {  	_ =	shalt  }
0x6b: {  	_ =	shalt  }
0x6c: {  	_ =	shalt  }
0x6d: {  	_ =	shalt  }
0x6e: {  	_ =	shalt  }
0x6f: {  	_ =	shalt  }
0x70: {  	_ =	shalt  }
0x71: {  	_ =	shalt  }
0x72: {  	_ =	shalt  }
0x73: {  	_ =	shalt  }
0x74: {  	_ =	shalt  }
0x75: {  	_ =	shalt  }
0x76: {  	_ =	shalt  }
0x77: {  	_ =	shalt  }
0x78: {  	_ =	shalt  }
0x79: {  	_ =	shalt  }
0x7a: {  	_ =	shalt  }
0x7b: {  	_ =	shalt  }
0x7c: {  	_ =	shalt  }
0x7d: {  	_ =	shalt  }
0x7e: {  	_ =	shalt  }
0x7f: {  	_ =	shalt  }
0x80: {  	_ =	shalt  }
0x81: {  	_ =	shalt  }
0x82: {  	_ =	shalt  }
0x83: {  	_ =	shalt  }
0x84: {  	_ =	shalt  }
0x85: {  	_ =	shalt  }
0x86: {  	_ =	shalt  }
0x87: {  	_ =	shalt  }
.Lfunc_end0:
.L_simem_size_0:
called_computation_lowered:
.L_overlay_start_0:
0x88: {  	s2 =	sld [smem:$0x3FD9]  }
0x89: {  	s3 =	sld [smem:$0x3FFE];
	_ =	sdelay $0x1  }
0x8a: {  	s1 =	srdreg.scid  }
0x8b: {  	s0 =	sand.u32 $0x1, s1  }
0x8c: {  	s17 =	sshll.u32 s0, $0xA;
	s2 =	sadd.s32 s3, s2  }
0x8d: {  	s2 =	sadd.s32 s2, s17  }
0x8e: {  	[smem:$0x3FC5] =	sst s2  }
0x8f: {  	_ = 	snop  }
0x90: {  	s2 =	sld [smem:$0x3FC9]  }
0x91: {  	s18 =	sld [smem:$0x3FD0];
	(tm) =	ssettm $0x1  }
0x92: {  	s4 =	sld [smem:$0x3FFB];
	_ =	sdelay $0x3  }
0x93: {  	_ =	strace s4  }
0x94: {  	s4 =	sld [smem:$0x3FFC];
	_ =	sdelay $0x3  }
0x95: {  	_ =	strace s4  }
0x96: {  	s4 =	sld [smem:$0x3FFD];
	_ =	sdelay $0x3  }
0x97: {  	_ =	strace s4  }
0x98: {  	_ =	strace $0x8FFFFFFF  }
0x99: {  	s19 =	sld [smem:$0x3FDB];
	_ =	sdelay $0x1  }
0x9a: {  	s5 =	simm.s32 $_scs_section_size  }
0x9b: {  	s6 =	simm.s32 $_size__tile_overlayer_lowered;
	s7 =	simm.s32 $_tile_overlayer_lowered  }
0x9c: {  	s22 =	simm.s32 $0x1BFF;
	s21 =	sshll.u32 s7, $0x1;
	s4 =	sadd.s32 s5, s19  }
0x9d: {  	s8 =	simm.s32 $0x0;
	s20 =	sshll.u32 s6, $0x1;
	s6 =	sadd.s32 s21, s4  }
0x9e: {  	[timem:s8], [sflag:s22] =	dma.local [hbm:s6], s20  }
0x9f: {  	_ =	swait.ge [sflag:s22], s20  }
0xa0: {  	s5 =	ssub.s32 $0x0, s20;
	[sflag:s22] =	ssyncset.done $0x0  }
0xa1: {  	[sflag:s22] =	ssyncadd.s32 s5;
	_ =	sdelay $0x1  }
0xa2: {  	s23 =	simm.s32 $0x1B8B  }
0xa3: {  	_ =	swait.ge [sflag:s23], $0x1  }
0xa4: {  	[sflag:s23] =	ssyncset.done $0x0  }
0xa5: {  	s25 =	simm.s32 $0x1B8E;
	s24 =	sld [smem:$0x3FFE];
	[sflag:s23] =	ssyncadd.s32 $0xFFFFFFFF  }
0xa6: {  	s26 =	simm.s32 $execute0_lowered;
	[smem:$0x3FD2] =	sst s25  }
0xa7: {  	s6 =	sshll.u32 s26, $0x1;
	_ =	strace $0x80000046;
	[dreg:$0x1] =	wrdreg $0xFFFFFFFF  }
0xa8: {  	s28 =	simm.s32 $_size_execute0_lowered;
	s4 =	sadd.s32 s4, s6;
	[dreg:$0x0] =	wrdreg $0x0  }
0xa9: {  	s6 =	sshll.u32 s28, $0x1;
	[dreg:$0x2] =	wrdreg s4  }
0xaa: {  	[dreg:$0x3] =	wrdreg s6  }
0xab: {  	[dreg:$0x4] =	wrdreg $0xC0  }
0xac: {  	_ =	task [dreg:s8], $0x5FFFF  }
0xad: {  	[dreg:$0x1] =	wrdreg $0xFFFFFFFF  }
0xae: {  	[dreg:$0x0] =	wrdreg $0x60  }
0xaf: {  	[dreg:$0x2] =	wrdreg s2  }
0xb0: {  	[dreg:$0x3] =	wrdreg s18  }
0xb1: {  	[dreg:$0x4] =	wrdreg s24  }
0xb2: {  	[dreg:$0x5] =	wrdreg $0xB8000  }
0xb3: {  	[dreg:$0x6] =	wrdreg $0x9  }
0xb4: {  	_ =	task.clear_ibuf [dreg:s8], $0x7FFFF;
	_ =	strace $0x90000046  }
0xb5: {  	s29 =	simm.s32 $0x9;
	_ =	strace $0x80000048  }
0xb6: {  	_ =	swait.ge [sflag:s29], $0x1  }
0xb7: {  	[sflag:s29] =	ssyncadd.s32 $0xFFFFFFFF  }
0xb8: {  	_ =	strace $0x90000048  }
0xb9: {  	_ =	sfence  }
0xba: {  	s30 =	sld [smem:$0x0];
	_ =	sdelay $0x2  }
0xbb: {  	s31 =	sshll.u32 s1, $0xD;
	s1 =	sshrl.u32 s1, $0x2  }
0xbc: {  	s3 =	sand.u32 $0x4000, s31;
	s1 =	sadd.s32 s1, s30  }
0xbd: {  	s0 =	sor.u32 s3, s0;
	s1 =	sshll.u32 s1, $0x11  }
0xbe: {  	s0 =	sor.u32 s1, s0  }
0xbf: {  	s0 =	sadd.s32 $0x8F2B, s0  }
0xc0: {  	[sflag:s0] =	ssyncadd.remote.s32 $0x1  }
0xc1: {  	_ =	sfence.sel $0xFFFF  }
0xc2: {  	[dreg:$0x0] =	wrdreg $0xFFFFFFFF;
	(pc) =	sbr.abs _section_cstart, $3  }
0xc3: {  	[dreg:$0x1] =	wrdreg $0xFFFFFFFF  }
0xc4: {  	_ =	task.clear_ibuf [dreg:s8], $0x2FFFF;
	_ =	strace $0x9FFFFFFF  }
0xc5: {  	(tm) =	ssettm $0x7FFFFFFF  }
tec
execute0_lowered:
.L_overlay_start_1:
0x0: {  	(tag) =	ssettag $0x1  }
0x1: {  	s1 =	rddreg [dreg:$0x0]  }
0x2: {  	s2 =	rddreg [dreg:$0x1];
	s0 =	srdreg.scid  }
0x3: {  	s10 =	stileid.u32;
	s3 =	rddreg [dreg:$0x2]  }
0x4: {  	s4 =	rddreg [dreg:$0x3];
	s5 =	simm.s32 $0x0;
	s29 =	simm.s32 $0x6800  }
0x5: {  	s30 =	simm.s32 $0x3;
	s31 =	simm.s32 $0x0;
	s6 =	smul.u32 $0x280, s10  }
0x6: {  	s0 =	sand.u32 $0x1, s0;
	[smem:$0x7FF] =	sst s5;
	s8 =	smul.u32 $0x50000, s10  }
0x7: {  	s7 =	smul.u32 $0x2800, s0;
	s21 =	ssub.s32 $0x2, s0;
	s0 =	sshll.u32 s0, $0x4  }
0x8: {  	_ =	strace $0x80000047;
	s9 =	sshrl.u32 s21, $0x1;
	s0 =	sor.u32 s10, s0  }
0x9: {  	s8 =	sshrl.u32 s8, $0x2;
	s6 =	sadd.s32 s6, s7;
	s23 =	smul.u32 $0xA00, s0  }
0xa: {  	s17 =	ssub.s32 s21, s9;
	s15 =	smul.u32 $0x5, s0;
	s21 =	simm.s32 $0x4000  }
0xb: {  	s7 =	sshll.u32 s6, $0x4;
	s6 =	sadd.s32 $0x600, s3;
	s28 =	smax.u32 s17, $0x1  }
0xc: {  	s3 =	sadd.s32 s7, s3;
	s7 =	sadd.s32 s8, s4;
	s16 =	sadd.s32 s2, s23  }
0xd: {  	s25 =	sadd.s32 s6, s23;
	[dreg:$0xa] =	wrdreg s28;
	s23 =	simm.s32 $0x4  }
0xe: {  	s9 =	sadd.s32 $0x2800, s7;
	s8 =	sadd.s32 $0xA000, s7;
	[dreg:$0x8] =	wrdreg s25  }
0xf: {  	s19 =	sadd.s32 $0x5000, s7;
	s22 =	sadd.s32 $0xC800, s7;
	[dreg:$0x5] =	wrdreg s8  }
0x10: {  	s20 =	sadd.s32 $0x7800, s7;
	s24 =	sadd.s32 $0x14600, s3;
	[dreg:$0x6] =	wrdreg s22  }
0x11: {  	s13 =	sadd.s32 $0xF000, s7;
	s26 =	sadd.s32 $0x64600, s3;
	[dreg:$0x7] =	wrdreg s24  }
0x12: {  	s14 =	sadd.s32 $0x11800, s7;
	s25 =	simm.s32 $0x9000;
	[dreg:$0x9] =	wrdreg s26  }
0x13: {  	v0 =	vimm.f32 $0.0e+00;
	v1 =	vimm.f32 $1.000000000e+00;
	s22 =	simm.s32 $0x2;
	s24 =	simm.s32 $0x50;
	s26 =	simm.s32 $0x1  }
.LBB2_1:
0x14: {  	s0 =	simm.s32 $0x0;
	s3 =	simm.s32 $0x200  }
.LBB2_2:
0x15: {  	p0 =	sne.s32 s3, $0x9E00;
	[tilespmem:s0+$0x9070] =	vst v1  }
0x16: {  	[tilespmem:s0+$0x4000] =	vst v0  }
0x17: {  	[tilespmem:s0+$0x9000] =	vst v1  }
0x18: {  	[tilespmem:s0+$0x4010] =	vst v0  }
0x19: {  	[tilespmem:s0+$0x9010] =	vst v1  }
0x1a: {  	[tilespmem:s0+$0x4020] =	vst v0  }
0x1b: {  	[tilespmem:s0+$0x9020] =	vst v1  }
0x1c: {  	[tilespmem:s0+$0x4030] =	vst v0  }
0x1d: {  	[tilespmem:s0+$0x9030] =	vst v1  }
0x1e: {  	[tilespmem:s0+$0x4040] =	vst v0  }
0x1f: {  	[tilespmem:s0+$0x9040] =	vst v1  }
.Ltmp0:
0x20: {  	[tilespmem:s0+$0x4050] =	vst v0;
	(pc) =	sbr.rel @p0 .LBB2_2-.Ltmp0, $4  }
0x21: {  	[tilespmem:s0+$0x9050] =	vst v1  }
0x22: {  	[tilespmem:s0+$0x4060] =	vst v0  }
0x23: {  	[tilespmem:s0+$0x9060] =	vst v1  }
0x24: {  	[tilespmem:s0+$0x4070] =	vst v0;
	s0 =	sshra.s32 s3, $0x2;
	s3 =	sadd.s32 $0x200, s3  }
0x25: {  	[tilespmem:s0+$0x9070] =	vst v1  }
0x26: {  	[tilespmem:s0+$0x4000] =	vst v0  }
0x27: {  	[tilespmem:s0+$0x9000] =	vst v1  }
0x28: {  	[tilespmem:s0+$0x4010] =	vst v0  }
0x29: {  	[tilespmem:s0+$0x9010] =	vst v1  }
0x2a: {  	[tilespmem:s0+$0x4020] =	vst v0  }
0x2b: {  	[tilespmem:s0+$0x9020] =	vst v1  }
0x2c: {  	[tilespmem:s0+$0x4030] =	vst v0  }
0x2d: {  	[tilespmem:s0+$0x9030] =	vst v1  }
0x2e: {  	[tilespmem:s0+$0x4040] =	vst v0  }
0x2f: {  	[tilespmem:s0+$0x9040] =	vst v1  }
0x30: {  	[tilespmem:s0+$0x4050] =	vst v0  }
0x31: {  	[tilespmem:s0+$0x9050] =	vst v1  }
0x32: {  	[tilespmem:s0+$0x4060] =	vst v0  }
0x33: {  	[tilespmem:s0+$0x9060] =	vst v1  }
0x34: {  	[tilespmem:s0+$0x4070] =	vst v0  }
0x35: {  	[spmem:s7] =	stream.linear.scatter [tilespmem:s21], [sflag:$0x2], $0x2800, $0x38;
	[tilespmem:$0x1F800] =	vst v63  }
0x36: {  	_ = 	snop  }
0x37: {  	[spmem:s9] =	stream.linear.scatter [tilespmem:s21], [sflag:$0x2], $0x2800, $0x38;
	[tilespmem:$0x1F800] =	vst v63  }
0x38: {  	_ = 	snop  }
0x39: {  	[spmem:s19] =	stream.linear.scatter [tilespmem:s21], [sflag:$0x2], $0x2800, $0x38;
	[tilespmem:$0x1F800] =	vst v63  }
0x3a: {  	_ = 	snop  }
0x3b: {  	[spmem:s20] =	stream.linear.scatter [tilespmem:s21], [sflag:$0x2], $0x2800, $0x38;
	[tilespmem:$0x1F800] =	vst v63  }
0x3c: {  	s8 =	rddreg [dreg:$0x5]  }
0x3d: {  	[spmem:s8] =	stream.linear.scatter [tilespmem:s21], [sflag:$0x2], $0x2800, $0x38;
	[tilespmem:$0x1F800] =	vst v63  }
0x3e: {  	s10 =	rddreg [dreg:$0x6]  }
0x3f: {  	[spmem:s10] =	stream.linear.scatter [tilespmem:s21], [sflag:$0x2], $0x2800, $0x38;
	[tilespmem:$0x1F800] =	vst v63  }
0x40: {  	_ = 	snop  }
0x41: {  	[spmem:s13] =	stream.linear.scatter [tilespmem:s21], [sflag:$0x2], $0x2800, $0x38;
	[tilespmem:$0x1F800] =	vst v63  }
0x42: {  	_ = 	snop  }
0x43: {  	[spmem:s14] =	stream.linear.scatter [tilespmem:s21], [sflag:$0x2], $0x2800, $0x38;
	[tilespmem:$0x1F800] =	vst v63  }
0x44: {  	_ =	swait.ge [sflag:s22], $0x2800  }
0x45: {  	[sflag:s22] =	ssyncset.done $0x0  }
0x46: {  	[sflag:s22] =	ssyncadd.s32 $0xFFFFD800  }
0x47: {  	_ =	swait.ge [sflag:s22], $0x2800  }
0x48: {  	[sflag:s22] =	ssyncset.done $0x0  }
0x49: {  	[sflag:s22] =	ssyncadd.s32 $0xFFFFD800  }
0x4a: {  	_ =	swait.ge [sflag:s22], $0x2800  }
0x4b: {  	[sflag:s22] =	ssyncset.done $0x0  }
0x4c: {  	[sflag:s22] =	ssyncadd.s32 $0xFFFFD800  }
0x4d: {  	_ =	swait.ge [sflag:s22], $0x2800  }
0x4e: {  	[sflag:s22] =	ssyncset.done $0x0  }
0x4f: {  	[sflag:s22] =	ssyncadd.s32 $0xFFFFD800  }
0x50: {  	_ =	swait.ge [sflag:s22], $0x2800  }
0x51: {  	[sflag:s22] =	ssyncset.done $0x0  }
0x52: {  	[sflag:s22] =	ssyncadd.s32 $0xFFFFD800  }
0x53: {  	_ =	swait.ge [sflag:s22], $0x2800  }
0x54: {  	[sflag:s22] =	ssyncset.done $0x0  }
0x55: {  	[sflag:s22] =	ssyncadd.s32 $0xFFFFD800  }
0x56: {  	_ =	swait.ge [sflag:s22], $0x2800  }
0x57: {  	[sflag:s22] =	ssyncset.done $0x0  }
0x58: {  	[sflag:s22] =	ssyncadd.s32 $0xFFFFD800  }
0x59: {  	_ =	swait.ge [sflag:s22], $0x2800  }
0x5a: {  	[sflag:s22] =	ssyncset.done $0x0  }
0x5b: {  	s3 =	simm.s32 $0x1;
	[sflag:s22] =	ssyncadd.s32 $0xFFFFD800  }
0x5c: {  	s11 =	simm.s32 $0x0;
	s3 =	smin.u32 s3, $0x4;
	[bflag:$0x0] =	sbarrier.arrive $0xFFFF  }
0x5d: {  	[tilespmem:s11], [sflag:$0x4] =	stream.linear.gather [hbm4b:s16+s11], $0xC80, $0x38;
	[tilespmem:$0x1F800] =	vst v63  }
0x5e: {  	s3 =	sadd.s32 s15, s3;
	_ =	swait.ge [sflag:s23], $0xC80  }
0x5f: {  	s0 =	sand.u32 $0x1000, s11;
	s3 =	sshll.u32 s3, $0x9;
	[sflag:s23] =	ssyncset.done $0x0  }
0x60: {  	s3 =	sadd.s32 s2, s3;
	s8 =	sxor.u32 $0x1000, s0;
	[sflag:s23] =	ssyncadd.s32 $0xFFFFF380  }
0x61: {  	[tilespmem:s8], [sflag:$0x1] =	stream.linear.gather [hbm4b:s3+s5], $0xC80, $0x38;
	[tilespmem:$0x1F800] =	vst v63  }
0x62: {  	_ = 	snop  }
0x63: {  	[spmem:s4] =	stream.indirect.scatter.add.f32 [tilespmem:s25], [sflag:$0x2], $0x80, s0, s24, $0xb8;
	[tilespmem:$0x1F800] =	vst v63  }
0x64: {  	s12 =	sor.u32 $0x80, s0  }
0x65: {  	[spmem:s4] =	stream.indirect.scatter.add.f32 [tilespmem:s25], [sflag:$0x2], $0x80, s12, s24, $0xb8;
	[tilespmem:$0x1F800] =	vst v63  }
0x66: {  	s17 =	sor.u32 $0x100, s0  }
0x67: {  	[spmem:s4] =	stream.indirect.scatter.add.f32 [tilespmem:s25], [sflag:$0x2], $0x80, s17, s24, $0xb8;
	[tilespmem:$0x1F800] =	vst v63  }
0x68: {  	s18 =	sor.u32 $0x180, s0  }
0x69: {  	[spmem:s4] =	stream.indirect.scatter.add.f32 [tilespmem:s25], [sflag:$0x2], $0x80, s18, s24, $0xb8;
	[tilespmem:$0x1F800] =	vst v63  }
0x6a: {  	_ =	swait.ge [sflag:s22], $0x2800  }
0x6b: {  	[sflag:s22] =	ssyncset.done $0x0  }
0x6c: {  	s28 =	sor.u32 $0x200, s0;
	[sflag:s22] =	ssyncadd.s32 $0xFFFFD800  }
0x6d: {  	[spmem:s4] =	stream.indirect.scatter.add.f32 [tilespmem:s25], [sflag:$0x2], $0x80, s28, s24, $0xb8;
	[tilespmem:$0x1F800] =	vst v63  }
0x6e: {  	_ =	swait.ge [sflag:s22], $0x2800  }
0x6f: {  	[sflag:s22] =	ssyncset.done $0x0  }
0x70: {  	s8 =	sor.u32 $0x280, s0;
	[sflag:s22] =	ssyncadd.s32 $0xFFFFD800  }
0x71: {  	[spmem:s4] =	stream.indirect.scatter.add.f32 [tilespmem:s25], [sflag:$0x2], $0x80, s8, s24, $0xb8;
	[tilespmem:$0x1F800] =	vst v63  }
0x72: {  	_ =	swait.ge [sflag:s22], $0x2800  }
0x73: {  	[sflag:s22] =	ssyncset.done $0x0  }
0x74: {  	s10 =	sor.u32 $0x300, s0;
	[sflag:s22] =	ssyncadd.s32 $0xFFFFD800  }
0x75: {  	[spmem:s4] =	stream.indirect.scatter.add.f32 [tilespmem:s25], [sflag:$0x2], $0x80, s10, s24, $0xb8;
	[tilespmem:$0x1F800] =	vst v63  }
0x76: {  	_ =	swait.ge [sflag:s22], $0x2800  }
0x77: {  	[sflag:s22] =	ssyncset.done $0x0  }
0x78: {  	s11 =	sor.u32 $0x380, s0;
	[sflag:s22] =	ssyncadd.s32 $0xFFFFD800  }
0x79: {  	[spmem:s4] =	stream.indirect.scatter.add.f32 [tilespmem:s25], [sflag:$0x2], $0x80, s11, s24, $0xb8;
	[tilespmem:$0x1F800] =	vst v63  }
0x7a: {  	_ =	swait.ge [sflag:s22], $0x2800  }
0x7b: {  	[sflag:s22] =	ssyncset.done $0x0  }
0x7c: {  	s12 =	sor.u32 $0x400, s0;
	[sflag:s22] =	ssyncadd.s32 $0xFFFFD800  }
0x7d: {  	[spmem:s4] =	stream.indirect.scatter.add.f32 [tilespmem:s25], [sflag:$0x2], $0x80, s12, s24, $0xb8;
	[tilespmem:$0x1F800] =	vst v63  }
0x7e: {  	_ =	swait.ge [sflag:s22], $0x2800  }
0x7f: {  	[sflag:s22] =	ssyncset.done $0x0  }
0x80: {  	s17 =	sor.u32 $0x480, s0;
	[sflag:s22] =	ssyncadd.s32 $0xFFFFD800  }
0x81: {  	[spmem:s4] =	stream.indirect.scatter.add.f32 [tilespmem:s25], [sflag:$0x2], $0x80, s17, s24, $0xb8;
	[tilespmem:$0x1F800] =	vst v63  }
0x82: {  	_ =	swait.ge [sflag:s22], $0x2800  }
0x83: {  	[sflag:s22] =	ssyncset.done $0x0  }
0x84: {  	s18 =	sor.u32 $0x500, s0;
	[sflag:s22] =	ssyncadd.s32 $0xFFFFD800  }
0x85: {  	[spmem:s4] =	stream.indirect.scatter.add.f32 [tilespmem:s25], [sflag:$0x2], $0x80, s18, s24, $0xb8;
	[tilespmem:$0x1F800] =	vst v63  }
0x86: {  	_ =	swait.ge [sflag:s22], $0x2800  }
0x87: {  	[sflag:s22] =	ssyncset.done $0x0  }
0x88: {  	s28 =	sor.u32 $0x580, s0;
	[sflag:s22] =	ssyncadd.s32 $0xFFFFD800  }
0x89: {  	[spmem:s4] =	stream.indirect.scatter.add.f32 [tilespmem:s25], [sflag:$0x2], $0x80, s28, s24, $0xb8;
	[tilespmem:$0x1F800] =	vst v63  }
0x8a: {  	_ =	swait.ge [sflag:s22], $0x2800  }
0x8b: {  	[sflag:s22] =	ssyncset.done $0x0  }
0x8c: {  	s8 =	sor.u32 $0x600, s0;
	[sflag:s22] =	ssyncadd.s32 $0xFFFFD800  }
0x8d: {  	[spmem:s4] =	stream.indirect.scatter.add.f32 [tilespmem:s25], [sflag:$0x2], $0x80, s8, s24, $0xb8;
	[tilespmem:$0x1F800] =	vst v63  }
0x8e: {  	_ =	swait.ge [sflag:s22], $0x2800  }
0x8f: {  	[sflag:s22] =	ssyncset.done $0x0  }
0x90: {  	s10 =	sor.u32 $0x680, s0;
	[sflag:s22] =	ssyncadd.s32 $0xFFFFD800  }
0x91: {  	[spmem:s4] =	stream.indirect.scatter.add.f32 [tilespmem:s25], [sflag:$0x2], $0x80, s10, s24, $0xb8;
	[tilespmem:$0x1F800] =	vst v63  }
0x92: {  	_ =	swait.ge [sflag:s22], $0x2800  }
0x93: {  	[sflag:s22] =	ssyncset.done $0x0  }
0x94: {  	s11 =	sor.u32 $0x700, s0;
	[sflag:s22] =	ssyncadd.s32 $0xFFFFD800  }
0x95: {  	[spmem:s4] =	stream.indirect.scatter.add.f32 [tilespmem:s25], [sflag:$0x2], $0x80, s11, s24, $0xb8;
	[tilespmem:$0x1F800] =	vst v63  }
0x96: {  	_ =	swait.ge [sflag:s22], $0x2800  }
0x97: {  	[sflag:s22] =	ssyncset.done $0x0  }
0x98: {  	s12 =	sor.u32 $0x780, s0;
	[sflag:s22] =	ssyncadd.s32 $0xFFFFD800  }
0x99: {  	[spmem:s4] =	stream.indirect.scatter.add.f32 [tilespmem:s25], [sflag:$0x2], $0x80, s12, s24, $0xb8;
	[tilespmem:$0x1F800] =	vst v63  }
0x9a: {  	_ =	swait.ge [sflag:s22], $0x2800  }
0x9b: {  	[sflag:s22] =	ssyncset.done $0x0  }
0x9c: {  	s17 =	sor.u32 $0x800, s0;
	[sflag:s22] =	ssyncadd.s32 $0xFFFFD800  }
0x9d: {  	[spmem:s4] =	stream.indirect.scatter.add.f32 [tilespmem:s25], [sflag:$0x2], $0x80, s17, s24, $0xb8;
	[tilespmem:$0x1F800] =	vst v63  }
0x9e: {  	_ =	swait.ge [sflag:s22], $0x2800  }
0x9f: {  	[sflag:s22] =	ssyncset.done $0x0  }
0xa0: {  	s18 =	sor.u32 $0x880, s0;
	[sflag:s22] =	ssyncadd.s32 $0xFFFFD800  }
0xa1: {  	[spmem:s4] =	stream.indirect.scatter.add.f32 [tilespmem:s25], [sflag:$0x2], $0x80, s18, s24, $0xb8;
	[tilespmem:$0x1F800] =	vst v63  }
0xa2: {  	_ =	swait.ge [sflag:s22], $0x2800  }
0xa3: {  	[sflag:s22] =	ssyncset.done $0x0  }
0xa4: {  	s28 =	sor.u32 $0x900, s0;
	[sflag:s22] =	ssyncadd.s32 $0xFFFFD800  }
0xa5: {  	[spmem:s4] =	stream.indirect.scatter.add.f32 [tilespmem:s25], [sflag:$0x2], $0x80, s28, s24, $0xb8;
	[tilespmem:$0x1F800] =	vst v63  }
0xa6: {  	_ =	swait.ge [sflag:s22], $0x2800  }
0xa7: {  	[sflag:s22] =	ssyncset.done $0x0  }
0xa8: {  	s8 =	sor.u32 $0x980, s0;
	[sflag:s22] =	ssyncadd.s32 $0xFFFFD800  }
0xa9: {  	[spmem:s4] =	stream.indirect.scatter.add.f32 [tilespmem:s25], [sflag:$0x2], $0x80, s8, s24, $0xb8;
	[tilespmem:$0x1F800] =	vst v63  }
0xaa: {  	_ =	swait.ge [sflag:s22], $0x2800  }
0xab: {  	[sflag:s22] =	ssyncset.done $0x0  }
0xac: {  	s10 =	sor.u32 $0xA00, s0;
	[sflag:s22] =	ssyncadd.s32 $0xFFFFD800  }
0xad: {  	[spmem:s4] =	stream.indirect.scatter.add.f32 [tilespmem:s25], [sflag:$0x2], $0x80, s10, s24, $0xb8;
	[tilespmem:$0x1F800] =	vst v63  }
0xae: {  	_ =	swait.ge [sflag:s22], $0x2800  }
0xaf: {  	[sflag:s22] =	ssyncset.done $0x0  }
0xb0: {  	s11 =	sor.u32 $0xA80, s0;
	[sflag:s22] =	ssyncadd.s32 $0xFFFFD800  }
0xb1: {  	[spmem:s4] =	stream.indirect.scatter.add.f32 [tilespmem:s25], [sflag:$0x2], $0x80, s11, s24, $0xb8;
	[tilespmem:$0x1F800] =	vst v63  }
0xb2: {  	_ =	swait.ge [sflag:s22], $0x2800  }
0xb3: {  	[sflag:s22] =	ssyncset.done $0x0  }
0xb4: {  	s12 =	sor.u32 $0xB00, s0;
	[sflag:s22] =	ssyncadd.s32 $0xFFFFD800  }
0xb5: {  	[spmem:s4] =	stream.indirect.scatter.add.f32 [tilespmem:s25], [sflag:$0x2], $0x80, s12, s24, $0xb8;
	[tilespmem:$0x1F800] =	vst v63  }
0xb6: {  	_ =	swait.ge [sflag:s22], $0x2800  }
0xb7: {  	[sflag:s22] =	ssyncset.done $0x0  }
0xb8: {  	s17 =	sor.u32 $0xB80, s0;
	[sflag:s22] =	ssyncadd.s32 $0xFFFFD800  }
0xb9: {  	[spmem:s4] =	stream.indirect.scatter.add.f32 [tilespmem:s25], [sflag:$0x2], $0x80, s17, s24, $0xb8;
	[tilespmem:$0x1F800] =	vst v63  }
0xba: {  	_ =	swait.ge [sflag:s22], $0x2800  }
0xbb: {  	[sflag:s22] =	ssyncset.done $0x0  }
0xbc: {  	s0 =	sor.u32 $0xC00, s0;
	[sflag:s22] =	ssyncadd.s32 $0xFFFFD800  }
0xbd: {  	[spmem:s4] =	stream.indirect.scatter.add.f32 [tilespmem:s25], [sflag:$0x2], $0x80, s0, s24, $0xb8;
	[tilespmem:$0x1F800] =	vst v63  }
0xbe: {  	_ =	swait.ge [sflag:s22], $0x2800  }
0xbf: {  	[sflag:s22] =	ssyncset.done $0x0  }
0xc0: {  	[sflag:s22] =	ssyncadd.s32 $0xFFFFD800  }
0xc1: {  	_ =	swait.ge [sflag:s22], $0x2800  }
0xc2: {  	[sflag:s22] =	ssyncset.done $0x0  }
0xc3: {  	[sflag:s22] =	ssyncadd.s32 $0xFFFFD800  }
0xc4: {  	_ =	swait.ge [sflag:s22], $0x2800  }
0xc5: {  	[sflag:s22] =	ssyncset.done $0x0  }
0xc6: {  	[sflag:s22] =	ssyncadd.s32 $0xFFFFD800  }
0xc7: {  	_ =	swait.ge [sflag:s22], $0x2800  }
0xc8: {  	s18 =	simm.s32 $0x2;
	[sflag:s22] =	ssyncset.done $0x0  }
0xc9: {  	s3 =	simm.s32 $0x3;
	s0 =	smin.u32 s18, $0x4;
	[sflag:s22] =	ssyncadd.s32 $0xFFFFD800  }
0xca: {  	s17 =	simm.s32 $0x1000;
	s28 =	sadd.s32 s15, s0;
	_ =	swait.ge [sflag:s26], $0xC80  }
0xcb: {  	s0 =	sand.u32 $0x1000, s17;
	s8 =	sshll.u32 s28, $0x9;
	[sflag:s26] =	ssyncset.done $0x0  }
.LBB2_4:
0xcc: {  	s18 =	sxor.u32 $0x1000, s0;
	s8 =	sadd.s32 s2, s8;
	[sflag:s26] =	ssyncadd.s32 $0xFFFFF380  }
0xcd: {  	[tilespmem:s18], [sflag:$0x1] =	stream.linear.gather [hbm4b:s8+s5], $0xC80, $0x38;
	[tilespmem:$0x1F800] =	vst v63  }
0xce: {  	p0 =	sne.s32 s3, $0x5;
	s18 =	smov.u32 s3;
	s3 =	sadd.s32 $0x1, s3  }
0xcf: {  	[spmem:s4] =	stream.indirect.scatter.add.f32 [tilespmem:s25], [sflag:$0x2], $0x80, s0, s24, $0xb8;
	[tilespmem:$0x1F800] =	vst v63  }
0xd0: {  	s8 =	sor.u32 $0x80, s0  }
0xd1: {  	[spmem:s4] =	stream.indirect.scatter.add.f32 [tilespmem:s25], [sflag:$0x2], $0x80, s8, s24, $0xb8;
	[tilespmem:$0x1F800] =	vst v63  }
0xd2: {  	s8 =	sor.u32 $0x100, s0  }
0xd3: {  	[spmem:s4] =	stream.indirect.scatter.add.f32 [tilespmem:s25], [sflag:$0x2], $0x80, s8, s24, $0xb8;
	[tilespmem:$0x1F800] =	vst v63  }
0xd4: {  	s8 =	sor.u32 $0x180, s0  }
0xd5: {  	[spmem:s4] =	stream.indirect.scatter.add.f32 [tilespmem:s25], [sflag:$0x2], $0x80, s8, s24, $0xb8;
	[tilespmem:$0x1F800] =	vst v63  }
0xd6: {  	_ =	swait.ge [sflag:s22], $0x2800  }
0xd7: {  	[sflag:s22] =	ssyncset.done $0x0  }
0xd8: {  	s8 =	sor.u32 $0x200, s0;
	[sflag:s22] =	ssyncadd.s32 $0xFFFFD800  }
0xd9: {  	[spmem:s4] =	stream.indirect.scatter.add.f32 [tilespmem:s25], [sflag:$0x2], $0x80, s8, s24, $0xb8;
	[tilespmem:$0x1F800] =	vst v63  }
0xda: {  	_ =	swait.ge [sflag:s22], $0x2800  }
0xdb: {  	[sflag:s22] =	ssyncset.done $0x0  }
0xdc: {  	s8 =	sor.u32 $0x280, s0;
	[sflag:s22] =	ssyncadd.s32 $0xFFFFD800  }
0xdd: {  	[spmem:s4] =	stream.indirect.scatter.add.f32 [tilespmem:s25], [sflag:$0x2], $0x80, s8, s24, $0xb8;
	[tilespmem:$0x1F800] =	vst v63  }
0xde: {  	_ =	swait.ge [sflag:s22], $0x2800  }
0xdf: {  	[sflag:s22] =	ssyncset.done $0x0  }
0xe0: {  	s8 =	sor.u32 $0x300, s0;
	[sflag:s22] =	ssyncadd.s32 $0xFFFFD800  }
0xe1: {  	[spmem:s4] =	stream.indirect.scatter.add.f32 [tilespmem:s25], [sflag:$0x2], $0x80, s8, s24, $0xb8;
	[tilespmem:$0x1F800] =	vst v63  }
0xe2: {  	_ =	swait.ge [sflag:s22], $0x2800  }
0xe3: {  	[sflag:s22] =	ssyncset.done $0x0  }
0xe4: {  	s8 =	sor.u32 $0x380, s0;
	[sflag:s22] =	ssyncadd.s32 $0xFFFFD800  }
0xe5: {  	[spmem:s4] =	stream.indirect.scatter.add.f32 [tilespmem:s25], [sflag:$0x2], $0x80, s8, s24, $0xb8;
	[tilespmem:$0x1F800] =	vst v63  }
0xe6: {  	_ =	swait.ge [sflag:s22], $0x2800  }
0xe7: {  	[sflag:s22] =	ssyncset.done $0x0  }
0xe8: {  	s8 =	sor.u32 $0x400, s0;
	[sflag:s22] =	ssyncadd.s32 $0xFFFFD800  }
0xe9: {  	[spmem:s4] =	stream.indirect.scatter.add.f32 [tilespmem:s25], [sflag:$0x2], $0x80, s8, s24, $0xb8;
	[tilespmem:$0x1F800] =	vst v63  }
0xea: {  	_ =	swait.ge [sflag:s22], $0x2800  }
0xeb: {  	[sflag:s22] =	ssyncset.done $0x0  }
0xec: {  	s8 =	sor.u32 $0x480, s0;
	[sflag:s22] =	ssyncadd.s32 $0xFFFFD800  }
0xed: {  	[spmem:s4] =	stream.indirect.scatter.add.f32 [tilespmem:s25], [sflag:$0x2], $0x80, s8, s24, $0xb8;
	[tilespmem:$0x1F800] =	vst v63  }
0xee: {  	_ =	swait.ge [sflag:s22], $0x2800  }
0xef: {  	[sflag:s22] =	ssyncset.done $0x0  }
0xf0: {  	s8 =	sor.u32 $0x500, s0;
	[sflag:s22] =	ssyncadd.s32 $0xFFFFD800  }
0xf1: {  	[spmem:s4] =	stream.indirect.scatter.add.f32 [tilespmem:s25], [sflag:$0x2], $0x80, s8, s24, $0xb8;
	[tilespmem:$0x1F800] =	vst v63  }
0xf2: {  	_ =	swait.ge [sflag:s22], $0x2800  }
0xf3: {  	[sflag:s22] =	ssyncset.done $0x0  }
0xf4: {  	s8 =	sor.u32 $0x580, s0;
	[sflag:s22] =	ssyncadd.s32 $0xFFFFD800  }
0xf5: {  	[spmem:s4] =	stream.indirect.scatter.add.f32 [tilespmem:s25], [sflag:$0x2], $0x80, s8, s24, $0xb8;
	[tilespmem:$0x1F800] =	vst v63  }
0xf6: {  	_ =	swait.ge [sflag:s22], $0x2800  }
0xf7: {  	[sflag:s22] =	ssyncset.done $0x0  }
0xf8: {  	s8 =	sor.u32 $0x600, s0;
	[sflag:s22] =	ssyncadd.s32 $0xFFFFD800  }
0xf9: {  	[spmem:s4] =	stream.indirect.scatter.add.f32 [tilespmem:s25], [sflag:$0x2], $0x80, s8, s24, $0xb8;
	[tilespmem:$0x1F800] =	vst v63  }
0xfa: {  	_ =	swait.ge [sflag:s22], $0x2800  }
0xfb: {  	[sflag:s22] =	ssyncset.done $0x0  }
0xfc: {  	s8 =	sor.u32 $0x680, s0;
	[sflag:s22] =	ssyncadd.s32 $0xFFFFD800  }
0xfd: {  	[spmem:s4] =	stream.indirect.scatter.add.f32 [tilespmem:s25], [sflag:$0x2], $0x80, s8, s24, $0xb8;
	[tilespmem:$0x1F800] =	vst v63  }
0xfe: {  	_ =	swait.ge [sflag:s22], $0x2800  }
0xff: {  	[sflag:s22] =	ssyncset.done $0x0  }
0x100: {  	s8 =	sor.u32 $0x700, s0;
	[sflag:s22] =	ssyncadd.s32 $0xFFFFD800  }
0x101: {  	[spmem:s4] =	stream.indirect.scatter.add.f32 [tilespmem:s25], [sflag:$0x2], $0x80, s8, s24, $0xb8;
	[tilespmem:$0x1F800] =	vst v63  }
0x102: {  	_ =	swait.ge [sflag:s22], $0x2800  }
0x103: {  	[sflag:s22] =	ssyncset.done $0x0  }
0x104: {  	s8 =	sor.u32 $0x780, s0;
	[sflag:s22] =	ssyncadd.s32 $0xFFFFD800  }
0x105: {  	[spmem:s4] =	stream.indirect.scatter.add.f32 [tilespmem:s25], [sflag:$0x2], $0x80, s8, s24, $0xb8;
	[tilespmem:$0x1F800] =	vst v63  }
0x106: {  	_ =	swait.ge [sflag:s22], $0x2800  }
0x107: {  	[sflag:s22] =	ssyncset.done $0x0  }
0x108: {  	s8 =	sor.u32 $0x800, s0;
	[sflag:s22] =	ssyncadd.s32 $0xFFFFD800  }
0x109: {  	[spmem:s4] =	stream.indirect.scatter.add.f32 [tilespmem:s25], [sflag:$0x2], $0x80, s8, s24, $0xb8;
	[tilespmem:$0x1F800] =	vst v63  }
0x10a: {  	_ =	swait.ge [sflag:s22], $0x2800  }
0x10b: {  	[sflag:s22] =	ssyncset.done $0x0  }
0x10c: {  	s8 =	sor.u32 $0x880, s0;
	[sflag:s22] =	ssyncadd.s32 $0xFFFFD800  }
0x10d: {  	[spmem:s4] =	stream.indirect.scatter.add.f32 [tilespmem:s25], [sflag:$0x2], $0x80, s8, s24, $0xb8;
	[tilespmem:$0x1F800] =	vst v63  }
0x10e: {  	_ =	swait.ge [sflag:s22], $0x2800  }
0x10f: {  	[sflag:s22] =	ssyncset.done $0x0  }
0x110: {  	s8 =	sor.u32 $0x900, s0;
	[sflag:s22] =	ssyncadd.s32 $0xFFFFD800  }
0x111: {  	[spmem:s4] =	stream.indirect.scatter.add.f32 [tilespmem:s25], [sflag:$0x2], $0x80, s8, s24, $0xb8;
	[tilespmem:$0x1F800] =	vst v63  }
0x112: {  	_ =	swait.ge [sflag:s22], $0x2800  }
0x113: {  	[sflag:s22] =	ssyncset.done $0x0  }
0x114: {  	s8 =	sor.u32 $0x980, s0;
	[sflag:s22] =	ssyncadd.s32 $0xFFFFD800  }
0x115: {  	[spmem:s4] =	stream.indirect.scatter.add.f32 [tilespmem:s25], [sflag:$0x2], $0x80, s8, s24, $0xb8;
	[tilespmem:$0x1F800] =	vst v63  }
0x116: {  	_ =	swait.ge [sflag:s22], $0x2800  }
0x117: {  	[sflag:s22] =	ssyncset.done $0x0  }
0x118: {  	s8 =	sor.u32 $0xA00, s0;
	[sflag:s22] =	ssyncadd.s32 $0xFFFFD800  }
0x119: {  	[spmem:s4] =	stream.indirect.scatter.add.f32 [tilespmem:s25], [sflag:$0x2], $0x80, s8, s24, $0xb8;
	[tilespmem:$0x1F800] =	vst v63  }
0x11a: {  	_ =	swait.ge [sflag:s22], $0x2800  }
0x11b: {  	[sflag:s22] =	ssyncset.done $0x0  }
0x11c: {  	s8 =	sor.u32 $0xA80, s0;
	[sflag:s22] =	ssyncadd.s32 $0xFFFFD800  }
0x11d: {  	[spmem:s4] =	stream.indirect.scatter.add.f32 [tilespmem:s25], [sflag:$0x2], $0x80, s8, s24, $0xb8;
	[tilespmem:$0x1F800] =	vst v63  }
0x11e: {  	_ =	swait.ge [sflag:s22], $0x2800  }
0x11f: {  	[sflag:s22] =	ssyncset.done $0x0  }
0x120: {  	s8 =	sor.u32 $0xB00, s0;
	[sflag:s22] =	ssyncadd.s32 $0xFFFFD800  }
0x121: {  	[spmem:s4] =	stream.indirect.scatter.add.f32 [tilespmem:s25], [sflag:$0x2], $0x80, s8, s24, $0xb8;
	[tilespmem:$0x1F800] =	vst v63  }
0x122: {  	_ =	swait.ge [sflag:s22], $0x2800  }
0x123: {  	[sflag:s22] =	ssyncset.done $0x0  }
0x124: {  	s8 =	sor.u32 $0xB80, s0;
	[sflag:s22] =	ssyncadd.s32 $0xFFFFD800  }
0x125: {  	[spmem:s4] =	stream.indirect.scatter.add.f32 [tilespmem:s25], [sflag:$0x2], $0x80, s8, s24, $0xb8;
	[tilespmem:$0x1F800] =	vst v63  }
0x126: {  	_ =	swait.ge [sflag:s22], $0x2800  }
0x127: {  	[sflag:s22] =	ssyncset.done $0x0  }
0x128: {  	s0 =	sor.u32 $0xC00, s0;
	[sflag:s22] =	ssyncadd.s32 $0xFFFFD800  }
0x129: {  	[spmem:s4] =	stream.indirect.scatter.add.f32 [tilespmem:s25], [sflag:$0x2], $0x80, s0, s24, $0xb8;
	[tilespmem:$0x1F800] =	vst v63  }
0x12a: {  	_ =	swait.ge [sflag:s22], $0x2800  }
0x12b: {  	[sflag:s22] =	ssyncset.done $0x0  }
0x12c: {  	[sflag:s22] =	ssyncadd.s32 $0xFFFFD800  }
0x12d: {  	_ =	swait.ge [sflag:s22], $0x2800  }
0x12e: {  	[sflag:s22] =	ssyncset.done $0x0  }
0x12f: {  	[sflag:s22] =	ssyncadd.s32 $0xFFFFD800  }
0x130: {  	_ =	swait.ge [sflag:s22], $0x2800  }
0x131: {  	[sflag:s22] =	ssyncset.done $0x0  }
0x132: {  	[sflag:s22] =	ssyncadd.s32 $0xFFFFD800  }
.Ltmp1:
0x133: {  	_ =	swait.ge [sflag:s22], $0x2800;
	(pc) =	sbr.rel @p0 .LBB2_4-.Ltmp1, $4  }
0x134: {  	[sflag:s22] =	ssyncset.done $0x0  }
0x135: {  	s0 =	smin.u32 s18, $0x4;
	[sflag:s22] =	ssyncadd.s32 $0xFFFFD800  }
0x136: {  	s17 =	sadd.s32 $0x1000, s17;
	s8 =	sadd.s32 s15, s0;
	_ =	swait.ge [sflag:s26], $0xC80  }
0x137: {  	s0 =	sand.u32 $0x1000, s17;
	s8 =	sshll.u32 s8, $0x9;
	[sflag:s26] =	ssyncset.done $0x0  }
0x138: {  	s3 =	sxor.u32 $0x1000, s0;
	s8 =	sadd.s32 s2, s8;
	[sflag:s26] =	ssyncadd.s32 $0xFFFFF380  }
0x139: {  	[tilespmem:s3], [sflag:$0x1] =	stream.linear.gather [hbm4b:s8+s5], $0xC80, $0x38;
	[tilespmem:$0x1F800] =	vst v63  }
0x13a: {  	_ = 	snop  }
0x13b: {  	[spmem:s4] =	stream.indirect.scatter.add.f32 [tilespmem:s25], [sflag:$0x2], $0x80, s0, s24, $0xb8;
	[tilespmem:$0x1F800] =	vst v63  }
0x13c: {  	s12 =	sor.u32 $0x80, s0  }
0x13d: {  	[spmem:s4] =	stream.indirect.scatter.add.f32 [tilespmem:s25], [sflag:$0x2], $0x80, s12, s24, $0xb8;
	[tilespmem:$0x1F800] =	vst v63  }
0x13e: {  	s17 =	sor.u32 $0x100, s0  }
0x13f: {  	[spmem:s4] =	stream.indirect.scatter.add.f32 [tilespmem:s25], [sflag:$0x2], $0x80, s17, s24, $0xb8;
	[tilespmem:$0x1F800] =	vst v63  }
0x140: {  	s18 =	sor.u32 $0x180, s0  }
0x141: {  	[spmem:s4] =	stream.indirect.scatter.add.f32 [tilespmem:s25], [sflag:$0x2], $0x80, s18, s24, $0xb8;
	[tilespmem:$0x1F800] =	vst v63  }
0x142: {  	_ =	swait.ge [sflag:s22], $0x2800  }
0x143: {  	[sflag:s22] =	ssyncset.done $0x0  }
0x144: {  	s8 =	sor.u32 $0x200, s0;
	[sflag:s22] =	ssyncadd.s32 $0xFFFFD800  }
0x145: {  	[spmem:s4] =	stream.indirect.scatter.add.f32 [tilespmem:s25], [sflag:$0x2], $0x80, s8, s24, $0xb8;
	[tilespmem:$0x1F800] =	vst v63  }
0x146: {  	_ =	swait.ge [sflag:s22], $0x2800  }
0x147: {  	[sflag:s22] =	ssyncset.done $0x0  }
0x148: {  	s10 =	sor.u32 $0x280, s0;
	[sflag:s22] =	ssyncadd.s32 $0xFFFFD800  }
0x149: {  	[spmem:s4] =	stream.indirect.scatter.add.f32 [tilespmem:s25], [sflag:$0x2], $0x80, s10, s24, $0xb8;
	[tilespmem:$0x1F800] =	vst v63  }
0x14a: {  	_ =	swait.ge [sflag:s22], $0x2800  }
0x14b: {  	[sflag:s22] =	ssyncset.done $0x0  }
0x14c: {  	s11 =	sor.u32 $0x300, s0;
	[sflag:s22] =	ssyncadd.s32 $0xFFFFD800  }
0x14d: {  	[spmem:s4] =	stream.indirect.scatter.add.f32 [tilespmem:s25], [sflag:$0x2], $0x80, s11, s24, $0xb8;
	[tilespmem:$0x1F800] =	vst v63  }
0x14e: {  	_ =	swait.ge [sflag:s22], $0x2800  }
0x14f: {  	[sflag:s22] =	ssyncset.done $0x0  }
0x150: {  	s12 =	sor.u32 $0x380, s0;
	[sflag:s22] =	ssyncadd.s32 $0xFFFFD800  }
0x151: {  	[spmem:s4] =	stream.indirect.scatter.add.f32 [tilespmem:s25], [sflag:$0x2], $0x80, s12, s24, $0xb8;
	[tilespmem:$0x1F800] =	vst v63  }
0x152: {  	_ =	swait.ge [sflag:s22], $0x2800  }
0x153: {  	[sflag:s22] =	ssyncset.done $0x0  }
0x154: {  	s17 =	sor.u32 $0x400, s0;
	[sflag:s22] =	ssyncadd.s32 $0xFFFFD800  }
0x155: {  	[spmem:s4] =	stream.indirect.scatter.add.f32 [tilespmem:s25], [sflag:$0x2], $0x80, s17, s24, $0xb8;
	[tilespmem:$0x1F800] =	vst v63  }
0x156: {  	_ =	swait.ge [sflag:s22], $0x2800  }
0x157: {  	[sflag:s22] =	ssyncset.done $0x0  }
0x158: {  	s18 =	sor.u32 $0x480, s0;
	[sflag:s22] =	ssyncadd.s32 $0xFFFFD800  }
0x159: {  	[spmem:s4] =	stream.indirect.scatter.add.f32 [tilespmem:s25], [sflag:$0x2], $0x80, s18, s24, $0xb8;
	[tilespmem:$0x1F800] =	vst v63  }
0x15a: {  	_ =	swait.ge [sflag:s22], $0x2800  }
0x15b: {  	[sflag:s22] =	ssyncset.done $0x0  }
0x15c: {  	s8 =	sor.u32 $0x500, s0;
	[sflag:s22] =	ssyncadd.s32 $0xFFFFD800  }
0x15d: {  	[spmem:s4] =	stream.indirect.scatter.add.f32 [tilespmem:s25], [sflag:$0x2], $0x80, s8, s24, $0xb8;
	[tilespmem:$0x1F800] =	vst v63  }
0x15e: {  	_ =	swait.ge [sflag:s22], $0x2800  }
0x15f: {  	[sflag:s22] =	ssyncset.done $0x0  }
0x160: {  	s10 =	sor.u32 $0x580, s0;
	[sflag:s22] =	ssyncadd.s32 $0xFFFFD800  }
0x161: {  	[spmem:s4] =	stream.indirect.scatter.add.f32 [tilespmem:s25], [sflag:$0x2], $0x80, s10, s24, $0xb8;
	[tilespmem:$0x1F800] =	vst v63  }
0x162: {  	_ =	swait.ge [sflag:s22], $0x2800  }
0x163: {  	[sflag:s22] =	ssyncset.done $0x0  }
0x164: {  	s11 =	sor.u32 $0x600, s0;
	[sflag:s22] =	ssyncadd.s32 $0xFFFFD800  }
0x165: {  	[spmem:s4] =	stream.indirect.scatter.add.f32 [tilespmem:s25], [sflag:$0x2], $0x80, s11, s24, $0xb8;
	[tilespmem:$0x1F800] =	vst v63  }
0x166: {  	_ =	swait.ge [sflag:s22], $0x2800  }
0x167: {  	[sflag:s22] =	ssyncset.done $0x0  }
0x168: {  	s12 =	sor.u32 $0x680, s0;
	[sflag:s22] =	ssyncadd.s32 $0xFFFFD800  }
0x169: {  	[spmem:s4] =	stream.indirect.scatter.add.f32 [tilespmem:s25], [sflag:$0x2], $0x80, s12, s24, $0xb8;
	[tilespmem:$0x1F800] =	vst v63  }
0x16a: {  	_ =	swait.ge [sflag:s22], $0x2800  }
0x16b: {  	[sflag:s22] =	ssyncset.done $0x0  }
0x16c: {  	s17 =	sor.u32 $0x700, s0;
	[sflag:s22] =	ssyncadd.s32 $0xFFFFD800  }
0x16d: {  	[spmem:s4] =	stream.indirect.scatter.add.f32 [tilespmem:s25], [sflag:$0x2], $0x80, s17, s24, $0xb8;
	[tilespmem:$0x1F800] =	vst v63  }
0x16e: {  	_ =	swait.ge [sflag:s22], $0x2800  }
0x16f: {  	[sflag:s22] =	ssyncset.done $0x0  }
0x170: {  	s18 =	sor.u32 $0x780, s0;
	[sflag:s22] =	ssyncadd.s32 $0xFFFFD800  }
0x171: {  	[spmem:s4] =	stream.indirect.scatter.add.f32 [tilespmem:s25], [sflag:$0x2], $0x80, s18, s24, $0xb8;
	[tilespmem:$0x1F800] =	vst v63  }
0x172: {  	_ =	swait.ge [sflag:s22], $0x2800  }
0x173: {  	[sflag:s22] =	ssyncset.done $0x0  }
0x174: {  	s8 =	sor.u32 $0x800, s0;
	[sflag:s22] =	ssyncadd.s32 $0xFFFFD800  }
0x175: {  	[spmem:s4] =	stream.indirect.scatter.add.f32 [tilespmem:s25], [sflag:$0x2], $0x80, s8, s24, $0xb8;
	[tilespmem:$0x1F800] =	vst v63  }
0x176: {  	_ =	swait.ge [sflag:s22], $0x2800  }
0x177: {  	[sflag:s22] =	ssyncset.done $0x0  }
0x178: {  	s10 =	sor.u32 $0x880, s0;
	[sflag:s22] =	ssyncadd.s32 $0xFFFFD800  }
0x179: {  	[spmem:s4] =	stream.indirect.scatter.add.f32 [tilespmem:s25], [sflag:$0x2], $0x80, s10, s24, $0xb8;
	[tilespmem:$0x1F800] =	vst v63  }
0x17a: {  	_ =	swait.ge [sflag:s22], $0x2800  }
0x17b: {  	[sflag:s22] =	ssyncset.done $0x0  }
0x17c: {  	s11 =	sor.u32 $0x900, s0;
	[sflag:s22] =	ssyncadd.s32 $0xFFFFD800  }
0x17d: {  	[spmem:s4] =	stream.indirect.scatter.add.f32 [tilespmem:s25], [sflag:$0x2], $0x80, s11, s24, $0xb8;
	[tilespmem:$0x1F800] =	vst v63  }
0x17e: {  	_ =	swait.ge [sflag:s22], $0x2800  }
0x17f: {  	[sflag:s22] =	ssyncset.done $0x0  }
0x180: {  	s12 =	sor.u32 $0x980, s0;
	[sflag:s22] =	ssyncadd.s32 $0xFFFFD800  }
0x181: {  	[spmem:s4] =	stream.indirect.scatter.add.f32 [tilespmem:s25], [sflag:$0x2], $0x80, s12, s24, $0xb8;
	[tilespmem:$0x1F800] =	vst v63  }
0x182: {  	_ =	swait.ge [sflag:s22], $0x2800  }
0x183: {  	[sflag:s22] =	ssyncset.done $0x0  }
0x184: {  	s17 =	sor.u32 $0xA00, s0;
	[sflag:s22] =	ssyncadd.s32 $0xFFFFD800  }
0x185: {  	[spmem:s4] =	stream.indirect.scatter.add.f32 [tilespmem:s25], [sflag:$0x2], $0x80, s17, s24, $0xb8;
	[tilespmem:$0x1F800] =	vst v63  }
0x186: {  	_ =	swait.ge [sflag:s22], $0x2800  }
0x187: {  	[sflag:s22] =	ssyncset.done $0x0  }
0x188: {  	s18 =	sor.u32 $0xA80, s0;
	[sflag:s22] =	ssyncadd.s32 $0xFFFFD800  }
0x189: {  	[spmem:s4] =	stream.indirect.scatter.add.f32 [tilespmem:s25], [sflag:$0x2], $0x80, s18, s24, $0xb8;
	[tilespmem:$0x1F800] =	vst v63  }
0x18a: {  	_ =	swait.ge [sflag:s22], $0x2800  }
0x18b: {  	[sflag:s22] =	ssyncset.done $0x0  }
0x18c: {  	s8 =	sor.u32 $0xB00, s0;
	[sflag:s22] =	ssyncadd.s32 $0xFFFFD800  }
0x18d: {  	[spmem:s4] =	stream.indirect.scatter.add.f32 [tilespmem:s25], [sflag:$0x2], $0x80, s8, s24, $0xb8;
	[tilespmem:$0x1F800] =	vst v63  }
0x18e: {  	_ =	swait.ge [sflag:s22], $0x2800  }
0x18f: {  	[sflag:s22] =	ssyncset.done $0x0  }
0x190: {  	s10 =	sor.u32 $0xB80, s0;
	[sflag:s22] =	ssyncadd.s32 $0xFFFFD800  }
0x191: {  	[spmem:s4] =	stream.indirect.scatter.add.f32 [tilespmem:s25], [sflag:$0x2], $0x80, s10, s24, $0xb8;
	[tilespmem:$0x1F800] =	vst v63  }
0x192: {  	_ =	swait.ge [sflag:s22], $0x2800  }
0x193: {  	[sflag:s22] =	ssyncset.done $0x0  }
0x194: {  	s11 =	sor.u32 $0xC00, s0;
	[sflag:s22] =	ssyncadd.s32 $0xFFFFD800  }
0x195: {  	[spmem:s4] =	stream.indirect.scatter.add.f32 [tilespmem:s25], [sflag:$0x2], $0x80, s11, s24, $0xb8;
	[tilespmem:$0x1F800] =	vst v63  }
0x196: {  	_ =	swait.ge [sflag:s22], $0x2800  }
0x197: {  	[sflag:s22] =	ssyncset.done $0x0  }
0x198: {  	[sflag:s22] =	ssyncadd.s32 $0xFFFFD800  }
0x199: {  	_ =	swait.ge [sflag:s22], $0x2800  }
0x19a: {  	[sflag:s22] =	ssyncset.done $0x0  }
0x19b: {  	[sflag:s22] =	ssyncadd.s32 $0xFFFFD800  }
0x19c: {  	_ =	swait.ge [sflag:s22], $0x2800  }
0x19d: {  	[sflag:s22] =	ssyncset.done $0x0  }
0x19e: {  	[sflag:s22] =	ssyncadd.s32 $0xFFFFD800  }
0x19f: {  	_ =	swait.ge [sflag:s22], $0x2800  }
0x1a0: {  	[sflag:s22] =	ssyncset.done $0x0  }
0x1a1: {  	[sflag:s22] =	ssyncadd.s32 $0xFFFFD800  }
0x1a2: {  	_ =	swait.ge [sflag:s26], $0xC80  }
0x1a3: {  	[sflag:s26] =	ssyncset.done $0x0  }
0x1a4: {  	s12 =	stileid.u32;
	[sflag:s26] =	ssyncadd.s32 $0xFFFFF380  }
0x1a5: {  	s0 =	sshll.u32 s12, $0x6;
	[bflag:$0x0] =	sbarrier.arrive $0xFFFF  }
0x1a6: {  	s28 =	sshrl.u32 s7, $0x3;
	s3 =	sor.u32 $0x1C04, s0;
	s17 =	rddreg [dreg:$0x7]  }
0x1a7: {  	[hbm:s17], [sflag:s3] =	dma.local [spmem:s28], $0x2800  }
0x1a8: {  	_ =	swait.ge [sflag:s23], $0x2800  }
0x1a9: {  	[sflag:s23] =	ssyncset.done $0x0  }
0x1aa: {  	[sflag:s23] =	ssyncadd.s32 $0xFFFFD800  }
0x1ab: {  	[spmem:s7] =	stream.linear.scatter [tilespmem:s21], [sflag:$0x2], $0x2800, $0x38;
	[tilespmem:$0x1F800] =	vst v63  }
0x1ac: {  	_ = 	snop  }
0x1ad: {  	[spmem:s9] =	stream.linear.scatter [tilespmem:s21], [sflag:$0x2], $0x2800, $0x38;
	[tilespmem:$0x1F800] =	vst v63  }
0x1ae: {  	_ = 	snop  }
0x1af: {  	[spmem:s19] =	stream.linear.scatter [tilespmem:s21], [sflag:$0x2], $0x2800, $0x38;
	[tilespmem:$0x1F800] =	vst v63  }
0x1b0: {  	_ = 	snop  }
0x1b1: {  	[spmem:s20] =	stream.linear.scatter [tilespmem:s21], [sflag:$0x2], $0x2800, $0x38;
	[tilespmem:$0x1F800] =	vst v63  }
0x1b2: {  	s18 =	rddreg [dreg:$0x5]  }
0x1b3: {  	[spmem:s18] =	stream.linear.scatter [tilespmem:s21], [sflag:$0x2], $0x2800, $0x38;
	[tilespmem:$0x1F800] =	vst v63  }
0x1b4: {  	s11 =	smov.u32 s19;
	s19 =	rddreg [dreg:$0x6]  }
0x1b5: {  	[spmem:s19] =	stream.linear.scatter [tilespmem:s21], [sflag:$0x2], $0x2800, $0x38;
	[tilespmem:$0x1F800] =	vst v63  }
0x1b6: {  	_ = 	snop  }
0x1b7: {  	[spmem:s13] =	stream.linear.scatter [tilespmem:s21], [sflag:$0x2], $0x2800, $0x38;
	[tilespmem:$0x1F800] =	vst v63  }
0x1b8: {  	_ = 	snop  }
0x1b9: {  	[spmem:s14] =	stream.linear.scatter [tilespmem:s21], [sflag:$0x2], $0x2800, $0x38;
	[tilespmem:$0x1F800] =	vst v63  }
0x1ba: {  	_ =	swait.ge [sflag:s22], $0x2800  }
0x1bb: {  	[sflag:s22] =	ssyncset.done $0x0  }
0x1bc: {  	[sflag:s22] =	ssyncadd.s32 $0xFFFFD800  }
0x1bd: {  	_ =	swait.ge [sflag:s22], $0x2800  }
0x1be: {  	[sflag:s22] =	ssyncset.done $0x0  }
0x1bf: {  	[sflag:s22] =	ssyncadd.s32 $0xFFFFD800  }
0x1c0: {  	_ =	swait.ge [sflag:s22], $0x2800  }
0x1c1: {  	[sflag:s22] =	ssyncset.done $0x0  }
0x1c2: {  	[sflag:s22] =	ssyncadd.s32 $0xFFFFD800  }
0x1c3: {  	_ =	swait.ge [sflag:s22], $0x2800  }
0x1c4: {  	[sflag:s22] =	ssyncset.done $0x0  }
0x1c5: {  	[sflag:s22] =	ssyncadd.s32 $0xFFFFD800  }
0x1c6: {  	_ =	swait.ge [sflag:s22], $0x2800  }
0x1c7: {  	[sflag:s22] =	ssyncset.done $0x0  }
0x1c8: {  	[sflag:s22] =	ssyncadd.s32 $0xFFFFD800  }
0x1c9: {  	_ =	swait.ge [sflag:s22], $0x2800  }
0x1ca: {  	[sflag:s22] =	ssyncset.done $0x0  }
0x1cb: {  	[sflag:s22] =	ssyncadd.s32 $0xFFFFD800  }
0x1cc: {  	_ =	swait.ge [sflag:s22], $0x2800  }
0x1cd: {  	[sflag:s22] =	ssyncset.done $0x0  }
0x1ce: {  	[sflag:s22] =	ssyncadd.s32 $0xFFFFD800  }
0x1cf: {  	_ =	swait.ge [sflag:s22], $0x2800  }
0x1d0: {  	[sflag:s22] =	ssyncset.done $0x0  }
0x1d1: {  	[sflag:s22] =	ssyncadd.s32 $0xFFFFD800  }
0x1d2: {  	s12 =	smov.u32 s20;
	s20 =	simm.s32 $0x0;
	[bflag:$0x0] =	sbarrier.arrive $0xFFFF  }
0x1d3: {  	[tilespmem:s20], [sflag:$0x4] =	stream.linear.gather [hbm4b:s16+s20], $0xC80, $0x38;
	[tilespmem:$0x1F800] =	vst v63  }
0x1d4: {  	_ =	swait.ge [sflag:s23], $0xC80  }
0x1d5: {  	s18 =	simm.s32 $0x2000;
	s19 =	simm.s32 $0x1;
	[sflag:s23] =	ssyncset.done $0x0  }
0x1d6: {  	s8 =	smin.u32 s19, $0x4;
	s17 =	rddreg [dreg:$0x8];
	[sflag:s23] =	ssyncadd.s32 $0xFFFFF380  }
0x1d7: {  	[tilespmem:s18], [sflag:$0x4] =	stream.linear.gather [hbm4b:s17+s20], $0xC80, $0x38;
	[tilespmem:$0x1F800] =	vst v63  }
0x1d8: {  	s8 =	sadd.s32 s15, s8;
	_ =	swait.ge [sflag:s23], $0xC80  }
0x1d9: {  	s0 =	sand.u32 $0x1000, s20;
	s8 =	sshll.u32 s8, $0x9;
	[sflag:s23] =	ssyncset.done $0x0  }
0x1da: {  	s17 =	sxor.u32 $0x1000, s0;
	s18 =	sadd.s32 s2, s8;
	[sflag:s23] =	ssyncadd.s32 $0xFFFFF380  }
0x1db: {  	[tilespmem:s17], [sflag:$0x3] =	stream.linear.gather [hbm4b:s18+s5], $0xC80, $0x38;
	[tilespmem:$0x1F800] =	vst v63  }
0x1dc: {  	s20 =	sxor.u32 $0x3000, s0;
	s8 =	sadd.s32 s6, s8  }
0x1dd: {  	[tilespmem:s20], [sflag:$0x3] =	stream.linear.gather [hbm4b:s8+s5], $0xC80, $0x38;
	[tilespmem:$0x1F800] =	vst v63  }
0x1de: {  	s10 =	smov.u32 s9;
	s9 =	sor.u32 $0x2000, s0  }
0x1df: {  	[tilespmem:s21], [sflag:$0x1] =	stream.indirect.gather [hbm4b:s1+s24], $0x80, s9, s24, $0xb8;
	[tilespmem:$0x1F800] =	vst v63  }
0x1e0: {  	s17 =	sor.u32 $0x2080, s0  }
0x1e1: {  	[tilespmem:s29], [sflag:$0x1] =	stream.indirect.gather [hbm4b:s1+s24], $0x80, s17, s24, $0xb8;
	[tilespmem:$0x1F800] =	vst v63  }
0x1e2: {  	_ =	swait.ge [sflag:s26], $0x2800  }
0x1e3: {  	[sflag:s26] =	ssyncset.done $0x0  }
0x1e4: {  	s18 =	sor.u32 $0x2100, s0;
	[sflag:s26] =	ssyncadd.s32 $0xFFFFD800  }
0x1e5: {  	[tilespmem:s25], [sflag:$0x1] =	stream.indirect.gather [hbm4b:s1+s24], $0x80, s18, s24, $0xb8;
	[tilespmem:$0x1F800] =	vst v63  }
0x1e6: {  	_ = 	snop  }
0x1e7: {  	[spmem:s4] =	stream.indirect.scatter.add.f32 [tilespmem:s21], [sflag:$0x2], $0x80, s0, s24, $0xb8;
	[tilespmem:$0x1F800] =	vst v63  }
0x1e8: {  	_ =	swait.ge [sflag:s26], $0x2800  }
0x1e9: {  	[sflag:s26] =	ssyncset.done $0x0  }
0x1ea: {  	[sflag:s26] =	ssyncadd.s32 $0xFFFFD800  }
0x1eb: {  	_ =	swait.ge [sflag:s22], $0x2800  }
0x1ec: {  	[sflag:s22] =	ssyncset.done $0x0  }
0x1ed: {  	s19 =	sor.u32 $0x2180, s0;
	[sflag:s22] =	ssyncadd.s32 $0xFFFFD800  }
0x1ee: {  	[tilespmem:s21], [sflag:$0x1] =	stream.indirect.gather [hbm4b:s1+s24], $0x80, s19, s24, $0xb8;
	[tilespmem:$0x1F800] =	vst v63  }
0x1ef: {  	s20 =	sor.u32 $0x80, s0  }
0x1f0: {  	[spmem:s4] =	stream.indirect.scatter.add.f32 [tilespmem:s29], [sflag:$0x2], $0x80, s20, s24, $0xb8;
	[tilespmem:$0x1F800] =	vst v63  }
0x1f1: {  	_ =	swait.ge [sflag:s26], $0x2800  }
0x1f2: {  	[sflag:s26] =	ssyncset.done $0x0  }
0x1f3: {  	[sflag:s26] =	ssyncadd.s32 $0xFFFFD800  }
0x1f4: {  	_ =	swait.ge [sflag:s22], $0x2800  }
0x1f5: {  	[sflag:s22] =	ssyncset.done $0x0  }
0x1f6: {  	s9 =	sor.u32 $0x2200, s0;
	[sflag:s22] =	ssyncadd.s32 $0xFFFFD800  }
0x1f7: {  	[tilespmem:s29], [sflag:$0x1] =	stream.indirect.gather [hbm4b:s1+s24], $0x80, s9, s24, $0xb8;
	[tilespmem:$0x1F800] =	vst v63  }
0x1f8: {  	s17 =	sor.u32 $0x100, s0  }
0x1f9: {  	[spmem:s4] =	stream.indirect.scatter.add.f32 [tilespmem:s25], [sflag:$0x2], $0x80, s17, s24, $0xb8;
	[tilespmem:$0x1F800] =	vst v63  }
0x1fa: {  	_ =	swait.ge [sflag:s26], $0x2800  }
0x1fb: {  	[sflag:s26] =	ssyncset.done $0x0  }
0x1fc: {  	[sflag:s26] =	ssyncadd.s32 $0xFFFFD800  }
0x1fd: {  	_ =	swait.ge [sflag:s22], $0x2800  }
0x1fe: {  	[sflag:s22] =	ssyncset.done $0x0  }
0x1ff: {  	s18 =	sor.u32 $0x2280, s0;
	[sflag:s22] =	ssyncadd.s32 $0xFFFFD800  }
0x200: {  	[tilespmem:s25], [sflag:$0x1] =	stream.indirect.gather [hbm4b:s1+s24], $0x80, s18, s24, $0xb8;
	[tilespmem:$0x1F800] =	vst v63  }
0x201: {  	s19 =	sor.u32 $0x180, s0  }
0x202: {  	[spmem:s4] =	stream.indirect.scatter.add.f32 [tilespmem:s21], [sflag:$0x2], $0x80, s19, s24, $0xb8;
	[tilespmem:$0x1F800] =	vst v63  }
0x203: {  	_ =	swait.ge [sflag:s26], $0x2800  }
0x204: {  	[sflag:s26] =	ssyncset.done $0x0  }
0x205: {  	[sflag:s26] =	ssyncadd.s32 $0xFFFFD800  }
0x206: {  	_ =	swait.ge [sflag:s22], $0x2800  }
0x207: {  	[sflag:s22] =	ssyncset.done $0x0  }
0x208: {  	s20 =	sor.u32 $0x2300, s0;
	[sflag:s22] =	ssyncadd.s32 $0xFFFFD800  }
0x209: {  	[tilespmem:s21], [sflag:$0x1] =	stream.indirect.gather [hbm4b:s1+s24], $0x80, s20, s24, $0xb8;
	[tilespmem:$0x1F800] =	vst v63  }
0x20a: {  	s9 =	sor.u32 $0x200, s0  }
0x20b: {  	[spmem:s4] =	stream.indirect.scatter.add.f32 [tilespmem:s29], [sflag:$0x2], $0x80, s9, s24, $0xb8;
	[tilespmem:$0x1F800] =	vst v63  }
0x20c: {  	_ =	swait.ge [sflag:s26], $0x2800  }
0x20d: {  	[sflag:s26] =	ssyncset.done $0x0  }
0x20e: {  	[sflag:s26] =	ssyncadd.s32 $0xFFFFD800  }
0x20f: {  	_ =	swait.ge [sflag:s22], $0x2800  }
0x210: {  	[sflag:s22] =	ssyncset.done $0x0  }
0x211: {  	s17 =	sor.u32 $0x2380, s0;
	[sflag:s22] =	ssyncadd.s32 $0xFFFFD800  }
0x212: {  	[tilespmem:s29], [sflag:$0x1] =	stream.indirect.gather [hbm4b:s1+s24], $0x80, s17, s24, $0xb8;
	[tilespmem:$0x1F800] =	vst v63  }
0x213: {  	s18 =	sor.u32 $0x280, s0  }
0x214: {  	[spmem:s4] =	stream.indirect.scatter.add.f32 [tilespmem:s25], [sflag:$0x2], $0x80, s18, s24, $0xb8;
	[tilespmem:$0x1F800] =	vst v63  }
0x215: {  	_ =	swait.ge [sflag:s26], $0x2800  }
0x216: {  	[sflag:s26] =	ssyncset.done $0x0  }
0x217: {  	[sflag:s26] =	ssyncadd.s32 $0xFFFFD800  }
0x218: {  	_ =	swait.ge [sflag:s22], $0x2800  }
0x219: {  	[sflag:s22] =	ssyncset.done $0x0  }
0x21a: {  	s19 =	sor.u32 $0x2400, s0;
	[sflag:s22] =	ssyncadd.s32 $0xFFFFD800  }
0x21b: {  	[tilespmem:s25], [sflag:$0x1] =	stream.indirect.gather [hbm4b:s1+s24], $0x80, s19, s24, $0xb8;
	[tilespmem:$0x1F800] =	vst v63  }
0x21c: {  	s20 =	sor.u32 $0x300, s0  }
0x21d: {  	[spmem:s4] =	stream.indirect.scatter.add.f32 [tilespmem:s21], [sflag:$0x2], $0x80, s20, s24, $0xb8;
	[tilespmem:$0x1F800] =	vst v63  }
0x21e: {  	_ =	swait.ge [sflag:s26], $0x2800  }
0x21f: {  	[sflag:s26] =	ssyncset.done $0x0  }
0x220: {  	[sflag:s26] =	ssyncadd.s32 $0xFFFFD800  }
0x221: {  	_ =	swait.ge [sflag:s22], $0x2800  }
0x222: {  	[sflag:s22] =	ssyncset.done $0x0  }
0x223: {  	s9 =	sor.u32 $0x2480, s0;
	[sflag:s22] =	ssyncadd.s32 $0xFFFFD800  }
0x224: {  	[tilespmem:s21], [sflag:$0x1] =	stream.indirect.gather [hbm4b:s1+s24], $0x80, s9, s24, $0xb8;
	[tilespmem:$0x1F800] =	vst v63  }
0x225: {  	s17 =	sor.u32 $0x380, s0  }
0x226: {  	[spmem:s4] =	stream.indirect.scatter.add.f32 [tilespmem:s29], [sflag:$0x2], $0x80, s17, s24, $0xb8;
	[tilespmem:$0x1F800] =	vst v63  }
0x227: {  	_ =	swait.ge [sflag:s26], $0x2800  }
0x228: {  	[sflag:s26] =	ssyncset.done $0x0  }
0x229: {  	[sflag:s26] =	ssyncadd.s32 $0xFFFFD800  }
0x22a: {  	_ =	swait.ge [sflag:s22], $0x2800  }
0x22b: {  	[sflag:s22] =	ssyncset.done $0x0  }
0x22c: {  	s18 =	sor.u32 $0x2500, s0;
	[sflag:s22] =	ssyncadd.s32 $0xFFFFD800  }
0x22d: {  	[tilespmem:s29], [sflag:$0x1] =	stream.indirect.gather [hbm4b:s1+s24], $0x80, s18, s24, $0xb8;
	[tilespmem:$0x1F800] =	vst v63  }
0x22e: {  	s19 =	sor.u32 $0x400, s0  }
0x22f: {  	[spmem:s4] =	stream.indirect.scatter.add.f32 [tilespmem:s25], [sflag:$0x2], $0x80, s19, s24, $0xb8;
	[tilespmem:$0x1F800] =	vst v63  }
0x230: {  	_ =	swait.ge [sflag:s26], $0x2800  }
0x231: {  	[sflag:s26] =	ssyncset.done $0x0  }
0x232: {  	[sflag:s26] =	ssyncadd.s32 $0xFFFFD800  }
0x233: {  	_ =	swait.ge [sflag:s22], $0x2800  }
0x234: {  	[sflag:s22] =	ssyncset.done $0x0  }
0x235: {  	s20 =	sor.u32 $0x2580, s0;
	[sflag:s22] =	ssyncadd.s32 $0xFFFFD800  }
0x236: {  	[tilespmem:s25], [sflag:$0x1] =	stream.indirect.gather [hbm4b:s1+s24], $0x80, s20, s24, $0xb8;
	[tilespmem:$0x1F800] =	vst v63  }
0x237: {  	s9 =	sor.u32 $0x480, s0  }
0x238: {  	[spmem:s4] =	stream.indirect.scatter.add.f32 [tilespmem:s21], [sflag:$0x2], $0x80, s9, s24, $0xb8;
	[tilespmem:$0x1F800] =	vst v63  }
0x239: {  	_ =	swait.ge [sflag:s26], $0x2800  }
0x23a: {  	[sflag:s26] =	ssyncset.done $0x0  }
0x23b: {  	[sflag:s26] =	ssyncadd.s32 $0xFFFFD800  }
0x23c: {  	_ =	swait.ge [sflag:s22], $0x2800  }
0x23d: {  	[sflag:s22] =	ssyncset.done $0x0  }
0x23e: {  	s17 =	sor.u32 $0x2600, s0;
	[sflag:s22] =	ssyncadd.s32 $0xFFFFD800  }
0x23f: {  	[tilespmem:s21], [sflag:$0x1] =	stream.indirect.gather [hbm4b:s1+s24], $0x80, s17, s24, $0xb8;
	[tilespmem:$0x1F800] =	vst v63  }
0x240: {  	s18 =	sor.u32 $0x500, s0  }
0x241: {  	[spmem:s4] =	stream.indirect.scatter.add.f32 [tilespmem:s29], [sflag:$0x2], $0x80, s18, s24, $0xb8;
	[tilespmem:$0x1F800] =	vst v63  }
0x242: {  	_ =	swait.ge [sflag:s26], $0x2800  }
0x243: {  	[sflag:s26] =	ssyncset.done $0x0  }
0x244: {  	[sflag:s26] =	ssyncadd.s32 $0xFFFFD800  }
0x245: {  	_ =	swait.ge [sflag:s22], $0x2800  }
0x246: {  	[sflag:s22] =	ssyncset.done $0x0  }
0x247: {  	s19 =	sor.u32 $0x2680, s0;
	[sflag:s22] =	ssyncadd.s32 $0xFFFFD800  }
0x248: {  	[tilespmem:s29], [sflag:$0x1] =	stream.indirect.gather [hbm4b:s1+s24], $0x80, s19, s24, $0xb8;
	[tilespmem:$0x1F800] =	vst v63  }
0x249: {  	s20 =	sor.u32 $0x580, s0  }
0x24a: {  	[spmem:s4] =	stream.indirect.scatter.add.f32 [tilespmem:s25], [sflag:$0x2], $0x80, s20, s24, $0xb8;
	[tilespmem:$0x1F800] =	vst v63  }
0x24b: {  	_ =	swait.ge [sflag:s26], $0x2800  }
0x24c: {  	[sflag:s26] =	ssyncset.done $0x0  }
0x24d: {  	[sflag:s26] =	ssyncadd.s32 $0xFFFFD800  }
0x24e: {  	_ =	swait.ge [sflag:s22], $0x2800  }
0x24f: {  	[sflag:s22] =	ssyncset.done $0x0  }
0x250: {  	s9 =	sor.u32 $0x2700, s0;
	[sflag:s22] =	ssyncadd.s32 $0xFFFFD800  }
0x251: {  	[tilespmem:s25], [sflag:$0x1] =	stream.indirect.gather [hbm4b:s1+s24], $0x80, s9, s24, $0xb8;
	[tilespmem:$0x1F800] =	vst v63  }
0x252: {  	s17 =	sor.u32 $0x600, s0  }
0x253: {  	[spmem:s4] =	stream.indirect.scatter.add.f32 [tilespmem:s21], [sflag:$0x2], $0x80, s17, s24, $0xb8;
	[tilespmem:$0x1F800] =	vst v63  }
0x254: {  	_ =	swait.ge [sflag:s26], $0x2800  }
0x255: {  	[sflag:s26] =	ssyncset.done $0x0  }
0x256: {  	[sflag:s26] =	ssyncadd.s32 $0xFFFFD800  }
0x257: {  	_ =	swait.ge [sflag:s22], $0x2800  }
0x258: {  	[sflag:s22] =	ssyncset.done $0x0  }
0x259: {  	s18 =	sor.u32 $0x2780, s0;
	[sflag:s22] =	ssyncadd.s32 $0xFFFFD800  }
0x25a: {  	[tilespmem:s21], [sflag:$0x1] =	stream.indirect.gather [hbm4b:s1+s24], $0x80, s18, s24, $0xb8;
	[tilespmem:$0x1F800] =	vst v63  }
0x25b: {  	s19 =	sor.u32 $0x680, s0  }
0x25c: {  	[spmem:s4] =	stream.indirect.scatter.add.f32 [tilespmem:s29], [sflag:$0x2], $0x80, s19, s24, $0xb8;
	[tilespmem:$0x1F800] =	vst v63  }
0x25d: {  	_ =	swait.ge [sflag:s26], $0x2800  }
0x25e: {  	[sflag:s26] =	ssyncset.done $0x0  }
0x25f: {  	[sflag:s26] =	ssyncadd.s32 $0xFFFFD800  }
0x260: {  	_ =	swait.ge [sflag:s22], $0x2800  }
0x261: {  	[sflag:s22] =	ssyncset.done $0x0  }
0x262: {  	s20 =	sor.u32 $0x2800, s0;
	[sflag:s22] =	ssyncadd.s32 $0xFFFFD800  }
0x263: {  	[tilespmem:s29], [sflag:$0x1] =	stream.indirect.gather [hbm4b:s1+s24], $0x80, s20, s24, $0xb8;
	[tilespmem:$0x1F800] =	vst v63  }
0x264: {  	s9 =	sor.u32 $0x700, s0  }
0x265: {  	[spmem:s4] =	stream.indirect.scatter.add.f32 [tilespmem:s25], [sflag:$0x2], $0x80, s9, s24, $0xb8;
	[tilespmem:$0x1F800] =	vst v63  }
0x266: {  	_ =	swait.ge [sflag:s26], $0x2800  }
0x267: {  	[sflag:s26] =	ssyncset.done $0x0  }
0x268: {  	[sflag:s26] =	ssyncadd.s32 $0xFFFFD800  }
0x269: {  	_ =	swait.ge [sflag:s22], $0x2800  }
0x26a: {  	[sflag:s22] =	ssyncset.done $0x0  }
0x26b: {  	s17 =	sor.u32 $0x2880, s0;
	[sflag:s22] =	ssyncadd.s32 $0xFFFFD800  }
0x26c: {  	[tilespmem:s25], [sflag:$0x1] =	stream.indirect.gather [hbm4b:s1+s24], $0x80, s17, s24, $0xb8;
	[tilespmem:$0x1F800] =	vst v63  }
0x26d: {  	s18 =	sor.u32 $0x780, s0  }
0x26e: {  	[spmem:s4] =	stream.indirect.scatter.add.f32 [tilespmem:s21], [sflag:$0x2], $0x80, s18, s24, $0xb8;
	[tilespmem:$0x1F800] =	vst v63  }
0x26f: {  	_ =	swait.ge [sflag:s26], $0x2800  }
0x270: {  	[sflag:s26] =	ssyncset.done $0x0  }
0x271: {  	[sflag:s26] =	ssyncadd.s32 $0xFFFFD800  }
0x272: {  	_ =	swait.ge [sflag:s22], $0x2800  }
0x273: {  	[sflag:s22] =	ssyncset.done $0x0  }
0x274: {  	s19 =	sor.u32 $0x2900, s0;
	[sflag:s22] =	ssyncadd.s32 $0xFFFFD800  }
0x275: {  	[tilespmem:s21], [sflag:$0x1] =	stream.indirect.gather [hbm4b:s1+s24], $0x80, s19, s24, $0xb8;
	[tilespmem:$0x1F800] =	vst v63  }
0x276: {  	s20 =	sor.u32 $0x800, s0  }
0x277: {  	[spmem:s4] =	stream.indirect.scatter.add.f32 [tilespmem:s29], [sflag:$0x2], $0x80, s20, s24, $0xb8;
	[tilespmem:$0x1F800] =	vst v63  }
0x278: {  	_ =	swait.ge [sflag:s26], $0x2800  }
0x279: {  	[sflag:s26] =	ssyncset.done $0x0  }
0x27a: {  	[sflag:s26] =	ssyncadd.s32 $0xFFFFD800  }
0x27b: {  	_ =	swait.ge [sflag:s22], $0x2800  }
0x27c: {  	[sflag:s22] =	ssyncset.done $0x0  }
0x27d: {  	s9 =	sor.u32 $0x2980, s0;
	[sflag:s22] =	ssyncadd.s32 $0xFFFFD800  }
0x27e: {  	[tilespmem:s29], [sflag:$0x1] =	stream.indirect.gather [hbm4b:s1+s24], $0x80, s9, s24, $0xb8;
	[tilespmem:$0x1F800] =	vst v63  }
0x27f: {  	s17 =	sor.u32 $0x880, s0  }
0x280: {  	[spmem:s4] =	stream.indirect.scatter.add.f32 [tilespmem:s25], [sflag:$0x2], $0x80, s17, s24, $0xb8;
	[tilespmem:$0x1F800] =	vst v63  }
0x281: {  	_ =	swait.ge [sflag:s26], $0x2800  }
0x282: {  	[sflag:s26] =	ssyncset.done $0x0  }
0x283: {  	[sflag:s26] =	ssyncadd.s32 $0xFFFFD800  }
0x284: {  	_ =	swait.ge [sflag:s22], $0x2800  }
0x285: {  	[sflag:s22] =	ssyncset.done $0x0  }
0x286: {  	s18 =	sor.u32 $0x2A00, s0;
	[sflag:s22] =	ssyncadd.s32 $0xFFFFD800  }
0x287: {  	[tilespmem:s25], [sflag:$0x1] =	stream.indirect.gather [hbm4b:s1+s24], $0x80, s18, s24, $0xb8;
	[tilespmem:$0x1F800] =	vst v63  }
0x288: {  	s19 =	sor.u32 $0x900, s0  }
0x289: {  	[spmem:s4] =	stream.indirect.scatter.add.f32 [tilespmem:s21], [sflag:$0x2], $0x80, s19, s24, $0xb8;
	[tilespmem:$0x1F800] =	vst v63  }
0x28a: {  	_ =	swait.ge [sflag:s26], $0x2800  }
0x28b: {  	[sflag:s26] =	ssyncset.done $0x0  }
0x28c: {  	[sflag:s26] =	ssyncadd.s32 $0xFFFFD800  }
0x28d: {  	_ =	swait.ge [sflag:s22], $0x2800  }
0x28e: {  	[sflag:s22] =	ssyncset.done $0x0  }
0x28f: {  	s20 =	sor.u32 $0x2A80, s0;
	[sflag:s22] =	ssyncadd.s32 $0xFFFFD800  }
0x290: {  	[tilespmem:s21], [sflag:$0x1] =	stream.indirect.gather [hbm4b:s1+s24], $0x80, s20, s24, $0xb8;
	[tilespmem:$0x1F800] =	vst v63  }
0x291: {  	s9 =	sor.u32 $0x980, s0  }
0x292: {  	[spmem:s4] =	stream.indirect.scatter.add.f32 [tilespmem:s29], [sflag:$0x2], $0x80, s9, s24, $0xb8;
	[tilespmem:$0x1F800] =	vst v63  }
0x293: {  	_ =	swait.ge [sflag:s26], $0x2800  }
0x294: {  	[sflag:s26] =	ssyncset.done $0x0  }
0x295: {  	[sflag:s26] =	ssyncadd.s32 $0xFFFFD800  }
0x296: {  	_ =	swait.ge [sflag:s22], $0x2800  }
0x297: {  	[sflag:s22] =	ssyncset.done $0x0  }
0x298: {  	s17 =	sor.u32 $0x2B00, s0;
	[sflag:s22] =	ssyncadd.s32 $0xFFFFD800  }
0x299: {  	[tilespmem:s29], [sflag:$0x1] =	stream.indirect.gather [hbm4b:s1+s24], $0x80, s17, s24, $0xb8;
	[tilespmem:$0x1F800] =	vst v63  }
0x29a: {  	s18 =	sor.u32 $0xA00, s0  }
0x29b: {  	[spmem:s4] =	stream.indirect.scatter.add.f32 [tilespmem:s25], [sflag:$0x2], $0x80, s18, s24, $0xb8;
	[tilespmem:$0x1F800] =	vst v63  }
0x29c: {  	_ =	swait.ge [sflag:s26], $0x2800  }
0x29d: {  	[sflag:s26] =	ssyncset.done $0x0  }
0x29e: {  	[sflag:s26] =	ssyncadd.s32 $0xFFFFD800  }
0x29f: {  	_ =	swait.ge [sflag:s22], $0x2800  }
0x2a0: {  	[sflag:s22] =	ssyncset.done $0x0  }
0x2a1: {  	s19 =	sor.u32 $0x2B80, s0;
	[sflag:s22] =	ssyncadd.s32 $0xFFFFD800  }
0x2a2: {  	[tilespmem:s25], [sflag:$0x1] =	stream.indirect.gather [hbm4b:s1+s24], $0x80, s19, s24, $0xb8;
	[tilespmem:$0x1F800] =	vst v63  }
0x2a3: {  	s20 =	sor.u32 $0xA80, s0  }
0x2a4: {  	[spmem:s4] =	stream.indirect.scatter.add.f32 [tilespmem:s21], [sflag:$0x2], $0x80, s20, s24, $0xb8;
	[tilespmem:$0x1F800] =	vst v63  }
0x2a5: {  	_ =	swait.ge [sflag:s26], $0x2800  }
0x2a6: {  	[sflag:s26] =	ssyncset.done $0x0  }
0x2a7: {  	[sflag:s26] =	ssyncadd.s32 $0xFFFFD800  }
0x2a8: {  	_ =	swait.ge [sflag:s22], $0x2800  }
0x2a9: {  	[sflag:s22] =	ssyncset.done $0x0  }
0x2aa: {  	s9 =	sor.u32 $0x2C00, s0;
	[sflag:s22] =	ssyncadd.s32 $0xFFFFD800  }
0x2ab: {  	[tilespmem:s21], [sflag:$0x1] =	stream.indirect.gather [hbm4b:s1+s24], $0x80, s9, s24, $0xb8;
	[tilespmem:$0x1F800] =	vst v63  }
0x2ac: {  	s17 =	sor.u32 $0xB00, s0  }
0x2ad: {  	[spmem:s4] =	stream.indirect.scatter.add.f32 [tilespmem:s29], [sflag:$0x2], $0x80, s17, s24, $0xb8;
	[tilespmem:$0x1F800] =	vst v63  }
0x2ae: {  	_ =	swait.ge [sflag:s26], $0x2800  }
0x2af: {  	[sflag:s26] =	ssyncset.done $0x0  }
0x2b0: {  	[sflag:s26] =	ssyncadd.s32 $0xFFFFD800  }
0x2b1: {  	_ =	swait.ge [sflag:s22], $0x2800  }
0x2b2: {  	[sflag:s22] =	ssyncset.done $0x0  }
0x2b3: {  	s18 =	sor.u32 $0xB80, s0;
	[sflag:s22] =	ssyncadd.s32 $0xFFFFD800  }
0x2b4: {  	[spmem:s4] =	stream.indirect.scatter.add.f32 [tilespmem:s25], [sflag:$0x2], $0x80, s18, s24, $0xb8;
	[tilespmem:$0x1F800] =	vst v63  }
0x2b5: {  	_ =	swait.ge [sflag:s26], $0x2800  }
0x2b6: {  	[sflag:s26] =	ssyncset.done $0x0  }
0x2b7: {  	[sflag:s26] =	ssyncadd.s32 $0xFFFFD800  }
0x2b8: {  	_ =	swait.ge [sflag:s22], $0x2800  }
0x2b9: {  	[sflag:s22] =	ssyncset.done $0x0  }
0x2ba: {  	s0 =	sor.u32 $0xC00, s0;
	[sflag:s22] =	ssyncadd.s32 $0xFFFFD800  }
0x2bb: {  	[spmem:s4] =	stream.indirect.scatter.add.f32 [tilespmem:s21], [sflag:$0x2], $0x80, s0, s24, $0xb8;
	[tilespmem:$0x1F800] =	vst v63  }
0x2bc: {  	_ =	swait.ge [sflag:s22], $0x2800  }
0x2bd: {  	[sflag:s22] =	ssyncset.done $0x0  }
0x2be: {  	[sflag:s22] =	ssyncadd.s32 $0xFFFFD800  }
0x2bf: {  	_ =	swait.ge [sflag:s30], $0xC80  }
0x2c0: {  	s19 =	simm.s32 $0x2;
	[sflag:s30] =	ssyncset.done $0x0  }
0x2c1: {  	s17 =	simm.s32 $0x1000;
	s0 =	smin.u32 s19, $0x4;
	[sflag:s30] =	ssyncadd.s32 $0xFFFFF380  }
0x2c2: {  	s18 =	simm.s32 $0x3;
	s20 =	sadd.s32 s15, s0;
	_ =	swait.ge [sflag:s30], $0xC80  }
0x2c3: {  	s0 =	sand.u32 $0x1000, s17;
	s8 =	sshll.u32 s20, $0x9;
	[sflag:s30] =	ssyncset.done $0x0  }
.LBB2_6:
0x2c4: {  	s20 =	sxor.u32 $0x1000, s0  }
0x2c5: {  	s9 =	sadd.s32 s2, s8;
	[sflag:s30] =	ssyncadd.s32 $0xFFFFF380;
	s19 =	smov.u32 s18  }
0x2c6: {  	[tilespmem:s20], [sflag:$0x3] =	stream.linear.gather [hbm4b:s9+s5], $0xC80, $0x38;
	[tilespmem:$0x1F800] =	vst v63  }
0x2c7: {  	s8 =	sadd.s32 s6, s8;
	s20 =	sadd.s32 $0x1, s18;
	s9 =	sxor.u32 $0x3000, s0  }
0x2c8: {  	[tilespmem:s9], [sflag:$0x3] =	stream.linear.gather [hbm4b:s8+s5], $0xC80, $0x38;
	[tilespmem:$0x1F800] =	vst v63  }
0x2c9: {  	p0 =	sne.s32 s18, $0x5;
	s8 =	sor.u32 $0x2000, s0  }
0x2ca: {  	[tilespmem:s21], [sflag:$0x1] =	stream.indirect.gather [hbm4b:s1+s24], $0x80, s8, s24, $0xb8;
	[tilespmem:$0x1F800] =	vst v63  }
0x2cb: {  	s8 =	sor.u32 $0x2080, s0  }
0x2cc: {  	[tilespmem:s29], [sflag:$0x1] =	stream.indirect.gather [hbm4b:s1+s24], $0x80, s8, s24, $0xb8;
	[tilespmem:$0x1F800] =	vst v63  }
0x2cd: {  	_ =	swait.ge [sflag:s26], $0x2800  }
0x2ce: {  	[sflag:s26] =	ssyncset.done $0x0  }
0x2cf: {  	s8 =	sor.u32 $0x2100, s0;
	[sflag:s26] =	ssyncadd.s32 $0xFFFFD800  }
0x2d0: {  	[tilespmem:s25], [sflag:$0x1] =	stream.indirect.gather [hbm4b:s1+s24], $0x80, s8, s24, $0xb8;
	[tilespmem:$0x1F800] =	vst v63  }
0x2d1: {  	_ = 	snop  }
0x2d2: {  	[spmem:s4] =	stream.indirect.scatter.add.f32 [tilespmem:s21], [sflag:$0x2], $0x80, s0, s24, $0xb8;
	[tilespmem:$0x1F800] =	vst v63  }
0x2d3: {  	_ =	swait.ge [sflag:s26], $0x2800  }
0x2d4: {  	[sflag:s26] =	ssyncset.done $0x0  }
0x2d5: {  	[sflag:s26] =	ssyncadd.s32 $0xFFFFD800  }
0x2d6: {  	_ =	swait.ge [sflag:s22], $0x2800  }
0x2d7: {  	[sflag:s22] =	ssyncset.done $0x0  }
0x2d8: {  	s8 =	sor.u32 $0x2180, s0;
	[sflag:s22] =	ssyncadd.s32 $0xFFFFD800  }
0x2d9: {  	[tilespmem:s21], [sflag:$0x1] =	stream.indirect.gather [hbm4b:s1+s24], $0x80, s8, s24, $0xb8;
	[tilespmem:$0x1F800] =	vst v63  }
0x2da: {  	s8 =	sor.u32 $0x80, s0  }
0x2db: {  	[spmem:s4] =	stream.indirect.scatter.add.f32 [tilespmem:s29], [sflag:$0x2], $0x80, s8, s24, $0xb8;
	[tilespmem:$0x1F800] =	vst v63  }
0x2dc: {  	_ =	swait.ge [sflag:s26], $0x2800  }
0x2dd: {  	[sflag:s26] =	ssyncset.done $0x0  }
0x2de: {  	[sflag:s26] =	ssyncadd.s32 $0xFFFFD800  }
0x2df: {  	_ =	swait.ge [sflag:s22], $0x2800  }
0x2e0: {  	[sflag:s22] =	ssyncset.done $0x0  }
0x2e1: {  	s8 =	sor.u32 $0x2200, s0;
	[sflag:s22] =	ssyncadd.s32 $0xFFFFD800  }
0x2e2: {  	[tilespmem:s29], [sflag:$0x1] =	stream.indirect.gather [hbm4b:s1+s24], $0x80, s8, s24, $0xb8;
	[tilespmem:$0x1F800] =	vst v63  }
0x2e3: {  	s8 =	sor.u32 $0x100, s0  }
0x2e4: {  	[spmem:s4] =	stream.indirect.scatter.add.f32 [tilespmem:s25], [sflag:$0x2], $0x80, s8, s24, $0xb8;
	[tilespmem:$0x1F800] =	vst v63  }
0x2e5: {  	_ =	swait.ge [sflag:s26], $0x2800  }
0x2e6: {  	[sflag:s26] =	ssyncset.done $0x0  }
0x2e7: {  	[sflag:s26] =	ssyncadd.s32 $0xFFFFD800  }
0x2e8: {  	_ =	swait.ge [sflag:s22], $0x2800  }
0x2e9: {  	[sflag:s22] =	ssyncset.done $0x0  }
0x2ea: {  	s8 =	sor.u32 $0x2280, s0;
	[sflag:s22] =	ssyncadd.s32 $0xFFFFD800  }
0x2eb: {  	[tilespmem:s25], [sflag:$0x1] =	stream.indirect.gather [hbm4b:s1+s24], $0x80, s8, s24, $0xb8;
	[tilespmem:$0x1F800] =	vst v63  }
0x2ec: {  	s8 =	sor.u32 $0x180, s0  }
0x2ed: {  	[spmem:s4] =	stream.indirect.scatter.add.f32 [tilespmem:s21], [sflag:$0x2], $0x80, s8, s24, $0xb8;
	[tilespmem:$0x1F800] =	vst v63  }
0x2ee: {  	_ =	swait.ge [sflag:s26], $0x2800  }
0x2ef: {  	[sflag:s26] =	ssyncset.done $0x0  }
0x2f0: {  	[sflag:s26] =	ssyncadd.s32 $0xFFFFD800  }
0x2f1: {  	_ =	swait.ge [sflag:s22], $0x2800  }
0x2f2: {  	[sflag:s22] =	ssyncset.done $0x0  }
0x2f3: {  	s8 =	sor.u32 $0x2300, s0;
	[sflag:s22] =	ssyncadd.s32 $0xFFFFD800  }
0x2f4: {  	[tilespmem:s21], [sflag:$0x1] =	stream.indirect.gather [hbm4b:s1+s24], $0x80, s8, s24, $0xb8;
	[tilespmem:$0x1F800] =	vst v63  }
0x2f5: {  	s8 =	sor.u32 $0x200, s0  }
0x2f6: {  	[spmem:s4] =	stream.indirect.scatter.add.f32 [tilespmem:s29], [sflag:$0x2], $0x80, s8, s24, $0xb8;
	[tilespmem:$0x1F800] =	vst v63  }
0x2f7: {  	_ =	swait.ge [sflag:s26], $0x2800  }
0x2f8: {  	[sflag:s26] =	ssyncset.done $0x0  }
0x2f9: {  	[sflag:s26] =	ssyncadd.s32 $0xFFFFD800  }
0x2fa: {  	_ =	swait.ge [sflag:s22], $0x2800  }
0x2fb: {  	[sflag:s22] =	ssyncset.done $0x0  }
0x2fc: {  	s8 =	sor.u32 $0x2380, s0;
	[sflag:s22] =	ssyncadd.s32 $0xFFFFD800  }
0x2fd: {  	[tilespmem:s29], [sflag:$0x1] =	stream.indirect.gather [hbm4b:s1+s24], $0x80, s8, s24, $0xb8;
	[tilespmem:$0x1F800] =	vst v63  }
0x2fe: {  	s8 =	sor.u32 $0x280, s0  }
0x2ff: {  	[spmem:s4] =	stream.indirect.scatter.add.f32 [tilespmem:s25], [sflag:$0x2], $0x80, s8, s24, $0xb8;
	[tilespmem:$0x1F800] =	vst v63  }
0x300: {  	_ =	swait.ge [sflag:s26], $0x2800  }
0x301: {  	[sflag:s26] =	ssyncset.done $0x0  }
0x302: {  	[sflag:s26] =	ssyncadd.s32 $0xFFFFD800  }
0x303: {  	_ =	swait.ge [sflag:s22], $0x2800  }
0x304: {  	[sflag:s22] =	ssyncset.done $0x0  }
0x305: {  	s8 =	sor.u32 $0x2400, s0;
	[sflag:s22] =	ssyncadd.s32 $0xFFFFD800  }
0x306: {  	[tilespmem:s25], [sflag:$0x1] =	stream.indirect.gather [hbm4b:s1+s24], $0x80, s8, s24, $0xb8;
	[tilespmem:$0x1F800] =	vst v63  }
0x307: {  	s8 =	sor.u32 $0x300, s0  }
0x308: {  	[spmem:s4] =	stream.indirect.scatter.add.f32 [tilespmem:s21], [sflag:$0x2], $0x80, s8, s24, $0xb8;
	[tilespmem:$0x1F800] =	vst v63  }
0x309: {  	_ =	swait.ge [sflag:s26], $0x2800  }
0x30a: {  	[sflag:s26] =	ssyncset.done $0x0  }
0x30b: {  	[sflag:s26] =	ssyncadd.s32 $0xFFFFD800  }
0x30c: {  	_ =	swait.ge [sflag:s22], $0x2800  }
0x30d: {  	[sflag:s22] =	ssyncset.done $0x0  }
0x30e: {  	s8 =	sor.u32 $0x2480, s0;
	[sflag:s22] =	ssyncadd.s32 $0xFFFFD800  }
0x30f: {  	[tilespmem:s21], [sflag:$0x1] =	stream.indirect.gather [hbm4b:s1+s24], $0x80, s8, s24, $0xb8;
	[tilespmem:$0x1F800] =	vst v63  }
0x310: {  	s8 =	sor.u32 $0x380, s0  }
0x311: {  	[spmem:s4] =	stream.indirect.scatter.add.f32 [tilespmem:s29], [sflag:$0x2], $0x80, s8, s24, $0xb8;
	[tilespmem:$0x1F800] =	vst v63  }
0x312: {  	_ =	swait.ge [sflag:s26], $0x2800  }
0x313: {  	[sflag:s26] =	ssyncset.done $0x0  }
0x314: {  	[sflag:s26] =	ssyncadd.s32 $0xFFFFD800  }
0x315: {  	_ =	swait.ge [sflag:s22], $0x2800  }
0x316: {  	[sflag:s22] =	ssyncset.done $0x0  }
0x317: {  	s8 =	sor.u32 $0x2500, s0;
	[sflag:s22] =	ssyncadd.s32 $0xFFFFD800  }
0x318: {  	[tilespmem:s29], [sflag:$0x1] =	stream.indirect.gather [hbm4b:s1+s24], $0x80, s8, s24, $0xb8;
	[tilespmem:$0x1F800] =	vst v63  }
0x319: {  	s8 =	sor.u32 $0x400, s0  }
0x31a: {  	[spmem:s4] =	stream.indirect.scatter.add.f32 [tilespmem:s25], [sflag:$0x2], $0x80, s8, s24, $0xb8;
	[tilespmem:$0x1F800] =	vst v63  }
0x31b: {  	_ =	swait.ge [sflag:s26], $0x2800  }
0x31c: {  	[sflag:s26] =	ssyncset.done $0x0  }
0x31d: {  	[sflag:s26] =	ssyncadd.s32 $0xFFFFD800  }
0x31e: {  	_ =	swait.ge [sflag:s22], $0x2800  }
0x31f: {  	[sflag:s22] =	ssyncset.done $0x0  }
0x320: {  	s8 =	sor.u32 $0x2580, s0;
	[sflag:s22] =	ssyncadd.s32 $0xFFFFD800  }
0x321: {  	[tilespmem:s25], [sflag:$0x1] =	stream.indirect.gather [hbm4b:s1+s24], $0x80, s8, s24, $0xb8;
	[tilespmem:$0x1F800] =	vst v63  }
0x322: {  	s8 =	sor.u32 $0x480, s0  }
0x323: {  	[spmem:s4] =	stream.indirect.scatter.add.f32 [tilespmem:s21], [sflag:$0x2], $0x80, s8, s24, $0xb8;
	[tilespmem:$0x1F800] =	vst v63  }
0x324: {  	_ =	swait.ge [sflag:s26], $0x2800  }
0x325: {  	[sflag:s26] =	ssyncset.done $0x0  }
0x326: {  	[sflag:s26] =	ssyncadd.s32 $0xFFFFD800  }
0x327: {  	_ =	swait.ge [sflag:s22], $0x2800  }
0x328: {  	[sflag:s22] =	ssyncset.done $0x0  }
0x329: {  	s8 =	sor.u32 $0x2600, s0;
	[sflag:s22] =	ssyncadd.s32 $0xFFFFD800  }
0x32a: {  	[tilespmem:s21], [sflag:$0x1] =	stream.indirect.gather [hbm4b:s1+s24], $0x80, s8, s24, $0xb8;
	[tilespmem:$0x1F800] =	vst v63  }
0x32b: {  	s8 =	sor.u32 $0x500, s0  }
0x32c: {  	[spmem:s4] =	stream.indirect.scatter.add.f32 [tilespmem:s29], [sflag:$0x2], $0x80, s8, s24, $0xb8;
	[tilespmem:$0x1F800] =	vst v63  }
0x32d: {  	_ =	swait.ge [sflag:s26], $0x2800  }
0x32e: {  	[sflag:s26] =	ssyncset.done $0x0  }
0x32f: {  	[sflag:s26] =	ssyncadd.s32 $0xFFFFD800  }
0x330: {  	_ =	swait.ge [sflag:s22], $0x2800  }
0x331: {  	[sflag:s22] =	ssyncset.done $0x0  }
0x332: {  	s8 =	sor.u32 $0x2680, s0;
	[sflag:s22] =	ssyncadd.s32 $0xFFFFD800  }
0x333: {  	[tilespmem:s29], [sflag:$0x1] =	stream.indirect.gather [hbm4b:s1+s24], $0x80, s8, s24, $0xb8;
	[tilespmem:$0x1F800] =	vst v63  }
0x334: {  	s8 =	sor.u32 $0x580, s0  }
0x335: {  	[spmem:s4] =	stream.indirect.scatter.add.f32 [tilespmem:s25], [sflag:$0x2], $0x80, s8, s24, $0xb8;
	[tilespmem:$0x1F800] =	vst v63  }
0x336: {  	_ =	swait.ge [sflag:s26], $0x2800  }
0x337: {  	[sflag:s26] =	ssyncset.done $0x0  }
0x338: {  	[sflag:s26] =	ssyncadd.s32 $0xFFFFD800  }
0x339: {  	_ =	swait.ge [sflag:s22], $0x2800  }
0x33a: {  	[sflag:s22] =	ssyncset.done $0x0  }
0x33b: {  	s8 =	sor.u32 $0x2700, s0;
	[sflag:s22] =	ssyncadd.s32 $0xFFFFD800  }
0x33c: {  	[tilespmem:s25], [sflag:$0x1] =	stream.indirect.gather [hbm4b:s1+s24], $0x80, s8, s24, $0xb8;
	[tilespmem:$0x1F800] =	vst v63  }
0x33d: {  	s8 =	sor.u32 $0x600, s0  }
0x33e: {  	[spmem:s4] =	stream.indirect.scatter.add.f32 [tilespmem:s21], [sflag:$0x2], $0x80, s8, s24, $0xb8;
	[tilespmem:$0x1F800] =	vst v63  }
0x33f: {  	_ =	swait.ge [sflag:s26], $0x2800  }
0x340: {  	[sflag:s26] =	ssyncset.done $0x0  }
0x341: {  	[sflag:s26] =	ssyncadd.s32 $0xFFFFD800  }
0x342: {  	_ =	swait.ge [sflag:s22], $0x2800  }
0x343: {  	[sflag:s22] =	ssyncset.done $0x0  }
0x344: {  	s8 =	sor.u32 $0x2780, s0;
	[sflag:s22] =	ssyncadd.s32 $0xFFFFD800  }
0x345: {  	[tilespmem:s21], [sflag:$0x1] =	stream.indirect.gather [hbm4b:s1+s24], $0x80, s8, s24, $0xb8;
	[tilespmem:$0x1F800] =	vst v63  }
0x346: {  	s8 =	sor.u32 $0x680, s0  }
0x347: {  	[spmem:s4] =	stream.indirect.scatter.add.f32 [tilespmem:s29], [sflag:$0x2], $0x80, s8, s24, $0xb8;
	[tilespmem:$0x1F800] =	vst v63  }
0x348: {  	_ =	swait.ge [sflag:s26], $0x2800  }
0x349: {  	[sflag:s26] =	ssyncset.done $0x0  }
0x34a: {  	[sflag:s26] =	ssyncadd.s32 $0xFFFFD800  }
0x34b: {  	_ =	swait.ge [sflag:s22], $0x2800  }
0x34c: {  	[sflag:s22] =	ssyncset.done $0x0  }
0x34d: {  	s8 =	sor.u32 $0x2800, s0;
	[sflag:s22] =	ssyncadd.s32 $0xFFFFD800  }
0x34e: {  	[tilespmem:s29], [sflag:$0x1] =	stream.indirect.gather [hbm4b:s1+s24], $0x80, s8, s24, $0xb8;
	[tilespmem:$0x1F800] =	vst v63  }
0x34f: {  	s8 =	sor.u32 $0x700, s0  }
0x350: {  	[spmem:s4] =	stream.indirect.scatter.add.f32 [tilespmem:s25], [sflag:$0x2], $0x80, s8, s24, $0xb8;
	[tilespmem:$0x1F800] =	vst v63  }
0x351: {  	_ =	swait.ge [sflag:s26], $0x2800  }
0x352: {  	[sflag:s26] =	ssyncset.done $0x0  }
0x353: {  	[sflag:s26] =	ssyncadd.s32 $0xFFFFD800  }
0x354: {  	_ =	swait.ge [sflag:s22], $0x2800  }
0x355: {  	[sflag:s22] =	ssyncset.done $0x0  }
0x356: {  	s8 =	sor.u32 $0x2880, s0;
	[sflag:s22] =	ssyncadd.s32 $0xFFFFD800  }
0x357: {  	[tilespmem:s25], [sflag:$0x1] =	stream.indirect.gather [hbm4b:s1+s24], $0x80, s8, s24, $0xb8;
	[tilespmem:$0x1F800] =	vst v63  }
0x358: {  	s8 =	sor.u32 $0x780, s0  }
0x359: {  	[spmem:s4] =	stream.indirect.scatter.add.f32 [tilespmem:s21], [sflag:$0x2], $0x80, s8, s24, $0xb8;
	[tilespmem:$0x1F800] =	vst v63  }
0x35a: {  	_ =	swait.ge [sflag:s26], $0x2800  }
0x35b: {  	[sflag:s26] =	ssyncset.done $0x0  }
0x35c: {  	[sflag:s26] =	ssyncadd.s32 $0xFFFFD800  }
0x35d: {  	_ =	swait.ge [sflag:s22], $0x2800  }
0x35e: {  	[sflag:s22] =	ssyncset.done $0x0  }
0x35f: {  	s8 =	sor.u32 $0x2900, s0;
	[sflag:s22] =	ssyncadd.s32 $0xFFFFD800  }
0x360: {  	[tilespmem:s21], [sflag:$0x1] =	stream.indirect.gather [hbm4b:s1+s24], $0x80, s8, s24, $0xb8;
	[tilespmem:$0x1F800] =	vst v63  }
0x361: {  	s8 =	sor.u32 $0x800, s0  }
0x362: {  	[spmem:s4] =	stream.indirect.scatter.add.f32 [tilespmem:s29], [sflag:$0x2], $0x80, s8, s24, $0xb8;
	[tilespmem:$0x1F800] =	vst v63  }
0x363: {  	_ =	swait.ge [sflag:s26], $0x2800  }
0x364: {  	[sflag:s26] =	ssyncset.done $0x0  }
0x365: {  	[sflag:s26] =	ssyncadd.s32 $0xFFFFD800  }
0x366: {  	_ =	swait.ge [sflag:s22], $0x2800  }
0x367: {  	[sflag:s22] =	ssyncset.done $0x0  }
0x368: {  	s8 =	sor.u32 $0x2980, s0;
	[sflag:s22] =	ssyncadd.s32 $0xFFFFD800  }
0x369: {  	[tilespmem:s29], [sflag:$0x1] =	stream.indirect.gather [hbm4b:s1+s24], $0x80, s8, s24, $0xb8;
	[tilespmem:$0x1F800] =	vst v63  }
0x36a: {  	s8 =	sor.u32 $0x880, s0  }
0x36b: {  	[spmem:s4] =	stream.indirect.scatter.add.f32 [tilespmem:s25], [sflag:$0x2], $0x80, s8, s24, $0xb8;
	[tilespmem:$0x1F800] =	vst v63  }
0x36c: {  	_ =	swait.ge [sflag:s26], $0x2800  }
0x36d: {  	[sflag:s26] =	ssyncset.done $0x0  }
0x36e: {  	[sflag:s26] =	ssyncadd.s32 $0xFFFFD800  }
0x36f: {  	_ =	swait.ge [sflag:s22], $0x2800  }
0x370: {  	[sflag:s22] =	ssyncset.done $0x0  }
0x371: {  	s8 =	sor.u32 $0x2A00, s0;
	[sflag:s22] =	ssyncadd.s32 $0xFFFFD800  }
0x372: {  	[tilespmem:s25], [sflag:$0x1] =	stream.indirect.gather [hbm4b:s1+s24], $0x80, s8, s24, $0xb8;
	[tilespmem:$0x1F800] =	vst v63  }
0x373: {  	s8 =	sor.u32 $0x900, s0  }
0x374: {  	[spmem:s4] =	stream.indirect.scatter.add.f32 [tilespmem:s21], [sflag:$0x2], $0x80, s8, s24, $0xb8;
	[tilespmem:$0x1F800] =	vst v63  }
0x375: {  	_ =	swait.ge [sflag:s26], $0x2800  }
0x376: {  	[sflag:s26] =	ssyncset.done $0x0  }
0x377: {  	[sflag:s26] =	ssyncadd.s32 $0xFFFFD800  }
0x378: {  	_ =	swait.ge [sflag:s22], $0x2800  }
0x379: {  	[sflag:s22] =	ssyncset.done $0x0  }
0x37a: {  	s8 =	sor.u32 $0x2A80, s0;
	[sflag:s22] =	ssyncadd.s32 $0xFFFFD800  }
0x37b: {  	[tilespmem:s21], [sflag:$0x1] =	stream.indirect.gather [hbm4b:s1+s24], $0x80, s8, s24, $0xb8;
	[tilespmem:$0x1F800] =	vst v63  }
0x37c: {  	s8 =	sor.u32 $0x980, s0  }
0x37d: {  	[spmem:s4] =	stream.indirect.scatter.add.f32 [tilespmem:s29], [sflag:$0x2], $0x80, s8, s24, $0xb8;
	[tilespmem:$0x1F800] =	vst v63  }
0x37e: {  	_ =	swait.ge [sflag:s26], $0x2800  }
0x37f: {  	[sflag:s26] =	ssyncset.done $0x0  }
0x380: {  	[sflag:s26] =	ssyncadd.s32 $0xFFFFD800  }
0x381: {  	_ =	swait.ge [sflag:s22], $0x2800  }
0x382: {  	[sflag:s22] =	ssyncset.done $0x0  }
0x383: {  	s8 =	sor.u32 $0x2B00, s0;
	[sflag:s22] =	ssyncadd.s32 $0xFFFFD800  }
0x384: {  	[tilespmem:s29], [sflag:$0x1] =	stream.indirect.gather [hbm4b:s1+s24], $0x80, s8, s24, $0xb8;
	[tilespmem:$0x1F800] =	vst v63  }
0x385: {  	s8 =	sor.u32 $0xA00, s0  }
0x386: {  	[spmem:s4] =	stream.indirect.scatter.add.f32 [tilespmem:s25], [sflag:$0x2], $0x80, s8, s24, $0xb8;
	[tilespmem:$0x1F800] =	vst v63  }
0x387: {  	_ =	swait.ge [sflag:s26], $0x2800  }
0x388: {  	[sflag:s26] =	ssyncset.done $0x0  }
0x389: {  	[sflag:s26] =	ssyncadd.s32 $0xFFFFD800  }
0x38a: {  	_ =	swait.ge [sflag:s22], $0x2800  }
0x38b: {  	[sflag:s22] =	ssyncset.done $0x0  }
0x38c: {  	s8 =	sor.u32 $0x2B80, s0;
	[sflag:s22] =	ssyncadd.s32 $0xFFFFD800  }
0x38d: {  	[tilespmem:s25], [sflag:$0x1] =	stream.indirect.gather [hbm4b:s1+s24], $0x80, s8, s24, $0xb8;
	[tilespmem:$0x1F800] =	vst v63  }
0x38e: {  	s8 =	sor.u32 $0xA80, s0  }
0x38f: {  	[spmem:s4] =	stream.indirect.scatter.add.f32 [tilespmem:s21], [sflag:$0x2], $0x80, s8, s24, $0xb8;
	[tilespmem:$0x1F800] =	vst v63  }
0x390: {  	_ =	swait.ge [sflag:s26], $0x2800  }
0x391: {  	[sflag:s26] =	ssyncset.done $0x0  }
0x392: {  	[sflag:s26] =	ssyncadd.s32 $0xFFFFD800  }
0x393: {  	_ =	swait.ge [sflag:s22], $0x2800  }
0x394: {  	[sflag:s22] =	ssyncset.done $0x0  }
0x395: {  	s8 =	sor.u32 $0x2C00, s0;
	[sflag:s22] =	ssyncadd.s32 $0xFFFFD800  }
0x396: {  	[tilespmem:s21], [sflag:$0x1] =	stream.indirect.gather [hbm4b:s1+s24], $0x80, s8, s24, $0xb8;
	[tilespmem:$0x1F800] =	vst v63  }
0x397: {  	s8 =	sor.u32 $0xB00, s0  }
0x398: {  	[spmem:s4] =	stream.indirect.scatter.add.f32 [tilespmem:s29], [sflag:$0x2], $0x80, s8, s24, $0xb8;
	[tilespmem:$0x1F800] =	vst v63  }
0x399: {  	_ =	swait.ge [sflag:s26], $0x2800  }
0x39a: {  	[sflag:s26] =	ssyncset.done $0x0  }
0x39b: {  	[sflag:s26] =	ssyncadd.s32 $0xFFFFD800  }
0x39c: {  	_ =	swait.ge [sflag:s22], $0x2800  }
0x39d: {  	[sflag:s22] =	ssyncset.done $0x0  }
0x39e: {  	s8 =	sor.u32 $0xB80, s0;
	[sflag:s22] =	ssyncadd.s32 $0xFFFFD800  }
0x39f: {  	[spmem:s4] =	stream.indirect.scatter.add.f32 [tilespmem:s25], [sflag:$0x2], $0x80, s8, s24, $0xb8;
	[tilespmem:$0x1F800] =	vst v63  }
0x3a0: {  	_ =	swait.ge [sflag:s26], $0x2800  }
0x3a1: {  	[sflag:s26] =	ssyncset.done $0x0  }
0x3a2: {  	[sflag:s26] =	ssyncadd.s32 $0xFFFFD800  }
0x3a3: {  	_ =	swait.ge [sflag:s22], $0x2800  }
0x3a4: {  	[sflag:s22] =	ssyncset.done $0x0  }
0x3a5: {  	s0 =	sor.u32 $0xC00, s0;
	[sflag:s22] =	ssyncadd.s32 $0xFFFFD800  }
0x3a6: {  	[spmem:s4] =	stream.indirect.scatter.add.f32 [tilespmem:s21], [sflag:$0x2], $0x80, s0, s24, $0xb8;
	[tilespmem:$0x1F800] =	vst v63  }
0x3a7: {  	_ =	swait.ge [sflag:s22], $0x2800  }
0x3a8: {  	[sflag:s22] =	ssyncset.done $0x0  }
0x3a9: {  	[sflag:s22] =	ssyncadd.s32 $0xFFFFD800  }
.Ltmp2:
0x3aa: {  	_ =	swait.ge [sflag:s30], $0xC80;
	(pc) =	sbr.rel @p0 .LBB2_6-.Ltmp2, $4  }
0x3ab: {  	[sflag:s30] =	ssyncset.done $0x0  }
0x3ac: {  	s17 =	sadd.s32 $0x1000, s17;
	s0 =	smin.u32 s19, $0x4;
	[sflag:s30] =	ssyncadd.s32 $0xFFFFF380  }
0x3ad: {  	s18 =	smov.u32 s20;
	s8 =	sadd.s32 s15, s0;
	_ =	swait.ge [sflag:s30], $0xC80  }
0x3ae: {  	s0 =	sand.u32 $0x1000, s17;
	s8 =	sshll.u32 s8, $0x9;
	[sflag:s30] =	ssyncset.done $0x0  }
0x3af: {  	s9 =	sxor.u32 $0x1000, s0;
	s17 =	sadd.s32 s2, s8;
	[sflag:s30] =	ssyncadd.s32 $0xFFFFF380  }
0x3b0: {  	[tilespmem:s9], [sflag:$0x3] =	stream.linear.gather [hbm4b:s17+s5], $0xC80, $0x38;
	[tilespmem:$0x1F800] =	vst v63  }
0x3b1: {  	s19 =	sxor.u32 $0x3000, s0;
	s20 =	sadd.s32 s6, s8  }
0x3b2: {  	[tilespmem:s19], [sflag:$0x3] =	stream.linear.gather [hbm4b:s20+s5], $0xC80, $0x38;
	[tilespmem:$0x1F800] =	vst v63  }
0x3b3: {  	s9 =	sor.u32 $0x2000, s0  }
0x3b4: {  	[tilespmem:s21], [sflag:$0x1] =	stream.indirect.gather [hbm4b:s1+s24], $0x80, s9, s24, $0xb8;
	[tilespmem:$0x1F800] =	vst v63  }
0x3b5: {  	s17 =	sor.u32 $0x2080, s0  }
0x3b6: {  	[tilespmem:s29], [sflag:$0x1] =	stream.indirect.gather [hbm4b:s1+s24], $0x80, s17, s24, $0xb8;
	[tilespmem:$0x1F800] =	vst v63  }
0x3b7: {  	_ =	swait.ge [sflag:s26], $0x2800  }
0x3b8: {  	[sflag:s26] =	ssyncset.done $0x0  }
0x3b9: {  	s18 =	sor.u32 $0x2100, s0;
	[sflag:s26] =	ssyncadd.s32 $0xFFFFD800  }
0x3ba: {  	[tilespmem:s25], [sflag:$0x1] =	stream.indirect.gather [hbm4b:s1+s24], $0x80, s18, s24, $0xb8;
	[tilespmem:$0x1F800] =	vst v63  }
0x3bb: {  	_ = 	snop  }
0x3bc: {  	[spmem:s4] =	stream.indirect.scatter.add.f32 [tilespmem:s21], [sflag:$0x2], $0x80, s0, s24, $0xb8;
	[tilespmem:$0x1F800] =	vst v63  }
0x3bd: {  	_ =	swait.ge [sflag:s26], $0x2800  }
0x3be: {  	[sflag:s26] =	ssyncset.done $0x0  }
0x3bf: {  	[sflag:s26] =	ssyncadd.s32 $0xFFFFD800  }
0x3c0: {  	_ =	swait.ge [sflag:s22], $0x2800  }
0x3c1: {  	[sflag:s22] =	ssyncset.done $0x0  }
0x3c2: {  	s19 =	sor.u32 $0x2180, s0;
	[sflag:s22] =	ssyncadd.s32 $0xFFFFD800  }
0x3c3: {  	[tilespmem:s21], [sflag:$0x1] =	stream.indirect.gather [hbm4b:s1+s24], $0x80, s19, s24, $0xb8;
	[tilespmem:$0x1F800] =	vst v63  }
0x3c4: {  	s20 =	sor.u32 $0x80, s0  }
0x3c5: {  	[spmem:s4] =	stream.indirect.scatter.add.f32 [tilespmem:s29], [sflag:$0x2], $0x80, s20, s24, $0xb8;
	[tilespmem:$0x1F800] =	vst v63  }
0x3c6: {  	_ =	swait.ge [sflag:s26], $0x2800  }
0x3c7: {  	[sflag:s26] =	ssyncset.done $0x0  }
0x3c8: {  	[sflag:s26] =	ssyncadd.s32 $0xFFFFD800  }
0x3c9: {  	_ =	swait.ge [sflag:s22], $0x2800  }
0x3ca: {  	[sflag:s22] =	ssyncset.done $0x0  }
0x3cb: {  	s9 =	sor.u32 $0x2200, s0;
	[sflag:s22] =	ssyncadd.s32 $0xFFFFD800  }
0x3cc: {  	[tilespmem:s29], [sflag:$0x1] =	stream.indirect.gather [hbm4b:s1+s24], $0x80, s9, s24, $0xb8;
	[tilespmem:$0x1F800] =	vst v63  }
0x3cd: {  	s17 =	sor.u32 $0x100, s0  }
0x3ce: {  	[spmem:s4] =	stream.indirect.scatter.add.f32 [tilespmem:s25], [sflag:$0x2], $0x80, s17, s24, $0xb8;
	[tilespmem:$0x1F800] =	vst v63  }
0x3cf: {  	_ =	swait.ge [sflag:s26], $0x2800  }
0x3d0: {  	[sflag:s26] =	ssyncset.done $0x0  }
0x3d1: {  	[sflag:s26] =	ssyncadd.s32 $0xFFFFD800  }
0x3d2: {  	_ =	swait.ge [sflag:s22], $0x2800  }
0x3d3: {  	[sflag:s22] =	ssyncset.done $0x0  }
0x3d4: {  	s18 =	sor.u32 $0x2280, s0;
	[sflag:s22] =	ssyncadd.s32 $0xFFFFD800  }
0x3d5: {  	[tilespmem:s25], [sflag:$0x1] =	stream.indirect.gather [hbm4b:s1+s24], $0x80, s18, s24, $0xb8;
	[tilespmem:$0x1F800] =	vst v63  }
0x3d6: {  	s19 =	sor.u32 $0x180, s0  }
0x3d7: {  	[spmem:s4] =	stream.indirect.scatter.add.f32 [tilespmem:s21], [sflag:$0x2], $0x80, s19, s24, $0xb8;
	[tilespmem:$0x1F800] =	vst v63  }
0x3d8: {  	_ =	swait.ge [sflag:s26], $0x2800  }
0x3d9: {  	[sflag:s26] =	ssyncset.done $0x0  }
0x3da: {  	[sflag:s26] =	ssyncadd.s32 $0xFFFFD800  }
0x3db: {  	_ =	swait.ge [sflag:s22], $0x2800  }
0x3dc: {  	[sflag:s22] =	ssyncset.done $0x0  }
0x3dd: {  	s20 =	sor.u32 $0x2300, s0;
	[sflag:s22] =	ssyncadd.s32 $0xFFFFD800  }
0x3de: {  	[tilespmem:s21], [sflag:$0x1] =	stream.indirect.gather [hbm4b:s1+s24], $0x80, s20, s24, $0xb8;
	[tilespmem:$0x1F800] =	vst v63  }
0x3df: {  	s9 =	sor.u32 $0x200, s0  }
0x3e0: {  	[spmem:s4] =	stream.indirect.scatter.add.f32 [tilespmem:s29], [sflag:$0x2], $0x80, s9, s24, $0xb8;
	[tilespmem:$0x1F800] =	vst v63  }
0x3e1: {  	_ =	swait.ge [sflag:s26], $0x2800  }
0x3e2: {  	[sflag:s26] =	ssyncset.done $0x0  }
0x3e3: {  	[sflag:s26] =	ssyncadd.s32 $0xFFFFD800  }
0x3e4: {  	_ =	swait.ge [sflag:s22], $0x2800  }
0x3e5: {  	[sflag:s22] =	ssyncset.done $0x0  }
0x3e6: {  	s17 =	sor.u32 $0x2380, s0;
	[sflag:s22] =	ssyncadd.s32 $0xFFFFD800  }
0x3e7: {  	[tilespmem:s29], [sflag:$0x1] =	stream.indirect.gather [hbm4b:s1+s24], $0x80, s17, s24, $0xb8;
	[tilespmem:$0x1F800] =	vst v63  }
0x3e8: {  	s18 =	sor.u32 $0x280, s0  }
0x3e9: {  	[spmem:s4] =	stream.indirect.scatter.add.f32 [tilespmem:s25], [sflag:$0x2], $0x80, s18, s24, $0xb8;
	[tilespmem:$0x1F800] =	vst v63  }
0x3ea: {  	_ =	swait.ge [sflag:s26], $0x2800  }
0x3eb: {  	[sflag:s26] =	ssyncset.done $0x0  }
0x3ec: {  	[sflag:s26] =	ssyncadd.s32 $0xFFFFD800  }
0x3ed: {  	_ =	swait.ge [sflag:s22], $0x2800  }
0x3ee: {  	[sflag:s22] =	ssyncset.done $0x0  }
0x3ef: {  	s19 =	sor.u32 $0x2400, s0;
	[sflag:s22] =	ssyncadd.s32 $0xFFFFD800  }
0x3f0: {  	[tilespmem:s25], [sflag:$0x1] =	stream.indirect.gather [hbm4b:s1+s24], $0x80, s19, s24, $0xb8;
	[tilespmem:$0x1F800] =	vst v63  }
0x3f1: {  	s20 =	sor.u32 $0x300, s0  }
0x3f2: {  	[spmem:s4] =	stream.indirect.scatter.add.f32 [tilespmem:s21], [sflag:$0x2], $0x80, s20, s24, $0xb8;
	[tilespmem:$0x1F800] =	vst v63  }
0x3f3: {  	_ =	swait.ge [sflag:s26], $0x2800  }
0x3f4: {  	[sflag:s26] =	ssyncset.done $0x0  }
0x3f5: {  	[sflag:s26] =	ssyncadd.s32 $0xFFFFD800  }
0x3f6: {  	_ =	swait.ge [sflag:s22], $0x2800  }
0x3f7: {  	[sflag:s22] =	ssyncset.done $0x0  }
0x3f8: {  	s9 =	sor.u32 $0x2480, s0;
	[sflag:s22] =	ssyncadd.s32 $0xFFFFD800  }
0x3f9: {  	[tilespmem:s21], [sflag:$0x1] =	stream.indirect.gather [hbm4b:s1+s24], $0x80, s9, s24, $0xb8;
	[tilespmem:$0x1F800] =	vst v63  }
0x3fa: {  	s17 =	sor.u32 $0x380, s0  }
0x3fb: {  	[spmem:s4] =	stream.indirect.scatter.add.f32 [tilespmem:s29], [sflag:$0x2], $0x80, s17, s24, $0xb8;
	[tilespmem:$0x1F800] =	vst v63  }
0x3fc: {  	_ =	swait.ge [sflag:s26], $0x2800  }
0x3fd: {  	[sflag:s26] =	ssyncset.done $0x0  }
0x3fe: {  	[sflag:s26] =	ssyncadd.s32 $0xFFFFD800  }
0x3ff: {  	_ =	swait.ge [sflag:s22], $0x2800  }
0x400: {  	[sflag:s22] =	ssyncset.done $0x0  }
0x401: {  	s18 =	sor.u32 $0x2500, s0;
	[sflag:s22] =	ssyncadd.s32 $0xFFFFD800  }
0x402: {  	[tilespmem:s29], [sflag:$0x1] =	stream.indirect.gather [hbm4b:s1+s24], $0x80, s18, s24, $0xb8;
	[tilespmem:$0x1F800] =	vst v63  }
0x403: {  	s19 =	sor.u32 $0x400, s0  }
0x404: {  	[spmem:s4] =	stream.indirect.scatter.add.f32 [tilespmem:s25], [sflag:$0x2], $0x80, s19, s24, $0xb8;
	[tilespmem:$0x1F800] =	vst v63  }
0x405: {  	_ =	swait.ge [sflag:s26], $0x2800  }
0x406: {  	[sflag:s26] =	ssyncset.done $0x0  }
0x407: {  	[sflag:s26] =	ssyncadd.s32 $0xFFFFD800  }
0x408: {  	_ =	swait.ge [sflag:s22], $0x2800  }
0x409: {  	[sflag:s22] =	ssyncset.done $0x0  }
0x40a: {  	s20 =	sor.u32 $0x2580, s0;
	[sflag:s22] =	ssyncadd.s32 $0xFFFFD800  }
0x40b: {  	[tilespmem:s25], [sflag:$0x1] =	stream.indirect.gather [hbm4b:s1+s24], $0x80, s20, s24, $0xb8;
	[tilespmem:$0x1F800] =	vst v63  }
0x40c: {  	s9 =	sor.u32 $0x480, s0  }
0x40d: {  	[spmem:s4] =	stream.indirect.scatter.add.f32 [tilespmem:s21], [sflag:$0x2], $0x80, s9, s24, $0xb8;
	[tilespmem:$0x1F800] =	vst v63  }
0x40e: {  	_ =	swait.ge [sflag:s26], $0x2800  }
0x40f: {  	[sflag:s26] =	ssyncset.done $0x0  }
0x410: {  	[sflag:s26] =	ssyncadd.s32 $0xFFFFD800  }
0x411: {  	_ =	swait.ge [sflag:s22], $0x2800  }
0x412: {  	[sflag:s22] =	ssyncset.done $0x0  }
0x413: {  	s17 =	sor.u32 $0x2600, s0;
	[sflag:s22] =	ssyncadd.s32 $0xFFFFD800  }
0x414: {  	[tilespmem:s21], [sflag:$0x1] =	stream.indirect.gather [hbm4b:s1+s24], $0x80, s17, s24, $0xb8;
	[tilespmem:$0x1F800] =	vst v63  }
0x415: {  	s18 =	sor.u32 $0x500, s0  }
0x416: {  	[spmem:s4] =	stream.indirect.scatter.add.f32 [tilespmem:s29], [sflag:$0x2], $0x80, s18, s24, $0xb8;
	[tilespmem:$0x1F800] =	vst v63  }
0x417: {  	_ =	swait.ge [sflag:s26], $0x2800  }
0x418: {  	[sflag:s26] =	ssyncset.done $0x0  }
0x419: {  	[sflag:s26] =	ssyncadd.s32 $0xFFFFD800  }
0x41a: {  	_ =	swait.ge [sflag:s22], $0x2800  }
0x41b: {  	[sflag:s22] =	ssyncset.done $0x0  }
0x41c: {  	s19 =	sor.u32 $0x2680, s0;
	[sflag:s22] =	ssyncadd.s32 $0xFFFFD800  }
0x41d: {  	[tilespmem:s29], [sflag:$0x1] =	stream.indirect.gather [hbm4b:s1+s24], $0x80, s19, s24, $0xb8;
	[tilespmem:$0x1F800] =	vst v63  }
0x41e: {  	s20 =	sor.u32 $0x580, s0  }
0x41f: {  	[spmem:s4] =	stream.indirect.scatter.add.f32 [tilespmem:s25], [sflag:$0x2], $0x80, s20, s24, $0xb8;
	[tilespmem:$0x1F800] =	vst v63  }
0x420: {  	_ =	swait.ge [sflag:s26], $0x2800  }
0x421: {  	[sflag:s26] =	ssyncset.done $0x0  }
0x422: {  	[sflag:s26] =	ssyncadd.s32 $0xFFFFD800  }
0x423: {  	_ =	swait.ge [sflag:s22], $0x2800  }
0x424: {  	[sflag:s22] =	ssyncset.done $0x0  }
0x425: {  	s9 =	sor.u32 $0x2700, s0;
	[sflag:s22] =	ssyncadd.s32 $0xFFFFD800  }
0x426: {  	[tilespmem:s25], [sflag:$0x1] =	stream.indirect.gather [hbm4b:s1+s24], $0x80, s9, s24, $0xb8;
	[tilespmem:$0x1F800] =	vst v63  }
0x427: {  	s17 =	sor.u32 $0x600, s0  }
0x428: {  	[spmem:s4] =	stream.indirect.scatter.add.f32 [tilespmem:s21], [sflag:$0x2], $0x80, s17, s24, $0xb8;
	[tilespmem:$0x1F800] =	vst v63  }
0x429: {  	_ =	swait.ge [sflag:s26], $0x2800  }
0x42a: {  	[sflag:s26] =	ssyncset.done $0x0  }
0x42b: {  	[sflag:s26] =	ssyncadd.s32 $0xFFFFD800  }
0x42c: {  	_ =	swait.ge [sflag:s22], $0x2800  }
0x42d: {  	[sflag:s22] =	ssyncset.done $0x0  }
0x42e: {  	s18 =	sor.u32 $0x2780, s0;
	[sflag:s22] =	ssyncadd.s32 $0xFFFFD800  }
0x42f: {  	[tilespmem:s21], [sflag:$0x1] =	stream.indirect.gather [hbm4b:s1+s24], $0x80, s18, s24, $0xb8;
	[tilespmem:$0x1F800] =	vst v63  }
0x430: {  	s19 =	sor.u32 $0x680, s0  }
0x431: {  	[spmem:s4] =	stream.indirect.scatter.add.f32 [tilespmem:s29], [sflag:$0x2], $0x80, s19, s24, $0xb8;
	[tilespmem:$0x1F800] =	vst v63  }
0x432: {  	_ =	swait.ge [sflag:s26], $0x2800  }
0x433: {  	[sflag:s26] =	ssyncset.done $0x0  }
0x434: {  	[sflag:s26] =	ssyncadd.s32 $0xFFFFD800  }
0x435: {  	_ =	swait.ge [sflag:s22], $0x2800  }
0x436: {  	[sflag:s22] =	ssyncset.done $0x0  }
0x437: {  	s20 =	sor.u32 $0x2800, s0;
	[sflag:s22] =	ssyncadd.s32 $0xFFFFD800  }
0x438: {  	[tilespmem:s29], [sflag:$0x1] =	stream.indirect.gather [hbm4b:s1+s24], $0x80, s20, s24, $0xb8;
	[tilespmem:$0x1F800] =	vst v63  }
0x439: {  	s9 =	sor.u32 $0x700, s0  }
0x43a: {  	[spmem:s4] =	stream.indirect.scatter.add.f32 [tilespmem:s25], [sflag:$0x2], $0x80, s9, s24, $0xb8;
	[tilespmem:$0x1F800] =	vst v63  }
0x43b: {  	_ =	swait.ge [sflag:s26], $0x2800  }
0x43c: {  	[sflag:s26] =	ssyncset.done $0x0  }
0x43d: {  	[sflag:s26] =	ssyncadd.s32 $0xFFFFD800  }
0x43e: {  	_ =	swait.ge [sflag:s22], $0x2800  }
0x43f: {  	[sflag:s22] =	ssyncset.done $0x0  }
0x440: {  	s17 =	sor.u32 $0x2880, s0;
	[sflag:s22] =	ssyncadd.s32 $0xFFFFD800  }
0x441: {  	[tilespmem:s25], [sflag:$0x1] =	stream.indirect.gather [hbm4b:s1+s24], $0x80, s17, s24, $0xb8;
	[tilespmem:$0x1F800] =	vst v63  }
0x442: {  	s18 =	sor.u32 $0x780, s0  }
0x443: {  	[spmem:s4] =	stream.indirect.scatter.add.f32 [tilespmem:s21], [sflag:$0x2], $0x80, s18, s24, $0xb8;
	[tilespmem:$0x1F800] =	vst v63  }
0x444: {  	_ =	swait.ge [sflag:s26], $0x2800  }
0x445: {  	[sflag:s26] =	ssyncset.done $0x0  }
0x446: {  	[sflag:s26] =	ssyncadd.s32 $0xFFFFD800  }
0x447: {  	_ =	swait.ge [sflag:s22], $0x2800  }
0x448: {  	[sflag:s22] =	ssyncset.done $0x0  }
0x449: {  	s19 =	sor.u32 $0x2900, s0;
	[sflag:s22] =	ssyncadd.s32 $0xFFFFD800  }
0x44a: {  	[tilespmem:s21], [sflag:$0x1] =	stream.indirect.gather [hbm4b:s1+s24], $0x80, s19, s24, $0xb8;
	[tilespmem:$0x1F800] =	vst v63  }
0x44b: {  	s20 =	sor.u32 $0x800, s0  }
0x44c: {  	[spmem:s4] =	stream.indirect.scatter.add.f32 [tilespmem:s29], [sflag:$0x2], $0x80, s20, s24, $0xb8;
	[tilespmem:$0x1F800] =	vst v63  }
0x44d: {  	_ =	swait.ge [sflag:s26], $0x2800  }
0x44e: {  	[sflag:s26] =	ssyncset.done $0x0  }
0x44f: {  	[sflag:s26] =	ssyncadd.s32 $0xFFFFD800  }
0x450: {  	_ =	swait.ge [sflag:s22], $0x2800  }
0x451: {  	[sflag:s22] =	ssyncset.done $0x0  }
0x452: {  	s9 =	sor.u32 $0x2980, s0;
	[sflag:s22] =	ssyncadd.s32 $0xFFFFD800  }
0x453: {  	[tilespmem:s29], [sflag:$0x1] =	stream.indirect.gather [hbm4b:s1+s24], $0x80, s9, s24, $0xb8;
	[tilespmem:$0x1F800] =	vst v63  }
0x454: {  	s17 =	sor.u32 $0x880, s0  }
0x455: {  	[spmem:s4] =	stream.indirect.scatter.add.f32 [tilespmem:s25], [sflag:$0x2], $0x80, s17, s24, $0xb8;
	[tilespmem:$0x1F800] =	vst v63  }
0x456: {  	_ =	swait.ge [sflag:s26], $0x2800  }
0x457: {  	[sflag:s26] =	ssyncset.done $0x0  }
0x458: {  	[sflag:s26] =	ssyncadd.s32 $0xFFFFD800  }
0x459: {  	_ =	swait.ge [sflag:s22], $0x2800  }
0x45a: {  	[sflag:s22] =	ssyncset.done $0x0  }
0x45b: {  	s18 =	sor.u32 $0x2A00, s0;
	[sflag:s22] =	ssyncadd.s32 $0xFFFFD800  }
0x45c: {  	[tilespmem:s25], [sflag:$0x1] =	stream.indirect.gather [hbm4b:s1+s24], $0x80, s18, s24, $0xb8;
	[tilespmem:$0x1F800] =	vst v63  }
0x45d: {  	s19 =	sor.u32 $0x900, s0  }
0x45e: {  	[spmem:s4] =	stream.indirect.scatter.add.f32 [tilespmem:s21], [sflag:$0x2], $0x80, s19, s24, $0xb8;
	[tilespmem:$0x1F800] =	vst v63  }
0x45f: {  	_ =	swait.ge [sflag:s26], $0x2800  }
0x460: {  	[sflag:s26] =	ssyncset.done $0x0  }
0x461: {  	[sflag:s26] =	ssyncadd.s32 $0xFFFFD800  }
0x462: {  	_ =	swait.ge [sflag:s22], $0x2800  }
0x463: {  	[sflag:s22] =	ssyncset.done $0x0  }
0x464: {  	s20 =	sor.u32 $0x2A80, s0;
	[sflag:s22] =	ssyncadd.s32 $0xFFFFD800  }
0x465: {  	[tilespmem:s21], [sflag:$0x1] =	stream.indirect.gather [hbm4b:s1+s24], $0x80, s20, s24, $0xb8;
	[tilespmem:$0x1F800] =	vst v63  }
0x466: {  	s9 =	sor.u32 $0x980, s0  }
0x467: {  	[spmem:s4] =	stream.indirect.scatter.add.f32 [tilespmem:s29], [sflag:$0x2], $0x80, s9, s24, $0xb8;
	[tilespmem:$0x1F800] =	vst v63  }
0x468: {  	_ =	swait.ge [sflag:s26], $0x2800  }
0x469: {  	[sflag:s26] =	ssyncset.done $0x0  }
0x46a: {  	[sflag:s26] =	ssyncadd.s32 $0xFFFFD800  }
0x46b: {  	_ =	swait.ge [sflag:s22], $0x2800  }
0x46c: {  	[sflag:s22] =	ssyncset.done $0x0  }
0x46d: {  	s17 =	sor.u32 $0x2B00, s0;
	[sflag:s22] =	ssyncadd.s32 $0xFFFFD800  }
0x46e: {  	[tilespmem:s29], [sflag:$0x1] =	stream.indirect.gather [hbm4b:s1+s24], $0x80, s17, s24, $0xb8;
	[tilespmem:$0x1F800] =	vst v63  }
0x46f: {  	s18 =	sor.u32 $0xA00, s0  }
0x470: {  	[spmem:s4] =	stream.indirect.scatter.add.f32 [tilespmem:s25], [sflag:$0x2], $0x80, s18, s24, $0xb8;
	[tilespmem:$0x1F800] =	vst v63  }
0x471: {  	_ =	swait.ge [sflag:s26], $0x2800  }
0x472: {  	[sflag:s26] =	ssyncset.done $0x0  }
0x473: {  	[sflag:s26] =	ssyncadd.s32 $0xFFFFD800  }
0x474: {  	_ =	swait.ge [sflag:s22], $0x2800  }
0x475: {  	[sflag:s22] =	ssyncset.done $0x0  }
0x476: {  	s19 =	sor.u32 $0x2B80, s0;
	[sflag:s22] =	ssyncadd.s32 $0xFFFFD800  }
0x477: {  	[tilespmem:s25], [sflag:$0x1] =	stream.indirect.gather [hbm4b:s1+s24], $0x80, s19, s24, $0xb8;
	[tilespmem:$0x1F800] =	vst v63  }
0x478: {  	s20 =	sor.u32 $0xA80, s0  }
0x479: {  	[spmem:s4] =	stream.indirect.scatter.add.f32 [tilespmem:s21], [sflag:$0x2], $0x80, s20, s24, $0xb8;
	[tilespmem:$0x1F800] =	vst v63  }
0x47a: {  	_ =	swait.ge [sflag:s26], $0x2800  }
0x47b: {  	[sflag:s26] =	ssyncset.done $0x0  }
0x47c: {  	[sflag:s26] =	ssyncadd.s32 $0xFFFFD800  }
0x47d: {  	_ =	swait.ge [sflag:s22], $0x2800  }
0x47e: {  	[sflag:s22] =	ssyncset.done $0x0  }
0x47f: {  	s9 =	sor.u32 $0x2C00, s0;
	[sflag:s22] =	ssyncadd.s32 $0xFFFFD800  }
0x480: {  	[tilespmem:s21], [sflag:$0x1] =	stream.indirect.gather [hbm4b:s1+s24], $0x80, s9, s24, $0xb8;
	[tilespmem:$0x1F800] =	vst v63  }
0x481: {  	s17 =	sor.u32 $0xB00, s0  }
0x482: {  	[spmem:s4] =	stream.indirect.scatter.add.f32 [tilespmem:s29], [sflag:$0x2], $0x80, s17, s24, $0xb8;
	[tilespmem:$0x1F800] =	vst v63  }
0x483: {  	_ =	swait.ge [sflag:s26], $0x2800  }
0x484: {  	[sflag:s26] =	ssyncset.done $0x0  }
0x485: {  	[sflag:s26] =	ssyncadd.s32 $0xFFFFD800  }
0x486: {  	_ =	swait.ge [sflag:s22], $0x2800  }
0x487: {  	[sflag:s22] =	ssyncset.done $0x0  }
0x488: {  	s18 =	sor.u32 $0xB80, s0;
	[sflag:s22] =	ssyncadd.s32 $0xFFFFD800  }
0x489: {  	[spmem:s4] =	stream.indirect.scatter.add.f32 [tilespmem:s25], [sflag:$0x2], $0x80, s18, s24, $0xb8;
	[tilespmem:$0x1F800] =	vst v63  }
0x48a: {  	_ =	swait.ge [sflag:s26], $0x2800  }
0x48b: {  	[sflag:s26] =	ssyncset.done $0x0  }
0x48c: {  	[sflag:s26] =	ssyncadd.s32 $0xFFFFD800  }
0x48d: {  	_ =	swait.ge [sflag:s22], $0x2800  }
0x48e: {  	[sflag:s22] =	ssyncset.done $0x0  }
0x48f: {  	s19 =	sor.u32 $0xC00, s0;
	[sflag:s22] =	ssyncadd.s32 $0xFFFFD800  }
0x490: {  	[spmem:s4] =	stream.indirect.scatter.add.f32 [tilespmem:s21], [sflag:$0x2], $0x80, s19, s24, $0xb8;
	[tilespmem:$0x1F800] =	vst v63  }
0x491: {  	_ =	swait.ge [sflag:s22], $0x2800  }
0x492: {  	[sflag:s22] =	ssyncset.done $0x0  }
0x493: {  	[sflag:s22] =	ssyncadd.s32 $0xFFFFD800  }
0x494: {  	_ =	swait.ge [sflag:s30], $0xC80  }
0x495: {  	[sflag:s30] =	ssyncset.done $0x0  }
0x496: {  	[sflag:s30] =	ssyncadd.s32 $0xFFFFF380  }
0x497: {  	_ =	swait.ge [sflag:s30], $0xC80  }
0x498: {  	[sflag:s30] =	ssyncset.done $0x0  }
0x499: {  	[sflag:s30] =	ssyncadd.s32 $0xFFFFF380  }
0x49a: {  	[bflag:$0x0] =	sbarrier.arrive $0xFFFF  }
0x49b: {  	s20 =	rddreg [dreg:$0x9]  }
0x49c: {  	[hbm:s20], [sflag:s3] =	dma.local [spmem:s28], $0x2800  }
0x49d: {  	_ =	swait.ge [sflag:s23], $0x2800  }
0x49e: {  	s31 =	sadd.s32 $0x1, s31;
	s28 =	rddreg [dreg:$0xa]  }
0x49f: {  	p0 =	sne.s32 s31, s28  }
.Ltmp3:
0x4a0: {  	_ = 	snop;
	(pc) =	sbr.rel @p0 .LBB2_1-.Ltmp3, $3  }
0x4a1: {  	_ =	sdelay $0x1  }
0x4a2: {  	s9 =	smov.u32 s10;
	[sflag:s23] =	ssyncset.done $0x0  }
0x4a3: {  	s19 =	smov.u32 s11;
	s20 =	smov.u32 s12;
	[sflag:s23] =	ssyncadd.s32 $0xFFFFD800  }
0x4a4: {  	_ =	sfence.sel $0x180000  }
0x4a5: {  	[bflag:$0x0] =	sbarrier.arrive $0xFFFF  }
0x4a6: {  	_ =	strace $0x90000047  }
0x4a7: {  	s0 =	stileid.u32;
	[bflag:$0x2] =	sbarrier.arrive $0xFFFF  }
0x4a8: {  	p0 =	sne.s32 s0, $0x0;
	s0 =	rddreg [dreg:$0x4]  }
0x4a9: {  	s0 =	sadd.s32 @!p0 $0x100000, s0  }
0x4aa: {  	[sflag:s0] =	ssyncadd.tile.s32 @!p0 $0x1;
	_ =	shalt  }
.Lfunc_end2:
_tile_overlayer_lowered:
.L_overlay_start_2:
0x4ab: {  	(tag) =	ssettag $0x2  }
0x4ac: {  	s0 =	rddreg [dreg:$0x0];
	s2 =	stileid.u32  }
0x4ad: {  	s1 =	rddreg [dreg:$0x1];
	p0 =	sne.s32 s2, $0x0  }
0x4ae: {  	s3 =	rddreg [dreg:$0x2];
	[bflag:$0x3] =	sbarrier.arrive $0xFFFF;
	s2 =	simm.s32 @!p0 $0x1C04  }
0x4af: {  	[timem:s3], [sflag:s2] =	dma.local @!p0 [hbm:s0], s1  }
0x4b0: {  	s0 =	simm.s32 @!p0 $0x4  }
0x4b1: {  	_ =	swait.ge @!p0 [sflag:s0], s1  }
0x4b2: {  	s1 =	ssub.s32 @!p0 $0x0, s1;
	[sflag:s0] =	ssyncset.done @!p0 $0x0  }
0x4b3: {  	[sflag:s0] =	ssyncadd.s32 @!p0 s1  }
0x4b4: {  	[bflag:$0x3] =	sbarrier.arrive $0xFFFF  }
0x4b5: {  	_ =	shalt  }

</sc_bundles>
